<compile_context>
chip_gen: v7x
topology: tpu7x:2x2x1
jax: 0.10.2.dev20260603
libtpu: 0.0.44.dev20260713+nightly
codegen_flags: <defaults>
</compile_context>

<pallas_src>
import functools

import jax
import jax.numpy as jnp
from jax import lax
from jax.experimental import pallas as pl
from jax.experimental.pallas import tpu as pltpu
from jax.experimental.pallas import tpu_sc as plsc

NUM_CORES = 2
NUM_SUBCORES = 16
NW = NUM_CORES * NUM_SUBCORES
LANES = 16
BATCH = 16384
HIDDEN = 64
KREG = HIDDEN // LANES
NUM_NODES = 1000000
RANGE = 31232
WSZ = 256
NWIN = RANGE // WSZ
TAIL_START = 999936
TAIL_NL = TAIL_START - (NW - 1) * RANGE
TAIL_WID = TAIL_NL // WSZ
B_PER_W = BATCH // NW
PSTRIDE = B_PER_W + 1
SENTINEL = (65535 << 15) | 16383
HCNT = 256
NSLOT = 64


def _scan_body(node_t, tail_t, hidx, tidx, rows, stage, sem, sem2):
    c = lax.axis_index("c")
    s = lax.axis_index("s")
    w = s * NUM_CORES + c
    lo = w * RANGE
    hi = jnp.where(w == NW - 1, NUM_NODES, lo + RANGE)
    iota = lax.iota(jnp.int32, LANES)

    def process_win(win, k, base, wl2, fd):
        b0 = base[pl.ds(k, LANES)][0]
        b1 = base[pl.ds(k + 1, LANES)][0]

        @pl.loop(b0, b1, init_carry=fd)
        def _ent(e, fd):
            fires, drained = fd
            ev = wl2[pl.ds(e, LANES)][0]
            nloc = (ev >> 15) - k * WSZ
            slot = lax.rem(fires, NSLOT)
            nv = jnp.full((LANES,), nloc, jnp.int32)
            for k4 in range(KREG):
                g = plsc.load_gather(win, [iota + k4 * LANES, nv])
                stage[pl.ds(slot * HIDDEN + k4 * LANES, LANES)] = g
            dst = ((ev >> 14) & 1) * BATCH + (ev & 16383)
            pltpu.async_copy(
                stage.at[pl.ds(slot * HIDDEN, HIDDEN)],
                rows.at[pl.ds(dst * HIDDEN, HIDDEN)], sem)
            fires = fires + 1
            ndrain = jnp.maximum(fires - drained - (NSLOT - LANES), 0)

            @pl.loop(0, ndrain)
            def _d(_):
                pltpu.make_async_copy(
                    stage.at[pl.ds(0, HIDDEN)],
                    rows.at[pl.ds(0, HIDDEN)], sem).wait()

            return (fires, drained + ndrain)

        return _ent

    def scan_phase(idx_all, wl, win_a, win_b, tailbuf, hist, base, off, tmp):
        def start(k, buf):
            pltpu.async_copy(node_t.at[:, pl.ds(lo + k * WSZ, WSZ)], buf, sem2)

        def wait_win(buf):
            pltpu.make_async_copy(
                node_t.at[:, pl.ds(0, WSZ)], buf, sem2).wait()

        start(0, win_a)
        start(1, win_b)

        pltpu.sync_copy(hidx, idx_all.at[pl.ds(0, BATCH)])
        pltpu.sync_copy(tidx, idx_all.at[pl.ds(BATCH, BATCH)])
        pltpu.sync_copy(tail_t, tailbuf)

        @pl.loop(0, 2 * BATCH // LANES, init_carry=0, unroll=4)
        def _match(i, cnt):
            n = idx_all[pl.ds(i * LANES, LANES)]
            m = (n >= lo) & (n < hi)
            item_i = i % (BATCH // LANES)
            flag = i // (BATCH // LANES)
            entry = ((n - lo) << 15) | (flag << 14) | (item_i * LANES + iota)
            plsc.store_compressed(wl.at[pl.ds(cnt, LANES)], entry, mask=m)
            tot = plsc.all_reduce_population_count(m)
            return cnt + tot[0]

        cnt = _match
        plsc.store_scatter(wl, [cnt + iota],
                           jnp.full((LANES,), SENTINEL, jnp.int32))
        nvreg = (cnt + LANES - 1) // LANES

        zeros = jnp.zeros((LANES,), jnp.int32)
        for h8 in range(HCNT // LANES):
            hist[pl.ds(h8 * LANES, LANES)] = zeros
        tmp[pl.ds(0, LANES)] = jnp.full((LANES,), -1, jnp.int32)
        tmp[pl.ds(LANES, LANES)] = jnp.full((LANES,), 1 << 30, jnp.int32)

        def sorted_ranks(v):
            e16 = wl[pl.ds(v * LANES, LANES)]
            swid, sent = plsc.sort_key_val(e16 >> 23, e16)
            tmp[pl.ds(1, LANES)] = swid
            prev = tmp[pl.ds(0, LANES)]
            nxt = tmp[pl.ds(2, LANES)]
            neq = jnp.where(swid != prev, 1, 0)
            is_last = swid != nxt
            seg0 = plsc.cummax(jnp.where(neq == 1, iota, 0))
            rank = iota - seg0
            return swid, sent, rank, is_last

        @pl.loop(0, nvreg)
        def _hist(v):
            swid, _, rank, is_last = sorted_ranks(v)
            plsc.addupdate_scatter(hist, [swid], rank + 1, mask=is_last)

        @pl.loop(0, HCNT // LANES, init_carry=0)
        def _pref(h8, run):
            hv = hist[pl.ds(h8 * LANES, LANES)]
            cs = plsc.cumsum(hv)
            ex = cs - hv + run
            base[pl.ds(h8 * LANES, LANES)] = ex
            off[pl.ds(h8 * LANES, LANES)] = ex
            return run + cs[LANES - 1]

        @pl.loop(0, nvreg)
        def _scat(v):
            swid, sent, rank, is_last = sorted_ranks(v)
            pos = plsc.load_gather(off, [swid]) + rank
            plsc.store_scatter(idx_all, [pos], sent)
            plsc.addupdate_scatter(off, [swid], rank + 1, mask=is_last)

        wl2 = idx_all

        @pl.loop(0, NWIN // 2, init_carry=(jnp.int32(0), jnp.int32(0)))
        def _pair(k2, fd):
            k = 2 * k2
            wait_win(win_a)
            fd = process_win(win_a, k, base, wl2, fd)
            start(k + 2, win_a)
            wait_win(win_b)
            fd = process_win(win_b, k + 1, base, wl2, fd)
            start(k + 3, win_b)
            return fd

        wait_win(win_a)
        fd = process_win(win_a, NWIN, base, wl2, _pair)
        wait_win(win_b)
        fd = process_win(win_b, NWIN + 1, base, wl2, fd)
        fd = process_win(tailbuf, TAIL_WID, base, wl2, fd)

        fires, drained = fd

        @pl.loop(0, fires - drained)
        def _dfin(_):
            pltpu.make_async_copy(
                stage.at[pl.ds(0, HIDDEN)],
                rows.at[pl.ds(0, HIDDEN)], sem).wait()

    pl.run_scoped(
        scan_phase,
        pltpu.VMEM((2 * BATCH + LANES,), jnp.int32),
        pltpu.VMEM((2 * BATCH + LANES,), jnp.int32),
        pltpu.VMEM((HIDDEN, WSZ), jnp.float32),
        pltpu.VMEM((HIDDEN, WSZ), jnp.float32),
        pltpu.VMEM((HIDDEN, HIDDEN), jnp.float32),
        pltpu.VMEM((HCNT + LANES,), jnp.int32),
        pltpu.VMEM((HCNT + LANES,), jnp.int32),
        pltpu.VMEM((HCNT + LANES,), jnp.int32),
        pltpu.VMEM((2 * LANES,), jnp.int32),
    )


def _score_body(rows, rel_t, ridx, out, stage, sem, sem2):
    c = lax.axis_index("c")
    s = lax.axis_index("s")
    w = s * NUM_CORES + c
    base = w * B_PER_W
    iota = lax.iota(jnp.int32, LANES)

    def rel_phase(relbuf, ridx_loc, rloc):
        pltpu.sync_copy(rel_t, relbuf)
        pltpu.sync_copy(ridx.at[pl.ds(base, B_PER_W)],
                        ridx_loc.at[pl.ds(0, B_PER_W)])

        @pl.loop(0, B_PER_W, unroll=2)
        def _item(i):
            r = ridx_loc[pl.ds(i, LANES)][0]
            nv = jnp.full((LANES,), r, jnp.int32)
            for k4 in range(KREG):
                g = plsc.load_gather(relbuf, [iota + k4 * LANES, nv])
                rloc[pl.ds(i * HIDDEN + k4 * LANES, LANES)] = g

    def score_phase(rloc, hloc, tloc, pt, out_v):
        pltpu.sync_copy(rows.at[pl.ds(base * HIDDEN, B_PER_W * HIDDEN)], hloc)
        pltpu.sync_copy(rows.at[pl.ds((BATCH + base) * HIDDEN,
                                      B_PER_W * HIDDEN)], tloc)

        @pl.loop(0, B_PER_W, unroll=2)
        def _row(i):
            acc = None
            for k4 in range(KREG):
                d = pl.ds(i * HIDDEN + k4 * LANES, LANES)
                v = jnp.abs(hloc[d] + rloc[d] - tloc[d])
                acc = v if acc is None else acc + v
            plsc.store_scatter(pt, [iota * PSTRIDE + i], acc)

        @pl.loop(0, B_PER_W // LANES)
        def _grp(g):
            gb = g * LANES
            sv = pt[pl.ds(gb, LANES)]
            for l in range(1, LANES):
                sv = sv + pt[pl.ds(l * PSTRIDE + gb, LANES)]
            out_v[pl.ds(gb, LANES)] = -sv

        pltpu.sync_copy(out_v, out.at[pl.ds(base, B_PER_W)])

    def late_phases(rloc):
        pl.run_scoped(
            functools.partial(rel_phase, rloc=rloc),
            pltpu.VMEM((HIDDEN, 1000), jnp.float32),
            pltpu.VMEM((B_PER_W + LANES,), jnp.int32),
        )
        pl.run_scoped(
            functools.partial(score_phase, rloc),
            pltpu.VMEM((B_PER_W * HIDDEN,), jnp.float32),
            pltpu.VMEM((B_PER_W * HIDDEN,), jnp.float32),
            pltpu.VMEM((LANES * PSTRIDE,), jnp.float32),
            pltpu.VMEM((B_PER_W,), jnp.float32),
        )

    pl.run_scoped(late_phases,
                  pltpu.VMEM((B_PER_W * HIDDEN,), jnp.float32))


_mesh = plsc.VectorSubcoreMesh(
    core_axis_name="c", subcore_axis_name="s",
    num_cores=NUM_CORES, num_subcores=NUM_SUBCORES)

_params = pltpu.CompilerParams(
    needs_layout_passes=False, use_tc_tiling_on_sc=True)

_scan_call = functools.partial(
    pl.kernel,
    out_type=jax.ShapeDtypeStruct((2 * BATCH * HIDDEN,), jnp.float32),
    mesh=_mesh,
    compiler_params=_params,
    scratch_types=[
        pltpu.VMEM((NSLOT * HIDDEN,), jnp.float32),
        pltpu.SemaphoreType.DMA,
        pltpu.SemaphoreType.DMA,
    ],
)(_scan_body)

_score_call = functools.partial(
    pl.kernel,
    out_type=jax.ShapeDtypeStruct((BATCH,), jnp.float32),
    mesh=_mesh,
    compiler_params=_params,
    scratch_types=[
        pltpu.VMEM((NSLOT * HIDDEN,), jnp.float32),
        pltpu.SemaphoreType.DMA,
        pltpu.SemaphoreType.DMA,
    ],
)(_score_body)


@jax.jit
def kernel(head_index, rel_type, tail_index, node_emb, rel_emb):
    h = head_index.astype(jnp.int32)
    r = rel_type.astype(jnp.int32)
    t = tail_index.astype(jnp.int32)
    node_t = node_emb.T
    tail_t = node_emb.T[:, TAIL_START:]
    rel_t = rel_emb.T
    rows = _scan_call(node_t, tail_t, h, t)
    return _score_call(rows, rel_t, r)

# --- scband reference (transcript-rebuilt; emitter-appended) ---
"""Pipeline reference for scband-kgemodel-24266565222519 (READ-ONLY COPY).

The authoritative reference and input builder live on the scoring server;
editing this copy changes nothing except your own understanding.
"""

import jax, jax.numpy as jnp
import numpy as np

NUM_NODES = 1000000
NUM_RELATIONS = 1000
HIDDEN = 64
BATCH = 16384

def setup_inputs(seed: int = 0) -> dict:
    key = jax.random.key(seed)
    k1, k2, k3, k4, k5 = jax.random.split(key, 5)
    head_index = jax.random.randint(k1, (BATCH,), 0, NUM_NODES, dtype=jnp.int32).astype(jnp.int64) if False else jax.random.randint(k1, (BATCH,), 0, NUM_NODES)
    rel_type = jax.random.randint(k2, (BATCH,), 0, NUM_RELATIONS)
    tail_index = jax.random.randint(k3, (BATCH,), 0, NUM_NODES)
    node_emb = jax.random.normal(k4, (NUM_NODES, HIDDEN), dtype=jnp.float32) * 0.02
    rel_emb = jax.random.normal(k5, (NUM_RELATIONS, HIDDEN), dtype=jnp.float32) * 0.02
    return {
        "head_index": head_index,
        "rel_type": rel_type,
        "tail_index": tail_index,
        "node_emb": node_emb,
        "rel_emb": rel_emb,
    }

def reference(head_index, rel_type, tail_index, node_emb, rel_emb):
    # KGEModel base class is abstract; the canonical concrete forward (TransE)
    # looks up head/relation/tail embeddings and scores -||h + r - t||_1.
    h = jnp.take(node_emb, head_index, axis=0)
    r = jnp.take(rel_emb, rel_type, axis=0)
    t = jnp.take(node_emb, tail_index, axis=0)
    score = -jnp.sum(jnp.abs(h + r - t), axis=-1)
    return score

if __name__ == "__main__":
    import jax
    _d = setup_inputs()
    print(jax.jit(kernel)(*tuple(_d.values())))

</pallas_src>

<mosaic_0001>
#map = affine_map<(d0, d1) -> (0, 0)>
#map1 = affine_map<(d0, d1) -> (0)>
module attributes {stable_mosaic.version = 14 : i64} {
  func.func @_scan_body(%arg0: i32, %arg1: i32, %arg2: memref<64x1000000xf32, #tpu.memory_space<hbm>>, %arg3: memref<64x64xf32, #tpu.memory_space<hbm>>, %arg4: memref<16384xi32, #tpu.memory_space<hbm>>, %arg5: memref<16384xi32, #tpu.memory_space<hbm>>, %arg6: memref<2097152xf32, #tpu.memory_space<hbm>>, %arg7: memref<4096xf32, #tpu.memory_space<vmem>>, %arg8: memref<!tpu.dma_semaphore, #tpu.memory_space<semaphore_mem>>, %arg9: memref<!tpu.dma_semaphore, #tpu.memory_space<semaphore_mem>>) attributes {dimension_semantics = [#tpu.dimension_semantics<core_parallel>, #tpu.dimension_semantics<subcore_parallel>], iteration_bounds = array<i64: 2, 16>, scalar_prefetch = 0 : i64, scratch_operands = 3 : i64, tpu.core_type = #tpu.core_type<sc_vector_subcore>, window_params = [{transform_indices = #map}, {transform_indices = #map}, {transform_indices = #map1}, {transform_indices = #map1}, {transform_indices = #map1}]} {
    %mul3A = arith.constant 2 : i32
    %mul3A_0 = arith.muli %arg1, %mul3A : i32
    %add3A = arith.addi %mul3A_0, %arg0 : i32
    %mul3A_1 = arith.constant 31232 : i32
    %mul3A_2 = arith.muli %add3A, %mul3A_1 : i32
    %eq3A = arith.constant 31 : i32
    %eq3A_3 = arith.cmpi eq, %add3A, %eq3A : i32
    %add3A_4 = arith.constant 31232 : i32
    %add3A_5 = arith.addi %mul3A_2, %add3A_4 : i32
    %jit3A = arith.constant 1000000 : i32
    %select_n3A = arith.select %eq3A_3, %jit3A, %add3A_5 : i32
    %iota3A = tpu.iota {dimensions = array<i32: 0>} : vector<16xi32>
    "tpu.region"() ({
      %run_scoped3A = memref.alloca() : memref<32784xi32, #tpu.memory_space<vmem>>
      %run_scoped3A_6 = memref.alloca() : memref<32784xi32, #tpu.memory_space<vmem>>
      %run_scoped3A_7 = memref.alloca() : memref<64x256xf32, #tpu.memory_space<vmem>>
      %run_scoped3A_8 = memref.alloca() : memref<64x256xf32, #tpu.memory_space<vmem>>
      %run_scoped3A_9 = memref.alloca() : memref<64x64xf32, #tpu.memory_space<vmem>>
      %run_scoped3A_10 = memref.alloca() : memref<272xi32, #tpu.memory_space<vmem>>
      %run_scoped3A_11 = memref.alloca() : memref<272xi32, #tpu.memory_space<vmem>>
      %run_scoped3A_12 = memref.alloca() : memref<272xi32, #tpu.memory_space<vmem>>
      %run_scoped3A_13 = memref.alloca() : memref<32xi32, #tpu.memory_space<vmem>>
      %add3A_14 = arith.constant 0 : i32
      %add3A_15 = arith.addi %mul3A_2, %add3A_14 : i32
      %dma_start3A = arith.constant 0 : i32
      %dma_start3A_16 = tpu.memref_slice %arg2[%dma_start3A, %add3A_15] : memref<64x1000000xf32, #tpu.memory_space<hbm>> -> memref<64x256xf32, #tpu.memory_space<hbm>>
      %dma_start3A_17 = arith.constant 0 : i32
      %dma_start3A_18 = tpu.memref_slice %arg2[%dma_start3A_17, %add3A_15] : memref<64x1000000xf32, #tpu.memory_space<hbm>> -> memref<64x256xf32, #tpu.memory_space<hbm>>
      tpu.enqueue_dma source(%dma_start3A_18 : memref<64x256xf32, #tpu.memory_space<hbm>>) target(%run_scoped3A_7 : memref<64x256xf32, #tpu.memory_space<vmem>>) target_semaphore(%arg9 : memref<!tpu.dma_semaphore, #tpu.memory_space<semaphore_mem>>)
      %add3A_19 = arith.constant 256 : i32
      %add3A_20 = arith.addi %mul3A_2, %add3A_19 : i32
      %dma_start3A_21 = arith.constant 0 : i32
      %dma_start3A_22 = tpu.memref_slice %arg2[%dma_start3A_21, %add3A_20] : memref<64x1000000xf32, #tpu.memory_space<hbm>> -> memref<64x256xf32, #tpu.memory_space<hbm>>
      %dma_start3A_23 = arith.constant 0 : i32
      %dma_start3A_24 = tpu.memref_slice %arg2[%dma_start3A_23, %add3A_20] : memref<64x1000000xf32, #tpu.memory_space<hbm>> -> memref<64x256xf32, #tpu.memory_space<hbm>>
      tpu.enqueue_dma source(%dma_start3A_24 : memref<64x256xf32, #tpu.memory_space<hbm>>) target(%run_scoped3A_8 : memref<64x256xf32, #tpu.memory_space<vmem>>) target_semaphore(%arg9 : memref<!tpu.dma_semaphore, #tpu.memory_space<semaphore_mem>>)
      "tpu.region"() ({
        %run_scoped3A_258 = tpu.sem_alloc : memref<!tpu.dma_semaphore, #tpu.memory_space<semaphore_mem>>
        %dma_start3A_259 = arith.constant 0 : i32
        %dma_start3A_260 = tpu.memref_slice %run_scoped3A[%dma_start3A_259] : memref<32784xi32, #tpu.memory_space<vmem>> -> memref<16384xi32, #tpu.memory_space<vmem>>
        %dma_start3A_261 = arith.constant 0 : i32
        %dma_start3A_262 = tpu.memref_slice %run_scoped3A[%dma_start3A_261] : memref<32784xi32, #tpu.memory_space<vmem>> -> memref<16384xi32, #tpu.memory_space<vmem>>
        tpu.enqueue_dma source(%arg4 : memref<16384xi32, #tpu.memory_space<hbm>>) target(%dma_start3A_262 : memref<16384xi32, #tpu.memory_space<vmem>>) target_semaphore(%run_scoped3A_258 : memref<!tpu.dma_semaphore, #tpu.memory_space<semaphore_mem>>)
        %dma_wait3A_263 = arith.constant 0 : i32
        %dma_wait3A_264 = tpu.memref_slice %run_scoped3A[%dma_wait3A_263] : memref<32784xi32, #tpu.memory_space<vmem>> -> memref<16384xi32, #tpu.memory_space<vmem>>
        %dma_wait3A_265 = arith.constant 0 : i32
        %dma_wait3A_266 = tpu.memref_slice %run_scoped3A[%dma_wait3A_265] : memref<32784xi32, #tpu.memory_space<vmem>> -> memref<16384xi32, #tpu.memory_space<vmem>>
        tpu.wait_dma2 semaphore(%run_scoped3A_258 : memref<!tpu.dma_semaphore, #tpu.memory_space<semaphore_mem>>) src(%arg4 : memref<16384xi32, #tpu.memory_space<hbm>>) dst(%dma_wait3A_266 : memref<16384xi32, #tpu.memory_space<vmem>>)
        tpu.yield
      }) : () -> ()
      "tpu.region"() ({
        %run_scoped3A_258 = tpu.sem_alloc : memref<!tpu.dma_semaphore, #tpu.memory_space<semaphore_mem>>
        %dma_start3A_259 = arith.constant 16384 : i32
        %dma_start3A_260 = tpu.memref_slice %run_scoped3A[%dma_start3A_259] : memref<32784xi32, #tpu.memory_space<vmem>> -> memref<16384xi32, #tpu.memory_space<vmem>>
        %dma_start3A_261 = arith.constant 16384 : i32
        %dma_start3A_262 = tpu.memref_slice %run_scoped3A[%dma_start3A_261] : memref<32784xi32, #tpu.memory_space<vmem>> -> memref<16384xi32, #tpu.memory_space<vmem>>
        tpu.enqueue_dma source(%arg5 : memref<16384xi32, #tpu.memory_space<hbm>>) target(%dma_start3A_262 : memref<16384xi32, #tpu.memory_space<vmem>>) target_semaphore(%run_scoped3A_258 : memref<!tpu.dma_semaphore, #tpu.memory_space<semaphore_mem>>)
        %dma_wait3A_263 = arith.constant 16384 : i32
        %dma_wait3A_264 = tpu.memref_slice %run_scoped3A[%dma_wait3A_263] : memref<32784xi32, #tpu.memory_space<vmem>> -> memref<16384xi32, #tpu.memory_space<vmem>>
        %dma_wait3A_265 = arith.constant 16384 : i32
        %dma_wait3A_266 = tpu.memref_slice %run_scoped3A[%dma_wait3A_265] : memref<32784xi32, #tpu.memory_space<vmem>> -> memref<16384xi32, #tpu.memory_space<vmem>>
        tpu.wait_dma2 semaphore(%run_scoped3A_258 : memref<!tpu.dma_semaphore, #tpu.memory_space<semaphore_mem>>) src(%arg5 : memref<16384xi32, #tpu.memory_space<hbm>>) dst(%dma_wait3A_266 : memref<16384xi32, #tpu.memory_space<vmem>>)
        tpu.yield
      }) : () -> ()
      "tpu.region"() ({
        %run_scoped3A_258 = tpu.sem_alloc : memref<!tpu.dma_semaphore, #tpu.memory_space<semaphore_mem>>
        tpu.enqueue_dma source(%arg3 : memref<64x64xf32, #tpu.memory_space<hbm>>) target(%run_scoped3A_9 : memref<64x64xf32, #tpu.memory_space<vmem>>) target_semaphore(%run_scoped3A_258 : memref<!tpu.dma_semaphore, #tpu.memory_space<semaphore_mem>>)
        tpu.wait_dma2 semaphore(%run_scoped3A_258 : memref<!tpu.dma_semaphore, #tpu.memory_space<semaphore_mem>>) src(%arg3 : memref<64x64xf32, #tpu.memory_space<hbm>>) dst(%run_scoped3A_9 : memref<64x64xf32, #tpu.memory_space<vmem>>)
        tpu.yield
      }) : () -> ()
      %scan3A = arith.constant 0 : i32
      %scan3A_25 = arith.constant 0 : i32
      %scan3A_26 = arith.constant 2048 : i32
      %scan3A_27 = arith.addi %scan3A_25, %scan3A_26 : i32
      %scan3A_28 = arith.constant 4 : i32
      %scan3A_29 = scf.for %scan3A_258 = %scan3A_25 to %scan3A_27 step %scan3A_28 iter_args(%scan3A_259 = %scan3A) -> (i32)  : i32 {
        %mul3A_260 = arith.constant 1 : i32
        %mul3A_261 = arith.muli %scan3A_258, %mul3A_260 : i32
        %add3A_262 = arith.constant 0 : i32
        %add3A_263 = arith.addi %add3A_262, %mul3A_261 : i32
        %mul3A_264 = arith.constant 16 : i32
        %mul3A_265 = arith.muli %add3A_263, %mul3A_264 : i32
        %get3A_266 = arith.index_cast %mul3A_265 : i32 to index
        %get3A_267 = tpu.vector_load %run_scoped3A[%get3A_266] {strides = array<i32>} : memref<32784xi32, #tpu.memory_space<vmem>>, vector<16xi32>,
        %ge3A = vector.broadcast %mul3A_2 : i32 to vector<16xi32>
        %ge3A_268 = arith.cmpi sge, %get3A_267, %ge3A : vector<16xi32>
        %lt3A = vector.broadcast %select_n3A : i32 to vector<16xi32>
        %lt3A_269 = arith.cmpi slt, %get3A_267, %lt3A : vector<16xi32>
        %and3A_270 = arith.andi %ge3A_268, %lt3A_269 : vector<16xi1>
        %jit3A_271 = arith.constant 1024 : i32
        %eq3A_272 = arith.constant 0 : i32
        %eq3A_273 = arith.cmpi eq, %jit3A_271, %eq3A_272 : i32
        %jit3A_274 = arith.constant 1 : i32
        %select_n3A_275 = arith.select %eq3A_273, %jit3A_274, %jit3A_271 : i32
        %rem3A_276 = arith.remsi %add3A_263, %select_n3A_275 : i32
        %ne3A_277 = arith.constant 0 : i32
        %ne3A_278 = arith.cmpi ne, %rem3A_276, %ne3A_277 : i32
        %lt3A_279 = arith.constant 0 : i32
        %lt3A_280 = arith.cmpi slt, %rem3A_276, %lt3A_279 : i32
        %lt3A_281 = arith.constant 0 : i32
        %lt3A_282 = arith.cmpi slt, %select_n3A_275, %lt3A_281 : i32
        %ne3A_283 = arith.xori %lt3A_280, %lt3A_282 : i1
        %and3A_284 = arith.andi %ne3A_283, %ne3A_278 : i1
        %add3A_285 = arith.addi %rem3A_276, %select_n3A_275 : i32
        %select_n3A_286 = arith.select %and3A_284, %add3A_285, %rem3A_276 : i32
        %jit3A_287 = arith.constant 1024 : i32
        %div3A_288 = arith.divsi %add3A_263, %jit3A_287 : i32
        %sign3A_289 = arith.constant 0 : i32
        %sign3A_290 = arith.cmpi sgt, %add3A_263, %sign3A_289 : i32
        %sign3A_291 = arith.extui %sign3A_290 : i1 to i32
        %sign3A_292 = arith.constant 0 : i32
        %sign3A_293 = arith.cmpi slt, %add3A_263, %sign3A_292 : i32
        %sign3A_294 = arith.extui %sign3A_293 : i1 to i32
        %sign3A_295 = arith.subi %sign3A_291, %sign3A_294 : i32
        %sign3A_296 = arith.constant 0 : i32
        %sign3A_297 = arith.cmpi sgt, %jit3A_287, %sign3A_296 : i32
        %sign3A_298 = arith.extui %sign3A_297 : i1 to i32
        %sign3A_299 = arith.constant 0 : i32
        %sign3A_300 = arith.cmpi slt, %jit3A_287, %sign3A_299 : i32
        %sign3A_301 = arith.extui %sign3A_300 : i1 to i32
        %sign3A_302 = arith.subi %sign3A_298, %sign3A_301 : i32
        %ne3A_303 = arith.cmpi ne, %sign3A_295, %sign3A_302 : i32
        %rem3A_304 = arith.remsi %add3A_263, %jit3A_287 : i32
        %ne3A_305 = arith.constant 0 : i32
        %ne3A_306 = arith.cmpi ne, %rem3A_304, %ne3A_305 : i32
        %and3A_307 = arith.andi %ne3A_303, %ne3A_306 : i1
        %sub3A_308 = arith.constant 1 : i32
        %sub3A_309 = arith.subi %div3A_288, %sub3A_308 : i32
        %select_n3A_310 = arith.select %and3A_307, %sub3A_309, %div3A_288 : i32
        %sub3A_311 = vector.broadcast %mul3A_2 : i32 to vector<16xi32>
        %sub3A_312 = arith.subi %get3A_267, %sub3A_311 : vector<16xi32>
        %shift_left3A = arith.constant 15 : i32
        %shift_left3A_313 = vector.broadcast %shift_left3A : i32 to vector<16xi32>
        %shift_left3A_314 = arith.shli %sub3A_312, %shift_left3A_313 : vector<16xi32>
        %shift_left3A_315 = arith.constant 14 : i32
        %shift_left3A_316 = arith.shli %select_n3A_310, %shift_left3A_315 : i32
        %or3A = vector.broadcast %shift_left3A_316 : i32 to vector<16xi32>
        %or3A_317 = arith.ori %shift_left3A_314, %or3A : vector<16xi32>
        %mul3A_318 = arith.constant 16 : i32
        %mul3A_319 = arith.muli %select_n3A_286, %mul3A_318 : i32
        %add3A_320 = vector.broadcast %mul3A_319 : i32 to vector<16xi32>
        %add3A_321 = arith.addi %add3A_320, %iota3A : vector<16xi32>
        %or3A_322 = arith.ori %or3A_317, %add3A_321 : vector<16xi32>
        %swap3A_323 = arith.index_cast %scan3A_259 : i32 to index
        %swap3A_324 = tpu.vector_load %run_scoped3A_6[%swap3A_323] masked %and3A_270 {strides = array<i32>} : memref<32784xi32, #tpu.memory_space<vmem>>, vector<16xi32>, vector<16xi1>
        tpu.vector_store %run_scoped3A_6[%swap3A_323], %or3A_322 masked %and3A_270 {strides = array<i32>} : memref<32784xi32, #tpu.memory_space<vmem>>, vector<16xi32>, vector<16xi1>
        %all_reduce_population_count3A = tpu.all_reduce %and3A_270 {dim = 0 : i64, kind = #tpu.reduction_kind<sum>} : vector<16xi1> -> vector<16xi32>
        %slice3A_325 = vector.extract_strided_slice %all_reduce_population_count3A {offsets = [0], sizes = [1], strides = [1]} : vector<16xi32> to vector<1xi32>
        %squeeze3A_326 = vector.extract %slice3A_325[0] : i32 from vector<1xi32>
        %add3A_327 = arith.addi %scan3A_259, %squeeze3A_326 : i32
        %scan3A_328 = arith.constant 1 : i32
        %scan3A_329 = arith.addi %scan3A_258, %scan3A_328 : i32
        %mul3A_330 = arith.constant 1 : i32
        %mul3A_331 = arith.muli %scan3A_329, %mul3A_330 : i32
        %add3A_332 = arith.constant 0 : i32
        %add3A_333 = arith.addi %add3A_332, %mul3A_331 : i32
        %mul3A_334 = arith.constant 16 : i32
        %mul3A_335 = arith.muli %add3A_333, %mul3A_334 : i32
        %get3A_336 = arith.index_cast %mul3A_335 : i32 to index
        %get3A_337 = tpu.vector_load %run_scoped3A[%get3A_336] {strides = array<i32>} : memref<32784xi32, #tpu.memory_space<vmem>>, vector<16xi32>,
        %ge3A_338 = vector.broadcast %mul3A_2 : i32 to vector<16xi32>
        %ge3A_339 = arith.cmpi sge, %get3A_337, %ge3A_338 : vector<16xi32>
        %lt3A_340 = vector.broadcast %select_n3A : i32 to vector<16xi32>
        %lt3A_341 = arith.cmpi slt, %get3A_337, %lt3A_340 : vector<16xi32>
        %and3A_342 = arith.andi %ge3A_339, %lt3A_341 : vector<16xi1>
        %jit3A_343 = arith.constant 1024 : i32
        %eq3A_344 = arith.constant 0 : i32
        %eq3A_345 = arith.cmpi eq, %jit3A_343, %eq3A_344 : i32
        %jit3A_346 = arith.constant 1 : i32
        %select_n3A_347 = arith.select %eq3A_345, %jit3A_346, %jit3A_343 : i32
        %rem3A_348 = arith.remsi %add3A_333, %select_n3A_347 : i32
        %ne3A_349 = arith.constant 0 : i32
        %ne3A_350 = arith.cmpi ne, %rem3A_348, %ne3A_349 : i32
        %lt3A_351 = arith.constant 0 : i32
        %lt3A_352 = arith.cmpi slt, %rem3A_348, %lt3A_351 : i32
        %lt3A_353 = arith.constant 0 : i32
        %lt3A_354 = arith.cmpi slt, %select_n3A_347, %lt3A_353 : i32
        %ne3A_355 = arith.xori %lt3A_352, %lt3A_354 : i1
        %and3A_356 = arith.andi %ne3A_355, %ne3A_350 : i1
        %add3A_357 = arith.addi %rem3A_348, %select_n3A_347 : i32
        %select_n3A_358 = arith.select %and3A_356, %add3A_357, %rem3A_348 : i32
        %jit3A_359 = arith.constant 1024 : i32
        %div3A_360 = arith.divsi %add3A_333, %jit3A_359 : i32
        %sign3A_361 = arith.constant 0 : i32
        %sign3A_362 = arith.cmpi sgt, %add3A_333, %sign3A_361 : i32
        %sign3A_363 = arith.extui %sign3A_362 : i1 to i32
        %sign3A_364 = arith.constant 0 : i32
        %sign3A_365 = arith.cmpi slt, %add3A_333, %sign3A_364 : i32
        %sign3A_366 = arith.extui %sign3A_365 : i1 to i32
        %sign3A_367 = arith.subi %sign3A_363, %sign3A_366 : i32
        %sign3A_368 = arith.constant 0 : i32
        %sign3A_369 = arith.cmpi sgt, %jit3A_359, %sign3A_368 : i32
        %sign3A_370 = arith.extui %sign3A_369 : i1 to i32
        %sign3A_371 = arith.constant 0 : i32
        %sign3A_372 = arith.cmpi slt, %jit3A_359, %sign3A_371 : i32
        %sign3A_373 = arith.extui %sign3A_372 : i1 to i32
        %sign3A_374 = arith.subi %sign3A_370, %sign3A_373 : i32
        %ne3A_375 = arith.cmpi ne, %sign3A_367, %sign3A_374 : i32
        %rem3A_376 = arith.remsi %add3A_333, %jit3A_359 : i32
        %ne3A_377 = arith.constant 0 : i32
        %ne3A_378 = arith.cmpi ne, %rem3A_376, %ne3A_377 : i32
        %and3A_379 = arith.andi %ne3A_375, %ne3A_378 : i1
        %sub3A_380 = arith.constant 1 : i32
        %sub3A_381 = arith.subi %div3A_360, %sub3A_380 : i32
        %select_n3A_382 = arith.select %and3A_379, %sub3A_381, %div3A_360 : i32
        %sub3A_383 = vector.broadcast %mul3A_2 : i32 to vector<16xi32>
        %sub3A_384 = arith.subi %get3A_337, %sub3A_383 : vector<16xi32>
        %shift_left3A_385 = arith.constant 15 : i32
        %shift_left3A_386 = vector.broadcast %shift_left3A_385 : i32 to vector<16xi32>
        %shift_left3A_387 = arith.shli %sub3A_384, %shift_left3A_386 : vector<16xi32>
        %shift_left3A_388 = arith.constant 14 : i32
        %shift_left3A_389 = arith.shli %select_n3A_382, %shift_left3A_388 : i32
        %or3A_390 = vector.broadcast %shift_left3A_389 : i32 to vector<16xi32>
        %or3A_391 = arith.ori %shift_left3A_387, %or3A_390 : vector<16xi32>
        %mul3A_392 = arith.constant 16 : i32
        %mul3A_393 = arith.muli %select_n3A_358, %mul3A_392 : i32
        %add3A_394 = vector.broadcast %mul3A_393 : i32 to vector<16xi32>
        %add3A_395 = arith.addi %add3A_394, %iota3A : vector<16xi32>
        %or3A_396 = arith.ori %or3A_391, %add3A_395 : vector<16xi32>
        %swap3A_397 = arith.index_cast %add3A_327 : i32 to index
        %swap3A_398 = tpu.vector_load %run_scoped3A_6[%swap3A_397] masked %and3A_342 {strides = array<i32>} : memref<32784xi32, #tpu.memory_space<vmem>>, vector<16xi32>, vector<16xi1>
        tpu.vector_store %run_scoped3A_6[%swap3A_397], %or3A_396 masked %and3A_342 {strides = array<i32>} : memref<32784xi32, #tpu.memory_space<vmem>>, vector<16xi32>, vector<16xi1>
        %all_reduce_population_count3A_399 = tpu.all_reduce %and3A_342 {dim = 0 : i64, kind = #tpu.reduction_kind<sum>} : vector<16xi1> -> vector<16xi32>
        %slice3A_400 = vector.extract_strided_slice %all_reduce_population_count3A_399 {offsets = [0], sizes = [1], strides = [1]} : vector<16xi32> to vector<1xi32>
        %squeeze3A_401 = vector.extract %slice3A_400[0] : i32 from vector<1xi32>
        %add3A_402 = arith.addi %add3A_327, %squeeze3A_401 : i32
        %scan3A_403 = arith.constant 2 : i32
        %scan3A_404 = arith.addi %scan3A_258, %scan3A_403 : i32
        %mul3A_405 = arith.constant 1 : i32
        %mul3A_406 = arith.muli %scan3A_404, %mul3A_405 : i32
        %add3A_407 = arith.constant 0 : i32
        %add3A_408 = arith.addi %add3A_407, %mul3A_406 : i32
        %mul3A_409 = arith.constant 16 : i32
        %mul3A_410 = arith.muli %add3A_408, %mul3A_409 : i32
        %get3A_411 = arith.index_cast %mul3A_410 : i32 to index
        %get3A_412 = tpu.vector_load %run_scoped3A[%get3A_411] {strides = array<i32>} : memref<32784xi32, #tpu.memory_space<vmem>>, vector<16xi32>,
        %ge3A_413 = vector.broadcast %mul3A_2 : i32 to vector<16xi32>
        %ge3A_414 = arith.cmpi sge, %get3A_412, %ge3A_413 : vector<16xi32>
        %lt3A_415 = vector.broadcast %select_n3A : i32 to vector<16xi32>
        %lt3A_416 = arith.cmpi slt, %get3A_412, %lt3A_415 : vector<16xi32>
        %and3A_417 = arith.andi %ge3A_414, %lt3A_416 : vector<16xi1>
        %jit3A_418 = arith.constant 1024 : i32
        %eq3A_419 = arith.constant 0 : i32
        %eq3A_420 = arith.cmpi eq, %jit3A_418, %eq3A_419 : i32
        %jit3A_421 = arith.constant 1 : i32
        %select_n3A_422 = arith.select %eq3A_420, %jit3A_421, %jit3A_418 : i32
        %rem3A_423 = arith.remsi %add3A_408, %select_n3A_422 : i32
        %ne3A_424 = arith.constant 0 : i32
        %ne3A_425 = arith.cmpi ne, %rem3A_423, %ne3A_424 : i32
        %lt3A_426 = arith.constant 0 : i32
        %lt3A_427 = arith.cmpi slt, %rem3A_423, %lt3A_426 : i32
        %lt3A_428 = arith.constant 0 : i32
        %lt3A_429 = arith.cmpi slt, %select_n3A_422, %lt3A_428 : i32
        %ne3A_430 = arith.xori %lt3A_427, %lt3A_429 : i1
        %and3A_431 = arith.andi %ne3A_430, %ne3A_425 : i1
        %add3A_432 = arith.addi %rem3A_423, %select_n3A_422 : i32
        %select_n3A_433 = arith.select %and3A_431, %add3A_432, %rem3A_423 : i32
        %jit3A_434 = arith.constant 1024 : i32
        %div3A_435 = arith.divsi %add3A_408, %jit3A_434 : i32
        %sign3A_436 = arith.constant 0 : i32
        %sign3A_437 = arith.cmpi sgt, %add3A_408, %sign3A_436 : i32
        %sign3A_438 = arith.extui %sign3A_437 : i1 to i32
        %sign3A_439 = arith.constant 0 : i32
        %sign3A_440 = arith.cmpi slt, %add3A_408, %sign3A_439 : i32
        %sign3A_441 = arith.extui %sign3A_440 : i1 to i32
        %sign3A_442 = arith.subi %sign3A_438, %sign3A_441 : i32
        %sign3A_443 = arith.constant 0 : i32
        %sign3A_444 = arith.cmpi sgt, %jit3A_434, %sign3A_443 : i32
        %sign3A_445 = arith.extui %sign3A_444 : i1 to i32
        %sign3A_446 = arith.constant 0 : i32
        %sign3A_447 = arith.cmpi slt, %jit3A_434, %sign3A_446 : i32
        %sign3A_448 = arith.extui %sign3A_447 : i1 to i32
        %sign3A_449 = arith.subi %sign3A_445, %sign3A_448 : i32
        %ne3A_450 = arith.cmpi ne, %sign3A_442, %sign3A_449 : i32
        %rem3A_451 = arith.remsi %add3A_408, %jit3A_434 : i32
        %ne3A_452 = arith.constant 0 : i32
        %ne3A_453 = arith.cmpi ne, %rem3A_451, %ne3A_452 : i32
        %and3A_454 = arith.andi %ne3A_450, %ne3A_453 : i1
        %sub3A_455 = arith.constant 1 : i32
        %sub3A_456 = arith.subi %div3A_435, %sub3A_455 : i32
        %select_n3A_457 = arith.select %and3A_454, %sub3A_456, %div3A_435 : i32
        %sub3A_458 = vector.broadcast %mul3A_2 : i32 to vector<16xi32>
        %sub3A_459 = arith.subi %get3A_412, %sub3A_458 : vector<16xi32>
        %shift_left3A_460 = arith.constant 15 : i32
        %shift_left3A_461 = vector.broadcast %shift_left3A_460 : i32 to vector<16xi32>
        %shift_left3A_462 = arith.shli %sub3A_459, %shift_left3A_461 : vector<16xi32>
        %shift_left3A_463 = arith.constant 14 : i32
        %shift_left3A_464 = arith.shli %select_n3A_457, %shift_left3A_463 : i32
        %or3A_465 = vector.broadcast %shift_left3A_464 : i32 to vector<16xi32>
        %or3A_466 = arith.ori %shift_left3A_462, %or3A_465 : vector<16xi32>
        %mul3A_467 = arith.constant 16 : i32
        %mul3A_468 = arith.muli %select_n3A_433, %mul3A_467 : i32
        %add3A_469 = vector.broadcast %mul3A_468 : i32 to vector<16xi32>
        %add3A_470 = arith.addi %add3A_469, %iota3A : vector<16xi32>
        %or3A_471 = arith.ori %or3A_466, %add3A_470 : vector<16xi32>
        %swap3A_472 = arith.index_cast %add3A_402 : i32 to index
        %swap3A_473 = tpu.vector_load %run_scoped3A_6[%swap3A_472] masked %and3A_417 {strides = array<i32>} : memref<32784xi32, #tpu.memory_space<vmem>>, vector<16xi32>, vector<16xi1>
        tpu.vector_store %run_scoped3A_6[%swap3A_472], %or3A_471 masked %and3A_417 {strides = array<i32>} : memref<32784xi32, #tpu.memory_space<vmem>>, vector<16xi32>, vector<16xi1>
        %all_reduce_population_count3A_474 = tpu.all_reduce %and3A_417 {dim = 0 : i64, kind = #tpu.reduction_kind<sum>} : vector<16xi1> -> vector<16xi32>
        %slice3A_475 = vector.extract_strided_slice %all_reduce_population_count3A_474 {offsets = [0], sizes = [1], strides = [1]} : vector<16xi32> to vector<1xi32>
        %squeeze3A_476 = vector.extract %slice3A_475[0] : i32 from vector<1xi32>
        %add3A_477 = arith.addi %add3A_402, %squeeze3A_476 : i32
        %scan3A_478 = arith.constant 3 : i32
        %scan3A_479 = arith.addi %scan3A_258, %scan3A_478 : i32
        %mul3A_480 = arith.constant 1 : i32
        %mul3A_481 = arith.muli %scan3A_479, %mul3A_480 : i32
        %add3A_482 = arith.constant 0 : i32
        %add3A_483 = arith.addi %add3A_482, %mul3A_481 : i32
        %mul3A_484 = arith.constant 16 : i32
        %mul3A_485 = arith.muli %add3A_483, %mul3A_484 : i32
        %get3A_486 = arith.index_cast %mul3A_485 : i32 to index
        %get3A_487 = tpu.vector_load %run_scoped3A[%get3A_486] {strides = array<i32>} : memref<32784xi32, #tpu.memory_space<vmem>>, vector<16xi32>,
        %ge3A_488 = vector.broadcast %mul3A_2 : i32 to vector<16xi32>
        %ge3A_489 = arith.cmpi sge, %get3A_487, %ge3A_488 : vector<16xi32>
        %lt3A_490 = vector.broadcast %select_n3A : i32 to vector<16xi32>
        %lt3A_491 = arith.cmpi slt, %get3A_487, %lt3A_490 : vector<16xi32>
        %and3A_492 = arith.andi %ge3A_489, %lt3A_491 : vector<16xi1>
        %jit3A_493 = arith.constant 1024 : i32
        %eq3A_494 = arith.constant 0 : i32
        %eq3A_495 = arith.cmpi eq, %jit3A_493, %eq3A_494 : i32
        %jit3A_496 = arith.constant 1 : i32
        %select_n3A_497 = arith.select %eq3A_495, %jit3A_496, %jit3A_493 : i32
        %rem3A_498 = arith.remsi %add3A_483, %select_n3A_497 : i32
        %ne3A_499 = arith.constant 0 : i32
        %ne3A_500 = arith.cmpi ne, %rem3A_498, %ne3A_499 : i32
        %lt3A_501 = arith.constant 0 : i32
        %lt3A_502 = arith.cmpi slt, %rem3A_498, %lt3A_501 : i32
        %lt3A_503 = arith.constant 0 : i32
        %lt3A_504 = arith.cmpi slt, %select_n3A_497, %lt3A_503 : i32
        %ne3A_505 = arith.xori %lt3A_502, %lt3A_504 : i1
        %and3A_506 = arith.andi %ne3A_505, %ne3A_500 : i1
        %add3A_507 = arith.addi %rem3A_498, %select_n3A_497 : i32
        %select_n3A_508 = arith.select %and3A_506, %add3A_507, %rem3A_498 : i32
        %jit3A_509 = arith.constant 1024 : i32
        %div3A_510 = arith.divsi %add3A_483, %jit3A_509 : i32
        %sign3A_511 = arith.constant 0 : i32
        %sign3A_512 = arith.cmpi sgt, %add3A_483, %sign3A_511 : i32
        %sign3A_513 = arith.extui %sign3A_512 : i1 to i32
        %sign3A_514 = arith.constant 0 : i32
        %sign3A_515 = arith.cmpi slt, %add3A_483, %sign3A_514 : i32
        %sign3A_516 = arith.extui %sign3A_515 : i1 to i32
        %sign3A_517 = arith.subi %sign3A_513, %sign3A_516 : i32
        %sign3A_518 = arith.constant 0 : i32
        %sign3A_519 = arith.cmpi sgt, %jit3A_509, %sign3A_518 : i32
        %sign3A_520 = arith.extui %sign3A_519 : i1 to i32
        %sign3A_521 = arith.constant 0 : i32
        %sign3A_522 = arith.cmpi slt, %jit3A_509, %sign3A_521 : i32
        %sign3A_523 = arith.extui %sign3A_522 : i1 to i32
        %sign3A_524 = arith.subi %sign3A_520, %sign3A_523 : i32
        %ne3A_525 = arith.cmpi ne, %sign3A_517, %sign3A_524 : i32
        %rem3A_526 = arith.remsi %add3A_483, %jit3A_509 : i32
        %ne3A_527 = arith.constant 0 : i32
        %ne3A_528 = arith.cmpi ne, %rem3A_526, %ne3A_527 : i32
        %and3A_529 = arith.andi %ne3A_525, %ne3A_528 : i1
        %sub3A_530 = arith.constant 1 : i32
        %sub3A_531 = arith.subi %div3A_510, %sub3A_530 : i32
        %select_n3A_532 = arith.select %and3A_529, %sub3A_531, %div3A_510 : i32
        %sub3A_533 = vector.broadcast %mul3A_2 : i32 to vector<16xi32>
        %sub3A_534 = arith.subi %get3A_487, %sub3A_533 : vector<16xi32>
        %shift_left3A_535 = arith.constant 15 : i32
        %shift_left3A_536 = vector.broadcast %shift_left3A_535 : i32 to vector<16xi32>
        %shift_left3A_537 = arith.shli %sub3A_534, %shift_left3A_536 : vector<16xi32>
        %shift_left3A_538 = arith.constant 14 : i32
        %shift_left3A_539 = arith.shli %select_n3A_532, %shift_left3A_538 : i32
        %or3A_540 = vector.broadcast %shift_left3A_539 : i32 to vector<16xi32>
        %or3A_541 = arith.ori %shift_left3A_537, %or3A_540 : vector<16xi32>
        %mul3A_542 = arith.constant 16 : i32
        %mul3A_543 = arith.muli %select_n3A_508, %mul3A_542 : i32
        %add3A_544 = vector.broadcast %mul3A_543 : i32 to vector<16xi32>
        %add3A_545 = arith.addi %add3A_544, %iota3A : vector<16xi32>
        %or3A_546 = arith.ori %or3A_541, %add3A_545 : vector<16xi32>
        %swap3A_547 = arith.index_cast %add3A_477 : i32 to index
        %swap3A_548 = tpu.vector_load %run_scoped3A_6[%swap3A_547] masked %and3A_492 {strides = array<i32>} : memref<32784xi32, #tpu.memory_space<vmem>>, vector<16xi32>, vector<16xi1>
        tpu.vector_store %run_scoped3A_6[%swap3A_547], %or3A_546 masked %and3A_492 {strides = array<i32>} : memref<32784xi32, #tpu.memory_space<vmem>>, vector<16xi32>, vector<16xi1>
        %all_reduce_population_count3A_549 = tpu.all_reduce %and3A_492 {dim = 0 : i64, kind = #tpu.reduction_kind<sum>} : vector<16xi1> -> vector<16xi32>
        %slice3A_550 = vector.extract_strided_slice %all_reduce_population_count3A_549 {offsets = [0], sizes = [1], strides = [1]} : vector<16xi32> to vector<1xi32>
        %squeeze3A_551 = vector.extract %slice3A_550[0] : i32 from vector<1xi32>
        %add3A_552 = arith.addi %add3A_477, %squeeze3A_551 : i32
        scf.yield %add3A_552 : i32
      }
      %scan3A_30 = arith.constant 2048 : i32
      %add3A_31 = vector.broadcast %scan3A_29 : i32 to vector<16xi32>
      %add3A_32 = arith.addi %add3A_31, %iota3A : vector<16xi32>
      %broadcast_in_dim3A = arith.constant 2147467263 : i32
      %broadcast_in_dim3A_33 = vector.broadcast %broadcast_in_dim3A : i32 to vector<16xi32>
      tpu.vector_store_idx %run_scoped3A_6[%add3A_32], %broadcast_in_dim3A_33 : memref<32784xi32, #tpu.memory_space<vmem>>[vector<16xi32>], vector<16xi32>,
      %add3A_34 = arith.constant 16 : i32
      %add3A_35 = arith.addi %scan3A_29, %add3A_34 : i32
      %sub3A = arith.constant 1 : i32
      %sub3A_36 = arith.subi %add3A_35, %sub3A : i32
      %jit3A_37 = arith.constant 16 : i32
      %div3A = arith.divsi %sub3A_36, %jit3A_37 : i32
      %sign3A = arith.constant 0 : i32
      %sign3A_38 = arith.cmpi sgt, %sub3A_36, %sign3A : i32
      %sign3A_39 = arith.extui %sign3A_38 : i1 to i32
      %sign3A_40 = arith.constant 0 : i32
      %sign3A_41 = arith.cmpi slt, %sub3A_36, %sign3A_40 : i32
      %sign3A_42 = arith.extui %sign3A_41 : i1 to i32
      %sign3A_43 = arith.subi %sign3A_39, %sign3A_42 : i32
      %sign3A_44 = arith.constant 0 : i32
      %sign3A_45 = arith.cmpi sgt, %jit3A_37, %sign3A_44 : i32
      %sign3A_46 = arith.extui %sign3A_45 : i1 to i32
      %sign3A_47 = arith.constant 0 : i32
      %sign3A_48 = arith.cmpi slt, %jit3A_37, %sign3A_47 : i32
      %sign3A_49 = arith.extui %sign3A_48 : i1 to i32
      %sign3A_50 = arith.subi %sign3A_46, %sign3A_49 : i32
      %ne3A = arith.cmpi ne, %sign3A_43, %sign3A_50 : i32
      %rem3A = arith.remsi %sub3A_36, %jit3A_37 : i32
      %ne3A_51 = arith.constant 0 : i32
      %ne3A_52 = arith.cmpi ne, %rem3A, %ne3A_51 : i32
      %and3A = arith.andi %ne3A, %ne3A_52 : i1
      %sub3A_53 = arith.constant 1 : i32
      %sub3A_54 = arith.subi %div3A, %sub3A_53 : i32
      %select_n3A_55 = arith.select %and3A, %sub3A_54, %div3A : i32
      %broadcast_in_dim3A_56 = arith.constant 0 : i32
      %broadcast_in_dim3A_57 = vector.broadcast %broadcast_in_dim3A_56 : i32 to vector<16xi32>
      %swap3A = arith.constant 0 : index
      %swap3A_58 = tpu.vector_load %run_scoped3A_10[%swap3A] {strides = array<i32>} : memref<272xi32, #tpu.memory_space<vmem>>, vector<16xi32>,
      tpu.vector_store %run_scoped3A_10[%swap3A], %broadcast_in_dim3A_57 {strides = array<i32>} : memref<272xi32, #tpu.memory_space<vmem>>, vector<16xi32>,
      %swap3A_59 = arith.constant 16 : index
      %swap3A_60 = tpu.vector_load %run_scoped3A_10[%swap3A_59] {strides = array<i32>} : memref<272xi32, #tpu.memory_space<vmem>>, vector<16xi32>,
      tpu.vector_store %run_scoped3A_10[%swap3A_59], %broadcast_in_dim3A_57 {strides = array<i32>} : memref<272xi32, #tpu.memory_space<vmem>>, vector<16xi32>,
      %swap3A_61 = arith.constant 32 : index
      %swap3A_62 = tpu.vector_load %run_scoped3A_10[%swap3A_61] {strides = array<i32>} : memref<272xi32, #tpu.memory_space<vmem>>, vector<16xi32>,
      tpu.vector_store %run_scoped3A_10[%swap3A_61], %broadcast_in_dim3A_57 {strides = array<i32>} : memref<272xi32, #tpu.memory_space<vmem>>, vector<16xi32>,
      %swap3A_63 = arith.constant 48 : index
      %swap3A_64 = tpu.vector_load %run_scoped3A_10[%swap3A_63] {strides = array<i32>} : memref<272xi32, #tpu.memory_space<vmem>>, vector<16xi32>,
      tpu.vector_store %run_scoped3A_10[%swap3A_63], %broadcast_in_dim3A_57 {strides = array<i32>} : memref<272xi32, #tpu.memory_space<vmem>>, vector<16xi32>,
      %swap3A_65 = arith.constant 64 : index
      %swap3A_66 = tpu.vector_load %run_scoped3A_10[%swap3A_65] {strides = array<i32>} : memref<272xi32, #tpu.memory_space<vmem>>, vector<16xi32>,
      tpu.vector_store %run_scoped3A_10[%swap3A_65], %broadcast_in_dim3A_57 {strides = array<i32>} : memref<272xi32, #tpu.memory_space<vmem>>, vector<16xi32>,
      %swap3A_67 = arith.constant 80 : index
      %swap3A_68 = tpu.vector_load %run_scoped3A_10[%swap3A_67] {strides = array<i32>} : memref<272xi32, #tpu.memory_space<vmem>>, vector<16xi32>,
      tpu.vector_store %run_scoped3A_10[%swap3A_67], %broadcast_in_dim3A_57 {strides = array<i32>} : memref<272xi32, #tpu.memory_space<vmem>>, vector<16xi32>,
      %swap3A_69 = arith.constant 96 : index
      %swap3A_70 = tpu.vector_load %run_scoped3A_10[%swap3A_69] {strides = array<i32>} : memref<272xi32, #tpu.memory_space<vmem>>, vector<16xi32>,
      tpu.vector_store %run_scoped3A_10[%swap3A_69], %broadcast_in_dim3A_57 {strides = array<i32>} : memref<272xi32, #tpu.memory_space<vmem>>, vector<16xi32>,
      %swap3A_71 = arith.constant 112 : index
      %swap3A_72 = tpu.vector_load %run_scoped3A_10[%swap3A_71] {strides = array<i32>} : memref<272xi32, #tpu.memory_space<vmem>>, vector<16xi32>,
      tpu.vector_store %run_scoped3A_10[%swap3A_71], %broadcast_in_dim3A_57 {strides = array<i32>} : memref<272xi32, #tpu.memory_space<vmem>>, vector<16xi32>,
      %swap3A_73 = arith.constant 128 : index
      %swap3A_74 = tpu.vector_load %run_scoped3A_10[%swap3A_73] {strides = array<i32>} : memref<272xi32, #tpu.memory_space<vmem>>, vector<16xi32>,
      tpu.vector_store %run_scoped3A_10[%swap3A_73], %broadcast_in_dim3A_57 {strides = array<i32>} : memref<272xi32, #tpu.memory_space<vmem>>, vector<16xi32>,
      %swap3A_75 = arith.constant 144 : index
      %swap3A_76 = tpu.vector_load %run_scoped3A_10[%swap3A_75] {strides = array<i32>} : memref<272xi32, #tpu.memory_space<vmem>>, vector<16xi32>,
      tpu.vector_store %run_scoped3A_10[%swap3A_75], %broadcast_in_dim3A_57 {strides = array<i32>} : memref<272xi32, #tpu.memory_space<vmem>>, vector<16xi32>,
      %swap3A_77 = arith.constant 160 : index
      %swap3A_78 = tpu.vector_load %run_scoped3A_10[%swap3A_77] {strides = array<i32>} : memref<272xi32, #tpu.memory_space<vmem>>, vector<16xi32>,
      tpu.vector_store %run_scoped3A_10[%swap3A_77], %broadcast_in_dim3A_57 {strides = array<i32>} : memref<272xi32, #tpu.memory_space<vmem>>, vector<16xi32>,
      %swap3A_79 = arith.constant 176 : index
      %swap3A_80 = tpu.vector_load %run_scoped3A_10[%swap3A_79] {strides = array<i32>} : memref<272xi32, #tpu.memory_space<vmem>>, vector<16xi32>,
      tpu.vector_store %run_scoped3A_10[%swap3A_79], %broadcast_in_dim3A_57 {strides = array<i32>} : memref<272xi32, #tpu.memory_space<vmem>>, vector<16xi32>,
      %swap3A_81 = arith.constant 192 : index
      %swap3A_82 = tpu.vector_load %run_scoped3A_10[%swap3A_81] {strides = array<i32>} : memref<272xi32, #tpu.memory_space<vmem>>, vector<16xi32>,
      tpu.vector_store %run_scoped3A_10[%swap3A_81], %broadcast_in_dim3A_57 {strides = array<i32>} : memref<272xi32, #tpu.memory_space<vmem>>, vector<16xi32>,
      %swap3A_83 = arith.constant 208 : index
      %swap3A_84 = tpu.vector_load %run_scoped3A_10[%swap3A_83] {strides = array<i32>} : memref<272xi32, #tpu.memory_space<vmem>>, vector<16xi32>,
      tpu.vector_store %run_scoped3A_10[%swap3A_83], %broadcast_in_dim3A_57 {strides = array<i32>} : memref<272xi32, #tpu.memory_space<vmem>>, vector<16xi32>,
      %swap3A_85 = arith.constant 224 : index
      %swap3A_86 = tpu.vector_load %run_scoped3A_10[%swap3A_85] {strides = array<i32>} : memref<272xi32, #tpu.memory_space<vmem>>, vector<16xi32>,
      tpu.vector_store %run_scoped3A_10[%swap3A_85], %broadcast_in_dim3A_57 {strides = array<i32>} : memref<272xi32, #tpu.memory_space<vmem>>, vector<16xi32>,
      %swap3A_87 = arith.constant 240 : index
      %swap3A_88 = tpu.vector_load %run_scoped3A_10[%swap3A_87] {strides = array<i32>} : memref<272xi32, #tpu.memory_space<vmem>>, vector<16xi32>,
      tpu.vector_store %run_scoped3A_10[%swap3A_87], %broadcast_in_dim3A_57 {strides = array<i32>} : memref<272xi32, #tpu.memory_space<vmem>>, vector<16xi32>,
      %broadcast_in_dim3A_89 = arith.constant -1 : i32
      %broadcast_in_dim3A_90 = vector.broadcast %broadcast_in_dim3A_89 : i32 to vector<16xi32>
      %swap3A_91 = arith.constant 0 : index
      %swap3A_92 = tpu.vector_load %run_scoped3A_13[%swap3A_91] {strides = array<i32>} : memref<32xi32, #tpu.memory_space<vmem>>, vector<16xi32>,
      tpu.vector_store %run_scoped3A_13[%swap3A_91], %broadcast_in_dim3A_90 {strides = array<i32>} : memref<32xi32, #tpu.memory_space<vmem>>, vector<16xi32>,
      %broadcast_in_dim3A_93 = arith.constant 1073741824 : i32
      %broadcast_in_dim3A_94 = vector.broadcast %broadcast_in_dim3A_93 : i32 to vector<16xi32>
      %swap3A_95 = arith.constant 16 : index
      %swap3A_96 = tpu.vector_load %run_scoped3A_13[%swap3A_95] {strides = array<i32>} : memref<32xi32, #tpu.memory_space<vmem>>, vector<16xi32>,
      tpu.vector_store %run_scoped3A_13[%swap3A_95], %broadcast_in_dim3A_94 {strides = array<i32>} : memref<32xi32, #tpu.memory_space<vmem>>, vector<16xi32>,
      %sub3A_97 = arith.constant 0 : i32
      %sub3A_98 = arith.subi %select_n3A_55, %sub3A_97 : i32
      %sub3A_99 = arith.constant 1 : i32
      %sub3A_100 = arith.constant 1 : i32
      %sub3A_101 = arith.subi %sub3A_99, %sub3A_100 : i32
      %add3A_102 = arith.addi %sub3A_98, %sub3A_101 : i32
      %div3A_103 = arith.constant 1 : i32
      %div3A_104 = arith.divsi %add3A_102, %div3A_103 : i32
      %while3A = arith.constant 1 : i32
      %while3A_105 = arith.constant 0 : i32
      %while3A_106 = arith.constant 0 : i32
      %while3A_107 = arith.subi %div3A_104, %while3A_106 : i32
      %while3A_108 = arith.addi %while3A_106, %while3A_107 : i32
      %while3A_109 = arith.constant 1 : i32
      %while3A_110 = arith.divsi %while3A_107, %while3A_109 : i32
      %while3A_111 = arith.muli %while3A_110, %while3A_109 : i32
      %while3A_112 = arith.addi %while3A_106, %while3A_111 : i32
      %while3A_113 = arith.constant 1 : i32
      scf.for %while3A_258 = %while3A_106 to %while3A_112 step %while3A_113  : i32 {
        %mul3A_259 = arith.muli %while3A_258, %while3A : i32
        %add3A_260 = arith.addi %while3A_105, %mul3A_259 : i32
        %mul3A_261 = arith.constant 16 : i32
        %mul3A_262 = arith.muli %add3A_260, %mul3A_261 : i32
        %get3A_263 = arith.index_cast %mul3A_262 : i32 to index
        %get3A_264 = tpu.vector_load %run_scoped3A_6[%get3A_263] {strides = array<i32>} : memref<32784xi32, #tpu.memory_space<vmem>>, vector<16xi32>,
        %shift_right_arithmetic3A = arith.constant 23 : i32
        %shift_right_arithmetic3A_265 = vector.broadcast %shift_right_arithmetic3A : i32 to vector<16xi32>
        %shift_right_arithmetic3A_266 = arith.shrsi %get3A_264, %shift_right_arithmetic3A_265 : vector<16xi32>
        %masked_sort3A = arith.constant dense<true> : vector<16xi1>
        %masked_sort3A_267 = arith.constant -2147483648 : i32
        %masked_sort3A_268 = vector.broadcast %masked_sort3A_267 : i32 to vector<16xi32>
        %masked_sort3A_269 = arith.xori %shift_right_arithmetic3A_266, %masked_sort3A_268 : vector<16xi32>
        %masked_sort3A_270, %masked_sort3A_271, %masked_sort3A_272 = tpu.sort %masked_sort3A_269, %get3A_264 masked %masked_sort3A : (vector<16xi32>, vector<16xi32>, vector<16xi1>) -> (vector<16xi1>, vector<16xi32>, vector<16xi32>)
        %masked_sort3A_273 = arith.xori %masked_sort3A_271, %masked_sort3A_268 : vector<16xi32>
        %swap3A_274 = arith.constant 1 : index
        %swap3A_275 = tpu.vector_load %run_scoped3A_13[%swap3A_274] {strides = array<i32>} : memref<32xi32, #tpu.memory_space<vmem>>, vector<16xi32>,
        tpu.vector_store %run_scoped3A_13[%swap3A_274], %masked_sort3A_273 {strides = array<i32>} : memref<32xi32, #tpu.memory_space<vmem>>, vector<16xi32>,
        %get3A_276 = arith.constant 0 : index
        %get3A_277 = tpu.vector_load %run_scoped3A_13[%get3A_276] {strides = array<i32>} : memref<32xi32, #tpu.memory_space<vmem>>, vector<16xi32>,
        %get3A_278 = arith.constant 2 : index
        %get3A_279 = tpu.vector_load %run_scoped3A_13[%get3A_278] {strides = array<i32>} : memref<32xi32, #tpu.memory_space<vmem>>, vector<16xi32>,
        %ne3A_280 = arith.cmpi ne, %masked_sort3A_273, %get3A_277 : vector<16xi32>
        %jit3A_281 = arith.constant 1 : i32
        %jit3A_282 = arith.constant 0 : i32
        %broadcast_in_dim3A_283 = vector.broadcast %jit3A_281 : i32 to vector<16xi32>
        %broadcast_in_dim3A_284 = vector.broadcast %jit3A_282 : i32 to vector<16xi32>
        %select_n3A_285 = arith.select %ne3A_280, %broadcast_in_dim3A_283, %broadcast_in_dim3A_284 : vector<16xi1>, vector<16xi32>
        %ne3A_286 = arith.cmpi ne, %masked_sort3A_273, %get3A_279 : vector<16xi32>
        %eq3A_287 = arith.constant 1 : i32
        %eq3A_288 = vector.broadcast %eq3A_287 : i32 to vector<16xi32>
        %eq3A_289 = arith.cmpi eq, %select_n3A_285, %eq3A_288 : vector<16xi32>
        %jit3A_290 = arith.constant 0 : i32
        %broadcast_in_dim3A_291 = vector.broadcast %jit3A_290 : i32 to vector<16xi32>
        %select_n3A_292 = arith.select %eq3A_289, %iota3A, %broadcast_in_dim3A_291 : vector<16xi1>, vector<16xi32>
        %broadcast_in_dim3A_293 = arith.constant true
        %broadcast_in_dim3A_294 = vector.broadcast %broadcast_in_dim3A_293 : i1 to vector<16xi1>
        %masked_cummax3A = arith.constant -2147483648 : i32
        %masked_cummax3A_295 = vector.broadcast %masked_cummax3A : i32 to vector<16xi32>
        %masked_cummax3A_296 = arith.xori %select_n3A_292, %masked_cummax3A_295 : vector<16xi32>
        %masked_cummax3A_297 = tpu.scan <max>, %masked_cummax3A_296 masked %broadcast_in_dim3A_294 : vector<16xi32>, vector<16xi1> -> vector<16xi32>
        %masked_cummax3A_298 = arith.xori %masked_cummax3A_297, %masked_cummax3A_295 : vector<16xi32>
        %sub3A_299 = arith.subi %iota3A, %masked_cummax3A_298 : vector<16xi32>
        %add3A_300 = arith.constant 1 : i32
        %add3A_301 = vector.broadcast %add3A_300 : i32 to vector<16xi32>
        %add3A_302 = arith.addi %sub3A_299, %add3A_301 : vector<16xi32>
        tpu.vector_store_idx %run_scoped3A_10[%masked_sort3A_273], %add3A_302 masked %ne3A_286 {add = true} : memref<272xi32, #tpu.memory_space<vmem>>[vector<16xi32>], vector<16xi32>, vector<16xi1>
      }
      %while3A_114 = arith.constant 1 : i32
      scf.for %while3A_258 = %while3A_112 to %while3A_108 step %while3A_114  : i32 {
        %mul3A_259 = arith.muli %while3A_258, %while3A : i32
        %add3A_260 = arith.addi %while3A_105, %mul3A_259 : i32
        %mul3A_261 = arith.constant 16 : i32
        %mul3A_262 = arith.muli %add3A_260, %mul3A_261 : i32
        %get3A_263 = arith.index_cast %mul3A_262 : i32 to index
        %get3A_264 = tpu.vector_load %run_scoped3A_6[%get3A_263] {strides = array<i32>} : memref<32784xi32, #tpu.memory_space<vmem>>, vector<16xi32>,
        %shift_right_arithmetic3A = arith.constant 23 : i32
        %shift_right_arithmetic3A_265 = vector.broadcast %shift_right_arithmetic3A : i32 to vector<16xi32>
        %shift_right_arithmetic3A_266 = arith.shrsi %get3A_264, %shift_right_arithmetic3A_265 : vector<16xi32>
        %masked_sort3A = arith.constant dense<true> : vector<16xi1>
        %masked_sort3A_267 = arith.constant -2147483648 : i32
        %masked_sort3A_268 = vector.broadcast %masked_sort3A_267 : i32 to vector<16xi32>
        %masked_sort3A_269 = arith.xori %shift_right_arithmetic3A_266, %masked_sort3A_268 : vector<16xi32>
        %masked_sort3A_270, %masked_sort3A_271, %masked_sort3A_272 = tpu.sort %masked_sort3A_269, %get3A_264 masked %masked_sort3A : (vector<16xi32>, vector<16xi32>, vector<16xi1>) -> (vector<16xi1>, vector<16xi32>, vector<16xi32>)
        %masked_sort3A_273 = arith.xori %masked_sort3A_271, %masked_sort3A_268 : vector<16xi32>
        %swap3A_274 = arith.constant 1 : index
        %swap3A_275 = tpu.vector_load %run_scoped3A_13[%swap3A_274] {strides = array<i32>} : memref<32xi32, #tpu.memory_space<vmem>>, vector<16xi32>,
        tpu.vector_store %run_scoped3A_13[%swap3A_274], %masked_sort3A_273 {strides = array<i32>} : memref<32xi32, #tpu.memory_space<vmem>>, vector<16xi32>,
        %get3A_276 = arith.constant 0 : index
        %get3A_277 = tpu.vector_load %run_scoped3A_13[%get3A_276] {strides = array<i32>} : memref<32xi32, #tpu.memory_space<vmem>>, vector<16xi32>,
        %get3A_278 = arith.constant 2 : index
        %get3A_279 = tpu.vector_load %run_scoped3A_13[%get3A_278] {strides = array<i32>} : memref<32xi32, #tpu.memory_space<vmem>>, vector<16xi32>,
        %ne3A_280 = arith.cmpi ne, %masked_sort3A_273, %get3A_277 : vector<16xi32>
        %jit3A_281 = arith.constant 1 : i32
        %jit3A_282 = arith.constant 0 : i32
        %broadcast_in_dim3A_283 = vector.broadcast %jit3A_281 : i32 to vector<16xi32>
        %broadcast_in_dim3A_284 = vector.broadcast %jit3A_282 : i32 to vector<16xi32>
        %select_n3A_285 = arith.select %ne3A_280, %broadcast_in_dim3A_283, %broadcast_in_dim3A_284 : vector<16xi1>, vector<16xi32>
        %ne3A_286 = arith.cmpi ne, %masked_sort3A_273, %get3A_279 : vector<16xi32>
        %eq3A_287 = arith.constant 1 : i32
        %eq3A_288 = vector.broadcast %eq3A_287 : i32 to vector<16xi32>
        %eq3A_289 = arith.cmpi eq, %select_n3A_285, %eq3A_288 : vector<16xi32>
        %jit3A_290 = arith.constant 0 : i32
        %broadcast_in_dim3A_291 = vector.broadcast %jit3A_290 : i32 to vector<16xi32>
        %select_n3A_292 = arith.select %eq3A_289, %iota3A, %broadcast_in_dim3A_291 : vector<16xi1>, vector<16xi32>
        %broadcast_in_dim3A_293 = arith.constant true
        %broadcast_in_dim3A_294 = vector.broadcast %broadcast_in_dim3A_293 : i1 to vector<16xi1>
        %masked_cummax3A = arith.constant -2147483648 : i32
        %masked_cummax3A_295 = vector.broadcast %masked_cummax3A : i32 to vector<16xi32>
        %masked_cummax3A_296 = arith.xori %select_n3A_292, %masked_cummax3A_295 : vector<16xi32>
        %masked_cummax3A_297 = tpu.scan <max>, %masked_cummax3A_296 masked %broadcast_in_dim3A_294 : vector<16xi32>, vector<16xi1> -> vector<16xi32>
        %masked_cummax3A_298 = arith.xori %masked_cummax3A_297, %masked_cummax3A_295 : vector<16xi32>
        %sub3A_299 = arith.subi %iota3A, %masked_cummax3A_298 : vector<16xi32>
        %add3A_300 = arith.constant 1 : i32
        %add3A_301 = vector.broadcast %add3A_300 : i32 to vector<16xi32>
        %add3A_302 = arith.addi %sub3A_299, %add3A_301 : vector<16xi32>
        tpu.vector_store_idx %run_scoped3A_10[%masked_sort3A_273], %add3A_302 masked %ne3A_286 {add = true} : memref<272xi32, #tpu.memory_space<vmem>>[vector<16xi32>], vector<16xi32>, vector<16xi1>
      }
      %scan3A_115 = arith.constant 0 : i32
      %scan3A_116 = arith.constant 0 : i32
      %scan3A_117 = arith.constant 16 : i32
      %scan3A_118 = arith.addi %scan3A_116, %scan3A_117 : i32
      %scan3A_119 = arith.constant 1 : i32
      %scan3A_120 = scf.for %scan3A_258 = %scan3A_116 to %scan3A_118 step %scan3A_119 iter_args(%scan3A_259 = %scan3A_115) -> (i32)  : i32 {
        %mul3A_260 = arith.constant 1 : i32
        %mul3A_261 = arith.muli %scan3A_258, %mul3A_260 : i32
        %add3A_262 = arith.constant 0 : i32
        %add3A_263 = arith.addi %add3A_262, %mul3A_261 : i32
        %mul3A_264 = arith.constant 16 : i32
        %mul3A_265 = arith.muli %add3A_263, %mul3A_264 : i32
        %get3A_266 = arith.index_cast %mul3A_265 : i32 to index
        %get3A_267 = tpu.vector_load %run_scoped3A_10[%get3A_266] {strides = array<i32>} : memref<272xi32, #tpu.memory_space<vmem>>, vector<16xi32>,
        %broadcast_in_dim3A_268 = arith.constant true
        %broadcast_in_dim3A_269 = vector.broadcast %broadcast_in_dim3A_268 : i1 to vector<16xi1>
        %masked_cumsum3A = tpu.scan <sum>, %get3A_267 masked %broadcast_in_dim3A_269 : vector<16xi32>, vector<16xi1> -> vector<16xi32>
        %sub3A_270 = arith.subi %masked_cumsum3A, %get3A_267 : vector<16xi32>
        %add3A_271 = vector.broadcast %scan3A_259 : i32 to vector<16xi32>
        %add3A_272 = arith.addi %sub3A_270, %add3A_271 : vector<16xi32>
        %mul3A_273 = arith.constant 16 : i32
        %mul3A_274 = arith.muli %add3A_263, %mul3A_273 : i32
        %swap3A_275 = arith.index_cast %mul3A_274 : i32 to index
        %swap3A_276 = tpu.vector_load %run_scoped3A_11[%swap3A_275] {strides = array<i32>} : memref<272xi32, #tpu.memory_space<vmem>>, vector<16xi32>,
        tpu.vector_store %run_scoped3A_11[%swap3A_275], %add3A_272 {strides = array<i32>} : memref<272xi32, #tpu.memory_space<vmem>>, vector<16xi32>,
        %mul3A_277 = arith.constant 16 : i32
        %mul3A_278 = arith.muli %add3A_263, %mul3A_277 : i32
        %swap3A_279 = arith.index_cast %mul3A_278 : i32 to index
        %swap3A_280 = tpu.vector_load %run_scoped3A_12[%swap3A_279] {strides = array<i32>} : memref<272xi32, #tpu.memory_space<vmem>>, vector<16xi32>,
        tpu.vector_store %run_scoped3A_12[%swap3A_279], %add3A_272 {strides = array<i32>} : memref<272xi32, #tpu.memory_space<vmem>>, vector<16xi32>,
        %slice3A_281 = vector.extract_strided_slice %masked_cumsum3A {offsets = [15], sizes = [1], strides = [1]} : vector<16xi32> to vector<1xi32>
        %squeeze3A_282 = vector.extract %slice3A_281[0] : i32 from vector<1xi32>
        %add3A_283 = arith.addi %scan3A_259, %squeeze3A_282 : i32
        scf.yield %add3A_283 : i32
      }
      %scan3A_121 = arith.constant 16 : i32
      %sub3A_122 = arith.constant 0 : i32
      %sub3A_123 = arith.subi %select_n3A_55, %sub3A_122 : i32
      %sub3A_124 = arith.constant 1 : i32
      %sub3A_125 = arith.constant 1 : i32
      %sub3A_126 = arith.subi %sub3A_124, %sub3A_125 : i32
      %add3A_127 = arith.addi %sub3A_123, %sub3A_126 : i32
      %div3A_128 = arith.constant 1 : i32
      %div3A_129 = arith.divsi %add3A_127, %div3A_128 : i32
      %while3A_130 = arith.constant 1 : i32
      %while3A_131 = arith.constant 0 : i32
      %while3A_132 = arith.constant 0 : i32
      %while3A_133 = arith.subi %div3A_129, %while3A_132 : i32
      %while3A_134 = arith.addi %while3A_132, %while3A_133 : i32
      %while3A_135 = arith.constant 1 : i32
      %while3A_136 = arith.divsi %while3A_133, %while3A_135 : i32
      %while3A_137 = arith.muli %while3A_136, %while3A_135 : i32
      %while3A_138 = arith.addi %while3A_132, %while3A_137 : i32
      %while3A_139 = arith.constant 1 : i32
      scf.for %while3A_258 = %while3A_132 to %while3A_138 step %while3A_139  : i32 {
        %mul3A_259 = arith.muli %while3A_258, %while3A_130 : i32
        %add3A_260 = arith.addi %while3A_131, %mul3A_259 : i32
        %mul3A_261 = arith.constant 16 : i32
        %mul3A_262 = arith.muli %add3A_260, %mul3A_261 : i32
        %get3A_263 = arith.index_cast %mul3A_262 : i32 to index
        %get3A_264 = tpu.vector_load %run_scoped3A_6[%get3A_263] {strides = array<i32>} : memref<32784xi32, #tpu.memory_space<vmem>>, vector<16xi32>,
        %shift_right_arithmetic3A = arith.constant 23 : i32
        %shift_right_arithmetic3A_265 = vector.broadcast %shift_right_arithmetic3A : i32 to vector<16xi32>
        %shift_right_arithmetic3A_266 = arith.shrsi %get3A_264, %shift_right_arithmetic3A_265 : vector<16xi32>
        %masked_sort3A = arith.constant dense<true> : vector<16xi1>
        %masked_sort3A_267 = arith.constant -2147483648 : i32
        %masked_sort3A_268 = vector.broadcast %masked_sort3A_267 : i32 to vector<16xi32>
        %masked_sort3A_269 = arith.xori %shift_right_arithmetic3A_266, %masked_sort3A_268 : vector<16xi32>
        %masked_sort3A_270, %masked_sort3A_271, %masked_sort3A_272 = tpu.sort %masked_sort3A_269, %get3A_264 masked %masked_sort3A : (vector<16xi32>, vector<16xi32>, vector<16xi1>) -> (vector<16xi1>, vector<16xi32>, vector<16xi32>)
        %masked_sort3A_273 = arith.xori %masked_sort3A_271, %masked_sort3A_268 : vector<16xi32>
        %swap3A_274 = arith.constant 1 : index
        %swap3A_275 = tpu.vector_load %run_scoped3A_13[%swap3A_274] {strides = array<i32>} : memref<32xi32, #tpu.memory_space<vmem>>, vector<16xi32>,
        tpu.vector_store %run_scoped3A_13[%swap3A_274], %masked_sort3A_273 {strides = array<i32>} : memref<32xi32, #tpu.memory_space<vmem>>, vector<16xi32>,
        %get3A_276 = arith.constant 0 : index
        %get3A_277 = tpu.vector_load %run_scoped3A_13[%get3A_276] {strides = array<i32>} : memref<32xi32, #tpu.memory_space<vmem>>, vector<16xi32>,
        %get3A_278 = arith.constant 2 : index
        %get3A_279 = tpu.vector_load %run_scoped3A_13[%get3A_278] {strides = array<i32>} : memref<32xi32, #tpu.memory_space<vmem>>, vector<16xi32>,
        %ne3A_280 = arith.cmpi ne, %masked_sort3A_273, %get3A_277 : vector<16xi32>
        %jit3A_281 = arith.constant 1 : i32
        %jit3A_282 = arith.constant 0 : i32
        %broadcast_in_dim3A_283 = vector.broadcast %jit3A_281 : i32 to vector<16xi32>
        %broadcast_in_dim3A_284 = vector.broadcast %jit3A_282 : i32 to vector<16xi32>
        %select_n3A_285 = arith.select %ne3A_280, %broadcast_in_dim3A_283, %broadcast_in_dim3A_284 : vector<16xi1>, vector<16xi32>
        %ne3A_286 = arith.cmpi ne, %masked_sort3A_273, %get3A_279 : vector<16xi32>
        %eq3A_287 = arith.constant 1 : i32
        %eq3A_288 = vector.broadcast %eq3A_287 : i32 to vector<16xi32>
        %eq3A_289 = arith.cmpi eq, %select_n3A_285, %eq3A_288 : vector<16xi32>
        %jit3A_290 = arith.constant 0 : i32
        %broadcast_in_dim3A_291 = vector.broadcast %jit3A_290 : i32 to vector<16xi32>
        %select_n3A_292 = arith.select %eq3A_289, %iota3A, %broadcast_in_dim3A_291 : vector<16xi1>, vector<16xi32>
        %broadcast_in_dim3A_293 = arith.constant true
        %broadcast_in_dim3A_294 = vector.broadcast %broadcast_in_dim3A_293 : i1 to vector<16xi1>
        %masked_cummax3A = arith.constant -2147483648 : i32
        %masked_cummax3A_295 = vector.broadcast %masked_cummax3A : i32 to vector<16xi32>
        %masked_cummax3A_296 = arith.xori %select_n3A_292, %masked_cummax3A_295 : vector<16xi32>
        %masked_cummax3A_297 = tpu.scan <max>, %masked_cummax3A_296 masked %broadcast_in_dim3A_294 : vector<16xi32>, vector<16xi1> -> vector<16xi32>
        %masked_cummax3A_298 = arith.xori %masked_cummax3A_297, %masked_cummax3A_295 : vector<16xi32>
        %sub3A_299 = arith.subi %iota3A, %masked_cummax3A_298 : vector<16xi32>
        %gather3A = tpu.vector_load_idx %run_scoped3A_12[%masked_sort3A_273] : memref<272xi32, #tpu.memory_space<vmem>>[vector<16xi32>], vector<16xi32>,
        %add3A_300 = arith.addi %gather3A, %sub3A_299 : vector<16xi32>
        tpu.vector_store_idx %run_scoped3A[%add3A_300], %masked_sort3A_272 : memref<32784xi32, #tpu.memory_space<vmem>>[vector<16xi32>], vector<16xi32>,
        %add3A_301 = arith.constant 1 : i32
        %add3A_302 = vector.broadcast %add3A_301 : i32 to vector<16xi32>
        %add3A_303 = arith.addi %sub3A_299, %add3A_302 : vector<16xi32>
        tpu.vector_store_idx %run_scoped3A_12[%masked_sort3A_273], %add3A_303 masked %ne3A_286 {add = true} : memref<272xi32, #tpu.memory_space<vmem>>[vector<16xi32>], vector<16xi32>, vector<16xi1>
      }
      %while3A_140 = arith.constant 1 : i32
      scf.for %while3A_258 = %while3A_138 to %while3A_134 step %while3A_140  : i32 {
        %mul3A_259 = arith.muli %while3A_258, %while3A_130 : i32
        %add3A_260 = arith.addi %while3A_131, %mul3A_259 : i32
        %mul3A_261 = arith.constant 16 : i32
        %mul3A_262 = arith.muli %add3A_260, %mul3A_261 : i32
        %get3A_263 = arith.index_cast %mul3A_262 : i32 to index
        %get3A_264 = tpu.vector_load %run_scoped3A_6[%get3A_263] {strides = array<i32>} : memref<32784xi32, #tpu.memory_space<vmem>>, vector<16xi32>,
        %shift_right_arithmetic3A = arith.constant 23 : i32
        %shift_right_arithmetic3A_265 = vector.broadcast %shift_right_arithmetic3A : i32 to vector<16xi32>
        %shift_right_arithmetic3A_266 = arith.shrsi %get3A_264, %shift_right_arithmetic3A_265 : vector<16xi32>
        %masked_sort3A = arith.constant dense<true> : vector<16xi1>
        %masked_sort3A_267 = arith.constant -2147483648 : i32
        %masked_sort3A_268 = vector.broadcast %masked_sort3A_267 : i32 to vector<16xi32>
        %masked_sort3A_269 = arith.xori %shift_right_arithmetic3A_266, %masked_sort3A_268 : vector<16xi32>
        %masked_sort3A_270, %masked_sort3A_271, %masked_sort3A_272 = tpu.sort %masked_sort3A_269, %get3A_264 masked %masked_sort3A : (vector<16xi32>, vector<16xi32>, vector<16xi1>) -> (vector<16xi1>, vector<16xi32>, vector<16xi32>)
        %masked_sort3A_273 = arith.xori %masked_sort3A_271, %masked_sort3A_268 : vector<16xi32>
        %swap3A_274 = arith.constant 1 : index
        %swap3A_275 = tpu.vector_load %run_scoped3A_13[%swap3A_274] {strides = array<i32>} : memref<32xi32, #tpu.memory_space<vmem>>, vector<16xi32>,
        tpu.vector_store %run_scoped3A_13[%swap3A_274], %masked_sort3A_273 {strides = array<i32>} : memref<32xi32, #tpu.memory_space<vmem>>, vector<16xi32>,
        %get3A_276 = arith.constant 0 : index
        %get3A_277 = tpu.vector_load %run_scoped3A_13[%get3A_276] {strides = array<i32>} : memref<32xi32, #tpu.memory_space<vmem>>, vector<16xi32>,
        %get3A_278 = arith.constant 2 : index
        %get3A_279 = tpu.vector_load %run_scoped3A_13[%get3A_278] {strides = array<i32>} : memref<32xi32, #tpu.memory_space<vmem>>, vector<16xi32>,
        %ne3A_280 = arith.cmpi ne, %masked_sort3A_273, %get3A_277 : vector<16xi32>
        %jit3A_281 = arith.constant 1 : i32
        %jit3A_282 = arith.constant 0 : i32
        %broadcast_in_dim3A_283 = vector.broadcast %jit3A_281 : i32 to vector<16xi32>
        %broadcast_in_dim3A_284 = vector.broadcast %jit3A_282 : i32 to vector<16xi32>
        %select_n3A_285 = arith.select %ne3A_280, %broadcast_in_dim3A_283, %broadcast_in_dim3A_284 : vector<16xi1>, vector<16xi32>
        %ne3A_286 = arith.cmpi ne, %masked_sort3A_273, %get3A_279 : vector<16xi32>
        %eq3A_287 = arith.constant 1 : i32
        %eq3A_288 = vector.broadcast %eq3A_287 : i32 to vector<16xi32>
        %eq3A_289 = arith.cmpi eq, %select_n3A_285, %eq3A_288 : vector<16xi32>
        %jit3A_290 = arith.constant 0 : i32
        %broadcast_in_dim3A_291 = vector.broadcast %jit3A_290 : i32 to vector<16xi32>
        %select_n3A_292 = arith.select %eq3A_289, %iota3A, %broadcast_in_dim3A_291 : vector<16xi1>, vector<16xi32>
        %broadcast_in_dim3A_293 = arith.constant true
        %broadcast_in_dim3A_294 = vector.broadcast %broadcast_in_dim3A_293 : i1 to vector<16xi1>
        %masked_cummax3A = arith.constant -2147483648 : i32
        %masked_cummax3A_295 = vector.broadcast %masked_cummax3A : i32 to vector<16xi32>
        %masked_cummax3A_296 = arith.xori %select_n3A_292, %masked_cummax3A_295 : vector<16xi32>
        %masked_cummax3A_297 = tpu.scan <max>, %masked_cummax3A_296 masked %broadcast_in_dim3A_294 : vector<16xi32>, vector<16xi1> -> vector<16xi32>
        %masked_cummax3A_298 = arith.xori %masked_cummax3A_297, %masked_cummax3A_295 : vector<16xi32>
        %sub3A_299 = arith.subi %iota3A, %masked_cummax3A_298 : vector<16xi32>
        %gather3A = tpu.vector_load_idx %run_scoped3A_12[%masked_sort3A_273] : memref<272xi32, #tpu.memory_space<vmem>>[vector<16xi32>], vector<16xi32>,
        %add3A_300 = arith.addi %gather3A, %sub3A_299 : vector<16xi32>
        tpu.vector_store_idx %run_scoped3A[%add3A_300], %masked_sort3A_272 : memref<32784xi32, #tpu.memory_space<vmem>>[vector<16xi32>], vector<16xi32>,
        %add3A_301 = arith.constant 1 : i32
        %add3A_302 = vector.broadcast %add3A_301 : i32 to vector<16xi32>
        %add3A_303 = arith.addi %sub3A_299, %add3A_302 : vector<16xi32>
        tpu.vector_store_idx %run_scoped3A_12[%masked_sort3A_273], %add3A_303 masked %ne3A_286 {add = true} : memref<272xi32, #tpu.memory_space<vmem>>[vector<16xi32>], vector<16xi32>, vector<16xi1>
      }
      %scan3A_141 = arith.constant 0 : i32
      %scan3A_142 = arith.constant 0 : i32
      %scan3A_143 = arith.constant 0 : i32
      %scan3A_144 = arith.constant 61 : i32
      %scan3A_145 = arith.addi %scan3A_143, %scan3A_144 : i32
      %scan3A_146 = arith.constant 1 : i32
      %scan3A_147:2 = scf.for %scan3A_258 = %scan3A_143 to %scan3A_145 step %scan3A_146 iter_args(%scan3A_259 = %scan3A_141, %scan3A_260 = %scan3A_142) -> (i32, i32)  : i32 {
        %mul3A_261 = arith.constant 1 : i32
        %mul3A_262 = arith.muli %scan3A_258, %mul3A_261 : i32
        %add3A_263 = arith.constant 0 : i32
        %add3A_264 = arith.addi %add3A_263, %mul3A_262 : i32
        %mul3A_265 = arith.constant 2 : i32
        %mul3A_266 = arith.muli %mul3A_265, %add3A_264 : i32
        %dma_wait3A_267 = arith.constant 0 : i32
        %dma_wait3A_268 = arith.constant 0 : i32
        %dma_wait3A_269 = tpu.memref_slice %arg2[%dma_wait3A_267, %dma_wait3A_268] : memref<64x1000000xf32, #tpu.memory_space<hbm>> -> memref<64x256xf32, #tpu.memory_space<hbm>>
        %dma_wait3A_270 = arith.constant 0 : i32
        %dma_wait3A_271 = arith.constant 0 : i32
        %dma_wait3A_272 = tpu.memref_slice %arg2[%dma_wait3A_270, %dma_wait3A_271] : memref<64x1000000xf32, #tpu.memory_space<hbm>> -> memref<64x256xf32, #tpu.memory_space<hbm>>
        tpu.wait_dma2 semaphore(%arg9 : memref<!tpu.dma_semaphore, #tpu.memory_space<semaphore_mem>>) src(%dma_wait3A_272 : memref<64x256xf32, #tpu.memory_space<hbm>>) dst(%run_scoped3A_7 : memref<64x256xf32, #tpu.memory_space<vmem>>)
        %get3A_273 = arith.index_cast %mul3A_266 : i32 to index
        %get3A_274 = tpu.vector_load %run_scoped3A_11[%get3A_273] {strides = array<i32>} : memref<272xi32, #tpu.memory_space<vmem>>, vector<16xi32>,
        %slice3A_275 = vector.extract_strided_slice %get3A_274 {offsets = [0], sizes = [1], strides = [1]} : vector<16xi32> to vector<1xi32>
        %squeeze3A_276 = vector.extract %slice3A_275[0] : i32 from vector<1xi32>
        %add3A_277 = arith.constant 1 : i32
        %add3A_278 = arith.addi %mul3A_266, %add3A_277 : i32
        %get3A_279 = arith.index_cast %add3A_278 : i32 to index
        %get3A_280 = tpu.vector_load %run_scoped3A_11[%get3A_279] {strides = array<i32>} : memref<272xi32, #tpu.memory_space<vmem>>, vector<16xi32>,
        %slice3A_281 = vector.extract_strided_slice %get3A_280 {offsets = [0], sizes = [1], strides = [1]} : vector<16xi32> to vector<1xi32>
        %squeeze3A_282 = vector.extract %slice3A_281[0] : i32 from vector<1xi32>
        %sub3A_283 = arith.subi %squeeze3A_282, %squeeze3A_276 : i32
        %sub3A_284 = arith.constant 1 : i32
        %sub3A_285 = arith.constant 1 : i32
        %sub3A_286 = arith.subi %sub3A_284, %sub3A_285 : i32
        %add3A_287 = arith.addi %sub3A_283, %sub3A_286 : i32
        %div3A_288 = arith.constant 1 : i32
        %div3A_289 = arith.divsi %add3A_287, %div3A_288 : i32
        %while3A_290 = arith.constant 1 : i32
        %while3A_291 = arith.constant 0 : i32
        %while3A_292 = arith.subi %div3A_289, %while3A_291 : i32
        %while3A_293 = arith.addi %while3A_291, %while3A_292 : i32
        %while3A_294 = arith.constant 1 : i32
        %while3A_295 = arith.divsi %while3A_292, %while3A_294 : i32
        %while3A_296 = arith.muli %while3A_295, %while3A_294 : i32
        %while3A_297 = arith.addi %while3A_291, %while3A_296 : i32
        %while3A_298 = arith.constant 1 : i32
        %while3A_299:2 = scf.for %while3A_357 = %while3A_291 to %while3A_297 step %while3A_298 iter_args(%while3A_358 = %scan3A_259, %while3A_359 = %scan3A_260) -> (i32, i32)  : i32 {
          %mul3A_360 = arith.muli %while3A_357, %while3A_290 : i32
          %add3A_361 = arith.addi %squeeze3A_276, %mul3A_360 : i32
          %get3A_362 = arith.index_cast %add3A_361 : i32 to index
          %get3A_363 = tpu.vector_load %run_scoped3A[%get3A_362] {strides = array<i32>} : memref<32784xi32, #tpu.memory_space<vmem>>, vector<16xi32>,
          %slice3A_364 = vector.extract_strided_slice %get3A_363 {offsets = [0], sizes = [1], strides = [1]} : vector<16xi32> to vector<1xi32>
          %squeeze3A_365 = vector.extract %slice3A_364[0] : i32 from vector<1xi32>
          %shift_right_arithmetic3A = arith.constant 15 : i32
          %shift_right_arithmetic3A_366 = arith.shrsi %squeeze3A_365, %shift_right_arithmetic3A : i32
          %mul3A_367 = arith.constant 256 : i32
          %mul3A_368 = arith.muli %mul3A_266, %mul3A_367 : i32
          %sub3A_369 = arith.subi %shift_right_arithmetic3A_366, %mul3A_368 : i32
          %rem3A_370 = arith.constant 64 : i32
          %rem3A_371 = arith.remsi %while3A_358, %rem3A_370 : i32
          %broadcast_in_dim3A_372 = vector.broadcast %sub3A_369 : i32 to vector<16xi32>
          %add3A_373 = arith.constant 0 : i32
          %add3A_374 = vector.broadcast %add3A_373 : i32 to vector<16xi32>
          %add3A_375 = arith.addi %iota3A, %add3A_374 : vector<16xi32>
          %gather3A = tpu.vector_load_idx %run_scoped3A_7[%add3A_375, %broadcast_in_dim3A_372] : memref<64x256xf32, #tpu.memory_space<vmem>>[vector<16xi32>, vector<16xi32>], vector<16xf32>,
          %mul3A_376 = arith.constant 64 : i32
          %mul3A_377 = arith.muli %rem3A_371, %mul3A_376 : i32
          %add3A_378 = arith.constant 0 : i32
          %add3A_379 = arith.addi %mul3A_377, %add3A_378 : i32
          %swap3A_380 = arith.index_cast %add3A_379 : i32 to index
          %swap3A_381 = tpu.vector_load %arg7[%swap3A_380] {strides = array<i32>} : memref<4096xf32, #tpu.memory_space<vmem>>, vector<16xf32>,
          tpu.vector_store %arg7[%swap3A_380], %gather3A {strides = array<i32>} : memref<4096xf32, #tpu.memory_space<vmem>>, vector<16xf32>,
          %add3A_382 = arith.constant 16 : i32
          %add3A_383 = vector.broadcast %add3A_382 : i32 to vector<16xi32>
          %add3A_384 = arith.addi %iota3A, %add3A_383 : vector<16xi32>
          %gather3A_385 = tpu.vector_load_idx %run_scoped3A_7[%add3A_384, %broadcast_in_dim3A_372] : memref<64x256xf32, #tpu.memory_space<vmem>>[vector<16xi32>, vector<16xi32>], vector<16xf32>,
          %mul3A_386 = arith.constant 64 : i32
          %mul3A_387 = arith.muli %rem3A_371, %mul3A_386 : i32
          %add3A_388 = arith.constant 16 : i32
          %add3A_389 = arith.addi %mul3A_387, %add3A_388 : i32
          %swap3A_390 = arith.index_cast %add3A_389 : i32 to index
          %swap3A_391 = tpu.vector_load %arg7[%swap3A_390] {strides = array<i32>} : memref<4096xf32, #tpu.memory_space<vmem>>, vector<16xf32>,
          tpu.vector_store %arg7[%swap3A_390], %gather3A_385 {strides = array<i32>} : memref<4096xf32, #tpu.memory_space<vmem>>, vector<16xf32>,
          %add3A_392 = arith.constant 32 : i32
          %add3A_393 = vector.broadcast %add3A_392 : i32 to vector<16xi32>
          %add3A_394 = arith.addi %iota3A, %add3A_393 : vector<16xi32>
          %gather3A_395 = tpu.vector_load_idx %run_scoped3A_7[%add3A_394, %broadcast_in_dim3A_372] : memref<64x256xf32, #tpu.memory_space<vmem>>[vector<16xi32>, vector<16xi32>], vector<16xf32>,
          %mul3A_396 = arith.constant 64 : i32
          %mul3A_397 = arith.muli %rem3A_371, %mul3A_396 : i32
          %add3A_398 = arith.constant 32 : i32
          %add3A_399 = arith.addi %mul3A_397, %add3A_398 : i32
          %swap3A_400 = arith.index_cast %add3A_399 : i32 to index
          %swap3A_401 = tpu.vector_load %arg7[%swap3A_400] {strides = array<i32>} : memref<4096xf32, #tpu.memory_space<vmem>>, vector<16xf32>,
          tpu.vector_store %arg7[%swap3A_400], %gather3A_395 {strides = array<i32>} : memref<4096xf32, #tpu.memory_space<vmem>>, vector<16xf32>,
          %add3A_402 = arith.constant 48 : i32
          %add3A_403 = vector.broadcast %add3A_402 : i32 to vector<16xi32>
          %add3A_404 = arith.addi %iota3A, %add3A_403 : vector<16xi32>
          %gather3A_405 = tpu.vector_load_idx %run_scoped3A_7[%add3A_404, %broadcast_in_dim3A_372] : memref<64x256xf32, #tpu.memory_space<vmem>>[vector<16xi32>, vector<16xi32>], vector<16xf32>,
          %mul3A_406 = arith.constant 64 : i32
          %mul3A_407 = arith.muli %rem3A_371, %mul3A_406 : i32
          %add3A_408 = arith.constant 48 : i32
          %add3A_409 = arith.addi %mul3A_407, %add3A_408 : i32
          %swap3A_410 = arith.index_cast %add3A_409 : i32 to index
          %swap3A_411 = tpu.vector_load %arg7[%swap3A_410] {strides = array<i32>} : memref<4096xf32, #tpu.memory_space<vmem>>, vector<16xf32>,
          tpu.vector_store %arg7[%swap3A_410], %gather3A_405 {strides = array<i32>} : memref<4096xf32, #tpu.memory_space<vmem>>, vector<16xf32>,
          %shift_right_arithmetic3A_412 = arith.constant 14 : i32
          %shift_right_arithmetic3A_413 = arith.shrsi %squeeze3A_365, %shift_right_arithmetic3A_412 : i32
          %and3A_414 = arith.constant 1 : i32
          %and3A_415 = arith.andi %shift_right_arithmetic3A_413, %and3A_414 : i32
          %mul3A_416 = arith.constant 16384 : i32
          %mul3A_417 = arith.muli %and3A_415, %mul3A_416 : i32
          %and3A_418 = arith.constant 16383 : i32
          %and3A_419 = arith.andi %squeeze3A_365, %and3A_418 : i32
          %add3A_420 = arith.addi %mul3A_417, %and3A_419 : i32
          %mul3A_421 = arith.constant 64 : i32
          %mul3A_422 = arith.muli %rem3A_371, %mul3A_421 : i32
          %mul3A_423 = arith.constant 64 : i32
          %mul3A_424 = arith.muli %add3A_420, %mul3A_423 : i32
          %dma_start3A_425 = tpu.memref_slice %arg7[%mul3A_422] : memref<4096xf32, #tpu.memory_space<vmem>> -> memref<64xf32, #tpu.memory_space<vmem>>
          %dma_start3A_426 = tpu.memref_slice %arg6[%mul3A_424] : memref<2097152xf32, #tpu.memory_space<hbm>> -> memref<64xf32, #tpu.memory_space<hbm>>
          %dma_start3A_427 = tpu.memref_slice %arg6[%mul3A_424] : memref<2097152xf32, #tpu.memory_space<hbm>> -> memref<64xf32, #tpu.memory_space<hbm>>
          %dma_start3A_428 = tpu.memref_slice %arg7[%mul3A_422] : memref<4096xf32, #tpu.memory_space<vmem>> -> memref<64xf32, #tpu.memory_space<vmem>>
          tpu.enqueue_dma source(%dma_start3A_428 : memref<64xf32, #tpu.memory_space<vmem>>) target(%dma_start3A_427 : memref<64xf32, #tpu.memory_space<hbm>>) target_semaphore(%arg8 : memref<!tpu.dma_semaphore, #tpu.memory_space<semaphore_mem>>)
          %add3A_429 = arith.constant 1 : i32
          %add3A_430 = arith.addi %while3A_358, %add3A_429 : i32
          %sub3A_431 = arith.subi %add3A_430, %while3A_359 : i32
          %sub3A_432 = arith.constant 48 : i32
          %sub3A_433 = arith.subi %sub3A_431, %sub3A_432 : i32
          %max3A = arith.constant 0 : i32
          %max3A_434 = arith.maxsi %sub3A_433, %max3A : i32
          %sub3A_435 = arith.constant 0 : i32
          %sub3A_436 = arith.subi %max3A_434, %sub3A_435 : i32
          %sub3A_437 = arith.constant 1 : i32
          %sub3A_438 = arith.constant 1 : i32
          %sub3A_439 = arith.subi %sub3A_437, %sub3A_438 : i32
          %add3A_440 = arith.addi %sub3A_436, %sub3A_439 : i32
          %div3A_441 = arith.constant 1 : i32
          %div3A_442 = arith.divsi %add3A_440, %div3A_441 : i32
          %while3A_443 = arith.constant 1 : i32
          %while3A_444 = arith.constant 0 : i32
          %while3A_445 = arith.constant 0 : i32
          %while3A_446 = arith.subi %div3A_442, %while3A_445 : i32
          %while3A_447 = arith.addi %while3A_445, %while3A_446 : i32
          %while3A_448 = arith.constant 1 : i32
          %while3A_449 = arith.divsi %while3A_446, %while3A_448 : i32
          %while3A_450 = arith.muli %while3A_449, %while3A_448 : i32
          %while3A_451 = arith.addi %while3A_445, %while3A_450 : i32
          %while3A_452 = arith.constant 1 : i32
          scf.for %while3A_455 = %while3A_445 to %while3A_451 step %while3A_452  : i32 {
            %mul3A_456 = arith.muli %while3A_455, %while3A_443 : i32
            %add3A_457 = arith.addi %while3A_444, %mul3A_456 : i32
            %dma_wait3A_458 = arith.constant 0 : i32
            %dma_wait3A_459 = tpu.memref_slice %arg7[%dma_wait3A_458] : memref<4096xf32, #tpu.memory_space<vmem>> -> memref<64xf32, #tpu.memory_space<vmem>>
            %dma_wait3A_460 = arith.constant 0 : i32
            %dma_wait3A_461 = tpu.memref_slice %arg6[%dma_wait3A_460] : memref<2097152xf32, #tpu.memory_space<hbm>> -> memref<64xf32, #tpu.memory_space<hbm>>
            %dma_wait3A_462 = arith.constant 0 : i32
            %dma_wait3A_463 = tpu.memref_slice %arg6[%dma_wait3A_462] : memref<2097152xf32, #tpu.memory_space<hbm>> -> memref<64xf32, #tpu.memory_space<hbm>>
            %dma_wait3A_464 = arith.constant 0 : i32
            %dma_wait3A_465 = tpu.memref_slice %arg7[%dma_wait3A_464] : memref<4096xf32, #tpu.memory_space<vmem>> -> memref<64xf32, #tpu.memory_space<vmem>>
            tpu.wait_dma2 semaphore(%arg8 : memref<!tpu.dma_semaphore, #tpu.memory_space<semaphore_mem>>) src(%dma_wait3A_465 : memref<64xf32, #tpu.memory_space<vmem>>) dst(%dma_wait3A_463 : memref<64xf32, #tpu.memory_space<hbm>>)
          }
          %while3A_453 = arith.constant 1 : i32
          scf.for %while3A_455 = %while3A_451 to %while3A_447 step %while3A_453  : i32 {
            %mul3A_456 = arith.muli %while3A_455, %while3A_443 : i32
            %add3A_457 = arith.addi %while3A_444, %mul3A_456 : i32
            %dma_wait3A_458 = arith.constant 0 : i32
            %dma_wait3A_459 = tpu.memref_slice %arg7[%dma_wait3A_458] : memref<4096xf32, #tpu.memory_space<vmem>> -> memref<64xf32, #tpu.memory_space<vmem>>
            %dma_wait3A_460 = arith.constant 0 : i32
            %dma_wait3A_461 = tpu.memref_slice %arg6[%dma_wait3A_460] : memref<2097152xf32, #tpu.memory_space<hbm>> -> memref<64xf32, #tpu.memory_space<hbm>>
            %dma_wait3A_462 = arith.constant 0 : i32
            %dma_wait3A_463 = tpu.memref_slice %arg6[%dma_wait3A_462] : memref<2097152xf32, #tpu.memory_space<hbm>> -> memref<64xf32, #tpu.memory_space<hbm>>
            %dma_wait3A_464 = arith.constant 0 : i32
            %dma_wait3A_465 = tpu.memref_slice %arg7[%dma_wait3A_464] : memref<4096xf32, #tpu.memory_space<vmem>> -> memref<64xf32, #tpu.memory_space<vmem>>
            tpu.wait_dma2 semaphore(%arg8 : memref<!tpu.dma_semaphore, #tpu.memory_space<semaphore_mem>>) src(%dma_wait3A_465 : memref<64xf32, #tpu.memory_space<vmem>>) dst(%dma_wait3A_463 : memref<64xf32, #tpu.memory_space<hbm>>)
          }
          %add3A_454 = arith.addi %while3A_359, %max3A_434 : i32
          scf.yield %add3A_430, %add3A_454 : i32, i32
        }
        %while3A_300 = arith.constant 1 : i32
        %while3A_301:2 = scf.for %while3A_357 = %while3A_297 to %while3A_293 step %while3A_300 iter_args(%while3A_358 = %while3A_299#0, %while3A_359 = %while3A_299#1) -> (i32, i32)  : i32 {
          %mul3A_360 = arith.muli %while3A_357, %while3A_290 : i32
          %add3A_361 = arith.addi %squeeze3A_276, %mul3A_360 : i32
          %get3A_362 = arith.index_cast %add3A_361 : i32 to index
          %get3A_363 = tpu.vector_load %run_scoped3A[%get3A_362] {strides = array<i32>} : memref<32784xi32, #tpu.memory_space<vmem>>, vector<16xi32>,
          %slice3A_364 = vector.extract_strided_slice %get3A_363 {offsets = [0], sizes = [1], strides = [1]} : vector<16xi32> to vector<1xi32>
          %squeeze3A_365 = vector.extract %slice3A_364[0] : i32 from vector<1xi32>
          %shift_right_arithmetic3A = arith.constant 15 : i32
          %shift_right_arithmetic3A_366 = arith.shrsi %squeeze3A_365, %shift_right_arithmetic3A : i32
          %mul3A_367 = arith.constant 256 : i32
          %mul3A_368 = arith.muli %mul3A_266, %mul3A_367 : i32
          %sub3A_369 = arith.subi %shift_right_arithmetic3A_366, %mul3A_368 : i32
          %rem3A_370 = arith.constant 64 : i32
          %rem3A_371 = arith.remsi %while3A_358, %rem3A_370 : i32
          %broadcast_in_dim3A_372 = vector.broadcast %sub3A_369 : i32 to vector<16xi32>
          %add3A_373 = arith.constant 0 : i32
          %add3A_374 = vector.broadcast %add3A_373 : i32 to vector<16xi32>
          %add3A_375 = arith.addi %iota3A, %add3A_374 : vector<16xi32>
          %gather3A = tpu.vector_load_idx %run_scoped3A_7[%add3A_375, %broadcast_in_dim3A_372] : memref<64x256xf32, #tpu.memory_space<vmem>>[vector<16xi32>, vector<16xi32>], vector<16xf32>,
          %mul3A_376 = arith.constant 64 : i32
          %mul3A_377 = arith.muli %rem3A_371, %mul3A_376 : i32
          %add3A_378 = arith.constant 0 : i32
          %add3A_379 = arith.addi %mul3A_377, %add3A_378 : i32
          %swap3A_380 = arith.index_cast %add3A_379 : i32 to index
          %swap3A_381 = tpu.vector_load %arg7[%swap3A_380] {strides = array<i32>} : memref<4096xf32, #tpu.memory_space<vmem>>, vector<16xf32>,
          tpu.vector_store %arg7[%swap3A_380], %gather3A {strides = array<i32>} : memref<4096xf32, #tpu.memory_space<vmem>>, vector<16xf32>,
          %add3A_382 = arith.constant 16 : i32
          %add3A_383 = vector.broadcast %add3A_382 : i32 to vector<16xi32>
          %add3A_384 = arith.addi %iota3A, %add3A_383 : vector<16xi32>
          %gather3A_385 = tpu.vector_load_idx %run_scoped3A_7[%add3A_384, %broadcast_in_dim3A_372] : memref<64x256xf32, #tpu.memory_space<vmem>>[vector<16xi32>, vector<16xi32>], vector<16xf32>,
          %mul3A_386 = arith.constant 64 : i32
          %mul3A_387 = arith.muli %rem3A_371, %mul3A_386 : i32
          %add3A_388 = arith.constant 16 : i32
          %add3A_389 = arith.addi %mul3A_387, %add3A_388 : i32
          %swap3A_390 = arith.index_cast %add3A_389 : i32 to index
          %swap3A_391 = tpu.vector_load %arg7[%swap3A_390] {strides = array<i32>} : memref<4096xf32, #tpu.memory_space<vmem>>, vector<16xf32>,
          tpu.vector_store %arg7[%swap3A_390], %gather3A_385 {strides = array<i32>} : memref<4096xf32, #tpu.memory_space<vmem>>, vector<16xf32>,
          %add3A_392 = arith.constant 32 : i32
          %add3A_393 = vector.broadcast %add3A_392 : i32 to vector<16xi32>
          %add3A_394 = arith.addi %iota3A, %add3A_393 : vector<16xi32>
          %gather3A_395 = tpu.vector_load_idx %run_scoped3A_7[%add3A_394, %broadcast_in_dim3A_372] : memref<64x256xf32, #tpu.memory_space<vmem>>[vector<16xi32>, vector<16xi32>], vector<16xf32>,
          %mul3A_396 = arith.constant 64 : i32
          %mul3A_397 = arith.muli %rem3A_371, %mul3A_396 : i32
          %add3A_398 = arith.constant 32 : i32
          %add3A_399 = arith.addi %mul3A_397, %add3A_398 : i32
          %swap3A_400 = arith.index_cast %add3A_399 : i32 to index
          %swap3A_401 = tpu.vector_load %arg7[%swap3A_400] {strides = array<i32>} : memref<4096xf32, #tpu.memory_space<vmem>>, vector<16xf32>,
          tpu.vector_store %arg7[%swap3A_400], %gather3A_395 {strides = array<i32>} : memref<4096xf32, #tpu.memory_space<vmem>>, vector<16xf32>,
          %add3A_402 = arith.constant 48 : i32
          %add3A_403 = vector.broadcast %add3A_402 : i32 to vector<16xi32>
          %add3A_404 = arith.addi %iota3A, %add3A_403 : vector<16xi32>
          %gather3A_405 = tpu.vector_load_idx %run_scoped3A_7[%add3A_404, %broadcast_in_dim3A_372] : memref<64x256xf32, #tpu.memory_space<vmem>>[vector<16xi32>, vector<16xi32>], vector<16xf32>,
          %mul3A_406 = arith.constant 64 : i32
          %mul3A_407 = arith.muli %rem3A_371, %mul3A_406 : i32
          %add3A_408 = arith.constant 48 : i32
          %add3A_409 = arith.addi %mul3A_407, %add3A_408 : i32
          %swap3A_410 = arith.index_cast %add3A_409 : i32 to index
          %swap3A_411 = tpu.vector_load %arg7[%swap3A_410] {strides = array<i32>} : memref<4096xf32, #tpu.memory_space<vmem>>, vector<16xf32>,
          tpu.vector_store %arg7[%swap3A_410], %gather3A_405 {strides = array<i32>} : memref<4096xf32, #tpu.memory_space<vmem>>, vector<16xf32>,
          %shift_right_arithmetic3A_412 = arith.constant 14 : i32
          %shift_right_arithmetic3A_413 = arith.shrsi %squeeze3A_365, %shift_right_arithmetic3A_412 : i32
          %and3A_414 = arith.constant 1 : i32
          %and3A_415 = arith.andi %shift_right_arithmetic3A_413, %and3A_414 : i32
          %mul3A_416 = arith.constant 16384 : i32
          %mul3A_417 = arith.muli %and3A_415, %mul3A_416 : i32
          %and3A_418 = arith.constant 16383 : i32
          %and3A_419 = arith.andi %squeeze3A_365, %and3A_418 : i32
          %add3A_420 = arith.addi %mul3A_417, %and3A_419 : i32
          %mul3A_421 = arith.constant 64 : i32
          %mul3A_422 = arith.muli %rem3A_371, %mul3A_421 : i32
          %mul3A_423 = arith.constant 64 : i32
          %mul3A_424 = arith.muli %add3A_420, %mul3A_423 : i32
          %dma_start3A_425 = tpu.memref_slice %arg7[%mul3A_422] : memref<4096xf32, #tpu.memory_space<vmem>> -> memref<64xf32, #tpu.memory_space<vmem>>
          %dma_start3A_426 = tpu.memref_slice %arg6[%mul3A_424] : memref<2097152xf32, #tpu.memory_space<hbm>> -> memref<64xf32, #tpu.memory_space<hbm>>
          %dma_start3A_427 = tpu.memref_slice %arg6[%mul3A_424] : memref<2097152xf32, #tpu.memory_space<hbm>> -> memref<64xf32, #tpu.memory_space<hbm>>
          %dma_start3A_428 = tpu.memref_slice %arg7[%mul3A_422] : memref<4096xf32, #tpu.memory_space<vmem>> -> memref<64xf32, #tpu.memory_space<vmem>>
          tpu.enqueue_dma source(%dma_start3A_428 : memref<64xf32, #tpu.memory_space<vmem>>) target(%dma_start3A_427 : memref<64xf32, #tpu.memory_space<hbm>>) target_semaphore(%arg8 : memref<!tpu.dma_semaphore, #tpu.memory_space<semaphore_mem>>)
          %add3A_429 = arith.constant 1 : i32
          %add3A_430 = arith.addi %while3A_358, %add3A_429 : i32
          %sub3A_431 = arith.subi %add3A_430, %while3A_359 : i32
          %sub3A_432 = arith.constant 48 : i32
          %sub3A_433 = arith.subi %sub3A_431, %sub3A_432 : i32
          %max3A = arith.constant 0 : i32
          %max3A_434 = arith.maxsi %sub3A_433, %max3A : i32
          %sub3A_435 = arith.constant 0 : i32
          %sub3A_436 = arith.subi %max3A_434, %sub3A_435 : i32
          %sub3A_437 = arith.constant 1 : i32
          %sub3A_438 = arith.constant 1 : i32
          %sub3A_439 = arith.subi %sub3A_437, %sub3A_438 : i32
          %add3A_440 = arith.addi %sub3A_436, %sub3A_439 : i32
          %div3A_441 = arith.constant 1 : i32
          %div3A_442 = arith.divsi %add3A_440, %div3A_441 : i32
          %while3A_443 = arith.constant 1 : i32
          %while3A_444 = arith.constant 0 : i32
          %while3A_445 = arith.constant 0 : i32
          %while3A_446 = arith.subi %div3A_442, %while3A_445 : i32
          %while3A_447 = arith.addi %while3A_445, %while3A_446 : i32
          %while3A_448 = arith.constant 1 : i32
          %while3A_449 = arith.divsi %while3A_446, %while3A_448 : i32
          %while3A_450 = arith.muli %while3A_449, %while3A_448 : i32
          %while3A_451 = arith.addi %while3A_445, %while3A_450 : i32
          %while3A_452 = arith.constant 1 : i32
          scf.for %while3A_455 = %while3A_445 to %while3A_451 step %while3A_452  : i32 {
            %mul3A_456 = arith.muli %while3A_455, %while3A_443 : i32
            %add3A_457 = arith.addi %while3A_444, %mul3A_456 : i32
            %dma_wait3A_458 = arith.constant 0 : i32
            %dma_wait3A_459 = tpu.memref_slice %arg7[%dma_wait3A_458] : memref<4096xf32, #tpu.memory_space<vmem>> -> memref<64xf32, #tpu.memory_space<vmem>>
            %dma_wait3A_460 = arith.constant 0 : i32
            %dma_wait3A_461 = tpu.memref_slice %arg6[%dma_wait3A_460] : memref<2097152xf32, #tpu.memory_space<hbm>> -> memref<64xf32, #tpu.memory_space<hbm>>
            %dma_wait3A_462 = arith.constant 0 : i32
            %dma_wait3A_463 = tpu.memref_slice %arg6[%dma_wait3A_462] : memref<2097152xf32, #tpu.memory_space<hbm>> -> memref<64xf32, #tpu.memory_space<hbm>>
            %dma_wait3A_464 = arith.constant 0 : i32
            %dma_wait3A_465 = tpu.memref_slice %arg7[%dma_wait3A_464] : memref<4096xf32, #tpu.memory_space<vmem>> -> memref<64xf32, #tpu.memory_space<vmem>>
            tpu.wait_dma2 semaphore(%arg8 : memref<!tpu.dma_semaphore, #tpu.memory_space<semaphore_mem>>) src(%dma_wait3A_465 : memref<64xf32, #tpu.memory_space<vmem>>) dst(%dma_wait3A_463 : memref<64xf32, #tpu.memory_space<hbm>>)
          }
          %while3A_453 = arith.constant 1 : i32
          scf.for %while3A_455 = %while3A_451 to %while3A_447 step %while3A_453  : i32 {
            %mul3A_456 = arith.muli %while3A_455, %while3A_443 : i32
            %add3A_457 = arith.addi %while3A_444, %mul3A_456 : i32
            %dma_wait3A_458 = arith.constant 0 : i32
            %dma_wait3A_459 = tpu.memref_slice %arg7[%dma_wait3A_458] : memref<4096xf32, #tpu.memory_space<vmem>> -> memref<64xf32, #tpu.memory_space<vmem>>
            %dma_wait3A_460 = arith.constant 0 : i32
            %dma_wait3A_461 = tpu.memref_slice %arg6[%dma_wait3A_460] : memref<2097152xf32, #tpu.memory_space<hbm>> -> memref<64xf32, #tpu.memory_space<hbm>>
            %dma_wait3A_462 = arith.constant 0 : i32
            %dma_wait3A_463 = tpu.memref_slice %arg6[%dma_wait3A_462] : memref<2097152xf32, #tpu.memory_space<hbm>> -> memref<64xf32, #tpu.memory_space<hbm>>
            %dma_wait3A_464 = arith.constant 0 : i32
            %dma_wait3A_465 = tpu.memref_slice %arg7[%dma_wait3A_464] : memref<4096xf32, #tpu.memory_space<vmem>> -> memref<64xf32, #tpu.memory_space<vmem>>
            tpu.wait_dma2 semaphore(%arg8 : memref<!tpu.dma_semaphore, #tpu.memory_space<semaphore_mem>>) src(%dma_wait3A_465 : memref<64xf32, #tpu.memory_space<vmem>>) dst(%dma_wait3A_463 : memref<64xf32, #tpu.memory_space<hbm>>)
          }
          %add3A_454 = arith.addi %while3A_359, %max3A_434 : i32
          scf.yield %add3A_430, %add3A_454 : i32, i32
        }
        %add3A_302 = arith.constant 2 : i32
        %add3A_303 = arith.addi %mul3A_266, %add3A_302 : i32
        %mul3A_304 = arith.constant 256 : i32
        %mul3A_305 = arith.muli %add3A_303, %mul3A_304 : i32
        %add3A_306 = arith.addi %mul3A_2, %mul3A_305 : i32
        %dma_start3A_307 = arith.constant 0 : i32
        %dma_start3A_308 = tpu.memref_slice %arg2[%dma_start3A_307, %add3A_306] : memref<64x1000000xf32, #tpu.memory_space<hbm>> -> memref<64x256xf32, #tpu.memory_space<hbm>>
        %dma_start3A_309 = arith.constant 0 : i32
        %dma_start3A_310 = tpu.memref_slice %arg2[%dma_start3A_309, %add3A_306] : memref<64x1000000xf32, #tpu.memory_space<hbm>> -> memref<64x256xf32, #tpu.memory_space<hbm>>
        tpu.enqueue_dma source(%dma_start3A_310 : memref<64x256xf32, #tpu.memory_space<hbm>>) target(%run_scoped3A_7 : memref<64x256xf32, #tpu.memory_space<vmem>>) target_semaphore(%arg9 : memref<!tpu.dma_semaphore, #tpu.memory_space<semaphore_mem>>)
        %dma_wait3A_311 = arith.constant 0 : i32
        %dma_wait3A_312 = arith.constant 0 : i32
        %dma_wait3A_313 = tpu.memref_slice %arg2[%dma_wait3A_311, %dma_wait3A_312] : memref<64x1000000xf32, #tpu.memory_space<hbm>> -> memref<64x256xf32, #tpu.memory_space<hbm>>
        %dma_wait3A_314 = arith.constant 0 : i32
        %dma_wait3A_315 = arith.constant 0 : i32
        %dma_wait3A_316 = tpu.memref_slice %arg2[%dma_wait3A_314, %dma_wait3A_315] : memref<64x1000000xf32, #tpu.memory_space<hbm>> -> memref<64x256xf32, #tpu.memory_space<hbm>>
        tpu.wait_dma2 semaphore(%arg9 : memref<!tpu.dma_semaphore, #tpu.memory_space<semaphore_mem>>) src(%dma_wait3A_316 : memref<64x256xf32, #tpu.memory_space<hbm>>) dst(%run_scoped3A_8 : memref<64x256xf32, #tpu.memory_space<vmem>>)
        %add3A_317 = arith.constant 1 : i32
        %add3A_318 = arith.addi %mul3A_266, %add3A_317 : i32
        %get3A_319 = arith.index_cast %add3A_318 : i32 to index
        %get3A_320 = tpu.vector_load %run_scoped3A_11[%get3A_319] {strides = array<i32>} : memref<272xi32, #tpu.memory_space<vmem>>, vector<16xi32>,
        %slice3A_321 = vector.extract_strided_slice %get3A_320 {offsets = [0], sizes = [1], strides = [1]} : vector<16xi32> to vector<1xi32>
        %squeeze3A_322 = vector.extract %slice3A_321[0] : i32 from vector<1xi32>
        %add3A_323 = arith.constant 1 : i32
        %add3A_324 = arith.addi %add3A_318, %add3A_323 : i32
        %get3A_325 = arith.index_cast %add3A_324 : i32 to index
        %get3A_326 = tpu.vector_load %run_scoped3A_11[%get3A_325] {strides = array<i32>} : memref<272xi32, #tpu.memory_space<vmem>>, vector<16xi32>,
        %slice3A_327 = vector.extract_strided_slice %get3A_326 {offsets = [0], sizes = [1], strides = [1]} : vector<16xi32> to vector<1xi32>
        %squeeze3A_328 = vector.extract %slice3A_327[0] : i32 from vector<1xi32>
        %sub3A_329 = arith.subi %squeeze3A_328, %squeeze3A_322 : i32
        %sub3A_330 = arith.constant 1 : i32
        %sub3A_331 = arith.constant 1 : i32
        %sub3A_332 = arith.subi %sub3A_330, %sub3A_331 : i32
        %add3A_333 = arith.addi %sub3A_329, %sub3A_332 : i32
        %div3A_334 = arith.constant 1 : i32
        %div3A_335 = arith.divsi %add3A_333, %div3A_334 : i32
        %while3A_336 = arith.constant 1 : i32
        %while3A_337 = arith.constant 0 : i32
        %while3A_338 = arith.subi %div3A_335, %while3A_337 : i32
        %while3A_339 = arith.addi %while3A_337, %while3A_338 : i32
        %while3A_340 = arith.constant 1 : i32
        %while3A_341 = arith.divsi %while3A_338, %while3A_340 : i32
        %while3A_342 = arith.muli %while3A_341, %while3A_340 : i32
        %while3A_343 = arith.addi %while3A_337, %while3A_342 : i32
        %while3A_344 = arith.constant 1 : i32
        %while3A_345:2 = scf.for %while3A_357 = %while3A_337 to %while3A_343 step %while3A_344 iter_args(%while3A_358 = %while3A_301#0, %while3A_359 = %while3A_301#1) -> (i32, i32)  : i32 {
          %mul3A_360 = arith.muli %while3A_357, %while3A_336 : i32
          %add3A_361 = arith.addi %squeeze3A_322, %mul3A_360 : i32
          %get3A_362 = arith.index_cast %add3A_361 : i32 to index
          %get3A_363 = tpu.vector_load %run_scoped3A[%get3A_362] {strides = array<i32>} : memref<32784xi32, #tpu.memory_space<vmem>>, vector<16xi32>,
          %slice3A_364 = vector.extract_strided_slice %get3A_363 {offsets = [0], sizes = [1], strides = [1]} : vector<16xi32> to vector<1xi32>
          %squeeze3A_365 = vector.extract %slice3A_364[0] : i32 from vector<1xi32>
          %shift_right_arithmetic3A = arith.constant 15 : i32
          %shift_right_arithmetic3A_366 = arith.shrsi %squeeze3A_365, %shift_right_arithmetic3A : i32
          %mul3A_367 = arith.constant 256 : i32
          %mul3A_368 = arith.muli %add3A_318, %mul3A_367 : i32
          %sub3A_369 = arith.subi %shift_right_arithmetic3A_366, %mul3A_368 : i32
          %rem3A_370 = arith.constant 64 : i32
          %rem3A_371 = arith.remsi %while3A_358, %rem3A_370 : i32
          %broadcast_in_dim3A_372 = vector.broadcast %sub3A_369 : i32 to vector<16xi32>
          %add3A_373 = arith.constant 0 : i32
          %add3A_374 = vector.broadcast %add3A_373 : i32 to vector<16xi32>
          %add3A_375 = arith.addi %iota3A, %add3A_374 : vector<16xi32>
          %gather3A = tpu.vector_load_idx %run_scoped3A_8[%add3A_375, %broadcast_in_dim3A_372] : memref<64x256xf32, #tpu.memory_space<vmem>>[vector<16xi32>, vector<16xi32>], vector<16xf32>,
          %mul3A_376 = arith.constant 64 : i32
          %mul3A_377 = arith.muli %rem3A_371, %mul3A_376 : i32
          %add3A_378 = arith.constant 0 : i32
          %add3A_379 = arith.addi %mul3A_377, %add3A_378 : i32
          %swap3A_380 = arith.index_cast %add3A_379 : i32 to index
          %swap3A_381 = tpu.vector_load %arg7[%swap3A_380] {strides = array<i32>} : memref<4096xf32, #tpu.memory_space<vmem>>, vector<16xf32>,
          tpu.vector_store %arg7[%swap3A_380], %gather3A {strides = array<i32>} : memref<4096xf32, #tpu.memory_space<vmem>>, vector<16xf32>,
          %add3A_382 = arith.constant 16 : i32
          %add3A_383 = vector.broadcast %add3A_382 : i32 to vector<16xi32>
          %add3A_384 = arith.addi %iota3A, %add3A_383 : vector<16xi32>
          %gather3A_385 = tpu.vector_load_idx %run_scoped3A_8[%add3A_384, %broadcast_in_dim3A_372] : memref<64x256xf32, #tpu.memory_space<vmem>>[vector<16xi32>, vector<16xi32>], vector<16xf32>,
          %mul3A_386 = arith.constant 64 : i32
          %mul3A_387 = arith.muli %rem3A_371, %mul3A_386 : i32
          %add3A_388 = arith.constant 16 : i32
          %add3A_389 = arith.addi %mul3A_387, %add3A_388 : i32
          %swap3A_390 = arith.index_cast %add3A_389 : i32 to index
          %swap3A_391 = tpu.vector_load %arg7[%swap3A_390] {strides = array<i32>} : memref<4096xf32, #tpu.memory_space<vmem>>, vector<16xf32>,
          tpu.vector_store %arg7[%swap3A_390], %gather3A_385 {strides = array<i32>} : memref<4096xf32, #tpu.memory_space<vmem>>, vector<16xf32>,
          %add3A_392 = arith.constant 32 : i32
          %add3A_393 = vector.broadcast %add3A_392 : i32 to vector<16xi32>
          %add3A_394 = arith.addi %iota3A, %add3A_393 : vector<16xi32>
          %gather3A_395 = tpu.vector_load_idx %run_scoped3A_8[%add3A_394, %broadcast_in_dim3A_372] : memref<64x256xf32, #tpu.memory_space<vmem>>[vector<16xi32>, vector<16xi32>], vector<16xf32>,
          %mul3A_396 = arith.constant 64 : i32
          %mul3A_397 = arith.muli %rem3A_371, %mul3A_396 : i32
          %add3A_398 = arith.constant 32 : i32
          %add3A_399 = arith.addi %mul3A_397, %add3A_398 : i32
          %swap3A_400 = arith.index_cast %add3A_399 : i32 to index
          %swap3A_401 = tpu.vector_load %arg7[%swap3A_400] {strides = array<i32>} : memref<4096xf32, #tpu.memory_space<vmem>>, vector<16xf32>,
          tpu.vector_store %arg7[%swap3A_400], %gather3A_395 {strides = array<i32>} : memref<4096xf32, #tpu.memory_space<vmem>>, vector<16xf32>,
          %add3A_402 = arith.constant 48 : i32
          %add3A_403 = vector.broadcast %add3A_402 : i32 to vector<16xi32>
          %add3A_404 = arith.addi %iota3A, %add3A_403 : vector<16xi32>
          %gather3A_405 = tpu.vector_load_idx %run_scoped3A_8[%add3A_404, %broadcast_in_dim3A_372] : memref<64x256xf32, #tpu.memory_space<vmem>>[vector<16xi32>, vector<16xi32>], vector<16xf32>,
          %mul3A_406 = arith.constant 64 : i32
          %mul3A_407 = arith.muli %rem3A_371, %mul3A_406 : i32
          %add3A_408 = arith.constant 48 : i32
          %add3A_409 = arith.addi %mul3A_407, %add3A_408 : i32
          %swap3A_410 = arith.index_cast %add3A_409 : i32 to index
          %swap3A_411 = tpu.vector_load %arg7[%swap3A_410] {strides = array<i32>} : memref<4096xf32, #tpu.memory_space<vmem>>, vector<16xf32>,
          tpu.vector_store %arg7[%swap3A_410], %gather3A_405 {strides = array<i32>} : memref<4096xf32, #tpu.memory_space<vmem>>, vector<16xf32>,
          %shift_right_arithmetic3A_412 = arith.constant 14 : i32
          %shift_right_arithmetic3A_413 = arith.shrsi %squeeze3A_365, %shift_right_arithmetic3A_412 : i32
          %and3A_414 = arith.constant 1 : i32
          %and3A_415 = arith.andi %shift_right_arithmetic3A_413, %and3A_414 : i32
          %mul3A_416 = arith.constant 16384 : i32
          %mul3A_417 = arith.muli %and3A_415, %mul3A_416 : i32
          %and3A_418 = arith.constant 16383 : i32
          %and3A_419 = arith.andi %squeeze3A_365, %and3A_418 : i32
          %add3A_420 = arith.addi %mul3A_417, %and3A_419 : i32
          %mul3A_421 = arith.constant 64 : i32
          %mul3A_422 = arith.muli %rem3A_371, %mul3A_421 : i32
          %mul3A_423 = arith.constant 64 : i32
          %mul3A_424 = arith.muli %add3A_420, %mul3A_423 : i32
          %dma_start3A_425 = tpu.memref_slice %arg7[%mul3A_422] : memref<4096xf32, #tpu.memory_space<vmem>> -> memref<64xf32, #tpu.memory_space<vmem>>
          %dma_start3A_426 = tpu.memref_slice %arg6[%mul3A_424] : memref<2097152xf32, #tpu.memory_space<hbm>> -> memref<64xf32, #tpu.memory_space<hbm>>
          %dma_start3A_427 = tpu.memref_slice %arg6[%mul3A_424] : memref<2097152xf32, #tpu.memory_space<hbm>> -> memref<64xf32, #tpu.memory_space<hbm>>
          %dma_start3A_428 = tpu.memref_slice %arg7[%mul3A_422] : memref<4096xf32, #tpu.memory_space<vmem>> -> memref<64xf32, #tpu.memory_space<vmem>>
          tpu.enqueue_dma source(%dma_start3A_428 : memref<64xf32, #tpu.memory_space<vmem>>) target(%dma_start3A_427 : memref<64xf32, #tpu.memory_space<hbm>>) target_semaphore(%arg8 : memref<!tpu.dma_semaphore, #tpu.memory_space<semaphore_mem>>)
          %add3A_429 = arith.constant 1 : i32
          %add3A_430 = arith.addi %while3A_358, %add3A_429 : i32
          %sub3A_431 = arith.subi %add3A_430, %while3A_359 : i32
          %sub3A_432 = arith.constant 48 : i32
          %sub3A_433 = arith.subi %sub3A_431, %sub3A_432 : i32
          %max3A = arith.constant 0 : i32
          %max3A_434 = arith.maxsi %sub3A_433, %max3A : i32
          %sub3A_435 = arith.constant 0 : i32
          %sub3A_436 = arith.subi %max3A_434, %sub3A_435 : i32
          %sub3A_437 = arith.constant 1 : i32
          %sub3A_438 = arith.constant 1 : i32
          %sub3A_439 = arith.subi %sub3A_437, %sub3A_438 : i32
          %add3A_440 = arith.addi %sub3A_436, %sub3A_439 : i32
          %div3A_441 = arith.constant 1 : i32
          %div3A_442 = arith.divsi %add3A_440, %div3A_441 : i32
          %while3A_443 = arith.constant 1 : i32
          %while3A_444 = arith.constant 0 : i32
          %while3A_445 = arith.constant 0 : i32
          %while3A_446 = arith.subi %div3A_442, %while3A_445 : i32
          %while3A_447 = arith.addi %while3A_445, %while3A_446 : i32
          %while3A_448 = arith.constant 1 : i32
          %while3A_449 = arith.divsi %while3A_446, %while3A_448 : i32
          %while3A_450 = arith.muli %while3A_449, %while3A_448 : i32
          %while3A_451 = arith.addi %while3A_445, %while3A_450 : i32
          %while3A_452 = arith.constant 1 : i32
          scf.for %while3A_455 = %while3A_445 to %while3A_451 step %while3A_452  : i32 {
            %mul3A_456 = arith.muli %while3A_455, %while3A_443 : i32
            %add3A_457 = arith.addi %while3A_444, %mul3A_456 : i32
            %dma_wait3A_458 = arith.constant 0 : i32
            %dma_wait3A_459 = tpu.memref_slice %arg7[%dma_wait3A_458] : memref<4096xf32, #tpu.memory_space<vmem>> -> memref<64xf32, #tpu.memory_space<vmem>>
            %dma_wait3A_460 = arith.constant 0 : i32
            %dma_wait3A_461 = tpu.memref_slice %arg6[%dma_wait3A_460] : memref<2097152xf32, #tpu.memory_space<hbm>> -> memref<64xf32, #tpu.memory_space<hbm>>
            %dma_wait3A_462 = arith.constant 0 : i32
            %dma_wait3A_463 = tpu.memref_slice %arg6[%dma_wait3A_462] : memref<2097152xf32, #tpu.memory_space<hbm>> -> memref<64xf32, #tpu.memory_space<hbm>>
            %dma_wait3A_464 = arith.constant 0 : i32
            %dma_wait3A_465 = tpu.memref_slice %arg7[%dma_wait3A_464] : memref<4096xf32, #tpu.memory_space<vmem>> -> memref<64xf32, #tpu.memory_space<vmem>>
            tpu.wait_dma2 semaphore(%arg8 : memref<!tpu.dma_semaphore, #tpu.memory_space<semaphore_mem>>) src(%dma_wait3A_465 : memref<64xf32, #tpu.memory_space<vmem>>) dst(%dma_wait3A_463 : memref<64xf32, #tpu.memory_space<hbm>>)
          }
          %while3A_453 = arith.constant 1 : i32
          scf.for %while3A_455 = %while3A_451 to %while3A_447 step %while3A_453  : i32 {
            %mul3A_456 = arith.muli %while3A_455, %while3A_443 : i32
            %add3A_457 = arith.addi %while3A_444, %mul3A_456 : i32
            %dma_wait3A_458 = arith.constant 0 : i32
            %dma_wait3A_459 = tpu.memref_slice %arg7[%dma_wait3A_458] : memref<4096xf32, #tpu.memory_space<vmem>> -> memref<64xf32, #tpu.memory_space<vmem>>
            %dma_wait3A_460 = arith.constant 0 : i32
            %dma_wait3A_461 = tpu.memref_slice %arg6[%dma_wait3A_460] : memref<2097152xf32, #tpu.memory_space<hbm>> -> memref<64xf32, #tpu.memory_space<hbm>>
            %dma_wait3A_462 = arith.constant 0 : i32
            %dma_wait3A_463 = tpu.memref_slice %arg6[%dma_wait3A_462] : memref<2097152xf32, #tpu.memory_space<hbm>> -> memref<64xf32, #tpu.memory_space<hbm>>
            %dma_wait3A_464 = arith.constant 0 : i32
            %dma_wait3A_465 = tpu.memref_slice %arg7[%dma_wait3A_464] : memref<4096xf32, #tpu.memory_space<vmem>> -> memref<64xf32, #tpu.memory_space<vmem>>
            tpu.wait_dma2 semaphore(%arg8 : memref<!tpu.dma_semaphore, #tpu.memory_space<semaphore_mem>>) src(%dma_wait3A_465 : memref<64xf32, #tpu.memory_space<vmem>>) dst(%dma_wait3A_463 : memref<64xf32, #tpu.memory_space<hbm>>)
          }
          %add3A_454 = arith.addi %while3A_359, %max3A_434 : i32
          scf.yield %add3A_430, %add3A_454 : i32, i32
        }
        %while3A_346 = arith.constant 1 : i32
        %while3A_347:2 = scf.for %while3A_357 = %while3A_343 to %while3A_339 step %while3A_346 iter_args(%while3A_358 = %while3A_345#0, %while3A_359 = %while3A_345#1) -> (i32, i32)  : i32 {
          %mul3A_360 = arith.muli %while3A_357, %while3A_336 : i32
          %add3A_361 = arith.addi %squeeze3A_322, %mul3A_360 : i32
          %get3A_362 = arith.index_cast %add3A_361 : i32 to index
          %get3A_363 = tpu.vector_load %run_scoped3A[%get3A_362] {strides = array<i32>} : memref<32784xi32, #tpu.memory_space<vmem>>, vector<16xi32>,
          %slice3A_364 = vector.extract_strided_slice %get3A_363 {offsets = [0], sizes = [1], strides = [1]} : vector<16xi32> to vector<1xi32>
          %squeeze3A_365 = vector.extract %slice3A_364[0] : i32 from vector<1xi32>
          %shift_right_arithmetic3A = arith.constant 15 : i32
          %shift_right_arithmetic3A_366 = arith.shrsi %squeeze3A_365, %shift_right_arithmetic3A : i32
          %mul3A_367 = arith.constant 256 : i32
          %mul3A_368 = arith.muli %add3A_318, %mul3A_367 : i32
          %sub3A_369 = arith.subi %shift_right_arithmetic3A_366, %mul3A_368 : i32
          %rem3A_370 = arith.constant 64 : i32
          %rem3A_371 = arith.remsi %while3A_358, %rem3A_370 : i32
          %broadcast_in_dim3A_372 = vector.broadcast %sub3A_369 : i32 to vector<16xi32>
          %add3A_373 = arith.constant 0 : i32
          %add3A_374 = vector.broadcast %add3A_373 : i32 to vector<16xi32>
          %add3A_375 = arith.addi %iota3A, %add3A_374 : vector<16xi32>
          %gather3A = tpu.vector_load_idx %run_scoped3A_8[%add3A_375, %broadcast_in_dim3A_372] : memref<64x256xf32, #tpu.memory_space<vmem>>[vector<16xi32>, vector<16xi32>], vector<16xf32>,
          %mul3A_376 = arith.constant 64 : i32
          %mul3A_377 = arith.muli %rem3A_371, %mul3A_376 : i32
          %add3A_378 = arith.constant 0 : i32
          %add3A_379 = arith.addi %mul3A_377, %add3A_378 : i32
          %swap3A_380 = arith.index_cast %add3A_379 : i32 to index
          %swap3A_381 = tpu.vector_load %arg7[%swap3A_380] {strides = array<i32>} : memref<4096xf32, #tpu.memory_space<vmem>>, vector<16xf32>,
          tpu.vector_store %arg7[%swap3A_380], %gather3A {strides = array<i32>} : memref<4096xf32, #tpu.memory_space<vmem>>, vector<16xf32>,
          %add3A_382 = arith.constant 16 : i32
          %add3A_383 = vector.broadcast %add3A_382 : i32 to vector<16xi32>
          %add3A_384 = arith.addi %iota3A, %add3A_383 : vector<16xi32>
          %gather3A_385 = tpu.vector_load_idx %run_scoped3A_8[%add3A_384, %broadcast_in_dim3A_372] : memref<64x256xf32, #tpu.memory_space<vmem>>[vector<16xi32>, vector<16xi32>], vector<16xf32>,
          %mul3A_386 = arith.constant 64 : i32
          %mul3A_387 = arith.muli %rem3A_371, %mul3A_386 : i32
          %add3A_388 = arith.constant 16 : i32
          %add3A_389 = arith.addi %mul3A_387, %add3A_388 : i32
          %swap3A_390 = arith.index_cast %add3A_389 : i32 to index
          %swap3A_391 = tpu.vector_load %arg7[%swap3A_390] {strides = array<i32>} : memref<4096xf32, #tpu.memory_space<vmem>>, vector<16xf32>,
          tpu.vector_store %arg7[%swap3A_390], %gather3A_385 {strides = array<i32>} : memref<4096xf32, #tpu.memory_space<vmem>>, vector<16xf32>,
          %add3A_392 = arith.constant 32 : i32
          %add3A_393 = vector.broadcast %add3A_392 : i32 to vector<16xi32>
          %add3A_394 = arith.addi %iota3A, %add3A_393 : vector<16xi32>
          %gather3A_395 = tpu.vector_load_idx %run_scoped3A_8[%add3A_394, %broadcast_in_dim3A_372] : memref<64x256xf32, #tpu.memory_space<vmem>>[vector<16xi32>, vector<16xi32>], vector<16xf32>,
          %mul3A_396 = arith.constant 64 : i32
          %mul3A_397 = arith.muli %rem3A_371, %mul3A_396 : i32
          %add3A_398 = arith.constant 32 : i32
          %add3A_399 = arith.addi %mul3A_397, %add3A_398 : i32
          %swap3A_400 = arith.index_cast %add3A_399 : i32 to index
          %swap3A_401 = tpu.vector_load %arg7[%swap3A_400] {strides = array<i32>} : memref<4096xf32, #tpu.memory_space<vmem>>, vector<16xf32>,
          tpu.vector_store %arg7[%swap3A_400], %gather3A_395 {strides = array<i32>} : memref<4096xf32, #tpu.memory_space<vmem>>, vector<16xf32>,
          %add3A_402 = arith.constant 48 : i32
          %add3A_403 = vector.broadcast %add3A_402 : i32 to vector<16xi32>
          %add3A_404 = arith.addi %iota3A, %add3A_403 : vector<16xi32>
          %gather3A_405 = tpu.vector_load_idx %run_scoped3A_8[%add3A_404, %broadcast_in_dim3A_372] : memref<64x256xf32, #tpu.memory_space<vmem>>[vector<16xi32>, vector<16xi32>], vector<16xf32>,
          %mul3A_406 = arith.constant 64 : i32
          %mul3A_407 = arith.muli %rem3A_371, %mul3A_406 : i32
          %add3A_408 = arith.constant 48 : i32
          %add3A_409 = arith.addi %mul3A_407, %add3A_408 : i32
          %swap3A_410 = arith.index_cast %add3A_409 : i32 to index
          %swap3A_411 = tpu.vector_load %arg7[%swap3A_410] {strides = array<i32>} : memref<4096xf32, #tpu.memory_space<vmem>>, vector<16xf32>,
          tpu.vector_store %arg7[%swap3A_410], %gather3A_405 {strides = array<i32>} : memref<4096xf32, #tpu.memory_space<vmem>>, vector<16xf32>,
          %shift_right_arithmetic3A_412 = arith.constant 14 : i32
          %shift_right_arithmetic3A_413 = arith.shrsi %squeeze3A_365, %shift_right_arithmetic3A_412 : i32
          %and3A_414 = arith.constant 1 : i32
          %and3A_415 = arith.andi %shift_right_arithmetic3A_413, %and3A_414 : i32
          %mul3A_416 = arith.constant 16384 : i32
          %mul3A_417 = arith.muli %and3A_415, %mul3A_416 : i32
          %and3A_418 = arith.constant 16383 : i32
          %and3A_419 = arith.andi %squeeze3A_365, %and3A_418 : i32
          %add3A_420 = arith.addi %mul3A_417, %and3A_419 : i32
          %mul3A_421 = arith.constant 64 : i32
          %mul3A_422 = arith.muli %rem3A_371, %mul3A_421 : i32
          %mul3A_423 = arith.constant 64 : i32
          %mul3A_424 = arith.muli %add3A_420, %mul3A_423 : i32
          %dma_start3A_425 = tpu.memref_slice %arg7[%mul3A_422] : memref<4096xf32, #tpu.memory_space<vmem>> -> memref<64xf32, #tpu.memory_space<vmem>>
          %dma_start3A_426 = tpu.memref_slice %arg6[%mul3A_424] : memref<2097152xf32, #tpu.memory_space<hbm>> -> memref<64xf32, #tpu.memory_space<hbm>>
          %dma_start3A_427 = tpu.memref_slice %arg6[%mul3A_424] : memref<2097152xf32, #tpu.memory_space<hbm>> -> memref<64xf32, #tpu.memory_space<hbm>>
          %dma_start3A_428 = tpu.memref_slice %arg7[%mul3A_422] : memref<4096xf32, #tpu.memory_space<vmem>> -> memref<64xf32, #tpu.memory_space<vmem>>
          tpu.enqueue_dma source(%dma_start3A_428 : memref<64xf32, #tpu.memory_space<vmem>>) target(%dma_start3A_427 : memref<64xf32, #tpu.memory_space<hbm>>) target_semaphore(%arg8 : memref<!tpu.dma_semaphore, #tpu.memory_space<semaphore_mem>>)
          %add3A_429 = arith.constant 1 : i32
          %add3A_430 = arith.addi %while3A_358, %add3A_429 : i32
          %sub3A_431 = arith.subi %add3A_430, %while3A_359 : i32
          %sub3A_432 = arith.constant 48 : i32
          %sub3A_433 = arith.subi %sub3A_431, %sub3A_432 : i32
          %max3A = arith.constant 0 : i32
          %max3A_434 = arith.maxsi %sub3A_433, %max3A : i32
          %sub3A_435 = arith.constant 0 : i32
          %sub3A_436 = arith.subi %max3A_434, %sub3A_435 : i32
          %sub3A_437 = arith.constant 1 : i32
          %sub3A_438 = arith.constant 1 : i32
          %sub3A_439 = arith.subi %sub3A_437, %sub3A_438 : i32
          %add3A_440 = arith.addi %sub3A_436, %sub3A_439 : i32
          %div3A_441 = arith.constant 1 : i32
          %div3A_442 = arith.divsi %add3A_440, %div3A_441 : i32
          %while3A_443 = arith.constant 1 : i32
          %while3A_444 = arith.constant 0 : i32
          %while3A_445 = arith.constant 0 : i32
          %while3A_446 = arith.subi %div3A_442, %while3A_445 : i32
          %while3A_447 = arith.addi %while3A_445, %while3A_446 : i32
          %while3A_448 = arith.constant 1 : i32
          %while3A_449 = arith.divsi %while3A_446, %while3A_448 : i32
          %while3A_450 = arith.muli %while3A_449, %while3A_448 : i32
          %while3A_451 = arith.addi %while3A_445, %while3A_450 : i32
          %while3A_452 = arith.constant 1 : i32
          scf.for %while3A_455 = %while3A_445 to %while3A_451 step %while3A_452  : i32 {
            %mul3A_456 = arith.muli %while3A_455, %while3A_443 : i32
            %add3A_457 = arith.addi %while3A_444, %mul3A_456 : i32
            %dma_wait3A_458 = arith.constant 0 : i32
            %dma_wait3A_459 = tpu.memref_slice %arg7[%dma_wait3A_458] : memref<4096xf32, #tpu.memory_space<vmem>> -> memref<64xf32, #tpu.memory_space<vmem>>
            %dma_wait3A_460 = arith.constant 0 : i32
            %dma_wait3A_461 = tpu.memref_slice %arg6[%dma_wait3A_460] : memref<2097152xf32, #tpu.memory_space<hbm>> -> memref<64xf32, #tpu.memory_space<hbm>>
            %dma_wait3A_462 = arith.constant 0 : i32
            %dma_wait3A_463 = tpu.memref_slice %arg6[%dma_wait3A_462] : memref<2097152xf32, #tpu.memory_space<hbm>> -> memref<64xf32, #tpu.memory_space<hbm>>
            %dma_wait3A_464 = arith.constant 0 : i32
            %dma_wait3A_465 = tpu.memref_slice %arg7[%dma_wait3A_464] : memref<4096xf32, #tpu.memory_space<vmem>> -> memref<64xf32, #tpu.memory_space<vmem>>
            tpu.wait_dma2 semaphore(%arg8 : memref<!tpu.dma_semaphore, #tpu.memory_space<semaphore_mem>>) src(%dma_wait3A_465 : memref<64xf32, #tpu.memory_space<vmem>>) dst(%dma_wait3A_463 : memref<64xf32, #tpu.memory_space<hbm>>)
          }
          %while3A_453 = arith.constant 1 : i32
          scf.for %while3A_455 = %while3A_451 to %while3A_447 step %while3A_453  : i32 {
            %mul3A_456 = arith.muli %while3A_455, %while3A_443 : i32
            %add3A_457 = arith.addi %while3A_444, %mul3A_456 : i32
            %dma_wait3A_458 = arith.constant 0 : i32
            %dma_wait3A_459 = tpu.memref_slice %arg7[%dma_wait3A_458] : memref<4096xf32, #tpu.memory_space<vmem>> -> memref<64xf32, #tpu.memory_space<vmem>>
            %dma_wait3A_460 = arith.constant 0 : i32
            %dma_wait3A_461 = tpu.memref_slice %arg6[%dma_wait3A_460] : memref<2097152xf32, #tpu.memory_space<hbm>> -> memref<64xf32, #tpu.memory_space<hbm>>
            %dma_wait3A_462 = arith.constant 0 : i32
            %dma_wait3A_463 = tpu.memref_slice %arg6[%dma_wait3A_462] : memref<2097152xf32, #tpu.memory_space<hbm>> -> memref<64xf32, #tpu.memory_space<hbm>>
            %dma_wait3A_464 = arith.constant 0 : i32
            %dma_wait3A_465 = tpu.memref_slice %arg7[%dma_wait3A_464] : memref<4096xf32, #tpu.memory_space<vmem>> -> memref<64xf32, #tpu.memory_space<vmem>>
            tpu.wait_dma2 semaphore(%arg8 : memref<!tpu.dma_semaphore, #tpu.memory_space<semaphore_mem>>) src(%dma_wait3A_465 : memref<64xf32, #tpu.memory_space<vmem>>) dst(%dma_wait3A_463 : memref<64xf32, #tpu.memory_space<hbm>>)
          }
          %add3A_454 = arith.addi %while3A_359, %max3A_434 : i32
          scf.yield %add3A_430, %add3A_454 : i32, i32
        }
        %add3A_348 = arith.constant 3 : i32
        %add3A_349 = arith.addi %mul3A_266, %add3A_348 : i32
        %mul3A_350 = arith.constant 256 : i32
        %mul3A_351 = arith.muli %add3A_349, %mul3A_350 : i32
        %add3A_352 = arith.addi %mul3A_2, %mul3A_351 : i32
        %dma_start3A_353 = arith.constant 0 : i32
        %dma_start3A_354 = tpu.memref_slice %arg2[%dma_start3A_353, %add3A_352] : memref<64x1000000xf32, #tpu.memory_space<hbm>> -> memref<64x256xf32, #tpu.memory_space<hbm>>
        %dma_start3A_355 = arith.constant 0 : i32
        %dma_start3A_356 = tpu.memref_slice %arg2[%dma_start3A_355, %add3A_352] : memref<64x1000000xf32, #tpu.memory_space<hbm>> -> memref<64x256xf32, #tpu.memory_space<hbm>>
        tpu.enqueue_dma source(%dma_start3A_356 : memref<64x256xf32, #tpu.memory_space<hbm>>) target(%run_scoped3A_8 : memref<64x256xf32, #tpu.memory_space<vmem>>) target_semaphore(%arg9 : memref<!tpu.dma_semaphore, #tpu.memory_space<semaphore_mem>>)
        scf.yield %while3A_347#0, %while3A_347#1 : i32, i32
      }
      %scan3A_148 = arith.constant 61 : i32
      %dma_wait3A = arith.constant 0 : i32
      %dma_wait3A_149 = arith.constant 0 : i32
      %dma_wait3A_150 = tpu.memref_slice %arg2[%dma_wait3A, %dma_wait3A_149] : memref<64x1000000xf32, #tpu.memory_space<hbm>> -> memref<64x256xf32, #tpu.memory_space<hbm>>
      %dma_wait3A_151 = arith.constant 0 : i32
      %dma_wait3A_152 = arith.constant 0 : i32
      %dma_wait3A_153 = tpu.memref_slice %arg2[%dma_wait3A_151, %dma_wait3A_152] : memref<64x1000000xf32, #tpu.memory_space<hbm>> -> memref<64x256xf32, #tpu.memory_space<hbm>>
      tpu.wait_dma2 semaphore(%arg9 : memref<!tpu.dma_semaphore, #tpu.memory_space<semaphore_mem>>) src(%dma_wait3A_153 : memref<64x256xf32, #tpu.memory_space<hbm>>) dst(%run_scoped3A_7 : memref<64x256xf32, #tpu.memory_space<vmem>>)
      %get3A = arith.constant 122 : index
      %get3A_154 = tpu.vector_load %run_scoped3A_11[%get3A] {strides = array<i32>} : memref<272xi32, #tpu.memory_space<vmem>>, vector<16xi32>,
      %slice3A = vector.extract_strided_slice %get3A_154 {offsets = [0], sizes = [1], strides = [1]} : vector<16xi32> to vector<1xi32>
      %squeeze3A = vector.extract %slice3A[0] : i32 from vector<1xi32>
      %get3A_155 = arith.constant 123 : index
      %get3A_156 = tpu.vector_load %run_scoped3A_11[%get3A_155] {strides = array<i32>} : memref<272xi32, #tpu.memory_space<vmem>>, vector<16xi32>,
      %slice3A_157 = vector.extract_strided_slice %get3A_156 {offsets = [0], sizes = [1], strides = [1]} : vector<16xi32> to vector<1xi32>
      %squeeze3A_158 = vector.extract %slice3A_157[0] : i32 from vector<1xi32>
      %sub3A_159 = arith.subi %squeeze3A_158, %squeeze3A : i32
      %sub3A_160 = arith.constant 1 : i32
      %sub3A_161 = arith.constant 1 : i32
      %sub3A_162 = arith.subi %sub3A_160, %sub3A_161 : i32
      %add3A_163 = arith.addi %sub3A_159, %sub3A_162 : i32
      %div3A_164 = arith.constant 1 : i32
      %div3A_165 = arith.divsi %add3A_163, %div3A_164 : i32
      %while3A_166 = arith.constant 1 : i32
      %while3A_167 = arith.constant 0 : i32
      %while3A_168 = arith.subi %div3A_165, %while3A_167 : i32
      %while3A_169 = arith.addi %while3A_167, %while3A_168 : i32
      %while3A_170 = arith.constant 1 : i32
      %while3A_171 = arith.divsi %while3A_168, %while3A_170 : i32
      %while3A_172 = arith.muli %while3A_171, %while3A_170 : i32
      %while3A_173 = arith.addi %while3A_167, %while3A_172 : i32
      %while3A_174 = arith.constant 1 : i32
      %while3A_175:2 = scf.for %while3A_258 = %while3A_167 to %while3A_173 step %while3A_174 iter_args(%while3A_259 = %scan3A_147#0, %while3A_260 = %scan3A_147#1) -> (i32, i32)  : i32 {
        %mul3A_261 = arith.muli %while3A_258, %while3A_166 : i32
        %add3A_262 = arith.addi %squeeze3A, %mul3A_261 : i32
        %get3A_263 = arith.index_cast %add3A_262 : i32 to index
        %get3A_264 = tpu.vector_load %run_scoped3A[%get3A_263] {strides = array<i32>} : memref<32784xi32, #tpu.memory_space<vmem>>, vector<16xi32>,
        %slice3A_265 = vector.extract_strided_slice %get3A_264 {offsets = [0], sizes = [1], strides = [1]} : vector<16xi32> to vector<1xi32>
        %squeeze3A_266 = vector.extract %slice3A_265[0] : i32 from vector<1xi32>
        %shift_right_arithmetic3A = arith.constant 15 : i32
        %shift_right_arithmetic3A_267 = arith.shrsi %squeeze3A_266, %shift_right_arithmetic3A : i32
        %sub3A_268 = arith.constant 31232 : i32
        %sub3A_269 = arith.subi %shift_right_arithmetic3A_267, %sub3A_268 : i32
        %rem3A_270 = arith.constant 64 : i32
        %rem3A_271 = arith.remsi %while3A_259, %rem3A_270 : i32
        %broadcast_in_dim3A_272 = vector.broadcast %sub3A_269 : i32 to vector<16xi32>
        %add3A_273 = arith.constant 0 : i32
        %add3A_274 = vector.broadcast %add3A_273 : i32 to vector<16xi32>
        %add3A_275 = arith.addi %iota3A, %add3A_274 : vector<16xi32>
        %gather3A = tpu.vector_load_idx %run_scoped3A_7[%add3A_275, %broadcast_in_dim3A_272] : memref<64x256xf32, #tpu.memory_space<vmem>>[vector<16xi32>, vector<16xi32>], vector<16xf32>,
        %mul3A_276 = arith.constant 64 : i32
        %mul3A_277 = arith.muli %rem3A_271, %mul3A_276 : i32
        %add3A_278 = arith.constant 0 : i32
        %add3A_279 = arith.addi %mul3A_277, %add3A_278 : i32
        %swap3A_280 = arith.index_cast %add3A_279 : i32 to index
        %swap3A_281 = tpu.vector_load %arg7[%swap3A_280] {strides = array<i32>} : memref<4096xf32, #tpu.memory_space<vmem>>, vector<16xf32>,
        tpu.vector_store %arg7[%swap3A_280], %gather3A {strides = array<i32>} : memref<4096xf32, #tpu.memory_space<vmem>>, vector<16xf32>,
        %add3A_282 = arith.constant 16 : i32
        %add3A_283 = vector.broadcast %add3A_282 : i32 to vector<16xi32>
        %add3A_284 = arith.addi %iota3A, %add3A_283 : vector<16xi32>
        %gather3A_285 = tpu.vector_load_idx %run_scoped3A_7[%add3A_284, %broadcast_in_dim3A_272] : memref<64x256xf32, #tpu.memory_space<vmem>>[vector<16xi32>, vector<16xi32>], vector<16xf32>,
        %mul3A_286 = arith.constant 64 : i32
        %mul3A_287 = arith.muli %rem3A_271, %mul3A_286 : i32
        %add3A_288 = arith.constant 16 : i32
        %add3A_289 = arith.addi %mul3A_287, %add3A_288 : i32
        %swap3A_290 = arith.index_cast %add3A_289 : i32 to index
        %swap3A_291 = tpu.vector_load %arg7[%swap3A_290] {strides = array<i32>} : memref<4096xf32, #tpu.memory_space<vmem>>, vector<16xf32>,
        tpu.vector_store %arg7[%swap3A_290], %gather3A_285 {strides = array<i32>} : memref<4096xf32, #tpu.memory_space<vmem>>, vector<16xf32>,
        %add3A_292 = arith.constant 32 : i32
        %add3A_293 = vector.broadcast %add3A_292 : i32 to vector<16xi32>
        %add3A_294 = arith.addi %iota3A, %add3A_293 : vector<16xi32>
        %gather3A_295 = tpu.vector_load_idx %run_scoped3A_7[%add3A_294, %broadcast_in_dim3A_272] : memref<64x256xf32, #tpu.memory_space<vmem>>[vector<16xi32>, vector<16xi32>], vector<16xf32>,
        %mul3A_296 = arith.constant 64 : i32
        %mul3A_297 = arith.muli %rem3A_271, %mul3A_296 : i32
        %add3A_298 = arith.constant 32 : i32
        %add3A_299 = arith.addi %mul3A_297, %add3A_298 : i32
        %swap3A_300 = arith.index_cast %add3A_299 : i32 to index
        %swap3A_301 = tpu.vector_load %arg7[%swap3A_300] {strides = array<i32>} : memref<4096xf32, #tpu.memory_space<vmem>>, vector<16xf32>,
        tpu.vector_store %arg7[%swap3A_300], %gather3A_295 {strides = array<i32>} : memref<4096xf32, #tpu.memory_space<vmem>>, vector<16xf32>,
        %add3A_302 = arith.constant 48 : i32
        %add3A_303 = vector.broadcast %add3A_302 : i32 to vector<16xi32>
        %add3A_304 = arith.addi %iota3A, %add3A_303 : vector<16xi32>
        %gather3A_305 = tpu.vector_load_idx %run_scoped3A_7[%add3A_304, %broadcast_in_dim3A_272] : memref<64x256xf32, #tpu.memory_space<vmem>>[vector<16xi32>, vector<16xi32>], vector<16xf32>,
        %mul3A_306 = arith.constant 64 : i32
        %mul3A_307 = arith.muli %rem3A_271, %mul3A_306 : i32
        %add3A_308 = arith.constant 48 : i32
        %add3A_309 = arith.addi %mul3A_307, %add3A_308 : i32
        %swap3A_310 = arith.index_cast %add3A_309 : i32 to index
        %swap3A_311 = tpu.vector_load %arg7[%swap3A_310] {strides = array<i32>} : memref<4096xf32, #tpu.memory_space<vmem>>, vector<16xf32>,
        tpu.vector_store %arg7[%swap3A_310], %gather3A_305 {strides = array<i32>} : memref<4096xf32, #tpu.memory_space<vmem>>, vector<16xf32>,
        %shift_right_arithmetic3A_312 = arith.constant 14 : i32
        %shift_right_arithmetic3A_313 = arith.shrsi %squeeze3A_266, %shift_right_arithmetic3A_312 : i32
        %and3A_314 = arith.constant 1 : i32
        %and3A_315 = arith.andi %shift_right_arithmetic3A_313, %and3A_314 : i32
        %mul3A_316 = arith.constant 16384 : i32
        %mul3A_317 = arith.muli %and3A_315, %mul3A_316 : i32
        %and3A_318 = arith.constant 16383 : i32
        %and3A_319 = arith.andi %squeeze3A_266, %and3A_318 : i32
        %add3A_320 = arith.addi %mul3A_317, %and3A_319 : i32
        %mul3A_321 = arith.constant 64 : i32
        %mul3A_322 = arith.muli %rem3A_271, %mul3A_321 : i32
        %mul3A_323 = arith.constant 64 : i32
        %mul3A_324 = arith.muli %add3A_320, %mul3A_323 : i32
        %dma_start3A_325 = tpu.memref_slice %arg7[%mul3A_322] : memref<4096xf32, #tpu.memory_space<vmem>> -> memref<64xf32, #tpu.memory_space<vmem>>
        %dma_start3A_326 = tpu.memref_slice %arg6[%mul3A_324] : memref<2097152xf32, #tpu.memory_space<hbm>> -> memref<64xf32, #tpu.memory_space<hbm>>
        %dma_start3A_327 = tpu.memref_slice %arg6[%mul3A_324] : memref<2097152xf32, #tpu.memory_space<hbm>> -> memref<64xf32, #tpu.memory_space<hbm>>
        %dma_start3A_328 = tpu.memref_slice %arg7[%mul3A_322] : memref<4096xf32, #tpu.memory_space<vmem>> -> memref<64xf32, #tpu.memory_space<vmem>>
        tpu.enqueue_dma source(%dma_start3A_328 : memref<64xf32, #tpu.memory_space<vmem>>) target(%dma_start3A_327 : memref<64xf32, #tpu.memory_space<hbm>>) target_semaphore(%arg8 : memref<!tpu.dma_semaphore, #tpu.memory_space<semaphore_mem>>)
        %add3A_329 = arith.constant 1 : i32
        %add3A_330 = arith.addi %while3A_259, %add3A_329 : i32
        %sub3A_331 = arith.subi %add3A_330, %while3A_260 : i32
        %sub3A_332 = arith.constant 48 : i32
        %sub3A_333 = arith.subi %sub3A_331, %sub3A_332 : i32
        %max3A = arith.constant 0 : i32
        %max3A_334 = arith.maxsi %sub3A_333, %max3A : i32
        %sub3A_335 = arith.constant 0 : i32
        %sub3A_336 = arith.subi %max3A_334, %sub3A_335 : i32
        %sub3A_337 = arith.constant 1 : i32
        %sub3A_338 = arith.constant 1 : i32
        %sub3A_339 = arith.subi %sub3A_337, %sub3A_338 : i32
        %add3A_340 = arith.addi %sub3A_336, %sub3A_339 : i32
        %div3A_341 = arith.constant 1 : i32
        %div3A_342 = arith.divsi %add3A_340, %div3A_341 : i32
        %while3A_343 = arith.constant 1 : i32
        %while3A_344 = arith.constant 0 : i32
        %while3A_345 = arith.constant 0 : i32
        %while3A_346 = arith.subi %div3A_342, %while3A_345 : i32
        %while3A_347 = arith.addi %while3A_345, %while3A_346 : i32
        %while3A_348 = arith.constant 1 : i32
        %while3A_349 = arith.divsi %while3A_346, %while3A_348 : i32
        %while3A_350 = arith.muli %while3A_349, %while3A_348 : i32
        %while3A_351 = arith.addi %while3A_345, %while3A_350 : i32
        %while3A_352 = arith.constant 1 : i32
        scf.for %while3A_355 = %while3A_345 to %while3A_351 step %while3A_352  : i32 {
          %mul3A_356 = arith.muli %while3A_355, %while3A_343 : i32
          %add3A_357 = arith.addi %while3A_344, %mul3A_356 : i32
          %dma_wait3A_358 = arith.constant 0 : i32
          %dma_wait3A_359 = tpu.memref_slice %arg7[%dma_wait3A_358] : memref<4096xf32, #tpu.memory_space<vmem>> -> memref<64xf32, #tpu.memory_space<vmem>>
          %dma_wait3A_360 = arith.constant 0 : i32
          %dma_wait3A_361 = tpu.memref_slice %arg6[%dma_wait3A_360] : memref<2097152xf32, #tpu.memory_space<hbm>> -> memref<64xf32, #tpu.memory_space<hbm>>
          %dma_wait3A_362 = arith.constant 0 : i32
          %dma_wait3A_363 = tpu.memref_slice %arg6[%dma_wait3A_362] : memref<2097152xf32, #tpu.memory_space<hbm>> -> memref<64xf32, #tpu.memory_space<hbm>>
          %dma_wait3A_364 = arith.constant 0 : i32
          %dma_wait3A_365 = tpu.memref_slice %arg7[%dma_wait3A_364] : memref<4096xf32, #tpu.memory_space<vmem>> -> memref<64xf32, #tpu.memory_space<vmem>>
          tpu.wait_dma2 semaphore(%arg8 : memref<!tpu.dma_semaphore, #tpu.memory_space<semaphore_mem>>) src(%dma_wait3A_365 : memref<64xf32, #tpu.memory_space<vmem>>) dst(%dma_wait3A_363 : memref<64xf32, #tpu.memory_space<hbm>>)
        }
        %while3A_353 = arith.constant 1 : i32
        scf.for %while3A_355 = %while3A_351 to %while3A_347 step %while3A_353  : i32 {
          %mul3A_356 = arith.muli %while3A_355, %while3A_343 : i32
          %add3A_357 = arith.addi %while3A_344, %mul3A_356 : i32
          %dma_wait3A_358 = arith.constant 0 : i32
          %dma_wait3A_359 = tpu.memref_slice %arg7[%dma_wait3A_358] : memref<4096xf32, #tpu.memory_space<vmem>> -> memref<64xf32, #tpu.memory_space<vmem>>
          %dma_wait3A_360 = arith.constant 0 : i32
          %dma_wait3A_361 = tpu.memref_slice %arg6[%dma_wait3A_360] : memref<2097152xf32, #tpu.memory_space<hbm>> -> memref<64xf32, #tpu.memory_space<hbm>>
          %dma_wait3A_362 = arith.constant 0 : i32
          %dma_wait3A_363 = tpu.memref_slice %arg6[%dma_wait3A_362] : memref<2097152xf32, #tpu.memory_space<hbm>> -> memref<64xf32, #tpu.memory_space<hbm>>
          %dma_wait3A_364 = arith.constant 0 : i32
          %dma_wait3A_365 = tpu.memref_slice %arg7[%dma_wait3A_364] : memref<4096xf32, #tpu.memory_space<vmem>> -> memref<64xf32, #tpu.memory_space<vmem>>
          tpu.wait_dma2 semaphore(%arg8 : memref<!tpu.dma_semaphore, #tpu.memory_space<semaphore_mem>>) src(%dma_wait3A_365 : memref<64xf32, #tpu.memory_space<vmem>>) dst(%dma_wait3A_363 : memref<64xf32, #tpu.memory_space<hbm>>)
        }
        %add3A_354 = arith.addi %while3A_260, %max3A_334 : i32
        scf.yield %add3A_330, %add3A_354 : i32, i32
      }
      %while3A_176 = arith.constant 1 : i32
      %while3A_177:2 = scf.for %while3A_258 = %while3A_173 to %while3A_169 step %while3A_176 iter_args(%while3A_259 = %while3A_175#0, %while3A_260 = %while3A_175#1) -> (i32, i32)  : i32 {
        %mul3A_261 = arith.muli %while3A_258, %while3A_166 : i32
        %add3A_262 = arith.addi %squeeze3A, %mul3A_261 : i32
        %get3A_263 = arith.index_cast %add3A_262 : i32 to index
        %get3A_264 = tpu.vector_load %run_scoped3A[%get3A_263] {strides = array<i32>} : memref<32784xi32, #tpu.memory_space<vmem>>, vector<16xi32>,
        %slice3A_265 = vector.extract_strided_slice %get3A_264 {offsets = [0], sizes = [1], strides = [1]} : vector<16xi32> to vector<1xi32>
        %squeeze3A_266 = vector.extract %slice3A_265[0] : i32 from vector<1xi32>
        %shift_right_arithmetic3A = arith.constant 15 : i32
        %shift_right_arithmetic3A_267 = arith.shrsi %squeeze3A_266, %shift_right_arithmetic3A : i32
        %sub3A_268 = arith.constant 31232 : i32
        %sub3A_269 = arith.subi %shift_right_arithmetic3A_267, %sub3A_268 : i32
        %rem3A_270 = arith.constant 64 : i32
        %rem3A_271 = arith.remsi %while3A_259, %rem3A_270 : i32
        %broadcast_in_dim3A_272 = vector.broadcast %sub3A_269 : i32 to vector<16xi32>
        %add3A_273 = arith.constant 0 : i32
        %add3A_274 = vector.broadcast %add3A_273 : i32 to vector<16xi32>
        %add3A_275 = arith.addi %iota3A, %add3A_274 : vector<16xi32>
        %gather3A = tpu.vector_load_idx %run_scoped3A_7[%add3A_275, %broadcast_in_dim3A_272] : memref<64x256xf32, #tpu.memory_space<vmem>>[vector<16xi32>, vector<16xi32>], vector<16xf32>,
        %mul3A_276 = arith.constant 64 : i32
        %mul3A_277 = arith.muli %rem3A_271, %mul3A_276 : i32
        %add3A_278 = arith.constant 0 : i32
        %add3A_279 = arith.addi %mul3A_277, %add3A_278 : i32
        %swap3A_280 = arith.index_cast %add3A_279 : i32 to index
        %swap3A_281 = tpu.vector_load %arg7[%swap3A_280] {strides = array<i32>} : memref<4096xf32, #tpu.memory_space<vmem>>, vector<16xf32>,
        tpu.vector_store %arg7[%swap3A_280], %gather3A {strides = array<i32>} : memref<4096xf32, #tpu.memory_space<vmem>>, vector<16xf32>,
        %add3A_282 = arith.constant 16 : i32
        %add3A_283 = vector.broadcast %add3A_282 : i32 to vector<16xi32>
        %add3A_284 = arith.addi %iota3A, %add3A_283 : vector<16xi32>
        %gather3A_285 = tpu.vector_load_idx %run_scoped3A_7[%add3A_284, %broadcast_in_dim3A_272] : memref<64x256xf32, #tpu.memory_space<vmem>>[vector<16xi32>, vector<16xi32>], vector<16xf32>,
        %mul3A_286 = arith.constant 64 : i32
        %mul3A_287 = arith.muli %rem3A_271, %mul3A_286 : i32
        %add3A_288 = arith.constant 16 : i32
        %add3A_289 = arith.addi %mul3A_287, %add3A_288 : i32
        %swap3A_290 = arith.index_cast %add3A_289 : i32 to index
        %swap3A_291 = tpu.vector_load %arg7[%swap3A_290] {strides = array<i32>} : memref<4096xf32, #tpu.memory_space<vmem>>, vector<16xf32>,
        tpu.vector_store %arg7[%swap3A_290], %gather3A_285 {strides = array<i32>} : memref<4096xf32, #tpu.memory_space<vmem>>, vector<16xf32>,
        %add3A_292 = arith.constant 32 : i32
        %add3A_293 = vector.broadcast %add3A_292 : i32 to vector<16xi32>
        %add3A_294 = arith.addi %iota3A, %add3A_293 : vector<16xi32>
        %gather3A_295 = tpu.vector_load_idx %run_scoped3A_7[%add3A_294, %broadcast_in_dim3A_272] : memref<64x256xf32, #tpu.memory_space<vmem>>[vector<16xi32>, vector<16xi32>], vector<16xf32>,
        %mul3A_296 = arith.constant 64 : i32
        %mul3A_297 = arith.muli %rem3A_271, %mul3A_296 : i32
        %add3A_298 = arith.constant 32 : i32
        %add3A_299 = arith.addi %mul3A_297, %add3A_298 : i32
        %swap3A_300 = arith.index_cast %add3A_299 : i32 to index
        %swap3A_301 = tpu.vector_load %arg7[%swap3A_300] {strides = array<i32>} : memref<4096xf32, #tpu.memory_space<vmem>>, vector<16xf32>,
        tpu.vector_store %arg7[%swap3A_300], %gather3A_295 {strides = array<i32>} : memref<4096xf32, #tpu.memory_space<vmem>>, vector<16xf32>,
        %add3A_302 = arith.constant 48 : i32
        %add3A_303 = vector.broadcast %add3A_302 : i32 to vector<16xi32>
        %add3A_304 = arith.addi %iota3A, %add3A_303 : vector<16xi32>
        %gather3A_305 = tpu.vector_load_idx %run_scoped3A_7[%add3A_304, %broadcast_in_dim3A_272] : memref<64x256xf32, #tpu.memory_space<vmem>>[vector<16xi32>, vector<16xi32>], vector<16xf32>,
        %mul3A_306 = arith.constant 64 : i32
        %mul3A_307 = arith.muli %rem3A_271, %mul3A_306 : i32
        %add3A_308 = arith.constant 48 : i32
        %add3A_309 = arith.addi %mul3A_307, %add3A_308 : i32
        %swap3A_310 = arith.index_cast %add3A_309 : i32 to index
        %swap3A_311 = tpu.vector_load %arg7[%swap3A_310] {strides = array<i32>} : memref<4096xf32, #tpu.memory_space<vmem>>, vector<16xf32>,
        tpu.vector_store %arg7[%swap3A_310], %gather3A_305 {strides = array<i32>} : memref<4096xf32, #tpu.memory_space<vmem>>, vector<16xf32>,
        %shift_right_arithmetic3A_312 = arith.constant 14 : i32
        %shift_right_arithmetic3A_313 = arith.shrsi %squeeze3A_266, %shift_right_arithmetic3A_312 : i32
        %and3A_314 = arith.constant 1 : i32
        %and3A_315 = arith.andi %shift_right_arithmetic3A_313, %and3A_314 : i32
        %mul3A_316 = arith.constant 16384 : i32
        %mul3A_317 = arith.muli %and3A_315, %mul3A_316 : i32
        %and3A_318 = arith.constant 16383 : i32
        %and3A_319 = arith.andi %squeeze3A_266, %and3A_318 : i32
        %add3A_320 = arith.addi %mul3A_317, %and3A_319 : i32
        %mul3A_321 = arith.constant 64 : i32
        %mul3A_322 = arith.muli %rem3A_271, %mul3A_321 : i32
        %mul3A_323 = arith.constant 64 : i32
        %mul3A_324 = arith.muli %add3A_320, %mul3A_323 : i32
        %dma_start3A_325 = tpu.memref_slice %arg7[%mul3A_322] : memref<4096xf32, #tpu.memory_space<vmem>> -> memref<64xf32, #tpu.memory_space<vmem>>
        %dma_start3A_326 = tpu.memref_slice %arg6[%mul3A_324] : memref<2097152xf32, #tpu.memory_space<hbm>> -> memref<64xf32, #tpu.memory_space<hbm>>
        %dma_start3A_327 = tpu.memref_slice %arg6[%mul3A_324] : memref<2097152xf32, #tpu.memory_space<hbm>> -> memref<64xf32, #tpu.memory_space<hbm>>
        %dma_start3A_328 = tpu.memref_slice %arg7[%mul3A_322] : memref<4096xf32, #tpu.memory_space<vmem>> -> memref<64xf32, #tpu.memory_space<vmem>>
        tpu.enqueue_dma source(%dma_start3A_328 : memref<64xf32, #tpu.memory_space<vmem>>) target(%dma_start3A_327 : memref<64xf32, #tpu.memory_space<hbm>>) target_semaphore(%arg8 : memref<!tpu.dma_semaphore, #tpu.memory_space<semaphore_mem>>)
        %add3A_329 = arith.constant 1 : i32
        %add3A_330 = arith.addi %while3A_259, %add3A_329 : i32
        %sub3A_331 = arith.subi %add3A_330, %while3A_260 : i32
        %sub3A_332 = arith.constant 48 : i32
        %sub3A_333 = arith.subi %sub3A_331, %sub3A_332 : i32
        %max3A = arith.constant 0 : i32
        %max3A_334 = arith.maxsi %sub3A_333, %max3A : i32
        %sub3A_335 = arith.constant 0 : i32
        %sub3A_336 = arith.subi %max3A_334, %sub3A_335 : i32
        %sub3A_337 = arith.constant 1 : i32
        %sub3A_338 = arith.constant 1 : i32
        %sub3A_339 = arith.subi %sub3A_337, %sub3A_338 : i32
        %add3A_340 = arith.addi %sub3A_336, %sub3A_339 : i32
        %div3A_341 = arith.constant 1 : i32
        %div3A_342 = arith.divsi %add3A_340, %div3A_341 : i32
        %while3A_343 = arith.constant 1 : i32
        %while3A_344 = arith.constant 0 : i32
        %while3A_345 = arith.constant 0 : i32
        %while3A_346 = arith.subi %div3A_342, %while3A_345 : i32
        %while3A_347 = arith.addi %while3A_345, %while3A_346 : i32
        %while3A_348 = arith.constant 1 : i32
        %while3A_349 = arith.divsi %while3A_346, %while3A_348 : i32
        %while3A_350 = arith.muli %while3A_349, %while3A_348 : i32
        %while3A_351 = arith.addi %while3A_345, %while3A_350 : i32
        %while3A_352 = arith.constant 1 : i32
        scf.for %while3A_355 = %while3A_345 to %while3A_351 step %while3A_352  : i32 {
          %mul3A_356 = arith.muli %while3A_355, %while3A_343 : i32
          %add3A_357 = arith.addi %while3A_344, %mul3A_356 : i32
          %dma_wait3A_358 = arith.constant 0 : i32
          %dma_wait3A_359 = tpu.memref_slice %arg7[%dma_wait3A_358] : memref<4096xf32, #tpu.memory_space<vmem>> -> memref<64xf32, #tpu.memory_space<vmem>>
          %dma_wait3A_360 = arith.constant 0 : i32
          %dma_wait3A_361 = tpu.memref_slice %arg6[%dma_wait3A_360] : memref<2097152xf32, #tpu.memory_space<hbm>> -> memref<64xf32, #tpu.memory_space<hbm>>
          %dma_wait3A_362 = arith.constant 0 : i32
          %dma_wait3A_363 = tpu.memref_slice %arg6[%dma_wait3A_362] : memref<2097152xf32, #tpu.memory_space<hbm>> -> memref<64xf32, #tpu.memory_space<hbm>>
          %dma_wait3A_364 = arith.constant 0 : i32
          %dma_wait3A_365 = tpu.memref_slice %arg7[%dma_wait3A_364] : memref<4096xf32, #tpu.memory_space<vmem>> -> memref<64xf32, #tpu.memory_space<vmem>>
          tpu.wait_dma2 semaphore(%arg8 : memref<!tpu.dma_semaphore, #tpu.memory_space<semaphore_mem>>) src(%dma_wait3A_365 : memref<64xf32, #tpu.memory_space<vmem>>) dst(%dma_wait3A_363 : memref<64xf32, #tpu.memory_space<hbm>>)
        }
        %while3A_353 = arith.constant 1 : i32
        scf.for %while3A_355 = %while3A_351 to %while3A_347 step %while3A_353  : i32 {
          %mul3A_356 = arith.muli %while3A_355, %while3A_343 : i32
          %add3A_357 = arith.addi %while3A_344, %mul3A_356 : i32
          %dma_wait3A_358 = arith.constant 0 : i32
          %dma_wait3A_359 = tpu.memref_slice %arg7[%dma_wait3A_358] : memref<4096xf32, #tpu.memory_space<vmem>> -> memref<64xf32, #tpu.memory_space<vmem>>
          %dma_wait3A_360 = arith.constant 0 : i32
          %dma_wait3A_361 = tpu.memref_slice %arg6[%dma_wait3A_360] : memref<2097152xf32, #tpu.memory_space<hbm>> -> memref<64xf32, #tpu.memory_space<hbm>>
          %dma_wait3A_362 = arith.constant 0 : i32
          %dma_wait3A_363 = tpu.memref_slice %arg6[%dma_wait3A_362] : memref<2097152xf32, #tpu.memory_space<hbm>> -> memref<64xf32, #tpu.memory_space<hbm>>
          %dma_wait3A_364 = arith.constant 0 : i32
          %dma_wait3A_365 = tpu.memref_slice %arg7[%dma_wait3A_364] : memref<4096xf32, #tpu.memory_space<vmem>> -> memref<64xf32, #tpu.memory_space<vmem>>
          tpu.wait_dma2 semaphore(%arg8 : memref<!tpu.dma_semaphore, #tpu.memory_space<semaphore_mem>>) src(%dma_wait3A_365 : memref<64xf32, #tpu.memory_space<vmem>>) dst(%dma_wait3A_363 : memref<64xf32, #tpu.memory_space<hbm>>)
        }
        %add3A_354 = arith.addi %while3A_260, %max3A_334 : i32
        scf.yield %add3A_330, %add3A_354 : i32, i32
      }
      %dma_wait3A_178 = arith.constant 0 : i32
      %dma_wait3A_179 = arith.constant 0 : i32
      %dma_wait3A_180 = tpu.memref_slice %arg2[%dma_wait3A_178, %dma_wait3A_179] : memref<64x1000000xf32, #tpu.memory_space<hbm>> -> memref<64x256xf32, #tpu.memory_space<hbm>>
      %dma_wait3A_181 = arith.constant 0 : i32
      %dma_wait3A_182 = arith.constant 0 : i32
      %dma_wait3A_183 = tpu.memref_slice %arg2[%dma_wait3A_181, %dma_wait3A_182] : memref<64x1000000xf32, #tpu.memory_space<hbm>> -> memref<64x256xf32, #tpu.memory_space<hbm>>
      tpu.wait_dma2 semaphore(%arg9 : memref<!tpu.dma_semaphore, #tpu.memory_space<semaphore_mem>>) src(%dma_wait3A_183 : memref<64x256xf32, #tpu.memory_space<hbm>>) dst(%run_scoped3A_8 : memref<64x256xf32, #tpu.memory_space<vmem>>)
      %get3A_184 = arith.constant 123 : index
      %get3A_185 = tpu.vector_load %run_scoped3A_11[%get3A_184] {strides = array<i32>} : memref<272xi32, #tpu.memory_space<vmem>>, vector<16xi32>,
      %slice3A_186 = vector.extract_strided_slice %get3A_185 {offsets = [0], sizes = [1], strides = [1]} : vector<16xi32> to vector<1xi32>
      %squeeze3A_187 = vector.extract %slice3A_186[0] : i32 from vector<1xi32>
      %get3A_188 = arith.constant 124 : index
      %get3A_189 = tpu.vector_load %run_scoped3A_11[%get3A_188] {strides = array<i32>} : memref<272xi32, #tpu.memory_space<vmem>>, vector<16xi32>,
      %slice3A_190 = vector.extract_strided_slice %get3A_189 {offsets = [0], sizes = [1], strides = [1]} : vector<16xi32> to vector<1xi32>
      %squeeze3A_191 = vector.extract %slice3A_190[0] : i32 from vector<1xi32>
      %sub3A_192 = arith.subi %squeeze3A_191, %squeeze3A_187 : i32
      %sub3A_193 = arith.constant 1 : i32
      %sub3A_194 = arith.constant 1 : i32
      %sub3A_195 = arith.subi %sub3A_193, %sub3A_194 : i32
      %add3A_196 = arith.addi %sub3A_192, %sub3A_195 : i32
      %div3A_197 = arith.constant 1 : i32
      %div3A_198 = arith.divsi %add3A_196, %div3A_197 : i32
      %while3A_199 = arith.constant 1 : i32
      %while3A_200 = arith.constant 0 : i32
      %while3A_201 = arith.subi %div3A_198, %while3A_200 : i32
      %while3A_202 = arith.addi %while3A_200, %while3A_201 : i32
      %while3A_203 = arith.constant 1 : i32
      %while3A_204 = arith.divsi %while3A_201, %while3A_203 : i32
      %while3A_205 = arith.muli %while3A_204, %while3A_203 : i32
      %while3A_206 = arith.addi %while3A_200, %while3A_205 : i32
      %while3A_207 = arith.constant 1 : i32
      %while3A_208:2 = scf.for %while3A_258 = %while3A_200 to %while3A_206 step %while3A_207 iter_args(%while3A_259 = %while3A_177#0, %while3A_260 = %while3A_177#1) -> (i32, i32)  : i32 {
        %mul3A_261 = arith.muli %while3A_258, %while3A_199 : i32
        %add3A_262 = arith.addi %squeeze3A_187, %mul3A_261 : i32
        %get3A_263 = arith.index_cast %add3A_262 : i32 to index
        %get3A_264 = tpu.vector_load %run_scoped3A[%get3A_263] {strides = array<i32>} : memref<32784xi32, #tpu.memory_space<vmem>>, vector<16xi32>,
        %slice3A_265 = vector.extract_strided_slice %get3A_264 {offsets = [0], sizes = [1], strides = [1]} : vector<16xi32> to vector<1xi32>
        %squeeze3A_266 = vector.extract %slice3A_265[0] : i32 from vector<1xi32>
        %shift_right_arithmetic3A = arith.constant 15 : i32
        %shift_right_arithmetic3A_267 = arith.shrsi %squeeze3A_266, %shift_right_arithmetic3A : i32
        %sub3A_268 = arith.constant 31488 : i32
        %sub3A_269 = arith.subi %shift_right_arithmetic3A_267, %sub3A_268 : i32
        %rem3A_270 = arith.constant 64 : i32
        %rem3A_271 = arith.remsi %while3A_259, %rem3A_270 : i32
        %broadcast_in_dim3A_272 = vector.broadcast %sub3A_269 : i32 to vector<16xi32>
        %add3A_273 = arith.constant 0 : i32
        %add3A_274 = vector.broadcast %add3A_273 : i32 to vector<16xi32>
        %add3A_275 = arith.addi %iota3A, %add3A_274 : vector<16xi32>
        %gather3A = tpu.vector_load_idx %run_scoped3A_8[%add3A_275, %broadcast_in_dim3A_272] : memref<64x256xf32, #tpu.memory_space<vmem>>[vector<16xi32>, vector<16xi32>], vector<16xf32>,
        %mul3A_276 = arith.constant 64 : i32
        %mul3A_277 = arith.muli %rem3A_271, %mul3A_276 : i32
        %add3A_278 = arith.constant 0 : i32
        %add3A_279 = arith.addi %mul3A_277, %add3A_278 : i32
        %swap3A_280 = arith.index_cast %add3A_279 : i32 to index
        %swap3A_281 = tpu.vector_load %arg7[%swap3A_280] {strides = array<i32>} : memref<4096xf32, #tpu.memory_space<vmem>>, vector<16xf32>,
        tpu.vector_store %arg7[%swap3A_280], %gather3A {strides = array<i32>} : memref<4096xf32, #tpu.memory_space<vmem>>, vector<16xf32>,
        %add3A_282 = arith.constant 16 : i32
        %add3A_283 = vector.broadcast %add3A_282 : i32 to vector<16xi32>
        %add3A_284 = arith.addi %iota3A, %add3A_283 : vector<16xi32>
        %gather3A_285 = tpu.vector_load_idx %run_scoped3A_8[%add3A_284, %broadcast_in_dim3A_272] : memref<64x256xf32, #tpu.memory_space<vmem>>[vector<16xi32>, vector<16xi32>], vector<16xf32>,
        %mul3A_286 = arith.constant 64 : i32
        %mul3A_287 = arith.muli %rem3A_271, %mul3A_286 : i32
        %add3A_288 = arith.constant 16 : i32
        %add3A_289 = arith.addi %mul3A_287, %add3A_288 : i32
        %swap3A_290 = arith.index_cast %add3A_289 : i32 to index
        %swap3A_291 = tpu.vector_load %arg7[%swap3A_290] {strides = array<i32>} : memref<4096xf32, #tpu.memory_space<vmem>>, vector<16xf32>,
        tpu.vector_store %arg7[%swap3A_290], %gather3A_285 {strides = array<i32>} : memref<4096xf32, #tpu.memory_space<vmem>>, vector<16xf32>,
        %add3A_292 = arith.constant 32 : i32
        %add3A_293 = vector.broadcast %add3A_292 : i32 to vector<16xi32>
        %add3A_294 = arith.addi %iota3A, %add3A_293 : vector<16xi32>
        %gather3A_295 = tpu.vector_load_idx %run_scoped3A_8[%add3A_294, %broadcast_in_dim3A_272] : memref<64x256xf32, #tpu.memory_space<vmem>>[vector<16xi32>, vector<16xi32>], vector<16xf32>,
        %mul3A_296 = arith.constant 64 : i32
        %mul3A_297 = arith.muli %rem3A_271, %mul3A_296 : i32
        %add3A_298 = arith.constant 32 : i32
        %add3A_299 = arith.addi %mul3A_297, %add3A_298 : i32
        %swap3A_300 = arith.index_cast %add3A_299 : i32 to index
        %swap3A_301 = tpu.vector_load %arg7[%swap3A_300] {strides = array<i32>} : memref<4096xf32, #tpu.memory_space<vmem>>, vector<16xf32>,
        tpu.vector_store %arg7[%swap3A_300], %gather3A_295 {strides = array<i32>} : memref<4096xf32, #tpu.memory_space<vmem>>, vector<16xf32>,
        %add3A_302 = arith.constant 48 : i32
        %add3A_303 = vector.broadcast %add3A_302 : i32 to vector<16xi32>
        %add3A_304 = arith.addi %iota3A, %add3A_303 : vector<16xi32>
        %gather3A_305 = tpu.vector_load_idx %run_scoped3A_8[%add3A_304, %broadcast_in_dim3A_272] : memref<64x256xf32, #tpu.memory_space<vmem>>[vector<16xi32>, vector<16xi32>], vector<16xf32>,
        %mul3A_306 = arith.constant 64 : i32
        %mul3A_307 = arith.muli %rem3A_271, %mul3A_306 : i32
        %add3A_308 = arith.constant 48 : i32
        %add3A_309 = arith.addi %mul3A_307, %add3A_308 : i32
        %swap3A_310 = arith.index_cast %add3A_309 : i32 to index
        %swap3A_311 = tpu.vector_load %arg7[%swap3A_310] {strides = array<i32>} : memref<4096xf32, #tpu.memory_space<vmem>>, vector<16xf32>,
        tpu.vector_store %arg7[%swap3A_310], %gather3A_305 {strides = array<i32>} : memref<4096xf32, #tpu.memory_space<vmem>>, vector<16xf32>,
        %shift_right_arithmetic3A_312 = arith.constant 14 : i32
        %shift_right_arithmetic3A_313 = arith.shrsi %squeeze3A_266, %shift_right_arithmetic3A_312 : i32
        %and3A_314 = arith.constant 1 : i32
        %and3A_315 = arith.andi %shift_right_arithmetic3A_313, %and3A_314 : i32
        %mul3A_316 = arith.constant 16384 : i32
        %mul3A_317 = arith.muli %and3A_315, %mul3A_316 : i32
        %and3A_318 = arith.constant 16383 : i32
        %and3A_319 = arith.andi %squeeze3A_266, %and3A_318 : i32
        %add3A_320 = arith.addi %mul3A_317, %and3A_319 : i32
        %mul3A_321 = arith.constant 64 : i32
        %mul3A_322 = arith.muli %rem3A_271, %mul3A_321 : i32
        %mul3A_323 = arith.constant 64 : i32
        %mul3A_324 = arith.muli %add3A_320, %mul3A_323 : i32
        %dma_start3A_325 = tpu.memref_slice %arg7[%mul3A_322] : memref<4096xf32, #tpu.memory_space<vmem>> -> memref<64xf32, #tpu.memory_space<vmem>>
        %dma_start3A_326 = tpu.memref_slice %arg6[%mul3A_324] : memref<2097152xf32, #tpu.memory_space<hbm>> -> memref<64xf32, #tpu.memory_space<hbm>>
        %dma_start3A_327 = tpu.memref_slice %arg6[%mul3A_324] : memref<2097152xf32, #tpu.memory_space<hbm>> -> memref<64xf32, #tpu.memory_space<hbm>>
        %dma_start3A_328 = tpu.memref_slice %arg7[%mul3A_322] : memref<4096xf32, #tpu.memory_space<vmem>> -> memref<64xf32, #tpu.memory_space<vmem>>
        tpu.enqueue_dma source(%dma_start3A_328 : memref<64xf32, #tpu.memory_space<vmem>>) target(%dma_start3A_327 : memref<64xf32, #tpu.memory_space<hbm>>) target_semaphore(%arg8 : memref<!tpu.dma_semaphore, #tpu.memory_space<semaphore_mem>>)
        %add3A_329 = arith.constant 1 : i32
        %add3A_330 = arith.addi %while3A_259, %add3A_329 : i32
        %sub3A_331 = arith.subi %add3A_330, %while3A_260 : i32
        %sub3A_332 = arith.constant 48 : i32
        %sub3A_333 = arith.subi %sub3A_331, %sub3A_332 : i32
        %max3A = arith.constant 0 : i32
        %max3A_334 = arith.maxsi %sub3A_333, %max3A : i32
        %sub3A_335 = arith.constant 0 : i32
        %sub3A_336 = arith.subi %max3A_334, %sub3A_335 : i32
        %sub3A_337 = arith.constant 1 : i32
        %sub3A_338 = arith.constant 1 : i32
        %sub3A_339 = arith.subi %sub3A_337, %sub3A_338 : i32
        %add3A_340 = arith.addi %sub3A_336, %sub3A_339 : i32
        %div3A_341 = arith.constant 1 : i32
        %div3A_342 = arith.divsi %add3A_340, %div3A_341 : i32
        %while3A_343 = arith.constant 1 : i32
        %while3A_344 = arith.constant 0 : i32
        %while3A_345 = arith.constant 0 : i32
        %while3A_346 = arith.subi %div3A_342, %while3A_345 : i32
        %while3A_347 = arith.addi %while3A_345, %while3A_346 : i32
        %while3A_348 = arith.constant 1 : i32
        %while3A_349 = arith.divsi %while3A_346, %while3A_348 : i32
        %while3A_350 = arith.muli %while3A_349, %while3A_348 : i32
        %while3A_351 = arith.addi %while3A_345, %while3A_350 : i32
        %while3A_352 = arith.constant 1 : i32
        scf.for %while3A_355 = %while3A_345 to %while3A_351 step %while3A_352  : i32 {
          %mul3A_356 = arith.muli %while3A_355, %while3A_343 : i32
          %add3A_357 = arith.addi %while3A_344, %mul3A_356 : i32
          %dma_wait3A_358 = arith.constant 0 : i32
          %dma_wait3A_359 = tpu.memref_slice %arg7[%dma_wait3A_358] : memref<4096xf32, #tpu.memory_space<vmem>> -> memref<64xf32, #tpu.memory_space<vmem>>
          %dma_wait3A_360 = arith.constant 0 : i32
          %dma_wait3A_361 = tpu.memref_slice %arg6[%dma_wait3A_360] : memref<2097152xf32, #tpu.memory_space<hbm>> -> memref<64xf32, #tpu.memory_space<hbm>>
          %dma_wait3A_362 = arith.constant 0 : i32
          %dma_wait3A_363 = tpu.memref_slice %arg6[%dma_wait3A_362] : memref<2097152xf32, #tpu.memory_space<hbm>> -> memref<64xf32, #tpu.memory_space<hbm>>
          %dma_wait3A_364 = arith.constant 0 : i32
          %dma_wait3A_365 = tpu.memref_slice %arg7[%dma_wait3A_364] : memref<4096xf32, #tpu.memory_space<vmem>> -> memref<64xf32, #tpu.memory_space<vmem>>
          tpu.wait_dma2 semaphore(%arg8 : memref<!tpu.dma_semaphore, #tpu.memory_space<semaphore_mem>>) src(%dma_wait3A_365 : memref<64xf32, #tpu.memory_space<vmem>>) dst(%dma_wait3A_363 : memref<64xf32, #tpu.memory_space<hbm>>)
        }
        %while3A_353 = arith.constant 1 : i32
        scf.for %while3A_355 = %while3A_351 to %while3A_347 step %while3A_353  : i32 {
          %mul3A_356 = arith.muli %while3A_355, %while3A_343 : i32
          %add3A_357 = arith.addi %while3A_344, %mul3A_356 : i32
          %dma_wait3A_358 = arith.constant 0 : i32
          %dma_wait3A_359 = tpu.memref_slice %arg7[%dma_wait3A_358] : memref<4096xf32, #tpu.memory_space<vmem>> -> memref<64xf32, #tpu.memory_space<vmem>>
          %dma_wait3A_360 = arith.constant 0 : i32
          %dma_wait3A_361 = tpu.memref_slice %arg6[%dma_wait3A_360] : memref<2097152xf32, #tpu.memory_space<hbm>> -> memref<64xf32, #tpu.memory_space<hbm>>
          %dma_wait3A_362 = arith.constant 0 : i32
          %dma_wait3A_363 = tpu.memref_slice %arg6[%dma_wait3A_362] : memref<2097152xf32, #tpu.memory_space<hbm>> -> memref<64xf32, #tpu.memory_space<hbm>>
          %dma_wait3A_364 = arith.constant 0 : i32
          %dma_wait3A_365 = tpu.memref_slice %arg7[%dma_wait3A_364] : memref<4096xf32, #tpu.memory_space<vmem>> -> memref<64xf32, #tpu.memory_space<vmem>>
          tpu.wait_dma2 semaphore(%arg8 : memref<!tpu.dma_semaphore, #tpu.memory_space<semaphore_mem>>) src(%dma_wait3A_365 : memref<64xf32, #tpu.memory_space<vmem>>) dst(%dma_wait3A_363 : memref<64xf32, #tpu.memory_space<hbm>>)
        }
        %add3A_354 = arith.addi %while3A_260, %max3A_334 : i32
        scf.yield %add3A_330, %add3A_354 : i32, i32
      }
      %while3A_209 = arith.constant 1 : i32
      %while3A_210:2 = scf.for %while3A_258 = %while3A_206 to %while3A_202 step %while3A_209 iter_args(%while3A_259 = %while3A_208#0, %while3A_260 = %while3A_208#1) -> (i32, i32)  : i32 {
        %mul3A_261 = arith.muli %while3A_258, %while3A_199 : i32
        %add3A_262 = arith.addi %squeeze3A_187, %mul3A_261 : i32
        %get3A_263 = arith.index_cast %add3A_262 : i32 to index
        %get3A_264 = tpu.vector_load %run_scoped3A[%get3A_263] {strides = array<i32>} : memref<32784xi32, #tpu.memory_space<vmem>>, vector<16xi32>,
        %slice3A_265 = vector.extract_strided_slice %get3A_264 {offsets = [0], sizes = [1], strides = [1]} : vector<16xi32> to vector<1xi32>
        %squeeze3A_266 = vector.extract %slice3A_265[0] : i32 from vector<1xi32>
        %shift_right_arithmetic3A = arith.constant 15 : i32
        %shift_right_arithmetic3A_267 = arith.shrsi %squeeze3A_266, %shift_right_arithmetic3A : i32
        %sub3A_268 = arith.constant 31488 : i32
        %sub3A_269 = arith.subi %shift_right_arithmetic3A_267, %sub3A_268 : i32
        %rem3A_270 = arith.constant 64 : i32
        %rem3A_271 = arith.remsi %while3A_259, %rem3A_270 : i32
        %broadcast_in_dim3A_272 = vector.broadcast %sub3A_269 : i32 to vector<16xi32>
        %add3A_273 = arith.constant 0 : i32
        %add3A_274 = vector.broadcast %add3A_273 : i32 to vector<16xi32>
        %add3A_275 = arith.addi %iota3A, %add3A_274 : vector<16xi32>
        %gather3A = tpu.vector_load_idx %run_scoped3A_8[%add3A_275, %broadcast_in_dim3A_272] : memref<64x256xf32, #tpu.memory_space<vmem>>[vector<16xi32>, vector<16xi32>], vector<16xf32>,
        %mul3A_276 = arith.constant 64 : i32
        %mul3A_277 = arith.muli %rem3A_271, %mul3A_276 : i32
        %add3A_278 = arith.constant 0 : i32
        %add3A_279 = arith.addi %mul3A_277, %add3A_278 : i32
        %swap3A_280 = arith.index_cast %add3A_279 : i32 to index
        %swap3A_281 = tpu.vector_load %arg7[%swap3A_280] {strides = array<i32>} : memref<4096xf32, #tpu.memory_space<vmem>>, vector<16xf32>,
        tpu.vector_store %arg7[%swap3A_280], %gather3A {strides = array<i32>} : memref<4096xf32, #tpu.memory_space<vmem>>, vector<16xf32>,
        %add3A_282 = arith.constant 16 : i32
        %add3A_283 = vector.broadcast %add3A_282 : i32 to vector<16xi32>
        %add3A_284 = arith.addi %iota3A, %add3A_283 : vector<16xi32>
        %gather3A_285 = tpu.vector_load_idx %run_scoped3A_8[%add3A_284, %broadcast_in_dim3A_272] : memref<64x256xf32, #tpu.memory_space<vmem>>[vector<16xi32>, vector<16xi32>], vector<16xf32>,
        %mul3A_286 = arith.constant 64 : i32
        %mul3A_287 = arith.muli %rem3A_271, %mul3A_286 : i32
        %add3A_288 = arith.constant 16 : i32
        %add3A_289 = arith.addi %mul3A_287, %add3A_288 : i32
        %swap3A_290 = arith.index_cast %add3A_289 : i32 to index
        %swap3A_291 = tpu.vector_load %arg7[%swap3A_290] {strides = array<i32>} : memref<4096xf32, #tpu.memory_space<vmem>>, vector<16xf32>,
        tpu.vector_store %arg7[%swap3A_290], %gather3A_285 {strides = array<i32>} : memref<4096xf32, #tpu.memory_space<vmem>>, vector<16xf32>,
        %add3A_292 = arith.constant 32 : i32
        %add3A_293 = vector.broadcast %add3A_292 : i32 to vector<16xi32>
        %add3A_294 = arith.addi %iota3A, %add3A_293 : vector<16xi32>
        %gather3A_295 = tpu.vector_load_idx %run_scoped3A_8[%add3A_294, %broadcast_in_dim3A_272] : memref<64x256xf32, #tpu.memory_space<vmem>>[vector<16xi32>, vector<16xi32>], vector<16xf32>,
        %mul3A_296 = arith.constant 64 : i32
        %mul3A_297 = arith.muli %rem3A_271, %mul3A_296 : i32
        %add3A_298 = arith.constant 32 : i32
        %add3A_299 = arith.addi %mul3A_297, %add3A_298 : i32
        %swap3A_300 = arith.index_cast %add3A_299 : i32 to index
        %swap3A_301 = tpu.vector_load %arg7[%swap3A_300] {strides = array<i32>} : memref<4096xf32, #tpu.memory_space<vmem>>, vector<16xf32>,
        tpu.vector_store %arg7[%swap3A_300], %gather3A_295 {strides = array<i32>} : memref<4096xf32, #tpu.memory_space<vmem>>, vector<16xf32>,
        %add3A_302 = arith.constant 48 : i32
        %add3A_303 = vector.broadcast %add3A_302 : i32 to vector<16xi32>
        %add3A_304 = arith.addi %iota3A, %add3A_303 : vector<16xi32>
        %gather3A_305 = tpu.vector_load_idx %run_scoped3A_8[%add3A_304, %broadcast_in_dim3A_272] : memref<64x256xf32, #tpu.memory_space<vmem>>[vector<16xi32>, vector<16xi32>], vector<16xf32>,
        %mul3A_306 = arith.constant 64 : i32
        %mul3A_307 = arith.muli %rem3A_271, %mul3A_306 : i32
        %add3A_308 = arith.constant 48 : i32
        %add3A_309 = arith.addi %mul3A_307, %add3A_308 : i32
        %swap3A_310 = arith.index_cast %add3A_309 : i32 to index
        %swap3A_311 = tpu.vector_load %arg7[%swap3A_310] {strides = array<i32>} : memref<4096xf32, #tpu.memory_space<vmem>>, vector<16xf32>,
        tpu.vector_store %arg7[%swap3A_310], %gather3A_305 {strides = array<i32>} : memref<4096xf32, #tpu.memory_space<vmem>>, vector<16xf32>,
        %shift_right_arithmetic3A_312 = arith.constant 14 : i32
        %shift_right_arithmetic3A_313 = arith.shrsi %squeeze3A_266, %shift_right_arithmetic3A_312 : i32
        %and3A_314 = arith.constant 1 : i32
        %and3A_315 = arith.andi %shift_right_arithmetic3A_313, %and3A_314 : i32
        %mul3A_316 = arith.constant 16384 : i32
        %mul3A_317 = arith.muli %and3A_315, %mul3A_316 : i32
        %and3A_318 = arith.constant 16383 : i32
        %and3A_319 = arith.andi %squeeze3A_266, %and3A_318 : i32
        %add3A_320 = arith.addi %mul3A_317, %and3A_319 : i32
        %mul3A_321 = arith.constant 64 : i32
        %mul3A_322 = arith.muli %rem3A_271, %mul3A_321 : i32
        %mul3A_323 = arith.constant 64 : i32
        %mul3A_324 = arith.muli %add3A_320, %mul3A_323 : i32
        %dma_start3A_325 = tpu.memref_slice %arg7[%mul3A_322] : memref<4096xf32, #tpu.memory_space<vmem>> -> memref<64xf32, #tpu.memory_space<vmem>>
        %dma_start3A_326 = tpu.memref_slice %arg6[%mul3A_324] : memref<2097152xf32, #tpu.memory_space<hbm>> -> memref<64xf32, #tpu.memory_space<hbm>>
        %dma_start3A_327 = tpu.memref_slice %arg6[%mul3A_324] : memref<2097152xf32, #tpu.memory_space<hbm>> -> memref<64xf32, #tpu.memory_space<hbm>>
        %dma_start3A_328 = tpu.memref_slice %arg7[%mul3A_322] : memref<4096xf32, #tpu.memory_space<vmem>> -> memref<64xf32, #tpu.memory_space<vmem>>
        tpu.enqueue_dma source(%dma_start3A_328 : memref<64xf32, #tpu.memory_space<vmem>>) target(%dma_start3A_327 : memref<64xf32, #tpu.memory_space<hbm>>) target_semaphore(%arg8 : memref<!tpu.dma_semaphore, #tpu.memory_space<semaphore_mem>>)
        %add3A_329 = arith.constant 1 : i32
        %add3A_330 = arith.addi %while3A_259, %add3A_329 : i32
        %sub3A_331 = arith.subi %add3A_330, %while3A_260 : i32
        %sub3A_332 = arith.constant 48 : i32
        %sub3A_333 = arith.subi %sub3A_331, %sub3A_332 : i32
        %max3A = arith.constant 0 : i32
        %max3A_334 = arith.maxsi %sub3A_333, %max3A : i32
        %sub3A_335 = arith.constant 0 : i32
        %sub3A_336 = arith.subi %max3A_334, %sub3A_335 : i32
        %sub3A_337 = arith.constant 1 : i32
        %sub3A_338 = arith.constant 1 : i32
        %sub3A_339 = arith.subi %sub3A_337, %sub3A_338 : i32
        %add3A_340 = arith.addi %sub3A_336, %sub3A_339 : i32
        %div3A_341 = arith.constant 1 : i32
        %div3A_342 = arith.divsi %add3A_340, %div3A_341 : i32
        %while3A_343 = arith.constant 1 : i32
        %while3A_344 = arith.constant 0 : i32
        %while3A_345 = arith.constant 0 : i32
        %while3A_346 = arith.subi %div3A_342, %while3A_345 : i32
        %while3A_347 = arith.addi %while3A_345, %while3A_346 : i32
        %while3A_348 = arith.constant 1 : i32
        %while3A_349 = arith.divsi %while3A_346, %while3A_348 : i32
        %while3A_350 = arith.muli %while3A_349, %while3A_348 : i32
        %while3A_351 = arith.addi %while3A_345, %while3A_350 : i32
        %while3A_352 = arith.constant 1 : i32
        scf.for %while3A_355 = %while3A_345 to %while3A_351 step %while3A_352  : i32 {
          %mul3A_356 = arith.muli %while3A_355, %while3A_343 : i32
          %add3A_357 = arith.addi %while3A_344, %mul3A_356 : i32
          %dma_wait3A_358 = arith.constant 0 : i32
          %dma_wait3A_359 = tpu.memref_slice %arg7[%dma_wait3A_358] : memref<4096xf32, #tpu.memory_space<vmem>> -> memref<64xf32, #tpu.memory_space<vmem>>
          %dma_wait3A_360 = arith.constant 0 : i32
          %dma_wait3A_361 = tpu.memref_slice %arg6[%dma_wait3A_360] : memref<2097152xf32, #tpu.memory_space<hbm>> -> memref<64xf32, #tpu.memory_space<hbm>>
          %dma_wait3A_362 = arith.constant 0 : i32
          %dma_wait3A_363 = tpu.memref_slice %arg6[%dma_wait3A_362] : memref<2097152xf32, #tpu.memory_space<hbm>> -> memref<64xf32, #tpu.memory_space<hbm>>
          %dma_wait3A_364 = arith.constant 0 : i32
          %dma_wait3A_365 = tpu.memref_slice %arg7[%dma_wait3A_364] : memref<4096xf32, #tpu.memory_space<vmem>> -> memref<64xf32, #tpu.memory_space<vmem>>
          tpu.wait_dma2 semaphore(%arg8 : memref<!tpu.dma_semaphore, #tpu.memory_space<semaphore_mem>>) src(%dma_wait3A_365 : memref<64xf32, #tpu.memory_space<vmem>>) dst(%dma_wait3A_363 : memref<64xf32, #tpu.memory_space<hbm>>)
        }
        %while3A_353 = arith.constant 1 : i32
        scf.for %while3A_355 = %while3A_351 to %while3A_347 step %while3A_353  : i32 {
          %mul3A_356 = arith.muli %while3A_355, %while3A_343 : i32
          %add3A_357 = arith.addi %while3A_344, %mul3A_356 : i32
          %dma_wait3A_358 = arith.constant 0 : i32
          %dma_wait3A_359 = tpu.memref_slice %arg7[%dma_wait3A_358] : memref<4096xf32, #tpu.memory_space<vmem>> -> memref<64xf32, #tpu.memory_space<vmem>>
          %dma_wait3A_360 = arith.constant 0 : i32
          %dma_wait3A_361 = tpu.memref_slice %arg6[%dma_wait3A_360] : memref<2097152xf32, #tpu.memory_space<hbm>> -> memref<64xf32, #tpu.memory_space<hbm>>
          %dma_wait3A_362 = arith.constant 0 : i32
          %dma_wait3A_363 = tpu.memref_slice %arg6[%dma_wait3A_362] : memref<2097152xf32, #tpu.memory_space<hbm>> -> memref<64xf32, #tpu.memory_space<hbm>>
          %dma_wait3A_364 = arith.constant 0 : i32
          %dma_wait3A_365 = tpu.memref_slice %arg7[%dma_wait3A_364] : memref<4096xf32, #tpu.memory_space<vmem>> -> memref<64xf32, #tpu.memory_space<vmem>>
          tpu.wait_dma2 semaphore(%arg8 : memref<!tpu.dma_semaphore, #tpu.memory_space<semaphore_mem>>) src(%dma_wait3A_365 : memref<64xf32, #tpu.memory_space<vmem>>) dst(%dma_wait3A_363 : memref<64xf32, #tpu.memory_space<hbm>>)
        }
        %add3A_354 = arith.addi %while3A_260, %max3A_334 : i32
        scf.yield %add3A_330, %add3A_354 : i32, i32
      }
      %get3A_211 = arith.constant 124 : index
      %get3A_212 = tpu.vector_load %run_scoped3A_11[%get3A_211] {strides = array<i32>} : memref<272xi32, #tpu.memory_space<vmem>>, vector<16xi32>,
      %slice3A_213 = vector.extract_strided_slice %get3A_212 {offsets = [0], sizes = [1], strides = [1]} : vector<16xi32> to vector<1xi32>
      %squeeze3A_214 = vector.extract %slice3A_213[0] : i32 from vector<1xi32>
      %get3A_215 = arith.constant 125 : index
      %get3A_216 = tpu.vector_load %run_scoped3A_11[%get3A_215] {strides = array<i32>} : memref<272xi32, #tpu.memory_space<vmem>>, vector<16xi32>,
      %slice3A_217 = vector.extract_strided_slice %get3A_216 {offsets = [0], sizes = [1], strides = [1]} : vector<16xi32> to vector<1xi32>
      %squeeze3A_218 = vector.extract %slice3A_217[0] : i32 from vector<1xi32>
      %sub3A_219 = arith.subi %squeeze3A_218, %squeeze3A_214 : i32
      %sub3A_220 = arith.constant 1 : i32
      %sub3A_221 = arith.constant 1 : i32
      %sub3A_222 = arith.subi %sub3A_220, %sub3A_221 : i32
      %add3A_223 = arith.addi %sub3A_219, %sub3A_222 : i32
      %div3A_224 = arith.constant 1 : i32
      %div3A_225 = arith.divsi %add3A_223, %div3A_224 : i32
      %while3A_226 = arith.constant 1 : i32
      %while3A_227 = arith.constant 0 : i32
      %while3A_228 = arith.subi %div3A_225, %while3A_227 : i32
      %while3A_229 = arith.addi %while3A_227, %while3A_228 : i32
      %while3A_230 = arith.constant 1 : i32
      %while3A_231 = arith.divsi %while3A_228, %while3A_230 : i32
      %while3A_232 = arith.muli %while3A_231, %while3A_230 : i32
      %while3A_233 = arith.addi %while3A_227, %while3A_232 : i32
      %while3A_234 = arith.constant 1 : i32
      %while3A_235:2 = scf.for %while3A_258 = %while3A_227 to %while3A_233 step %while3A_234 iter_args(%while3A_259 = %while3A_210#0, %while3A_260 = %while3A_210#1) -> (i32, i32)  : i32 {
        %mul3A_261 = arith.muli %while3A_258, %while3A_226 : i32
        %add3A_262 = arith.addi %squeeze3A_214, %mul3A_261 : i32
        %get3A_263 = arith.index_cast %add3A_262 : i32 to index
        %get3A_264 = tpu.vector_load %run_scoped3A[%get3A_263] {strides = array<i32>} : memref<32784xi32, #tpu.memory_space<vmem>>, vector<16xi32>,
        %slice3A_265 = vector.extract_strided_slice %get3A_264 {offsets = [0], sizes = [1], strides = [1]} : vector<16xi32> to vector<1xi32>
        %squeeze3A_266 = vector.extract %slice3A_265[0] : i32 from vector<1xi32>
        %shift_right_arithmetic3A = arith.constant 15 : i32
        %shift_right_arithmetic3A_267 = arith.shrsi %squeeze3A_266, %shift_right_arithmetic3A : i32
        %sub3A_268 = arith.constant 31744 : i32
        %sub3A_269 = arith.subi %shift_right_arithmetic3A_267, %sub3A_268 : i32
        %rem3A_270 = arith.constant 64 : i32
        %rem3A_271 = arith.remsi %while3A_259, %rem3A_270 : i32
        %broadcast_in_dim3A_272 = vector.broadcast %sub3A_269 : i32 to vector<16xi32>
        %add3A_273 = arith.constant 0 : i32
        %add3A_274 = vector.broadcast %add3A_273 : i32 to vector<16xi32>
        %add3A_275 = arith.addi %iota3A, %add3A_274 : vector<16xi32>
        %gather3A = tpu.vector_load_idx %run_scoped3A_9[%add3A_275, %broadcast_in_dim3A_272] : memref<64x64xf32, #tpu.memory_space<vmem>>[vector<16xi32>, vector<16xi32>], vector<16xf32>,
        %mul3A_276 = arith.constant 64 : i32
        %mul3A_277 = arith.muli %rem3A_271, %mul3A_276 : i32
        %add3A_278 = arith.constant 0 : i32
        %add3A_279 = arith.addi %mul3A_277, %add3A_278 : i32
        %swap3A_280 = arith.index_cast %add3A_279 : i32 to index
        %swap3A_281 = tpu.vector_load %arg7[%swap3A_280] {strides = array<i32>} : memref<4096xf32, #tpu.memory_space<vmem>>, vector<16xf32>,
        tpu.vector_store %arg7[%swap3A_280], %gather3A {strides = array<i32>} : memref<4096xf32, #tpu.memory_space<vmem>>, vector<16xf32>,
        %add3A_282 = arith.constant 16 : i32
        %add3A_283 = vector.broadcast %add3A_282 : i32 to vector<16xi32>
        %add3A_284 = arith.addi %iota3A, %add3A_283 : vector<16xi32>
        %gather3A_285 = tpu.vector_load_idx %run_scoped3A_9[%add3A_284, %broadcast_in_dim3A_272] : memref<64x64xf32, #tpu.memory_space<vmem>>[vector<16xi32>, vector<16xi32>], vector<16xf32>,
        %mul3A_286 = arith.constant 64 : i32
        %mul3A_287 = arith.muli %rem3A_271, %mul3A_286 : i32
        %add3A_288 = arith.constant 16 : i32
        %add3A_289 = arith.addi %mul3A_287, %add3A_288 : i32
        %swap3A_290 = arith.index_cast %add3A_289 : i32 to index
        %swap3A_291 = tpu.vector_load %arg7[%swap3A_290] {strides = array<i32>} : memref<4096xf32, #tpu.memory_space<vmem>>, vector<16xf32>,
        tpu.vector_store %arg7[%swap3A_290], %gather3A_285 {strides = array<i32>} : memref<4096xf32, #tpu.memory_space<vmem>>, vector<16xf32>,
        %add3A_292 = arith.constant 32 : i32
        %add3A_293 = vector.broadcast %add3A_292 : i32 to vector<16xi32>
        %add3A_294 = arith.addi %iota3A, %add3A_293 : vector<16xi32>
        %gather3A_295 = tpu.vector_load_idx %run_scoped3A_9[%add3A_294, %broadcast_in_dim3A_272] : memref<64x64xf32, #tpu.memory_space<vmem>>[vector<16xi32>, vector<16xi32>], vector<16xf32>,
        %mul3A_296 = arith.constant 64 : i32
        %mul3A_297 = arith.muli %rem3A_271, %mul3A_296 : i32
        %add3A_298 = arith.constant 32 : i32
        %add3A_299 = arith.addi %mul3A_297, %add3A_298 : i32
        %swap3A_300 = arith.index_cast %add3A_299 : i32 to index
        %swap3A_301 = tpu.vector_load %arg7[%swap3A_300] {strides = array<i32>} : memref<4096xf32, #tpu.memory_space<vmem>>, vector<16xf32>,
        tpu.vector_store %arg7[%swap3A_300], %gather3A_295 {strides = array<i32>} : memref<4096xf32, #tpu.memory_space<vmem>>, vector<16xf32>,
        %add3A_302 = arith.constant 48 : i32
        %add3A_303 = vector.broadcast %add3A_302 : i32 to vector<16xi32>
        %add3A_304 = arith.addi %iota3A, %add3A_303 : vector<16xi32>
        %gather3A_305 = tpu.vector_load_idx %run_scoped3A_9[%add3A_304, %broadcast_in_dim3A_272] : memref<64x64xf32, #tpu.memory_space<vmem>>[vector<16xi32>, vector<16xi32>], vector<16xf32>,
        %mul3A_306 = arith.constant 64 : i32
        %mul3A_307 = arith.muli %rem3A_271, %mul3A_306 : i32
        %add3A_308 = arith.constant 48 : i32
        %add3A_309 = arith.addi %mul3A_307, %add3A_308 : i32
        %swap3A_310 = arith.index_cast %add3A_309 : i32 to index
        %swap3A_311 = tpu.vector_load %arg7[%swap3A_310] {strides = array<i32>} : memref<4096xf32, #tpu.memory_space<vmem>>, vector<16xf32>,
        tpu.vector_store %arg7[%swap3A_310], %gather3A_305 {strides = array<i32>} : memref<4096xf32, #tpu.memory_space<vmem>>, vector<16xf32>,
        %shift_right_arithmetic3A_312 = arith.constant 14 : i32
        %shift_right_arithmetic3A_313 = arith.shrsi %squeeze3A_266, %shift_right_arithmetic3A_312 : i32
        %and3A_314 = arith.constant 1 : i32
        %and3A_315 = arith.andi %shift_right_arithmetic3A_313, %and3A_314 : i32
        %mul3A_316 = arith.constant 16384 : i32
        %mul3A_317 = arith.muli %and3A_315, %mul3A_316 : i32
        %and3A_318 = arith.constant 16383 : i32
        %and3A_319 = arith.andi %squeeze3A_266, %and3A_318 : i32
        %add3A_320 = arith.addi %mul3A_317, %and3A_319 : i32
        %mul3A_321 = arith.constant 64 : i32
        %mul3A_322 = arith.muli %rem3A_271, %mul3A_321 : i32
        %mul3A_323 = arith.constant 64 : i32
        %mul3A_324 = arith.muli %add3A_320, %mul3A_323 : i32
        %dma_start3A_325 = tpu.memref_slice %arg7[%mul3A_322] : memref<4096xf32, #tpu.memory_space<vmem>> -> memref<64xf32, #tpu.memory_space<vmem>>
        %dma_start3A_326 = tpu.memref_slice %arg6[%mul3A_324] : memref<2097152xf32, #tpu.memory_space<hbm>> -> memref<64xf32, #tpu.memory_space<hbm>>
        %dma_start3A_327 = tpu.memref_slice %arg6[%mul3A_324] : memref<2097152xf32, #tpu.memory_space<hbm>> -> memref<64xf32, #tpu.memory_space<hbm>>
        %dma_start3A_328 = tpu.memref_slice %arg7[%mul3A_322] : memref<4096xf32, #tpu.memory_space<vmem>> -> memref<64xf32, #tpu.memory_space<vmem>>
        tpu.enqueue_dma source(%dma_start3A_328 : memref<64xf32, #tpu.memory_space<vmem>>) target(%dma_start3A_327 : memref<64xf32, #tpu.memory_space<hbm>>) target_semaphore(%arg8 : memref<!tpu.dma_semaphore, #tpu.memory_space<semaphore_mem>>)
        %add3A_329 = arith.constant 1 : i32
        %add3A_330 = arith.addi %while3A_259, %add3A_329 : i32
        %sub3A_331 = arith.subi %add3A_330, %while3A_260 : i32
        %sub3A_332 = arith.constant 48 : i32
        %sub3A_333 = arith.subi %sub3A_331, %sub3A_332 : i32
        %max3A = arith.constant 0 : i32
        %max3A_334 = arith.maxsi %sub3A_333, %max3A : i32
        %sub3A_335 = arith.constant 0 : i32
        %sub3A_336 = arith.subi %max3A_334, %sub3A_335 : i32
        %sub3A_337 = arith.constant 1 : i32
        %sub3A_338 = arith.constant 1 : i32
        %sub3A_339 = arith.subi %sub3A_337, %sub3A_338 : i32
        %add3A_340 = arith.addi %sub3A_336, %sub3A_339 : i32
        %div3A_341 = arith.constant 1 : i32
        %div3A_342 = arith.divsi %add3A_340, %div3A_341 : i32
        %while3A_343 = arith.constant 1 : i32
        %while3A_344 = arith.constant 0 : i32
        %while3A_345 = arith.constant 0 : i32
        %while3A_346 = arith.subi %div3A_342, %while3A_345 : i32
        %while3A_347 = arith.addi %while3A_345, %while3A_346 : i32
        %while3A_348 = arith.constant 1 : i32
        %while3A_349 = arith.divsi %while3A_346, %while3A_348 : i32
        %while3A_350 = arith.muli %while3A_349, %while3A_348 : i32
        %while3A_351 = arith.addi %while3A_345, %while3A_350 : i32
        %while3A_352 = arith.constant 1 : i32
        scf.for %while3A_355 = %while3A_345 to %while3A_351 step %while3A_352  : i32 {
          %mul3A_356 = arith.muli %while3A_355, %while3A_343 : i32
          %add3A_357 = arith.addi %while3A_344, %mul3A_356 : i32
          %dma_wait3A_358 = arith.constant 0 : i32
          %dma_wait3A_359 = tpu.memref_slice %arg7[%dma_wait3A_358] : memref<4096xf32, #tpu.memory_space<vmem>> -> memref<64xf32, #tpu.memory_space<vmem>>
          %dma_wait3A_360 = arith.constant 0 : i32
          %dma_wait3A_361 = tpu.memref_slice %arg6[%dma_wait3A_360] : memref<2097152xf32, #tpu.memory_space<hbm>> -> memref<64xf32, #tpu.memory_space<hbm>>
          %dma_wait3A_362 = arith.constant 0 : i32
          %dma_wait3A_363 = tpu.memref_slice %arg6[%dma_wait3A_362] : memref<2097152xf32, #tpu.memory_space<hbm>> -> memref<64xf32, #tpu.memory_space<hbm>>
          %dma_wait3A_364 = arith.constant 0 : i32
          %dma_wait3A_365 = tpu.memref_slice %arg7[%dma_wait3A_364] : memref<4096xf32, #tpu.memory_space<vmem>> -> memref<64xf32, #tpu.memory_space<vmem>>
          tpu.wait_dma2 semaphore(%arg8 : memref<!tpu.dma_semaphore, #tpu.memory_space<semaphore_mem>>) src(%dma_wait3A_365 : memref<64xf32, #tpu.memory_space<vmem>>) dst(%dma_wait3A_363 : memref<64xf32, #tpu.memory_space<hbm>>)
        }
        %while3A_353 = arith.constant 1 : i32
        scf.for %while3A_355 = %while3A_351 to %while3A_347 step %while3A_353  : i32 {
          %mul3A_356 = arith.muli %while3A_355, %while3A_343 : i32
          %add3A_357 = arith.addi %while3A_344, %mul3A_356 : i32
          %dma_wait3A_358 = arith.constant 0 : i32
          %dma_wait3A_359 = tpu.memref_slice %arg7[%dma_wait3A_358] : memref<4096xf32, #tpu.memory_space<vmem>> -> memref<64xf32, #tpu.memory_space<vmem>>
          %dma_wait3A_360 = arith.constant 0 : i32
          %dma_wait3A_361 = tpu.memref_slice %arg6[%dma_wait3A_360] : memref<2097152xf32, #tpu.memory_space<hbm>> -> memref<64xf32, #tpu.memory_space<hbm>>
          %dma_wait3A_362 = arith.constant 0 : i32
          %dma_wait3A_363 = tpu.memref_slice %arg6[%dma_wait3A_362] : memref<2097152xf32, #tpu.memory_space<hbm>> -> memref<64xf32, #tpu.memory_space<hbm>>
          %dma_wait3A_364 = arith.constant 0 : i32
          %dma_wait3A_365 = tpu.memref_slice %arg7[%dma_wait3A_364] : memref<4096xf32, #tpu.memory_space<vmem>> -> memref<64xf32, #tpu.memory_space<vmem>>
          tpu.wait_dma2 semaphore(%arg8 : memref<!tpu.dma_semaphore, #tpu.memory_space<semaphore_mem>>) src(%dma_wait3A_365 : memref<64xf32, #tpu.memory_space<vmem>>) dst(%dma_wait3A_363 : memref<64xf32, #tpu.memory_space<hbm>>)
        }
        %add3A_354 = arith.addi %while3A_260, %max3A_334 : i32
        scf.yield %add3A_330, %add3A_354 : i32, i32
      }
      %while3A_236 = arith.constant 1 : i32
      %while3A_237:2 = scf.for %while3A_258 = %while3A_233 to %while3A_229 step %while3A_236 iter_args(%while3A_259 = %while3A_235#0, %while3A_260 = %while3A_235#1) -> (i32, i32)  : i32 {
        %mul3A_261 = arith.muli %while3A_258, %while3A_226 : i32
        %add3A_262 = arith.addi %squeeze3A_214, %mul3A_261 : i32
        %get3A_263 = arith.index_cast %add3A_262 : i32 to index
        %get3A_264 = tpu.vector_load %run_scoped3A[%get3A_263] {strides = array<i32>} : memref<32784xi32, #tpu.memory_space<vmem>>, vector<16xi32>,
        %slice3A_265 = vector.extract_strided_slice %get3A_264 {offsets = [0], sizes = [1], strides = [1]} : vector<16xi32> to vector<1xi32>
        %squeeze3A_266 = vector.extract %slice3A_265[0] : i32 from vector<1xi32>
        %shift_right_arithmetic3A = arith.constant 15 : i32
        %shift_right_arithmetic3A_267 = arith.shrsi %squeeze3A_266, %shift_right_arithmetic3A : i32
        %sub3A_268 = arith.constant 31744 : i32
        %sub3A_269 = arith.subi %shift_right_arithmetic3A_267, %sub3A_268 : i32
        %rem3A_270 = arith.constant 64 : i32
        %rem3A_271 = arith.remsi %while3A_259, %rem3A_270 : i32
        %broadcast_in_dim3A_272 = vector.broadcast %sub3A_269 : i32 to vector<16xi32>
        %add3A_273 = arith.constant 0 : i32
        %add3A_274 = vector.broadcast %add3A_273 : i32 to vector<16xi32>
        %add3A_275 = arith.addi %iota3A, %add3A_274 : vector<16xi32>
        %gather3A = tpu.vector_load_idx %run_scoped3A_9[%add3A_275, %broadcast_in_dim3A_272] : memref<64x64xf32, #tpu.memory_space<vmem>>[vector<16xi32>, vector<16xi32>], vector<16xf32>,
        %mul3A_276 = arith.constant 64 : i32
        %mul3A_277 = arith.muli %rem3A_271, %mul3A_276 : i32
        %add3A_278 = arith.constant 0 : i32
        %add3A_279 = arith.addi %mul3A_277, %add3A_278 : i32
        %swap3A_280 = arith.index_cast %add3A_279 : i32 to index
        %swap3A_281 = tpu.vector_load %arg7[%swap3A_280] {strides = array<i32>} : memref<4096xf32, #tpu.memory_space<vmem>>, vector<16xf32>,
        tpu.vector_store %arg7[%swap3A_280], %gather3A {strides = array<i32>} : memref<4096xf32, #tpu.memory_space<vmem>>, vector<16xf32>,
        %add3A_282 = arith.constant 16 : i32
        %add3A_283 = vector.broadcast %add3A_282 : i32 to vector<16xi32>
        %add3A_284 = arith.addi %iota3A, %add3A_283 : vector<16xi32>
        %gather3A_285 = tpu.vector_load_idx %run_scoped3A_9[%add3A_284, %broadcast_in_dim3A_272] : memref<64x64xf32, #tpu.memory_space<vmem>>[vector<16xi32>, vector<16xi32>], vector<16xf32>,
        %mul3A_286 = arith.constant 64 : i32
        %mul3A_287 = arith.muli %rem3A_271, %mul3A_286 : i32
        %add3A_288 = arith.constant 16 : i32
        %add3A_289 = arith.addi %mul3A_287, %add3A_288 : i32
        %swap3A_290 = arith.index_cast %add3A_289 : i32 to index
        %swap3A_291 = tpu.vector_load %arg7[%swap3A_290] {strides = array<i32>} : memref<4096xf32, #tpu.memory_space<vmem>>, vector<16xf32>,
        tpu.vector_store %arg7[%swap3A_290], %gather3A_285 {strides = array<i32>} : memref<4096xf32, #tpu.memory_space<vmem>>, vector<16xf32>,
        %add3A_292 = arith.constant 32 : i32
        %add3A_293 = vector.broadcast %add3A_292 : i32 to vector<16xi32>
        %add3A_294 = arith.addi %iota3A, %add3A_293 : vector<16xi32>
        %gather3A_295 = tpu.vector_load_idx %run_scoped3A_9[%add3A_294, %broadcast_in_dim3A_272] : memref<64x64xf32, #tpu.memory_space<vmem>>[vector<16xi32>, vector<16xi32>], vector<16xf32>,
        %mul3A_296 = arith.constant 64 : i32
        %mul3A_297 = arith.muli %rem3A_271, %mul3A_296 : i32
        %add3A_298 = arith.constant 32 : i32
        %add3A_299 = arith.addi %mul3A_297, %add3A_298 : i32
        %swap3A_300 = arith.index_cast %add3A_299 : i32 to index
        %swap3A_301 = tpu.vector_load %arg7[%swap3A_300] {strides = array<i32>} : memref<4096xf32, #tpu.memory_space<vmem>>, vector<16xf32>,
        tpu.vector_store %arg7[%swap3A_300], %gather3A_295 {strides = array<i32>} : memref<4096xf32, #tpu.memory_space<vmem>>, vector<16xf32>,
        %add3A_302 = arith.constant 48 : i32
        %add3A_303 = vector.broadcast %add3A_302 : i32 to vector<16xi32>
        %add3A_304 = arith.addi %iota3A, %add3A_303 : vector<16xi32>
        %gather3A_305 = tpu.vector_load_idx %run_scoped3A_9[%add3A_304, %broadcast_in_dim3A_272] : memref<64x64xf32, #tpu.memory_space<vmem>>[vector<16xi32>, vector<16xi32>], vector<16xf32>,
        %mul3A_306 = arith.constant 64 : i32
        %mul3A_307 = arith.muli %rem3A_271, %mul3A_306 : i32
        %add3A_308 = arith.constant 48 : i32
        %add3A_309 = arith.addi %mul3A_307, %add3A_308 : i32
        %swap3A_310 = arith.index_cast %add3A_309 : i32 to index
        %swap3A_311 = tpu.vector_load %arg7[%swap3A_310] {strides = array<i32>} : memref<4096xf32, #tpu.memory_space<vmem>>, vector<16xf32>,
        tpu.vector_store %arg7[%swap3A_310], %gather3A_305 {strides = array<i32>} : memref<4096xf32, #tpu.memory_space<vmem>>, vector<16xf32>,
        %shift_right_arithmetic3A_312 = arith.constant 14 : i32
        %shift_right_arithmetic3A_313 = arith.shrsi %squeeze3A_266, %shift_right_arithmetic3A_312 : i32
        %and3A_314 = arith.constant 1 : i32
        %and3A_315 = arith.andi %shift_right_arithmetic3A_313, %and3A_314 : i32
        %mul3A_316 = arith.constant 16384 : i32
        %mul3A_317 = arith.muli %and3A_315, %mul3A_316 : i32
        %and3A_318 = arith.constant 16383 : i32
        %and3A_319 = arith.andi %squeeze3A_266, %and3A_318 : i32
        %add3A_320 = arith.addi %mul3A_317, %and3A_319 : i32
        %mul3A_321 = arith.constant 64 : i32
        %mul3A_322 = arith.muli %rem3A_271, %mul3A_321 : i32
        %mul3A_323 = arith.constant 64 : i32
        %mul3A_324 = arith.muli %add3A_320, %mul3A_323 : i32
        %dma_start3A_325 = tpu.memref_slice %arg7[%mul3A_322] : memref<4096xf32, #tpu.memory_space<vmem>> -> memref<64xf32, #tpu.memory_space<vmem>>
        %dma_start3A_326 = tpu.memref_slice %arg6[%mul3A_324] : memref<2097152xf32, #tpu.memory_space<hbm>> -> memref<64xf32, #tpu.memory_space<hbm>>
        %dma_start3A_327 = tpu.memref_slice %arg6[%mul3A_324] : memref<2097152xf32, #tpu.memory_space<hbm>> -> memref<64xf32, #tpu.memory_space<hbm>>
        %dma_start3A_328 = tpu.memref_slice %arg7[%mul3A_322] : memref<4096xf32, #tpu.memory_space<vmem>> -> memref<64xf32, #tpu.memory_space<vmem>>
        tpu.enqueue_dma source(%dma_start3A_328 : memref<64xf32, #tpu.memory_space<vmem>>) target(%dma_start3A_327 : memref<64xf32, #tpu.memory_space<hbm>>) target_semaphore(%arg8 : memref<!tpu.dma_semaphore, #tpu.memory_space<semaphore_mem>>)
        %add3A_329 = arith.constant 1 : i32
        %add3A_330 = arith.addi %while3A_259, %add3A_329 : i32
        %sub3A_331 = arith.subi %add3A_330, %while3A_260 : i32
        %sub3A_332 = arith.constant 48 : i32
        %sub3A_333 = arith.subi %sub3A_331, %sub3A_332 : i32
        %max3A = arith.constant 0 : i32
        %max3A_334 = arith.maxsi %sub3A_333, %max3A : i32
        %sub3A_335 = arith.constant 0 : i32
        %sub3A_336 = arith.subi %max3A_334, %sub3A_335 : i32
        %sub3A_337 = arith.constant 1 : i32
        %sub3A_338 = arith.constant 1 : i32
        %sub3A_339 = arith.subi %sub3A_337, %sub3A_338 : i32
        %add3A_340 = arith.addi %sub3A_336, %sub3A_339 : i32
        %div3A_341 = arith.constant 1 : i32
        %div3A_342 = arith.divsi %add3A_340, %div3A_341 : i32
        %while3A_343 = arith.constant 1 : i32
        %while3A_344 = arith.constant 0 : i32
        %while3A_345 = arith.constant 0 : i32
        %while3A_346 = arith.subi %div3A_342, %while3A_345 : i32
        %while3A_347 = arith.addi %while3A_345, %while3A_346 : i32
        %while3A_348 = arith.constant 1 : i32
        %while3A_349 = arith.divsi %while3A_346, %while3A_348 : i32
        %while3A_350 = arith.muli %while3A_349, %while3A_348 : i32
        %while3A_351 = arith.addi %while3A_345, %while3A_350 : i32
        %while3A_352 = arith.constant 1 : i32
        scf.for %while3A_355 = %while3A_345 to %while3A_351 step %while3A_352  : i32 {
          %mul3A_356 = arith.muli %while3A_355, %while3A_343 : i32
          %add3A_357 = arith.addi %while3A_344, %mul3A_356 : i32
          %dma_wait3A_358 = arith.constant 0 : i32
          %dma_wait3A_359 = tpu.memref_slice %arg7[%dma_wait3A_358] : memref<4096xf32, #tpu.memory_space<vmem>> -> memref<64xf32, #tpu.memory_space<vmem>>
          %dma_wait3A_360 = arith.constant 0 : i32
          %dma_wait3A_361 = tpu.memref_slice %arg6[%dma_wait3A_360] : memref<2097152xf32, #tpu.memory_space<hbm>> -> memref<64xf32, #tpu.memory_space<hbm>>
          %dma_wait3A_362 = arith.constant 0 : i32
          %dma_wait3A_363 = tpu.memref_slice %arg6[%dma_wait3A_362] : memref<2097152xf32, #tpu.memory_space<hbm>> -> memref<64xf32, #tpu.memory_space<hbm>>
          %dma_wait3A_364 = arith.constant 0 : i32
          %dma_wait3A_365 = tpu.memref_slice %arg7[%dma_wait3A_364] : memref<4096xf32, #tpu.memory_space<vmem>> -> memref<64xf32, #tpu.memory_space<vmem>>
          tpu.wait_dma2 semaphore(%arg8 : memref<!tpu.dma_semaphore, #tpu.memory_space<semaphore_mem>>) src(%dma_wait3A_365 : memref<64xf32, #tpu.memory_space<vmem>>) dst(%dma_wait3A_363 : memref<64xf32, #tpu.memory_space<hbm>>)
        }
        %while3A_353 = arith.constant 1 : i32
        scf.for %while3A_355 = %while3A_351 to %while3A_347 step %while3A_353  : i32 {
          %mul3A_356 = arith.muli %while3A_355, %while3A_343 : i32
          %add3A_357 = arith.addi %while3A_344, %mul3A_356 : i32
          %dma_wait3A_358 = arith.constant 0 : i32
          %dma_wait3A_359 = tpu.memref_slice %arg7[%dma_wait3A_358] : memref<4096xf32, #tpu.memory_space<vmem>> -> memref<64xf32, #tpu.memory_space<vmem>>
          %dma_wait3A_360 = arith.constant 0 : i32
          %dma_wait3A_361 = tpu.memref_slice %arg6[%dma_wait3A_360] : memref<2097152xf32, #tpu.memory_space<hbm>> -> memref<64xf32, #tpu.memory_space<hbm>>
          %dma_wait3A_362 = arith.constant 0 : i32
          %dma_wait3A_363 = tpu.memref_slice %arg6[%dma_wait3A_362] : memref<2097152xf32, #tpu.memory_space<hbm>> -> memref<64xf32, #tpu.memory_space<hbm>>
          %dma_wait3A_364 = arith.constant 0 : i32
          %dma_wait3A_365 = tpu.memref_slice %arg7[%dma_wait3A_364] : memref<4096xf32, #tpu.memory_space<vmem>> -> memref<64xf32, #tpu.memory_space<vmem>>
          tpu.wait_dma2 semaphore(%arg8 : memref<!tpu.dma_semaphore, #tpu.memory_space<semaphore_mem>>) src(%dma_wait3A_365 : memref<64xf32, #tpu.memory_space<vmem>>) dst(%dma_wait3A_363 : memref<64xf32, #tpu.memory_space<hbm>>)
        }
        %add3A_354 = arith.addi %while3A_260, %max3A_334 : i32
        scf.yield %add3A_330, %add3A_354 : i32, i32
      }
      %sub3A_238 = arith.subi %while3A_237#0, %while3A_237#1 : i32
      %sub3A_239 = arith.constant 0 : i32
      %sub3A_240 = arith.subi %sub3A_238, %sub3A_239 : i32
      %sub3A_241 = arith.constant 1 : i32
      %sub3A_242 = arith.constant 1 : i32
      %sub3A_243 = arith.subi %sub3A_241, %sub3A_242 : i32
      %add3A_244 = arith.addi %sub3A_240, %sub3A_243 : i32
      %div3A_245 = arith.constant 1 : i32
      %div3A_246 = arith.divsi %add3A_244, %div3A_245 : i32
      %while3A_247 = arith.constant 1 : i32
      %while3A_248 = arith.constant 0 : i32
      %while3A_249 = arith.constant 0 : i32
      %while3A_250 = arith.subi %div3A_246, %while3A_249 : i32
      %while3A_251 = arith.addi %while3A_249, %while3A_250 : i32
      %while3A_252 = arith.constant 1 : i32
      %while3A_253 = arith.divsi %while3A_250, %while3A_252 : i32
      %while3A_254 = arith.muli %while3A_253, %while3A_252 : i32
      %while3A_255 = arith.addi %while3A_249, %while3A_254 : i32
      %while3A_256 = arith.constant 1 : i32
      scf.for %while3A_258 = %while3A_249 to %while3A_255 step %while3A_256  : i32 {
        %mul3A_259 = arith.muli %while3A_258, %while3A_247 : i32
        %add3A_260 = arith.addi %while3A_248, %mul3A_259 : i32
        %dma_wait3A_261 = arith.constant 0 : i32
        %dma_wait3A_262 = tpu.memref_slice %arg7[%dma_wait3A_261] : memref<4096xf32, #tpu.memory_space<vmem>> -> memref<64xf32, #tpu.memory_space<vmem>>
        %dma_wait3A_263 = arith.constant 0 : i32
        %dma_wait3A_264 = tpu.memref_slice %arg6[%dma_wait3A_263] : memref<2097152xf32, #tpu.memory_space<hbm>> -> memref<64xf32, #tpu.memory_space<hbm>>
        %dma_wait3A_265 = arith.constant 0 : i32
        %dma_wait3A_266 = tpu.memref_slice %arg6[%dma_wait3A_265] : memref<2097152xf32, #tpu.memory_space<hbm>> -> memref<64xf32, #tpu.memory_space<hbm>>
        %dma_wait3A_267 = arith.constant 0 : i32
        %dma_wait3A_268 = tpu.memref_slice %arg7[%dma_wait3A_267] : memref<4096xf32, #tpu.memory_space<vmem>> -> memref<64xf32, #tpu.memory_space<vmem>>
        tpu.wait_dma2 semaphore(%arg8 : memref<!tpu.dma_semaphore, #tpu.memory_space<semaphore_mem>>) src(%dma_wait3A_268 : memref<64xf32, #tpu.memory_space<vmem>>) dst(%dma_wait3A_266 : memref<64xf32, #tpu.memory_space<hbm>>)
      }
      %while3A_257 = arith.constant 1 : i32
      scf.for %while3A_258 = %while3A_255 to %while3A_251 step %while3A_257  : i32 {
        %mul3A_259 = arith.muli %while3A_258, %while3A_247 : i32
        %add3A_260 = arith.addi %while3A_248, %mul3A_259 : i32
        %dma_wait3A_261 = arith.constant 0 : i32
        %dma_wait3A_262 = tpu.memref_slice %arg7[%dma_wait3A_261] : memref<4096xf32, #tpu.memory_space<vmem>> -> memref<64xf32, #tpu.memory_space<vmem>>
        %dma_wait3A_263 = arith.constant 0 : i32
        %dma_wait3A_264 = tpu.memref_slice %arg6[%dma_wait3A_263] : memref<2097152xf32, #tpu.memory_space<hbm>> -> memref<64xf32, #tpu.memory_space<hbm>>
        %dma_wait3A_265 = arith.constant 0 : i32
        %dma_wait3A_266 = tpu.memref_slice %arg6[%dma_wait3A_265] : memref<2097152xf32, #tpu.memory_space<hbm>> -> memref<64xf32, #tpu.memory_space<hbm>>
        %dma_wait3A_267 = arith.constant 0 : i32
        %dma_wait3A_268 = tpu.memref_slice %arg7[%dma_wait3A_267] : memref<4096xf32, #tpu.memory_space<vmem>> -> memref<64xf32, #tpu.memory_space<vmem>>
        tpu.wait_dma2 semaphore(%arg8 : memref<!tpu.dma_semaphore, #tpu.memory_space<semaphore_mem>>) src(%dma_wait3A_268 : memref<64xf32, #tpu.memory_space<vmem>>) dst(%dma_wait3A_266 : memref<64xf32, #tpu.memory_space<hbm>>)
      }
      tpu.yield
    }) : () -> ()
    return
  }
}

#map = affine_map<(d0, d1) -> (0)>
#map1 = affine_map<(d0, d1) -> (0, 0)>
module attributes {stable_mosaic.version = 14 : i64} {
  func.func @_score_body(%arg0: i32, %arg1: i32, %arg2: memref<2097152xf32, #tpu.memory_space<hbm>>, %arg3: memref<64x1000xf32, #tpu.memory_space<hbm>>, %arg4: memref<16384xi32, #tpu.memory_space<hbm>>, %arg5: memref<16384xf32, #tpu.memory_space<hbm>>, %arg6: memref<4096xf32, #tpu.memory_space<vmem>>, %arg7: memref<!tpu.dma_semaphore, #tpu.memory_space<semaphore_mem>>, %arg8: memref<!tpu.dma_semaphore, #tpu.memory_space<semaphore_mem>>) attributes {dimension_semantics = [#tpu.dimension_semantics<core_parallel>, #tpu.dimension_semantics<subcore_parallel>], iteration_bounds = array<i64: 2, 16>, scalar_prefetch = 0 : i64, scratch_operands = 3 : i64, tpu.core_type = #tpu.core_type<sc_vector_subcore>, window_params = [{transform_indices = #map}, {transform_indices = #map1}, {transform_indices = #map}, {transform_indices = #map}]} {
    %mul3A = arith.constant 2 : i32
    %mul3A_0 = arith.muli %arg1, %mul3A : i32
    %add3A = arith.addi %mul3A_0, %arg0 : i32
    %mul3A_1 = arith.constant 512 : i32
    %mul3A_2 = arith.muli %add3A, %mul3A_1 : i32
    %iota3A = tpu.iota {dimensions = array<i32: 0>} : vector<16xi32>
    "tpu.region"() ({
      %run_scoped3A = memref.alloca() : memref<32768xf32, #tpu.memory_space<vmem>>
      "tpu.region"() ({
        %run_scoped3A_3 = memref.alloca() : memref<64x1000xf32, #tpu.memory_space<vmem>>
        %run_scoped3A_4 = memref.alloca() : memref<528xi32, #tpu.memory_space<vmem>>
        "tpu.region"() ({
          %run_scoped3A_9 = tpu.sem_alloc : memref<!tpu.dma_semaphore, #tpu.memory_space<semaphore_mem>>
          tpu.enqueue_dma source(%arg3 : memref<64x1000xf32, #tpu.memory_space<hbm>>) target(%run_scoped3A_3 : memref<64x1000xf32, #tpu.memory_space<vmem>>) target_semaphore(%run_scoped3A_9 : memref<!tpu.dma_semaphore, #tpu.memory_space<semaphore_mem>>)
          tpu.wait_dma2 semaphore(%run_scoped3A_9 : memref<!tpu.dma_semaphore, #tpu.memory_space<semaphore_mem>>) src(%arg3 : memref<64x1000xf32, #tpu.memory_space<hbm>>) dst(%run_scoped3A_3 : memref<64x1000xf32, #tpu.memory_space<vmem>>)
          tpu.yield
        }) : () -> ()
        "tpu.region"() ({
          %run_scoped3A_9 = tpu.sem_alloc : memref<!tpu.dma_semaphore, #tpu.memory_space<semaphore_mem>>
          %dma_start3A = arith.constant 0 : i32
          %dma_start3A_10 = tpu.memref_slice %run_scoped3A_4[%dma_start3A] : memref<528xi32, #tpu.memory_space<vmem>> -> memref<512xi32, #tpu.memory_space<vmem>>
          %dma_start3A_11 = tpu.memref_slice %arg4[%mul3A_2] : memref<16384xi32, #tpu.memory_space<hbm>> -> memref<512xi32, #tpu.memory_space<hbm>>
          %dma_start3A_12 = arith.constant 0 : i32
          %dma_start3A_13 = tpu.memref_slice %run_scoped3A_4[%dma_start3A_12] : memref<528xi32, #tpu.memory_space<vmem>> -> memref<512xi32, #tpu.memory_space<vmem>>
          %dma_start3A_14 = tpu.memref_slice %arg4[%mul3A_2] : memref<16384xi32, #tpu.memory_space<hbm>> -> memref<512xi32, #tpu.memory_space<hbm>>
          tpu.enqueue_dma source(%dma_start3A_14 : memref<512xi32, #tpu.memory_space<hbm>>) target(%dma_start3A_13 : memref<512xi32, #tpu.memory_space<vmem>>) target_semaphore(%run_scoped3A_9 : memref<!tpu.dma_semaphore, #tpu.memory_space<semaphore_mem>>)
          %dma_wait3A = arith.constant 0 : i32
          %dma_wait3A_15 = tpu.memref_slice %run_scoped3A_4[%dma_wait3A] : memref<528xi32, #tpu.memory_space<vmem>> -> memref<512xi32, #tpu.memory_space<vmem>>
          %dma_wait3A_16 = tpu.memref_slice %arg4[%mul3A_2] : memref<16384xi32, #tpu.memory_space<hbm>> -> memref<512xi32, #tpu.memory_space<hbm>>
          %dma_wait3A_17 = arith.constant 0 : i32
          %dma_wait3A_18 = tpu.memref_slice %run_scoped3A_4[%dma_wait3A_17] : memref<528xi32, #tpu.memory_space<vmem>> -> memref<512xi32, #tpu.memory_space<vmem>>
          %dma_wait3A_19 = tpu.memref_slice %arg4[%mul3A_2] : memref<16384xi32, #tpu.memory_space<hbm>> -> memref<512xi32, #tpu.memory_space<hbm>>
          tpu.wait_dma2 semaphore(%run_scoped3A_9 : memref<!tpu.dma_semaphore, #tpu.memory_space<semaphore_mem>>) src(%dma_wait3A_19 : memref<512xi32, #tpu.memory_space<hbm>>) dst(%dma_wait3A_18 : memref<512xi32, #tpu.memory_space<vmem>>)
          tpu.yield
        }) : () -> ()
        %scan3A = arith.constant 0 : i32
        %scan3A_5 = arith.constant 512 : i32
        %scan3A_6 = arith.addi %scan3A, %scan3A_5 : i32
        %scan3A_7 = arith.constant 2 : i32
        scf.for %scan3A_9 = %scan3A to %scan3A_6 step %scan3A_7  : i32 {
          %mul3A_10 = arith.constant 1 : i32
          %mul3A_11 = arith.muli %scan3A_9, %mul3A_10 : i32
          %add3A_12 = arith.constant 0 : i32
          %add3A_13 = arith.addi %add3A_12, %mul3A_11 : i32
          %get3A = arith.index_cast %add3A_13 : i32 to index
          %get3A_14 = tpu.vector_load %run_scoped3A_4[%get3A] {strides = array<i32>} : memref<528xi32, #tpu.memory_space<vmem>>, vector<16xi32>,
          %slice3A = vector.extract_strided_slice %get3A_14 {offsets = [0], sizes = [1], strides = [1]} : vector<16xi32> to vector<1xi32>
          %squeeze3A = vector.extract %slice3A[0] : i32 from vector<1xi32>
          %broadcast_in_dim3A = vector.broadcast %squeeze3A : i32 to vector<16xi32>
          %add3A_15 = arith.constant 0 : i32
          %add3A_16 = vector.broadcast %add3A_15 : i32 to vector<16xi32>
          %add3A_17 = arith.addi %iota3A, %add3A_16 : vector<16xi32>
          %gather3A = tpu.vector_load_idx %run_scoped3A_3[%add3A_17, %broadcast_in_dim3A] : memref<64x1000xf32, #tpu.memory_space<vmem>>[vector<16xi32>, vector<16xi32>], vector<16xf32>,
          %mul3A_18 = arith.constant 64 : i32
          %mul3A_19 = arith.muli %add3A_13, %mul3A_18 : i32
          %add3A_20 = arith.constant 0 : i32
          %add3A_21 = arith.addi %mul3A_19, %add3A_20 : i32
          %swap3A = arith.index_cast %add3A_21 : i32 to index
          %swap3A_22 = tpu.vector_load %run_scoped3A[%swap3A] {strides = array<i32>} : memref<32768xf32, #tpu.memory_space<vmem>>, vector<16xf32>,
          tpu.vector_store %run_scoped3A[%swap3A], %gather3A {strides = array<i32>} : memref<32768xf32, #tpu.memory_space<vmem>>, vector<16xf32>,
          %add3A_23 = arith.constant 16 : i32
          %add3A_24 = vector.broadcast %add3A_23 : i32 to vector<16xi32>
          %add3A_25 = arith.addi %iota3A, %add3A_24 : vector<16xi32>
          %gather3A_26 = tpu.vector_load_idx %run_scoped3A_3[%add3A_25, %broadcast_in_dim3A] : memref<64x1000xf32, #tpu.memory_space<vmem>>[vector<16xi32>, vector<16xi32>], vector<16xf32>,
          %mul3A_27 = arith.constant 64 : i32
          %mul3A_28 = arith.muli %add3A_13, %mul3A_27 : i32
          %add3A_29 = arith.constant 16 : i32
          %add3A_30 = arith.addi %mul3A_28, %add3A_29 : i32
          %swap3A_31 = arith.index_cast %add3A_30 : i32 to index
          %swap3A_32 = tpu.vector_load %run_scoped3A[%swap3A_31] {strides = array<i32>} : memref<32768xf32, #tpu.memory_space<vmem>>, vector<16xf32>,
          tpu.vector_store %run_scoped3A[%swap3A_31], %gather3A_26 {strides = array<i32>} : memref<32768xf32, #tpu.memory_space<vmem>>, vector<16xf32>,
          %add3A_33 = arith.constant 32 : i32
          %add3A_34 = vector.broadcast %add3A_33 : i32 to vector<16xi32>
          %add3A_35 = arith.addi %iota3A, %add3A_34 : vector<16xi32>
          %gather3A_36 = tpu.vector_load_idx %run_scoped3A_3[%add3A_35, %broadcast_in_dim3A] : memref<64x1000xf32, #tpu.memory_space<vmem>>[vector<16xi32>, vector<16xi32>], vector<16xf32>,
          %mul3A_37 = arith.constant 64 : i32
          %mul3A_38 = arith.muli %add3A_13, %mul3A_37 : i32
          %add3A_39 = arith.constant 32 : i32
          %add3A_40 = arith.addi %mul3A_38, %add3A_39 : i32
          %swap3A_41 = arith.index_cast %add3A_40 : i32 to index
          %swap3A_42 = tpu.vector_load %run_scoped3A[%swap3A_41] {strides = array<i32>} : memref<32768xf32, #tpu.memory_space<vmem>>, vector<16xf32>,
          tpu.vector_store %run_scoped3A[%swap3A_41], %gather3A_36 {strides = array<i32>} : memref<32768xf32, #tpu.memory_space<vmem>>, vector<16xf32>,
          %add3A_43 = arith.constant 48 : i32
          %add3A_44 = vector.broadcast %add3A_43 : i32 to vector<16xi32>
          %add3A_45 = arith.addi %iota3A, %add3A_44 : vector<16xi32>
          %gather3A_46 = tpu.vector_load_idx %run_scoped3A_3[%add3A_45, %broadcast_in_dim3A] : memref<64x1000xf32, #tpu.memory_space<vmem>>[vector<16xi32>, vector<16xi32>], vector<16xf32>,
          %mul3A_47 = arith.constant 64 : i32
          %mul3A_48 = arith.muli %add3A_13, %mul3A_47 : i32
          %add3A_49 = arith.constant 48 : i32
          %add3A_50 = arith.addi %mul3A_48, %add3A_49 : i32
          %swap3A_51 = arith.index_cast %add3A_50 : i32 to index
          %swap3A_52 = tpu.vector_load %run_scoped3A[%swap3A_51] {strides = array<i32>} : memref<32768xf32, #tpu.memory_space<vmem>>, vector<16xf32>,
          tpu.vector_store %run_scoped3A[%swap3A_51], %gather3A_46 {strides = array<i32>} : memref<32768xf32, #tpu.memory_space<vmem>>, vector<16xf32>,
          %scan3A_53 = arith.constant 1 : i32
          %scan3A_54 = arith.addi %scan3A_9, %scan3A_53 : i32
          %mul3A_55 = arith.constant 1 : i32
          %mul3A_56 = arith.muli %scan3A_54, %mul3A_55 : i32
          %add3A_57 = arith.constant 0 : i32
          %add3A_58 = arith.addi %add3A_57, %mul3A_56 : i32
          %get3A_59 = arith.index_cast %add3A_58 : i32 to index
          %get3A_60 = tpu.vector_load %run_scoped3A_4[%get3A_59] {strides = array<i32>} : memref<528xi32, #tpu.memory_space<vmem>>, vector<16xi32>,
          %slice3A_61 = vector.extract_strided_slice %get3A_60 {offsets = [0], sizes = [1], strides = [1]} : vector<16xi32> to vector<1xi32>
          %squeeze3A_62 = vector.extract %slice3A_61[0] : i32 from vector<1xi32>
          %broadcast_in_dim3A_63 = vector.broadcast %squeeze3A_62 : i32 to vector<16xi32>
          %add3A_64 = arith.constant 0 : i32
          %add3A_65 = vector.broadcast %add3A_64 : i32 to vector<16xi32>
          %add3A_66 = arith.addi %iota3A, %add3A_65 : vector<16xi32>
          %gather3A_67 = tpu.vector_load_idx %run_scoped3A_3[%add3A_66, %broadcast_in_dim3A_63] : memref<64x1000xf32, #tpu.memory_space<vmem>>[vector<16xi32>, vector<16xi32>], vector<16xf32>,
          %mul3A_68 = arith.constant 64 : i32
          %mul3A_69 = arith.muli %add3A_58, %mul3A_68 : i32
          %add3A_70 = arith.constant 0 : i32
          %add3A_71 = arith.addi %mul3A_69, %add3A_70 : i32
          %swap3A_72 = arith.index_cast %add3A_71 : i32 to index
          %swap3A_73 = tpu.vector_load %run_scoped3A[%swap3A_72] {strides = array<i32>} : memref<32768xf32, #tpu.memory_space<vmem>>, vector<16xf32>,
          tpu.vector_store %run_scoped3A[%swap3A_72], %gather3A_67 {strides = array<i32>} : memref<32768xf32, #tpu.memory_space<vmem>>, vector<16xf32>,
          %add3A_74 = arith.constant 16 : i32
          %add3A_75 = vector.broadcast %add3A_74 : i32 to vector<16xi32>
          %add3A_76 = arith.addi %iota3A, %add3A_75 : vector<16xi32>
          %gather3A_77 = tpu.vector_load_idx %run_scoped3A_3[%add3A_76, %broadcast_in_dim3A_63] : memref<64x1000xf32, #tpu.memory_space<vmem>>[vector<16xi32>, vector<16xi32>], vector<16xf32>,
          %mul3A_78 = arith.constant 64 : i32
          %mul3A_79 = arith.muli %add3A_58, %mul3A_78 : i32
          %add3A_80 = arith.constant 16 : i32
          %add3A_81 = arith.addi %mul3A_79, %add3A_80 : i32
          %swap3A_82 = arith.index_cast %add3A_81 : i32 to index
          %swap3A_83 = tpu.vector_load %run_scoped3A[%swap3A_82] {strides = array<i32>} : memref<32768xf32, #tpu.memory_space<vmem>>, vector<16xf32>,
          tpu.vector_store %run_scoped3A[%swap3A_82], %gather3A_77 {strides = array<i32>} : memref<32768xf32, #tpu.memory_space<vmem>>, vector<16xf32>,
          %add3A_84 = arith.constant 32 : i32
          %add3A_85 = vector.broadcast %add3A_84 : i32 to vector<16xi32>
          %add3A_86 = arith.addi %iota3A, %add3A_85 : vector<16xi32>
          %gather3A_87 = tpu.vector_load_idx %run_scoped3A_3[%add3A_86, %broadcast_in_dim3A_63] : memref<64x1000xf32, #tpu.memory_space<vmem>>[vector<16xi32>, vector<16xi32>], vector<16xf32>,
          %mul3A_88 = arith.constant 64 : i32
          %mul3A_89 = arith.muli %add3A_58, %mul3A_88 : i32
          %add3A_90 = arith.constant 32 : i32
          %add3A_91 = arith.addi %mul3A_89, %add3A_90 : i32
          %swap3A_92 = arith.index_cast %add3A_91 : i32 to index
          %swap3A_93 = tpu.vector_load %run_scoped3A[%swap3A_92] {strides = array<i32>} : memref<32768xf32, #tpu.memory_space<vmem>>, vector<16xf32>,
          tpu.vector_store %run_scoped3A[%swap3A_92], %gather3A_87 {strides = array<i32>} : memref<32768xf32, #tpu.memory_space<vmem>>, vector<16xf32>,
          %add3A_94 = arith.constant 48 : i32
          %add3A_95 = vector.broadcast %add3A_94 : i32 to vector<16xi32>
          %add3A_96 = arith.addi %iota3A, %add3A_95 : vector<16xi32>
          %gather3A_97 = tpu.vector_load_idx %run_scoped3A_3[%add3A_96, %broadcast_in_dim3A_63] : memref<64x1000xf32, #tpu.memory_space<vmem>>[vector<16xi32>, vector<16xi32>], vector<16xf32>,
          %mul3A_98 = arith.constant 64 : i32
          %mul3A_99 = arith.muli %add3A_58, %mul3A_98 : i32
          %add3A_100 = arith.constant 48 : i32
          %add3A_101 = arith.addi %mul3A_99, %add3A_100 : i32
          %swap3A_102 = arith.index_cast %add3A_101 : i32 to index
          %swap3A_103 = tpu.vector_load %run_scoped3A[%swap3A_102] {strides = array<i32>} : memref<32768xf32, #tpu.memory_space<vmem>>, vector<16xf32>,
          tpu.vector_store %run_scoped3A[%swap3A_102], %gather3A_97 {strides = array<i32>} : memref<32768xf32, #tpu.memory_space<vmem>>, vector<16xf32>,
        }
        %scan3A_8 = arith.constant 512 : i32
        tpu.yield
      }) : () -> ()
      "tpu.region"() ({
        %run_scoped3A_3 = memref.alloca() : memref<32768xf32, #tpu.memory_space<vmem>>
        %run_scoped3A_4 = memref.alloca() : memref<32768xf32, #tpu.memory_space<vmem>>
        %run_scoped3A_5 = memref.alloca() : memref<8208xf32, #tpu.memory_space<vmem>>
        %run_scoped3A_6 = memref.alloca() : memref<512xf32, #tpu.memory_space<vmem>>
        %mul3A_7 = arith.constant 64 : i32
        %mul3A_8 = arith.muli %mul3A_2, %mul3A_7 : i32
        "tpu.region"() ({
          %run_scoped3A_22 = tpu.sem_alloc : memref<!tpu.dma_semaphore, #tpu.memory_space<semaphore_mem>>
          %dma_start3A = tpu.memref_slice %arg2[%mul3A_8] : memref<2097152xf32, #tpu.memory_space<hbm>> -> memref<32768xf32, #tpu.memory_space<hbm>>
          %dma_start3A_23 = tpu.memref_slice %arg2[%mul3A_8] : memref<2097152xf32, #tpu.memory_space<hbm>> -> memref<32768xf32, #tpu.memory_space<hbm>>
          tpu.enqueue_dma source(%dma_start3A_23 : memref<32768xf32, #tpu.memory_space<hbm>>) target(%run_scoped3A_3 : memref<32768xf32, #tpu.memory_space<vmem>>) target_semaphore(%run_scoped3A_22 : memref<!tpu.dma_semaphore, #tpu.memory_space<semaphore_mem>>)
          %dma_wait3A = tpu.memref_slice %arg2[%mul3A_8] : memref<2097152xf32, #tpu.memory_space<hbm>> -> memref<32768xf32, #tpu.memory_space<hbm>>
          %dma_wait3A_24 = tpu.memref_slice %arg2[%mul3A_8] : memref<2097152xf32, #tpu.memory_space<hbm>> -> memref<32768xf32, #tpu.memory_space<hbm>>
          tpu.wait_dma2 semaphore(%run_scoped3A_22 : memref<!tpu.dma_semaphore, #tpu.memory_space<semaphore_mem>>) src(%dma_wait3A_24 : memref<32768xf32, #tpu.memory_space<hbm>>) dst(%run_scoped3A_3 : memref<32768xf32, #tpu.memory_space<vmem>>)
          tpu.yield
        }) : () -> ()
        %add3A_9 = arith.constant 16384 : i32
        %add3A_10 = arith.addi %add3A_9, %mul3A_2 : i32
        %mul3A_11 = arith.constant 64 : i32
        %mul3A_12 = arith.muli %add3A_10, %mul3A_11 : i32
        "tpu.region"() ({
          %run_scoped3A_22 = tpu.sem_alloc : memref<!tpu.dma_semaphore, #tpu.memory_space<semaphore_mem>>
          %dma_start3A = tpu.memref_slice %arg2[%mul3A_12] : memref<2097152xf32, #tpu.memory_space<hbm>> -> memref<32768xf32, #tpu.memory_space<hbm>>
          %dma_start3A_23 = tpu.memref_slice %arg2[%mul3A_12] : memref<2097152xf32, #tpu.memory_space<hbm>> -> memref<32768xf32, #tpu.memory_space<hbm>>
          tpu.enqueue_dma source(%dma_start3A_23 : memref<32768xf32, #tpu.memory_space<hbm>>) target(%run_scoped3A_4 : memref<32768xf32, #tpu.memory_space<vmem>>) target_semaphore(%run_scoped3A_22 : memref<!tpu.dma_semaphore, #tpu.memory_space<semaphore_mem>>)
          %dma_wait3A = tpu.memref_slice %arg2[%mul3A_12] : memref<2097152xf32, #tpu.memory_space<hbm>> -> memref<32768xf32, #tpu.memory_space<hbm>>
          %dma_wait3A_24 = tpu.memref_slice %arg2[%mul3A_12] : memref<2097152xf32, #tpu.memory_space<hbm>> -> memref<32768xf32, #tpu.memory_space<hbm>>
          tpu.wait_dma2 semaphore(%run_scoped3A_22 : memref<!tpu.dma_semaphore, #tpu.memory_space<semaphore_mem>>) src(%dma_wait3A_24 : memref<32768xf32, #tpu.memory_space<hbm>>) dst(%run_scoped3A_4 : memref<32768xf32, #tpu.memory_space<vmem>>)
          tpu.yield
        }) : () -> ()
        %scan3A = arith.constant 0 : i32
        %scan3A_13 = arith.constant 512 : i32
        %scan3A_14 = arith.addi %scan3A, %scan3A_13 : i32
        %scan3A_15 = arith.constant 2 : i32
        scf.for %scan3A_22 = %scan3A to %scan3A_14 step %scan3A_15  : i32 {
          %mul3A_23 = arith.constant 1 : i32
          %mul3A_24 = arith.muli %scan3A_22, %mul3A_23 : i32
          %add3A_25 = arith.constant 0 : i32
          %add3A_26 = arith.addi %add3A_25, %mul3A_24 : i32
          %mul3A_27 = arith.constant 64 : i32
          %mul3A_28 = arith.muli %add3A_26, %mul3A_27 : i32
          %add3A_29 = arith.constant 0 : i32
          %add3A_30 = arith.addi %mul3A_28, %add3A_29 : i32
          %get3A = arith.index_cast %add3A_30 : i32 to index
          %get3A_31 = tpu.vector_load %run_scoped3A_3[%get3A] {strides = array<i32>} : memref<32768xf32, #tpu.memory_space<vmem>>, vector<16xf32>,
          %get3A_32 = arith.index_cast %add3A_30 : i32 to index
          %get3A_33 = tpu.vector_load %run_scoped3A[%get3A_32] {strides = array<i32>} : memref<32768xf32, #tpu.memory_space<vmem>>, vector<16xf32>,
          %add3A_34 = arith.addf %get3A_31, %get3A_33 : vector<16xf32>
          %get3A_35 = arith.index_cast %add3A_30 : i32 to index
          %get3A_36 = tpu.vector_load %run_scoped3A_4[%get3A_35] {strides = array<i32>} : memref<32768xf32, #tpu.memory_space<vmem>>, vector<16xf32>,
          %sub3A = arith.subf %add3A_34, %get3A_36 : vector<16xf32>
          %abs3A = math.absf %sub3A : vector<16xf32>
          %mul3A_37 = arith.constant 64 : i32
          %mul3A_38 = arith.muli %add3A_26, %mul3A_37 : i32
          %add3A_39 = arith.constant 16 : i32
          %add3A_40 = arith.addi %mul3A_38, %add3A_39 : i32
          %get3A_41 = arith.index_cast %add3A_40 : i32 to index
          %get3A_42 = tpu.vector_load %run_scoped3A_3[%get3A_41] {strides = array<i32>} : memref<32768xf32, #tpu.memory_space<vmem>>, vector<16xf32>,
          %get3A_43 = arith.index_cast %add3A_40 : i32 to index
          %get3A_44 = tpu.vector_load %run_scoped3A[%get3A_43] {strides = array<i32>} : memref<32768xf32, #tpu.memory_space<vmem>>, vector<16xf32>,
          %add3A_45 = arith.addf %get3A_42, %get3A_44 : vector<16xf32>
          %get3A_46 = arith.index_cast %add3A_40 : i32 to index
          %get3A_47 = tpu.vector_load %run_scoped3A_4[%get3A_46] {strides = array<i32>} : memref<32768xf32, #tpu.memory_space<vmem>>, vector<16xf32>,
          %sub3A_48 = arith.subf %add3A_45, %get3A_47 : vector<16xf32>
          %abs3A_49 = math.absf %sub3A_48 : vector<16xf32>
          %add3A_50 = arith.addf %abs3A, %abs3A_49 : vector<16xf32>
          %mul3A_51 = arith.constant 64 : i32
          %mul3A_52 = arith.muli %add3A_26, %mul3A_51 : i32
          %add3A_53 = arith.constant 32 : i32
          %add3A_54 = arith.addi %mul3A_52, %add3A_53 : i32
          %get3A_55 = arith.index_cast %add3A_54 : i32 to index
          %get3A_56 = tpu.vector_load %run_scoped3A_3[%get3A_55] {strides = array<i32>} : memref<32768xf32, #tpu.memory_space<vmem>>, vector<16xf32>,
          %get3A_57 = arith.index_cast %add3A_54 : i32 to index
          %get3A_58 = tpu.vector_load %run_scoped3A[%get3A_57] {strides = array<i32>} : memref<32768xf32, #tpu.memory_space<vmem>>, vector<16xf32>,
          %add3A_59 = arith.addf %get3A_56, %get3A_58 : vector<16xf32>
          %get3A_60 = arith.index_cast %add3A_54 : i32 to index
          %get3A_61 = tpu.vector_load %run_scoped3A_4[%get3A_60] {strides = array<i32>} : memref<32768xf32, #tpu.memory_space<vmem>>, vector<16xf32>,
          %sub3A_62 = arith.subf %add3A_59, %get3A_61 : vector<16xf32>
          %abs3A_63 = math.absf %sub3A_62 : vector<16xf32>
          %add3A_64 = arith.addf %add3A_50, %abs3A_63 : vector<16xf32>
          %mul3A_65 = arith.constant 64 : i32
          %mul3A_66 = arith.muli %add3A_26, %mul3A_65 : i32
          %add3A_67 = arith.constant 48 : i32
          %add3A_68 = arith.addi %mul3A_66, %add3A_67 : i32
          %get3A_69 = arith.index_cast %add3A_68 : i32 to index
          %get3A_70 = tpu.vector_load %run_scoped3A_3[%get3A_69] {strides = array<i32>} : memref<32768xf32, #tpu.memory_space<vmem>>, vector<16xf32>,
          %get3A_71 = arith.index_cast %add3A_68 : i32 to index
          %get3A_72 = tpu.vector_load %run_scoped3A[%get3A_71] {strides = array<i32>} : memref<32768xf32, #tpu.memory_space<vmem>>, vector<16xf32>,
          %add3A_73 = arith.addf %get3A_70, %get3A_72 : vector<16xf32>
          %get3A_74 = arith.index_cast %add3A_68 : i32 to index
          %get3A_75 = tpu.vector_load %run_scoped3A_4[%get3A_74] {strides = array<i32>} : memref<32768xf32, #tpu.memory_space<vmem>>, vector<16xf32>,
          %sub3A_76 = arith.subf %add3A_73, %get3A_75 : vector<16xf32>
          %abs3A_77 = math.absf %sub3A_76 : vector<16xf32>
          %add3A_78 = arith.addf %add3A_64, %abs3A_77 : vector<16xf32>
          %mul3A_79 = arith.constant 513 : i32
          %mul3A_80 = vector.broadcast %mul3A_79 : i32 to vector<16xi32>
          %mul3A_81 = arith.muli %iota3A, %mul3A_80 : vector<16xi32>
          %add3A_82 = vector.broadcast %add3A_26 : i32 to vector<16xi32>
          %add3A_83 = arith.addi %mul3A_81, %add3A_82 : vector<16xi32>
          tpu.vector_store_idx %run_scoped3A_5[%add3A_83], %add3A_78 : memref<8208xf32, #tpu.memory_space<vmem>>[vector<16xi32>], vector<16xf32>,
          %scan3A_84 = arith.constant 1 : i32
          %scan3A_85 = arith.addi %scan3A_22, %scan3A_84 : i32
          %mul3A_86 = arith.constant 1 : i32
          %mul3A_87 = arith.muli %scan3A_85, %mul3A_86 : i32
          %add3A_88 = arith.constant 0 : i32
          %add3A_89 = arith.addi %add3A_88, %mul3A_87 : i32
          %mul3A_90 = arith.constant 64 : i32
          %mul3A_91 = arith.muli %add3A_89, %mul3A_90 : i32
          %add3A_92 = arith.constant 0 : i32
          %add3A_93 = arith.addi %mul3A_91, %add3A_92 : i32
          %get3A_94 = arith.index_cast %add3A_93 : i32 to index
          %get3A_95 = tpu.vector_load %run_scoped3A_3[%get3A_94] {strides = array<i32>} : memref<32768xf32, #tpu.memory_space<vmem>>, vector<16xf32>,
          %get3A_96 = arith.index_cast %add3A_93 : i32 to index
          %get3A_97 = tpu.vector_load %run_scoped3A[%get3A_96] {strides = array<i32>} : memref<32768xf32, #tpu.memory_space<vmem>>, vector<16xf32>,
          %add3A_98 = arith.addf %get3A_95, %get3A_97 : vector<16xf32>
          %get3A_99 = arith.index_cast %add3A_93 : i32 to index
          %get3A_100 = tpu.vector_load %run_scoped3A_4[%get3A_99] {strides = array<i32>} : memref<32768xf32, #tpu.memory_space<vmem>>, vector<16xf32>,
          %sub3A_101 = arith.subf %add3A_98, %get3A_100 : vector<16xf32>
          %abs3A_102 = math.absf %sub3A_101 : vector<16xf32>
          %mul3A_103 = arith.constant 64 : i32
          %mul3A_104 = arith.muli %add3A_89, %mul3A_103 : i32
          %add3A_105 = arith.constant 16 : i32
          %add3A_106 = arith.addi %mul3A_104, %add3A_105 : i32
          %get3A_107 = arith.index_cast %add3A_106 : i32 to index
          %get3A_108 = tpu.vector_load %run_scoped3A_3[%get3A_107] {strides = array<i32>} : memref<32768xf32, #tpu.memory_space<vmem>>, vector<16xf32>,
          %get3A_109 = arith.index_cast %add3A_106 : i32 to index
          %get3A_110 = tpu.vector_load %run_scoped3A[%get3A_109] {strides = array<i32>} : memref<32768xf32, #tpu.memory_space<vmem>>, vector<16xf32>,
          %add3A_111 = arith.addf %get3A_108, %get3A_110 : vector<16xf32>
          %get3A_112 = arith.index_cast %add3A_106 : i32 to index
          %get3A_113 = tpu.vector_load %run_scoped3A_4[%get3A_112] {strides = array<i32>} : memref<32768xf32, #tpu.memory_space<vmem>>, vector<16xf32>,
          %sub3A_114 = arith.subf %add3A_111, %get3A_113 : vector<16xf32>
          %abs3A_115 = math.absf %sub3A_114 : vector<16xf32>
          %add3A_116 = arith.addf %abs3A_102, %abs3A_115 : vector<16xf32>
          %mul3A_117 = arith.constant 64 : i32
          %mul3A_118 = arith.muli %add3A_89, %mul3A_117 : i32
          %add3A_119 = arith.constant 32 : i32
          %add3A_120 = arith.addi %mul3A_118, %add3A_119 : i32
          %get3A_121 = arith.index_cast %add3A_120 : i32 to index
          %get3A_122 = tpu.vector_load %run_scoped3A_3[%get3A_121] {strides = array<i32>} : memref<32768xf32, #tpu.memory_space<vmem>>, vector<16xf32>,
          %get3A_123 = arith.index_cast %add3A_120 : i32 to index
          %get3A_124 = tpu.vector_load %run_scoped3A[%get3A_123] {strides = array<i32>} : memref<32768xf32, #tpu.memory_space<vmem>>, vector<16xf32>,
          %add3A_125 = arith.addf %get3A_122, %get3A_124 : vector<16xf32>
          %get3A_126 = arith.index_cast %add3A_120 : i32 to index
          %get3A_127 = tpu.vector_load %run_scoped3A_4[%get3A_126] {strides = array<i32>} : memref<32768xf32, #tpu.memory_space<vmem>>, vector<16xf32>,
          %sub3A_128 = arith.subf %add3A_125, %get3A_127 : vector<16xf32>
          %abs3A_129 = math.absf %sub3A_128 : vector<16xf32>
          %add3A_130 = arith.addf %add3A_116, %abs3A_129 : vector<16xf32>
          %mul3A_131 = arith.constant 64 : i32
          %mul3A_132 = arith.muli %add3A_89, %mul3A_131 : i32
          %add3A_133 = arith.constant 48 : i32
          %add3A_134 = arith.addi %mul3A_132, %add3A_133 : i32
          %get3A_135 = arith.index_cast %add3A_134 : i32 to index
          %get3A_136 = tpu.vector_load %run_scoped3A_3[%get3A_135] {strides = array<i32>} : memref<32768xf32, #tpu.memory_space<vmem>>, vector<16xf32>,
          %get3A_137 = arith.index_cast %add3A_134 : i32 to index
          %get3A_138 = tpu.vector_load %run_scoped3A[%get3A_137] {strides = array<i32>} : memref<32768xf32, #tpu.memory_space<vmem>>, vector<16xf32>,
          %add3A_139 = arith.addf %get3A_136, %get3A_138 : vector<16xf32>
          %get3A_140 = arith.index_cast %add3A_134 : i32 to index
          %get3A_141 = tpu.vector_load %run_scoped3A_4[%get3A_140] {strides = array<i32>} : memref<32768xf32, #tpu.memory_space<vmem>>, vector<16xf32>,
          %sub3A_142 = arith.subf %add3A_139, %get3A_141 : vector<16xf32>
          %abs3A_143 = math.absf %sub3A_142 : vector<16xf32>
          %add3A_144 = arith.addf %add3A_130, %abs3A_143 : vector<16xf32>
          %mul3A_145 = arith.constant 513 : i32
          %mul3A_146 = vector.broadcast %mul3A_145 : i32 to vector<16xi32>
          %mul3A_147 = arith.muli %iota3A, %mul3A_146 : vector<16xi32>
          %add3A_148 = vector.broadcast %add3A_89 : i32 to vector<16xi32>
          %add3A_149 = arith.addi %mul3A_147, %add3A_148 : vector<16xi32>
          tpu.vector_store_idx %run_scoped3A_5[%add3A_149], %add3A_144 : memref<8208xf32, #tpu.memory_space<vmem>>[vector<16xi32>], vector<16xf32>,
        }
        %scan3A_16 = arith.constant 512 : i32
        %scan3A_17 = arith.constant 0 : i32
        %scan3A_18 = arith.constant 32 : i32
        %scan3A_19 = arith.addi %scan3A_17, %scan3A_18 : i32
        %scan3A_20 = arith.constant 1 : i32
        scf.for %scan3A_22 = %scan3A_17 to %scan3A_19 step %scan3A_20  : i32 {
          %mul3A_23 = arith.constant 1 : i32
          %mul3A_24 = arith.muli %scan3A_22, %mul3A_23 : i32
          %add3A_25 = arith.constant 0 : i32
          %add3A_26 = arith.addi %add3A_25, %mul3A_24 : i32
          %mul3A_27 = arith.constant 16 : i32
          %mul3A_28 = arith.muli %add3A_26, %mul3A_27 : i32
          %get3A = arith.index_cast %mul3A_28 : i32 to index
          %get3A_29 = tpu.vector_load %run_scoped3A_5[%get3A] {strides = array<i32>} : memref<8208xf32, #tpu.memory_space<vmem>>, vector<16xf32>,
          %add3A_30 = arith.constant 513 : i32
          %add3A_31 = arith.addi %add3A_30, %mul3A_28 : i32
          %get3A_32 = arith.index_cast %add3A_31 : i32 to index
          %get3A_33 = tpu.vector_load %run_scoped3A_5[%get3A_32] {strides = array<i32>} : memref<8208xf32, #tpu.memory_space<vmem>>, vector<16xf32>,
          %add3A_34 = arith.addf %get3A_29, %get3A_33 : vector<16xf32>
          %add3A_35 = arith.constant 1026 : i32
          %add3A_36 = arith.addi %add3A_35, %mul3A_28 : i32
          %get3A_37 = arith.index_cast %add3A_36 : i32 to index
          %get3A_38 = tpu.vector_load %run_scoped3A_5[%get3A_37] {strides = array<i32>} : memref<8208xf32, #tpu.memory_space<vmem>>, vector<16xf32>,
          %add3A_39 = arith.addf %add3A_34, %get3A_38 : vector<16xf32>
          %add3A_40 = arith.constant 1539 : i32
          %add3A_41 = arith.addi %add3A_40, %mul3A_28 : i32
          %get3A_42 = arith.index_cast %add3A_41 : i32 to index
          %get3A_43 = tpu.vector_load %run_scoped3A_5[%get3A_42] {strides = array<i32>} : memref<8208xf32, #tpu.memory_space<vmem>>, vector<16xf32>,
          %add3A_44 = arith.addf %add3A_39, %get3A_43 : vector<16xf32>
          %add3A_45 = arith.constant 2052 : i32
          %add3A_46 = arith.addi %add3A_45, %mul3A_28 : i32
          %get3A_47 = arith.index_cast %add3A_46 : i32 to index
          %get3A_48 = tpu.vector_load %run_scoped3A_5[%get3A_47] {strides = array<i32>} : memref<8208xf32, #tpu.memory_space<vmem>>, vector<16xf32>,
          %add3A_49 = arith.addf %add3A_44, %get3A_48 : vector<16xf32>
          %add3A_50 = arith.constant 2565 : i32
          %add3A_51 = arith.addi %add3A_50, %mul3A_28 : i32
          %get3A_52 = arith.index_cast %add3A_51 : i32 to index
          %get3A_53 = tpu.vector_load %run_scoped3A_5[%get3A_52] {strides = array<i32>} : memref<8208xf32, #tpu.memory_space<vmem>>, vector<16xf32>,
          %add3A_54 = arith.addf %add3A_49, %get3A_53 : vector<16xf32>
          %add3A_55 = arith.constant 3078 : i32
          %add3A_56 = arith.addi %add3A_55, %mul3A_28 : i32
          %get3A_57 = arith.index_cast %add3A_56 : i32 to index
          %get3A_58 = tpu.vector_load %run_scoped3A_5[%get3A_57] {strides = array<i32>} : memref<8208xf32, #tpu.memory_space<vmem>>, vector<16xf32>,
          %add3A_59 = arith.addf %add3A_54, %get3A_58 : vector<16xf32>
          %add3A_60 = arith.constant 3591 : i32
          %add3A_61 = arith.addi %add3A_60, %mul3A_28 : i32
          %get3A_62 = arith.index_cast %add3A_61 : i32 to index
          %get3A_63 = tpu.vector_load %run_scoped3A_5[%get3A_62] {strides = array<i32>} : memref<8208xf32, #tpu.memory_space<vmem>>, vector<16xf32>,
          %add3A_64 = arith.addf %add3A_59, %get3A_63 : vector<16xf32>
          %add3A_65 = arith.constant 4104 : i32
          %add3A_66 = arith.addi %add3A_65, %mul3A_28 : i32
          %get3A_67 = arith.index_cast %add3A_66 : i32 to index
          %get3A_68 = tpu.vector_load %run_scoped3A_5[%get3A_67] {strides = array<i32>} : memref<8208xf32, #tpu.memory_space<vmem>>, vector<16xf32>,
          %add3A_69 = arith.addf %add3A_64, %get3A_68 : vector<16xf32>
          %add3A_70 = arith.constant 4617 : i32
          %add3A_71 = arith.addi %add3A_70, %mul3A_28 : i32
          %get3A_72 = arith.index_cast %add3A_71 : i32 to index
          %get3A_73 = tpu.vector_load %run_scoped3A_5[%get3A_72] {strides = array<i32>} : memref<8208xf32, #tpu.memory_space<vmem>>, vector<16xf32>,
          %add3A_74 = arith.addf %add3A_69, %get3A_73 : vector<16xf32>
          %add3A_75 = arith.constant 5130 : i32
          %add3A_76 = arith.addi %add3A_75, %mul3A_28 : i32
          %get3A_77 = arith.index_cast %add3A_76 : i32 to index
          %get3A_78 = tpu.vector_load %run_scoped3A_5[%get3A_77] {strides = array<i32>} : memref<8208xf32, #tpu.memory_space<vmem>>, vector<16xf32>,
          %add3A_79 = arith.addf %add3A_74, %get3A_78 : vector<16xf32>
          %add3A_80 = arith.constant 5643 : i32
          %add3A_81 = arith.addi %add3A_80, %mul3A_28 : i32
          %get3A_82 = arith.index_cast %add3A_81 : i32 to index
          %get3A_83 = tpu.vector_load %run_scoped3A_5[%get3A_82] {strides = array<i32>} : memref<8208xf32, #tpu.memory_space<vmem>>, vector<16xf32>,
          %add3A_84 = arith.addf %add3A_79, %get3A_83 : vector<16xf32>
          %add3A_85 = arith.constant 6156 : i32
          %add3A_86 = arith.addi %add3A_85, %mul3A_28 : i32
          %get3A_87 = arith.index_cast %add3A_86 : i32 to index
          %get3A_88 = tpu.vector_load %run_scoped3A_5[%get3A_87] {strides = array<i32>} : memref<8208xf32, #tpu.memory_space<vmem>>, vector<16xf32>,
          %add3A_89 = arith.addf %add3A_84, %get3A_88 : vector<16xf32>
          %add3A_90 = arith.constant 6669 : i32
          %add3A_91 = arith.addi %add3A_90, %mul3A_28 : i32
          %get3A_92 = arith.index_cast %add3A_91 : i32 to index
          %get3A_93 = tpu.vector_load %run_scoped3A_5[%get3A_92] {strides = array<i32>} : memref<8208xf32, #tpu.memory_space<vmem>>, vector<16xf32>,
          %add3A_94 = arith.addf %add3A_89, %get3A_93 : vector<16xf32>
          %add3A_95 = arith.constant 7182 : i32
          %add3A_96 = arith.addi %add3A_95, %mul3A_28 : i32
          %get3A_97 = arith.index_cast %add3A_96 : i32 to index
          %get3A_98 = tpu.vector_load %run_scoped3A_5[%get3A_97] {strides = array<i32>} : memref<8208xf32, #tpu.memory_space<vmem>>, vector<16xf32>,
          %add3A_99 = arith.addf %add3A_94, %get3A_98 : vector<16xf32>
          %add3A_100 = arith.constant 7695 : i32
          %add3A_101 = arith.addi %add3A_100, %mul3A_28 : i32
          %get3A_102 = arith.index_cast %add3A_101 : i32 to index
          %get3A_103 = tpu.vector_load %run_scoped3A_5[%get3A_102] {strides = array<i32>} : memref<8208xf32, #tpu.memory_space<vmem>>, vector<16xf32>,
          %add3A_104 = arith.addf %add3A_99, %get3A_103 : vector<16xf32>
          %neg3A = arith.constant 0.000000e+00 : f32
          %neg3A_105 = vector.broadcast %neg3A : f32 to vector<16xf32>
          %neg3A_106 = arith.subf %neg3A_105, %add3A_104 : vector<16xf32>
          %swap3A = arith.index_cast %mul3A_28 : i32 to index
          %swap3A_107 = tpu.vector_load %run_scoped3A_6[%swap3A] {strides = array<i32>} : memref<512xf32, #tpu.memory_space<vmem>>, vector<16xf32>,
          tpu.vector_store %run_scoped3A_6[%swap3A], %neg3A_106 {strides = array<i32>} : memref<512xf32, #tpu.memory_space<vmem>>, vector<16xf32>,
        }
        %scan3A_21 = arith.constant 32 : i32
        "tpu.region"() ({
          %run_scoped3A_22 = tpu.sem_alloc : memref<!tpu.dma_semaphore, #tpu.memory_space<semaphore_mem>>
          %dma_start3A = tpu.memref_slice %arg5[%mul3A_2] : memref<16384xf32, #tpu.memory_space<hbm>> -> memref<512xf32, #tpu.memory_space<hbm>>
          %dma_start3A_23 = tpu.memref_slice %arg5[%mul3A_2] : memref<16384xf32, #tpu.memory_space<hbm>> -> memref<512xf32, #tpu.memory_space<hbm>>
          tpu.enqueue_dma source(%run_scoped3A_6 : memref<512xf32, #tpu.memory_space<vmem>>) target(%dma_start3A_23 : memref<512xf32, #tpu.memory_space<hbm>>) target_semaphore(%run_scoped3A_22 : memref<!tpu.dma_semaphore, #tpu.memory_space<semaphore_mem>>)
          %dma_wait3A = tpu.memref_slice %arg5[%mul3A_2] : memref<16384xf32, #tpu.memory_space<hbm>> -> memref<512xf32, #tpu.memory_space<hbm>>
          %dma_wait3A_24 = tpu.memref_slice %arg5[%mul3A_2] : memref<16384xf32, #tpu.memory_space<hbm>> -> memref<512xf32, #tpu.memory_space<hbm>>
          tpu.wait_dma2 semaphore(%run_scoped3A_22 : memref<!tpu.dma_semaphore, #tpu.memory_space<semaphore_mem>>) src(%run_scoped3A_6 : memref<512xf32, #tpu.memory_space<vmem>>) dst(%dma_wait3A_24 : memref<512xf32, #tpu.memory_space<hbm>>)
          tpu.yield
        }) : () -> ()
        tpu.yield
      }) : () -> ()
      tpu.yield
    }) : () -> ()
    return
  }
}

</mosaic_0001>

<sc_bundles>
// kernel: kernel.4.cloned.1.call-start
scs
__scs_entry_jumppad:
0x0: {  	(pc) =	sbr.rel $0x88, $3  }
0x1: {  	(tag) =	ssettag $0x0;
	lr =	simm.s32 $0x1  }
0x2: {  	[smem:$0x3F9C] =	sst lr;
	_ =	strace $0xD0000000  }
0x3: {  	_ = 	snop  }
0x4: {  	_ = 	snop  }
0x5: {  	_ = 	snop  }
0x6: {  	_ = 	snop  }
0x7: {  	_ = 	snop  }
__scs_overlays_trampoline_lowered:
0x8: {  	[smem:$0x3FAB] =	sst s0  }
0x9: {  	[smem:$0x3FAC] =	sst s1  }
0xa: {  	[smem:$0x3FAD] =	sst s2  }
0xb: {  	[smem:$0x3FAE] =	sst s3  }
0xc: {  	[smem:$0x3FAF] =	sst s4  }
0xd: {  	[smem:$0x3FB0] =	sst s5  }
0xe: {  	[smem:$0x3FB1] =	sst s6  }
0xf: {  	[smem:$0x3FB2] =	sst s7  }
0x10: {  	[smem:$0x3FB3] =	sst s8  }
0x11: {  	[smem:$0x3FB4] =	sst s9;
	s0 =	simm.s32 @!p0 $0x0  }
0x12: {  	s1 =	sld [smem:$0x3F9A];
	s0 =	simm.s32 @p0 $0x1  }
0x13: {  	[smem:$0x3FB5] =	sst s0;
	s0 =	simm.s32 @!p1 $0x0  }
0x14: {  	s2 =	sld [smem:$0x3F99];
	s0 =	simm.s32 @p1 $0x1  }
0x15: {  	[smem:$0x3FB6] =	sst s0;
	s0 =	simm.s32 @!p2 $0x0  }
0x16: {  	s3 =	sld [smem:$0x3FDB];
	s0 =	simm.s32 @p2 $0x1  }
0x17: {  	s4 =	simm.s32 $0x1BF5;
	[smem:$0x3FB8] =	sst s0  }
0x18: {  	s0 =	sld [smem:$0x3F9B];
	_ =	swait.ge [sflag:s4], $0x0  }
0x19: {  	s7 =	sld [smem:$0x3F9C]  }
0x1a: {  	s8 =	sadd.s32 $0xFFFFE003, lr  }
0x1b: {  	s9 =	sadd.s32 $0xFFFFFEF7, lr;
	s5 =	simm.s32 $0xFFFFFFFF;
	p2 =	slt.u32 s8, $0xFFFFF086  }
0x1c: {  	p1 =	slt.u32 s9, $0xF7A;
	s5 =	simm.s32 @!p2 $0x0  }
0x1d: {  	s5 =	simm.s32 @p1 $0x1;
	p0 =	seq.s32 s7, s2  }
0x1e: {  	s7 =	smul.u32 @!p0 $0xF7A, s2;
	p2 =	seq.s32 @!p0 s5, $0x0  }
0x1f: {  	s9 =	smul.u32 $0xF7A, s1;
	s8 =	simm.s32 @!p0 $0x1BF5;
	p2 =	por !p2, p0  }
0x20: {  	[sflag:s8] =	ssyncset.s32 @!p0 $0xFFFFF086;
	s6 =	sadd.s32 @!p0 s3, s7;
	s7 =	simm.s32 @!p0 $0x108  }
0x21: {  	s3 =	sadd.s32 s3, s9;
	s6 =	sadd.s32 @!p0 $0x88, s6;
	s7 =	simm.s32 @p2 $0x1082  }
0x22: {  	[simem:s7], [sflag:s8] =	dma.local @!p0 [hbm:s6], $0xF7A  }
0x23: {  	s9 =	sor.u32 $0xD0000000, s2;
	s6 =	simm.s32 $0x108;
	_ =	swait.ge @!p0 [sflag:s8], $0x0  }
0x24: {  	s3 =	sadd.s32 $0x88, s3;
	s6 =	simm.s32 @!p1 $0x1082;
	[sflag:s4] =	ssyncset.s32 $0xFFFFF086  }
0x25: {  	[simem:s6], [sflag:s4] =	dma.local [hbm:s3], $0xF7A  }
0x26: {  	[smem:$0x3F9C] =	sst s1;
	(tag) =	ssettag s2;
	_ =	strace s9  }
0x27: {  	s1 =	sld [smem:$0x3FAC]  }
0x28: {  	s2 =	sld [smem:$0x3FAD]  }
0x29: {  	s4 =	sld [smem:$0x3FAF]  }
0x2a: {  	p0 =	seq.s32 s5, $0x0;
	s5 =	sld [smem:$0x3FB0]  }
0x2b: {  	s6 =	sld [smem:$0x3FB1]  }
0x2c: {  	s7 =	sld [smem:$0x3FB2]  }
0x2d: {  	s3 =	simm.s32 $0x108;
	s8 =	sld [smem:$0x3FB3]  }
0x2e: {  	s3 =	simm.s32 @!p0 $0x1082;
	s9 =	sld [smem:$0x3FB4]  }
0x2f: {  	lr =	sadd.s32 s0, s3;
	s0 =	sld [smem:$0x3FAB]  }
0x30: {  	s3 =	sld [smem:$0x3FAE]  }
0x31: {  	[smem:$0x3FB7] =	sst s10  }
0x32: {  	s10 =	sld [smem:$0x3FB5];
	_ =	sdelay $0x3  }
0x33: {  	p0 =	seq.s32 s10, $0x1;
	s10 =	sld [smem:$0x3FB7];
	_ =	sdelay $0x3  }
0x34: {  	[smem:$0x3FB7] =	sst s10  }
0x35: {  	s10 =	sld [smem:$0x3FB6];
	_ =	sdelay $0x3  }
0x36: {  	p1 =	seq.s32 s10, $0x1;
	s10 =	sld [smem:$0x3FB7];
	_ =	sdelay $0x3  }
0x37: {  	[smem:$0x3FB7] =	sst s10  }
0x38: {  	s10 =	sld [smem:$0x3FB8]  }
0x39: {  	_ = 	snop;
	(pc) =	sbr.ind lr, $3  }
0x3a: {  	_ = 	snop  }
0x3b: {  	_ = 	snop  }
0x3c: {  	p2 =	seq.s32 s10, $0x1;
	s10 =	sld [smem:$0x3FB7]  }
0x3d: {  	_ =	shalt  }
0x3e: {  	_ =	shalt  }
0x3f: {  	_ =	shalt  }
0x40: {  	_ =	shalt  }
0x41: {  	_ =	shalt  }
0x42: {  	_ =	shalt  }
0x43: {  	_ =	shalt  }
0x44: {  	_ =	shalt  }
0x45: {  	_ =	shalt  }
0x46: {  	_ =	shalt  }
0x47: {  	_ =	shalt  }
0x48: {  	_ =	shalt  }
0x49: {  	_ =	shalt  }
0x4a: {  	_ =	shalt  }
0x4b: {  	_ =	shalt  }
0x4c: {  	_ =	shalt  }
0x4d: {  	_ =	shalt  }
0x4e: {  	_ =	shalt  }
0x4f: {  	_ =	shalt  }
0x50: {  	_ =	shalt  }
0x51: {  	_ =	shalt  }
0x52: {  	_ =	shalt  }
0x53: {  	_ =	shalt  }
0x54: {  	_ =	shalt  }
0x55: {  	_ =	shalt  }
0x56: {  	_ =	shalt  }
0x57: {  	_ =	shalt  }
0x58: {  	_ =	shalt  }
0x59: {  	_ =	shalt  }
0x5a: {  	_ =	shalt  }
0x5b: {  	_ =	shalt  }
0x5c: {  	_ =	shalt  }
0x5d: {  	_ =	shalt  }
0x5e: {  	_ =	shalt  }
0x5f: {  	_ =	shalt  }
0x60: {  	_ =	shalt  }
0x61: {  	_ =	shalt  }
0x62: {  	_ =	shalt  }
0x63: {  	_ =	shalt  }
0x64: {  	_ =	shalt  }
0x65: {  	_ =	shalt  }
0x66: {  	_ =	shalt  }
0x67: {  	_ =	shalt  }
0x68: {  	_ =	shalt  }
0x69: {  	_ =	shalt  }
0x6a: {  	_ =	shalt  }
0x6b: {  	_ =	shalt  }
0x6c: {  	_ =	shalt  }
0x6d: {  	_ =	shalt  }
0x6e: {  	_ =	shalt  }
0x6f: {  	_ =	shalt  }
0x70: {  	_ =	shalt  }
0x71: {  	_ =	shalt  }
0x72: {  	_ =	shalt  }
0x73: {  	_ =	shalt  }
0x74: {  	_ =	shalt  }
0x75: {  	_ =	shalt  }
0x76: {  	_ =	shalt  }
0x77: {  	_ =	shalt  }
0x78: {  	_ =	shalt  }
0x79: {  	_ =	shalt  }
0x7a: {  	_ =	shalt  }
0x7b: {  	_ =	shalt  }
0x7c: {  	_ =	shalt  }
0x7d: {  	_ =	shalt  }
0x7e: {  	_ =	shalt  }
0x7f: {  	_ =	shalt  }
0x80: {  	_ =	shalt  }
0x81: {  	_ =	shalt  }
0x82: {  	_ =	shalt  }
0x83: {  	_ =	shalt  }
0x84: {  	_ =	shalt  }
0x85: {  	_ =	shalt  }
0x86: {  	_ =	shalt  }
0x87: {  	_ =	shalt  }
.Lfunc_end0:
.L_simem_size_0:
called_computation_lowered:
.L_overlay_start_0:
0x88: {  	s2 =	sld [smem:$0x3FD9]  }
0x89: {  	s3 =	sld [smem:$0x3FFE];
	_ =	sdelay $0x1  }
0x8a: {  	s1 =	srdreg.scid  }
0x8b: {  	s0 =	sand.u32 $0x1, s1  }
0x8c: {  	s17 =	sshll.u32 s0, $0xA;
	s2 =	sadd.s32 s3, s2  }
0x8d: {  	s2 =	sadd.s32 s2, s17  }
0x8e: {  	[smem:$0x3FC3] =	sst s2  }
0x8f: {  	_ = 	snop  }
0x90: {  	s2 =	sld [smem:$0x3FC9]  }
0x91: {  	s18 =	sld [smem:$0x3FC7]  }
0x92: {  	s4 =	sld [smem:$0x3FC6]  }
0x93: {  	s5 =	sld [smem:$0x3FD0];
	(tm) =	ssettm $0x1  }
0x94: {  	s6 =	sld [smem:$0x3FFB];
	_ =	sdelay $0x3  }
0x95: {  	_ =	strace s6  }
0x96: {  	s6 =	sld [smem:$0x3FFC];
	_ =	sdelay $0x3  }
0x97: {  	_ =	strace s6  }
0x98: {  	s6 =	sld [smem:$0x3FFD];
	_ =	sdelay $0x3  }
0x99: {  	_ =	strace s6  }
0x9a: {  	_ =	strace $0x8FFFFFFF  }
0x9b: {  	s19 =	sld [smem:$0x3FDB];
	_ =	sdelay $0x1  }
0x9c: {  	s7 =	simm.s32 $_scs_section_size  }
0x9d: {  	s8 =	simm.s32 $_size__tile_overlayer_lowered;
	s9 =	simm.s32 $_tile_overlayer_lowered  }
0x9e: {  	s22 =	simm.s32 $0x1BFF;
	s21 =	sshll.u32 s9, $0x1;
	s6 =	sadd.s32 s7, s19  }
0x9f: {  	s10 =	simm.s32 $0x0;
	s20 =	sshll.u32 s8, $0x1;
	s8 =	sadd.s32 s21, s6  }
0xa0: {  	[timem:s10], [sflag:s22] =	dma.local [hbm:s8], s20  }
0xa1: {  	_ =	swait.ge [sflag:s22], s20  }
0xa2: {  	s7 =	ssub.s32 $0x0, s20;
	[sflag:s22] =	ssyncset.done $0x0  }
0xa3: {  	[sflag:s22] =	ssyncadd.s32 s7;
	_ =	sdelay $0x1  }
0xa4: {  	s23 =	simm.s32 $0x1B8B  }
0xa5: {  	_ =	swait.ge [sflag:s23], $0x1  }
0xa6: {  	[sflag:s23] =	ssyncset.done $0x0  }
0xa7: {  	s25 =	simm.s32 $0x1B8E;
	s24 =	sld [smem:$0x3FFE];
	[sflag:s23] =	ssyncadd.s32 $0xFFFFFFFF  }
0xa8: {  	s26 =	simm.s32 $execute0_lowered;
	[smem:$0x3FD2] =	sst s25  }
0xa9: {  	s8 =	sshll.u32 s26, $0x1;
	_ =	strace $0x80000046;
	[dreg:$0x1] =	wrdreg $0xFFFFFFFF  }
0xaa: {  	s28 =	simm.s32 $_size_execute0_lowered;
	s6 =	sadd.s32 s6, s8;
	[dreg:$0x0] =	wrdreg $0x0  }
0xab: {  	s8 =	sshll.u32 s28, $0x1;
	[dreg:$0x2] =	wrdreg s6  }
0xac: {  	[dreg:$0x3] =	wrdreg s8  }
0xad: {  	[dreg:$0x4] =	wrdreg $0xC0  }
0xae: {  	_ =	task [dreg:s10], $0x5FFFF  }
0xaf: {  	[dreg:$0x1] =	wrdreg $0xFFFFFFFF  }
0xb0: {  	[dreg:$0x0] =	wrdreg $0x60  }
0xb1: {  	[dreg:$0x2] =	wrdreg s4  }
0xb2: {  	[dreg:$0x3] =	wrdreg s5  }
0xb3: {  	[dreg:$0x4] =	wrdreg s2  }
0xb4: {  	[dreg:$0x5] =	wrdreg s18  }
0xb5: {  	[dreg:$0x6] =	wrdreg s24  }
0xb6: {  	[dreg:$0x7] =	wrdreg $0x9  }
0xb7: {  	_ =	task.clear_ibuf [dreg:s10], $0x8FFFF;
	_ =	strace $0x90000046  }
0xb8: {  	s29 =	simm.s32 $0x9;
	_ =	strace $0x80000048  }
0xb9: {  	_ =	swait.ge [sflag:s29], $0x1  }
0xba: {  	[sflag:s29] =	ssyncadd.s32 $0xFFFFFFFF  }
0xbb: {  	_ =	strace $0x90000048  }
0xbc: {  	_ =	sfence  }
0xbd: {  	s30 =	sld [smem:$0x0];
	_ =	sdelay $0x2  }
0xbe: {  	s31 =	sshll.u32 s1, $0xD;
	s1 =	sshrl.u32 s1, $0x2  }
0xbf: {  	s3 =	sand.u32 $0x4000, s31;
	s1 =	sadd.s32 s1, s30  }
0xc0: {  	s0 =	sor.u32 s3, s0;
	s1 =	sshll.u32 s1, $0x11  }
0xc1: {  	s0 =	sor.u32 s1, s0  }
0xc2: {  	s0 =	sadd.s32 $0x8F2B, s0  }
0xc3: {  	[sflag:s0] =	ssyncadd.remote.s32 $0x1  }
0xc4: {  	_ =	sfence.sel $0xFFFF  }
0xc5: {  	[dreg:$0x0] =	wrdreg $0xFFFFFFFF;
	(pc) =	sbr.abs _section_cstart, $3  }
0xc6: {  	[dreg:$0x1] =	wrdreg $0xFFFFFFFF  }
0xc7: {  	_ =	task.clear_ibuf [dreg:s10], $0x2FFFF;
	_ =	strace $0x9FFFFFFF  }
0xc8: {  	(tm) =	ssettm $0x7FFFFFFF  }
0xc9: {  	_ =	shalt  }
tec
execute0_lowered:
.L_overlay_start_1:
0x0: {  	(tag) =	ssettag $0x1  }
0x1: {  	v0 =	vimm.s32 $0xB80;
	vm12 =	vcmask $0x300  }
0x2: {  	vm13 =	vcmask $0x704;
	vm14 =	vcmask $0xB08;
	vm11 =	vcmask $0xF0C  }
0x3: {  	vm10 =	vcmask $0x1310;
	vm9 =	vcmask $0x1714;
	vm7 =	vcmask $0x1B18  }
0x4: {  	vm8 =	vcmask $0x1F1C;
	vm6 =	vcmask $0x2320;
	vm5 =	vcmask $0x2724  }
0x5: {  	vm4 =	vcmask $0x2B28;
	vm3 =	vcmask $0x2F2C;
	vm2 =	vcmask $0x3330  }
0x6: {  	vm1 =	vcmask $0x3734;
	vm0 =	vcmask $0x3B38;
	v10 =	vimm.s32 $0x1B80  }
0x7: {  	v11 =	vimm.s32 $0x2B80;
	v12 =	vimm.s32 $0x3B80;
	v0 =	vsel vm12, $0x0, v0  }
0x8: {  	v10 =	vsel vm12, $0x1000, v10;
	v11 =	vsel vm12, $0x2000, v11;
	v12 =	vsel vm12, $0x3000, v12  }
0x9: {  	s0 =	srdreg.scid;
	s1 =	stileid.u32;
	v0 =	vsel vm13, $0x80, v0;
	v10 =	vsel vm13, $0x1080, v10;
	v11 =	vsel vm13, $0x2080, v11  }
0xa: {  	s0 =	sand.u32 $0x1, s0;
	s1 =	sshll.u32 s1, $0x1;
	v12 =	vsel vm13, $0x3080, v12;
	v0 =	vsel vm14, $0x100, v0;
	v10 =	vsel vm14, $0x1100, v10  }
0xb: {  	s5 =	sor.u32 s0, s1;
	v11 =	vsel vm14, $0x2100, v11;
	v12 =	vsel vm14, $0x3100, v12;
	v0 =	vsel vm11, $0x180, v0  }
0xc: {  	s8 =	smul.u32 $0x7A00, s5;
	v10 =	vsel vm11, $0x1180, v10;
	v11 =	vsel vm11, $0x2180, v11;
	v12 =	vsel vm11, $0x3180, v12  }
0xd: {  	v0 =	vsel vm10, $0x200, v0;
	v10 =	vsel vm10, $0x1200, v10;
	v11 =	vsel vm10, $0x2200, v11  }
0xe: {  	p0 =	seq.s32 s5, $0x1F;
	s1 =	sadd.s32 $0x7A00, s8;
	v12 =	vsel vm10, $0x3200, v12;
	v1 =	vsel vm9, $0x280, v0;
	v0 =	vmov s8  }
0xf: {  	s1 =	simm.s32 @p0 $0xF4240;
	v10 =	vsel vm9, $0x1280, v10;
	v11 =	vsel vm9, $0x2280, v11;
	v12 =	vsel vm9, $0x3280, v12  }
0x10: {  	v2 =	vsel vm7, $0x300, v1;
	v1 =	vmov s1;
	v10 =	vsel vm7, $0x1300, v10  }
0x11: {  	v11 =	vsel vm7, $0x2300, v11;
	v12 =	vsel vm7, $0x3300, v12;
	v3 =	vsel vm8, $0x380, v2  }
0x12: {  	v2 =	vlaneseq.u32;
	v10 =	vsel vm8, $0x1380, v10;
	v11 =	vsel vm8, $0x2380, v11  }
0x13: {  	v12 =	vsel vm8, $0x3380, v12;
	v4 =	vsel vm6, $0x800, v3;
	v3 =	vimm.s32 $0x7FFFBFFF  }
0x14: {  	v10 =	vsel vm6, $0x1800, v10;
	v11 =	vsel vm6, $0x2800, v11;
	v12 =	vsel vm6, $0x3800, v12  }
0x15: {  	v5 =	vsel vm5, $0x880, v4;
	v4 =	vimm.s32 $0x0;
	v10 =	vsel vm5, $0x1880, v10  }
0x16: {  	s2 =	rddreg [dreg:$0x4];
	v11 =	vsel vm5, $0x2880, v11;
	v12 =	vsel vm5, $0x3880, v12;
	v6 =	vsel vm4, $0x900, v5  }
0x17: {  	s6 =	simm.s32 $0x0;
	s13 =	simm.s32 $0x7A1400;
	s14 =	simm.s32 $0x800;
	v5 =	vimm.s32 $0xFFFFFFFF;
	v10 =	vsel vm4, $0x1900, v10;
	v11 =	vsel vm4, $0x2900, v11  }
0x18: {  	s15 =	simm.s32 $0x11100;
	s16 =	simm.s32 $0x15100;
	s17 =	simm.s32 $0x1000;
	v12 =	vsel vm4, $0x3900, v12;
	v7 =	vsel vm3, $0x980, v6;
	v6 =	vimm.s32 $0x40000000  }
0x19: {  	s18 =	simm.s32 $0x3;
	s19 =	simm.s32 $0x5000;
	s20 =	simm.s32 $0x19100;
	v10 =	vsel vm3, $0x1980, v10;
	v11 =	vsel vm3, $0x2980, v11;
	v12 =	vsel vm3, $0x3980, v12  }
0x1a: {  	s21 =	simm.s32 $0x1;
	s22 =	simm.s32 $0x1B100;
	s23 =	simm.s32 $0x1B400;
	v8 =	vsel vm2, $0xA00, v7;
	v7 =	vor.u32 $0x80000000, v2;
	v10 =	vsel vm2, $0x1A00, v10  }
.Ltmp0:
0x1b: {  	s24 =	simm.s32 $0x2;
	s0 =	ssub.s32 $0x2, s0;
	v9 =	vsel vm1, $0xA80, v8;
	v8 =	vadd.s32 $0x1, v2;
	v13 =	vsel vm1, $0x1A80, v10;
	(pc) =	sbr.rel .LBB2_1-.Ltmp0, $4  }
0x1c: {  	s25 =	simm.s32 $0x0;
	[smem:$0x7FF] =	sst s6;
	s31 =	sshrl.u32 s0, $0x1;
	v10 =	vsel vm2, $0x2A00, v11;
	v11 =	vsel vm2, $0x3A00, v12;
	v9 =	vsel vm0, $0xB00, v9  }
0x1d: {  	s7 =	sadd.s32 $0x800, s2;
	s0 =	ssub.s32 s0, s31;
	s1 =	rddreg [dreg:$0x0];
	v12 =	vsel vm1, $0x2A80, v10;
	v14 =	vsel vm1, $0x3A80, v11;
	v10 =	vmul.u32 $0x80, v2  }
0x1e: {  	s10 =	smul.u32 $0x3D000, s5;
	s12 =	smax.u32 s0, $0x1;
	s8 =	sadd.s32 s1, s8;
	v11 =	vsel vm0, $0x1B00, v13;
	v12 =	vsel vm0, $0x2B00, v12;
	v13 =	vsel vm0, $0x3B00, v14  }
0x1f: {  	_ =	strace $0x80000047;
	s9 =	sadd.s32 $0x100, s8;
	s11 =	sadd.s32 $0x300, s8;
	v14 =	vor.u32 $0x800, v10;
	v15 =	vor.u32 $0x1000, v10;
	v16 =	vor.u32 $0x1800, v10  }
.LBB2_79:
0x20: {  	[sflag:s21] =	ssyncadd.s32 $0xFFFFFFC0  }
.LBB2_80:
0x21: {  	s25 =	sadd.s32 $0x1, s25  }
0x22: {  	p0 =	sne.s32 s25, s12  }
.Ltmp1:
0x23: {  	_ = 	snop;
	(pc) =	sbr.rel @!p0 .LBB2_81-.Ltmp1, $1  }
0x24: {  	_ =	sdelay $0x3  }
.LBB2_1:
0x25: {  	[tilespmem:s15], [sflag:$0x2] =	stream.strided.gather [hbm4b:s8+s14], $0x4000, s13, s14, $0x38;
	[tilespmem:$0x1B600] =	vst v63  }
0x26: {  	_ = 	snop  }
0x27: {  	[tilespmem:s16], [sflag:$0x2] =	stream.strided.gather [hbm4b:s9+s14], $0x4000, s13, s14, $0x38;
	[tilespmem:$0x1B600] =	vst v63  }
0x28: {  	s0 =	rddreg [dreg:$0x2]  }
0x29: {  	[tilespmem:s17], [sflag:$0x3] =	stream.linear.gather [hbm4b:s0+s6], $0x4000, $0x38;
	[tilespmem:$0x1B600] =	vst v63  }
0x2a: {  	_ =	swait.ge [sflag:s18], $0x4000  }
0x2b: {  	[sflag:s18] =	ssyncset.done $0x0  }
0x2c: {  	[sflag:s18] =	ssyncadd.s32 $0xFFFFC000  }
0x2d: {  	s2 =	rddreg [dreg:$0x3]  }
0x2e: {  	[tilespmem:s19], [sflag:$0x3] =	stream.linear.gather [hbm4b:s2+s6], $0x4000, $0x38;
	[tilespmem:$0x1B600] =	vst v63  }
0x2f: {  	_ =	swait.ge [sflag:s18], $0x4000  }
0x30: {  	[sflag:s18] =	ssyncset.done $0x0  }
0x31: {  	[sflag:s18] =	ssyncadd.s32 $0xFFFFC000  }
0x32: {  	s3 =	rddreg [dreg:$0x1]  }
0x33: {  	[tilespmem:s20], [sflag:$0x3] =	stream.linear.gather [hbm4b:s3+s6], $0x2000, $0x38;
	[tilespmem:$0x1B600] =	vst v63  }
0x34: {  	_ =	swait.ge [sflag:s18], $0x2000  }
0x35: {  	[sflag:s18] =	ssyncset.done $0x0  }
0x36: {  	s4 =	simm.s32 $0x1020;
	[sflag:s18] =	ssyncadd.s32 $0xFFFFE000  }
0x37: {  	v17 =	vld [tilespmem:s4+$0xFFFFFFE0]  }
0x38: {  	v20 =	vld [tilespmem:s4+$0x0]  }
0x39: {  	v21 =	vld [tilespmem:s4+$0x10]  }
0x3a: {  	v22 =	vld [tilespmem:s4+$0xFFFFFFF0];
	_ =	sdelay $0x2  }
0x3b: {  	v18 =	vsub.s32 v17, v0;
	vm0 =	vge.s32 v20, v0  }
0x3c: {  	s5 =	simm.s32 $0x1060;
	vm1 =	vge.s32 v21, v0;
	vm2 =	vge.s32 v17, v0;
	vm3 =	vlt.s32 v17, v1  }
0x3d: {  	v23 =	vld [tilespmem:s5+$0xFFFFFFE0];
	vm4 =	vge.s32 v22, v0;
	vm5 =	vlt.s32 v22, v1;
	vm7 =	vmand vm2, vm3  }
0x3e: {  	vm2 =	vlt.s32 v20, v1;
	vm3 =	vmand vm4, vm5;
	v17 =	vmpcnt.ones.xlane vm7  }
0x3f: {  	vm4 =	vlt.s32 v21, v1;
	vm0 =	vmand vm0, vm2;
	v19 =	vmpcnt.ones.xlane vm3  }
0x40: {  	vm4 =	vmand vm1, vm4;
	v24 =	vmpcnt.ones.xlane vm0;
	(v2sf) =	vpush v17, $0x0  }
0x41: {  	v22 =	vsub.s32 v22, v0;
	v26 =	vmpcnt.ones.xlane vm4;
	(v2sf) =	vpush v19, $0x0  }
0x42: {  	s2 =	simm.s32 $0x0;
	vm9 =	vlt.s32 v23, v1;
	v25 =	vshll.u32 v18, $0xF;
	v18 =	vld [tilespmem:s5+$0x0];
	(v2sf) =	vpush v24, $0x0  }
0x43: {  	s3 =	sand.u32 $0x3FC0, s2;
	v20 =	vsub.s32 v20, v0;
	v21 =	vsub.s32 v21, v0;
	(v2sf) =	vpush v26, $0x0  }
0x44: {  	v22 =	vshll.u32 v22, $0xF;
	v25 =	vor.u32 s3, v25;
	vm2 =	vmmov vm3;
	v17 =	vld [tilespmem:s5+$0x10]  }
0x45: {  	vm3 =	vge.s32 v23, v0;
	v27 =	vshll.u32 v20, $0xF;
	v21 =	vshll.u32 v21, $0xF;
	v19 =	vld [tilespmem:s5+$0xFFFFFFF0]  }
0x46: {  	s26 =	sand.u32 $0x4000, s2;
	vm1 =	vmmov vm0;
	vm0 =	vmmov vm4;
	vm3 =	vmand vm3, vm9  }
0x47: {  	v24 =	vor.u32 s26, v25;
	vm4 =	vge.s32 v18, v0;
	vm8 =	vlt.s32 v18, v1  }
0x48: {  	s29 =	simm.s32 $0x4;
	v25 =	vsub.s32 v23, v0;
	v26 =	vor.u32 v2, v24;
	vm4 =	vmand vm4, vm8  }
0x49: {  	s31 =	simm.s32 $0x70;
	s30 =	simm.s32 $0x40;
	s28 =	simm.s32 $0x70;
	v23 =	vshll.u32 v25, $0xF;
	v24 =	vmpcnt.ones.xlane vm3;
	vm5 =	vge.s32 v17, v0  }
0x4a: {  	s4 =	simm.s32 $0x20;
	s3 =	sand.u32 $0x3FC0, s30;
	s5 =	simm.s32 $0x10;
	vm6 =	vlt.s32 v17, v1;
	vm15 =	vge.s32 v19, v0;
	vm8 =	vlt.s32 v19, v1  }
0x4b: {  	s0 =	simm.s32 $0x30;
	s4 =	sand.u32 $0x3FE0, s4;
	v20 =	vor.u32 s3, v23;
	s3 =	sand.u32 $0x3FD0, s5;
	vm5 =	vmand vm5, vm6;
	vm6 =	vmand vm15, vm8  }
0x4c: {  	s2 =	sand.u32 $0x3FF0, s0;
	s0 =	simm.s32 $0x0;
	s5 =	simm.s32 $0x10A0;
	[tilespmem:s6+$0x9080] =	vst.msk vm7, v26;
	v23 =	vor.u32 s3, v22;
	v22 =	vor.u32 s4, v27;
	v25 =	vmpcnt.ones.xlane vm6  }
.LBB2_2:
0x4d: {  	v27 =	vmpcnt.ones.xlane vm4;
	(v2sf) =	vpush v24, $0x0  }
0x4e: {  	v26 =	vld [tilespmem:s5+$0xFFFFFFE0];
	v21 =	vor.u32 s2, v21;
	vm7 =	vmmov vm2;
	vm2 =	vmmov vm6  }
0x4f: {  	v28 =	vmpcnt.ones.xlane vm5;
	v23 =	vor.u32 s26, v23;
	v24 =	vld [tilespmem:s5+$0x10];
	(v2sf) =	vpush v25, $0x0;
	s2 =	spop (v2sf)  }
0x50: {  	v22 =	vor.u32 s26, v22;
	v23 =	vor.u32 v2, v23;
	v25 =	vld [tilespmem:s5+$0x0];
	(v2sf) =	vpush v27, $0x0;
	s0 =	sadd.s32 s0, s2;
	s2 =	spop (v2sf)  }
0x51: {  	v22 =	vor.u32 v2, v22;
	v21 =	vor.u32 s26, v21;
	s26 =	sand.u32 $0x4000, s30;
	v27 =	vld [tilespmem:s5+$0xFFFFFFF0];
	(v2sf) =	vpush v28, $0x0;
	[tilespmem:s0+$0x9080] =	vst.msk vm7, v23;
	s0 =	sadd.s32 s0, s2;
	s2 =	spop (v2sf)  }
0x52: {  	v20 =	vor.u32 s26, v20;
	v21 =	vor.u32 v2, v21;
	[tilespmem:s0+$0x9080] =	vst.msk vm1, v22;
	s0 =	sadd.s32 s0, s2;
	s2 =	spop (v2sf);
	vm1 =	vmmov vm4  }
0x53: {  	s29 =	sadd.s32 $0x4, s29;
	v20 =	vor.u32 v2, v20;
	v22 =	vsub.s32 v26, v0;
	[tilespmem:s0+$0x9080] =	vst.msk vm0, v21;
	s0 =	sadd.s32 s0, s2;
	vm0 =	vmmov vm5  }
0x54: {  	p0 =	slt.u32 s29, $0x7FC;
	v23 =	vsub.s32 v17, v0;
	v21 =	vsub.s32 v18, v0;
	[tilespmem:s0+$0x9080] =	vst.msk vm3, v20;
	v20 =	vsub.s32 v19, v0  }
0x55: {  	vm5 =	vge.s32 v24, v0;
	vm6 =	vlt.s32 v24, v1;
	v17 =	vmovc v24;
	vm4 =	vge.s32 v25, v0  }
0x56: {  	vm9 =	vlt.s32 v25, v1;
	v18 =	vmovc v25;
	vm7 =	vge.s32 v27, v0;
	vm8 =	vlt.s32 v27, v1  }
.Ltmp2:
0x57: {  	s31 =	sadd.s32 $0x40, s31;
	vm10 =	vlt.s32 v26, v1;
	vm3 =	vge.s32 v26, v0;
	v22 =	vshll.u32 v22, $0xF;
	v19 =	vmovc v27;
	(pc) =	sbr.rel @p0 .LBB2_2-.Ltmp2, $4  }
0x58: {  	s30 =	sadd.s32 $0xFFFFFFD0, s31;
	v26 =	vshll.u32 v20, $0xF;
	v27 =	vshll.u32 v21, $0xF;
	v21 =	vshll.u32 v23, $0xF  }
0x59: {  	s3 =	sadd.s32 $0xFFFFFFE0, s28;
	s4 =	sadd.s32 $0xFFFFFFF0, s28;
	s2 =	sand.u32 $0x3FC0, s30;
	vm3 =	vmand vm3, vm10;
	vm5 =	vmand vm5, vm6;
	vm4 =	vmand vm4, vm9  }
0x5a: {  	v20 =	vor.u32 s2, v22;
	s2 =	sand.u32 $0x3FD0, s3;
	s3 =	sand.u32 $0x3FE0, s4;
	v24 =	vmpcnt.ones.xlane vm3;
	vm6 =	vmand vm7, vm8  }
0x5b: {  	s5 =	sadd.s32 $0x40, s5;
	v23 =	vor.u32 s2, v26;
	s2 =	sand.u32 $0x3FF0, s28;
	s28 =	smov.u32 s31;
	v22 =	vor.u32 s3, v27;
	v25 =	vmpcnt.ones.xlane vm6  }
0x5c: {  	v26 =	vmpcnt.ones.xlane vm4;
	(v2sf) =	vpush v24, $0x0  }
0x5d: {  	v62 =	vmpcnt.ones.xlane vm5;
	(v2sf) =	vpush v25, $0x0  }
0x5e: {  	(v2sf) =	vpush v26, $0x0  }
0x5f: {  	(v2sf) =	vpush v62, $0x0;
	_ =	sdelay $0x3  }
0x60: {  	[tilespmem:$0x1B100] =	vst v4  }
0x61: {  	[tilespmem:$0x1B110] =	vst v4  }
0x62: {  	[tilespmem:$0x1B120] =	vst v4  }
0x63: {  	[tilespmem:$0x1B130] =	vst v4  }
0x64: {  	s3 =	spop (v2sf);
	[tilespmem:$0x1B140] =	vst v4  }
0x65: {  	v23 =	vor.u32 s26, v23;
	v21 =	vor.u32 s2, v21;
	vm2 =	vmmov vm2;
	s29 =	sadd.s32 $0xFFFFFFE0, s28;
	[tilespmem:$0x1B150] =	vst v4;
	s0 =	sadd.s32 s0, s3;
	s4 =	spop (v2sf)  }
0x66: {  	v22 =	vor.u32 s26, v22;
	v19 =	vsub.s32 v19, v0;
	s31 =	sadd.s32 $0xFFFFFFF0, s28;
	v18 =	vsub.s32 v18, v0;
	[tilespmem:$0x1B160] =	vst v4;
	s3 =	sadd.s32 s0, s4;
	s5 =	spop (v2sf)  }
0x67: {  	v17 =	vsub.s32 v17, v0;
	vm12 =	vmmov vm6;
	[tilespmem:$0x1B170] =	vst v4;
	v21 =	vor.u32 s26, v21;
	s26 =	sand.u32 $0x3FE0, s31;
	s4 =	sadd.s32 s3, s5;
	s5 =	spop (v2sf)  }
0x68: {  	[tilespmem:$0x1B180] =	vst v4;
	v23 =	vor.u32 v2, v23;
	v19 =	vshll.u32 v19, $0xF;
	v18 =	vshll.u32 v18, $0xF;
	s2 =	sadd.s32 s4, s5;
	s5 =	sand.u32 $0x3FD0, s29;
	s29 =	spop (v2sf)  }
0x69: {  	v17 =	vshll.u32 v17, $0xF;
	v22 =	vor.u32 v2, v22;
	vm13 =	vmmov vm12;
	[tilespmem:s0+$0x9080] =	vst.msk vm2, v23;
	s0 =	sand.u32 $0x4000, s30;
	s29 =	sadd.s32 s2, s29;
	s31 =	spop (v2sf)  }
0x6a: {  	v21 =	vor.u32 v2, v21;
	[tilespmem:s3+$0x9080] =	vst.msk vm1, v22;
	v20 =	vor.u32 s0, v20;
	v19 =	vor.u32 s5, v19;
	s5 =	sand.u32 $0x3FF0, s28;
	s28 =	sadd.s32 s29, s31;
	s31 =	spop (v2sf)  }
0x6b: {  	v18 =	vor.u32 s26, v18;
	[tilespmem:s4+$0x9080] =	vst.msk vm0, v21;
	v20 =	vor.u32 v2, v20;
	v19 =	vor.u32 s0, v19;
	s30 =	sadd.s32 s28, s31;
	s31 =	spop (v2sf)  }
0x6c: {  	v18 =	vor.u32 s0, v18;
	[tilespmem:s2+$0x9080] =	vst.msk vm3, v20;
	v17 =	vor.u32 s5, v17;
	v19 =	vor.u32 v2, v19;
	s26 =	sadd.s32 s30, s31  }
0x6d: {  	vm14 =	vmmov vm4;
	v18 =	vor.u32 v2, v18;
	v17 =	vor.u32 s0, v17;
	[tilespmem:s29+$0x9080] =	vst.msk vm13, v19;
	s29 =	sadd.s32 $0xF, s26  }
0x6e: {  	vm15 =	vmmov vm5;
	v17 =	vor.u32 v2, v17;
	[tilespmem:s28+$0x9080] =	vst.msk vm14, v18;
	s3 =	sand.u32 $0xF, s29  }
0x6f: {  	[tilespmem:s30+$0x9080] =	vst.msk vm15, v17;
	s30 =	sshra.s32 s29, $0x1F;
	p0 =	slt.s32 s29, $0x1;
	p1 =	sne.s32 s3, $0x0  }
0x70: {  	[tilespmem:$0x1B190] =	vst v4;
	s31 =	sshrl.u32 s30, $0x1C;
	p0 =	por !p0, !p1  }
0x71: {  	[tilespmem:$0x1B1A0] =	vst v4;
	s3 =	simm.s32 $0x1;
	s2 =	sadd.s32 s31, s29;
	p0 =	por !p0, !p0  }
0x72: {  	[tilespmem:$0x1B1B0] =	vst v4;
	s2 =	sshra.s32 s2, $0x4;
	s3 =	simm.s32 @!p0 $0x0  }
0x73: {  	[tilespmem:$0x1B1C0] =	vst v4;
	v63 =	vadd.s32 s26, v2;
	s26 =	ssub.s32 s2, s3  }
0x74: {  	[tilespmem:$0x1B1D0] =	vst v4;
	p0 =	sgt.s32 s26, $0x0  }
.Ltmp3:
0x75: {  	[tilespmem:$0x1B1E0] =	vst v4;
	(pc) =	sbr.rel @!p0 .LBB2_4-.Ltmp3, $4  }
0x76: {  	[tilespmem:$0x1B1F0] =	vst v4  }
0x77: {  	[tilespmem:$0x1B580] =	vst v5  }
0x78: {  	[tilespmem:$0x1B590] =	vst v6;
	s0 =	simm.s32 $0x9080  }
0x79: {  	[tilespmem:v63+s0+$0x0] =	vst.idx.msk $0xffff, v3  }
0x7a: {  	v17 =	vld [tilespmem:s0+$0x0]  }
0x7b: {  	p5 =	seq.s32 s26, $0x1  }
.Ltmp4:
0x7c: {  	_ = 	snop;
	(pc) =	sbr.rel @p5 .LBB2_10-.Ltmp4, $3  }
0x7d: {  	_ =	sdelay $0x1  }
0x7e: {  	s2 =	simm.s32 $0x9090;
	s0 =	sadd.s32 $0xFFFFFFFF, s26;
	p1 =	por $0x0, $0x0;
	v18 =	vshra.s32 v17, $0x17  }
0x7f: {  	p2 =	por $0x0, $0x0;
	p3 =	por $0x0, $0x0;
	p4 =	por $0x0, $0x0;
	v21 =	vxor.u32 $0x80000000, v18  }
0x80: {  	v18 =	vld [tilespmem:s2+$0x0]  }
0x81: {  	p5 =	seq.s32 s0, $0x1  }
.Ltmp5:
0x82: {  	_ = 	snop;
	(pc) =	sbr.rel @p5 .LBB2_12-.Ltmp5, $3  }
0x83: {  	_ =	sdelay $0x1  }
0x84: {  	(xrf1) =	vsort.ascd.msk.u32 $0xffff, v21, v17;
	v17 =	vshra.s32 v18, $0x17  }
0x85: {  	s2 =	simm.s32 $0x90A0;
	s0 =	sadd.s32 $0xFFFFFFFF, s0;
	p1 =	por $0x1, $0x1;
	v21 =	vxor.u32 $0x80000000, v17  }
0x86: {  	v17 =	vld [tilespmem:s2+$0x0]  }
0x87: {  	p5 =	seq.s32 s0, $0x1  }
.Ltmp6:
0x88: {  	_ = 	snop;
	(pc) =	sbr.rel @p5 .LBB2_14-.Ltmp6, $3  }
0x89: {  	_ =	sdelay $0x1  }
0x8a: {  	(xrf1) =	vsort.ascd.msk.u32 $0xffff, v21, v18;
	v18 =	vshra.s32 v17, $0x17  }
0x8b: {  	s2 =	simm.s32 $0x90B0;
	s0 =	sadd.s32 $0xFFFFFFFF, s0;
	p2 =	por $0x1, $0x1;
	v21 =	vxor.u32 $0x80000000, v18  }
0x8c: {  	_ =	sdelay $0x4  }
0x8d: {  	v18, _, _ =	vpop (xrf1);
	(xrf1) =	vsort.ascd.msk.u32 $0xffff, v21, v17;
	_ =	sdelay $0x6  }
0x8e: {  	v19 =	vld [tilespmem:s2+$0x0]  }
0x8f: {  	p5 =	seq.s32 s0, $0x1  }
.Ltmp7:
0x90: {  	_ = 	snop;
	(pc) =	sbr.rel @p5 .LBB2_16-.Ltmp7, $4  }
0x91: {  	v20 =	vxor.u32 $0x80000000, v18  }
0x92: {  	[tilespmem:$0x1B581] =	vst v20  }
0x93: {  	v17 =	vshra.s32 v19, $0x17;
	v23 =	vld [tilespmem:$0x1B580]  }
0x94: {  	s3 =	simm.s32 $0x90C0;
	s2 =	sadd.s32 $0xFFFFFFFF, s0;
	p3 =	por $0x1, $0x1;
	v21 =	vxor.u32 $0x80000000, v17;
	v22 =	vld [tilespmem:$0x1B582]  }
0x95: {  	_ = 	snop  }
0x96: {  	(xrf1) =	vsort.ascd.msk.u32 $0xffff, v21, v19  }
0x97: {  	v17 =	vld [tilespmem:s3+$0x0];
	v18, _, _ =	vpop (xrf1)  }
0x98: {  	p5 =	seq.s32 s2, $0x1;
	v18 =	vxor.u32 $0x80000000, v18;
	vm0 =	veq.s32 v20, v23  }
.Ltmp8:
0x99: {  	[tilespmem:$0x1B581] =	vst v18;
	v19 =	vsel vm0, $0x80000000, v7;
	(pc) =	sbr.rel @p5 .LBB2_18-.Ltmp8, $4  }
0x9a: {  	v24 =	vld [tilespmem:$0x1B580];
	(xrf0) =	vmax.scan.msk.u32 $0xffff, v19  }
0x9b: {  	v25 =	vld [tilespmem:$0x1B582]  }
0x9c: {  	vm1 =	vne.s32 v20, v22;
	v21 =	vshra.s32 v17, $0x17  }
0x9d: {  	s0 =	simm.s32 $0x90D0;
	s2 =	sadd.s32 $0xFFFFFFFF, s2;
	p4 =	por $0x1, $0x1;
	vm0 =	vmmov vm1;
	v21 =	vxor.u32 $0x80000000, v21;
	v19 =	vmov v20  }
.LBB2_19:
0x9e: {  	p5 =	seq.s32 s2, $0x1;
	(xrf1) =	vsort.ascd.msk.u32 $0xffff, v21, v17;
	v17 =	vld [tilespmem:s0+$0x0];
	v21, _, _ =	vpop (xrf1)  }
0x9f: {  	v21 =	vxor.u32 $0x80000000, v21;
	vm1 =	veq.s32 v18, v24  }
.Ltmp9:
0xa0: {  	[tilespmem:$0x1B581] =	vst v21;
	vm2 =	vne.s32 v18, v25;
	v25 =	vsel vm1, $0x80000000, v7;
	v26, _, _ =	vpop (xrf0);
	(pc) =	sbr.rel @!p5 .LBB2_19-.Ltmp9, $4  }
0xa1: {  	v24 =	vld [tilespmem:$0x1B580];
	(xrf0) =	vmax.scan.msk.u32 $0xffff, v25;
	v26 =	vxor.u32 $0x80000000, v26  }
0xa2: {  	v25 =	vld [tilespmem:$0x1B582];
	v26 =	vsub.s32 v8, v26  }
0xa3: {  	v27 =	vshra.s32 v17, $0x17;
	[tilespmem:v19+s22+$0x0] =	vst.idx.add.s32.msk vm0, v26;
	v19 =	vmovc v18;
	v18 =	vmov v21;
	vm0 =	vmmov vm2  }
0xa4: {  	s0 =	sadd.s32 $0x10, s0;
	s2 =	sadd.s32 $0xFFFFFFFF, s2;
	v21 =	vxor.u32 $0x80000000, v27  }
.LBB2_20:
0xa5: {  	(xrf1) =	vsort.ascd.msk.u32 $0xffff, v21, v17;
	_ =	sdelay $0x7  }
0xa6: {  	v17, _, _ =	vpop @p2 (xrf1)  }
0xa7: {  	v17 =	vxor.u32 @p2 $0x80000000, v17  }
0xa8: {  	[tilespmem:$0x1B581] =	vst @p2 v17  }
0xa9: {  	v21 =	vld @p2 [tilespmem:$0x1B580]  }
0xaa: {  	v26, _, _ =	vpop @p1 (xrf1)  }
0xab: {  	v26 =	vxor.u32 @p1 $0x80000000, v26  }
0xac: {  	v27 =	vld @p2 [tilespmem:$0x1B582];
	[tilespmem:$0x1B581] =	vst @p1 v26;
	v29, _, _ =	vpop (xrf1)  }
0xad: {  	v28 =	vld @p1 [tilespmem:$0x1B580];
	v29 =	vxor.u32 $0x80000000, v29  }
0xae: {  	v17 =	vpsel p2, v17, v20;
	v20 =	vpsel p2, v21, v23;
	v30 =	vld @p1 [tilespmem:$0x1B582];
	[tilespmem:$0x1B581] =	vst v29  }
0xaf: {  	vm1 =	veq.s32 @p3 v18, v24;
	v31 =	vld [tilespmem:$0x1B580]  }
0xb0: {  	v21 =	vsel @p3 vm1, $0x80000000, v7  }
0xb1: {  	vm3 =	veq.s32 @p2 v17, v20;
	(xrf0) =	vmax.scan.msk.u32 @p3 $0xffff, v21;
	v21 =	vpsel p2, v27, v22;
	v20 =	vmov @p1 v26  }
0xb2: {  	v22 =	vsel @p2 vm3, $0x80000000, v7;
	v20 =	vpsel p1, v20, v0;
	v23 =	vpsel p1, v28, v0  }
0xb3: {  	vm2 =	vne.s32 @p3 v18, v25;
	vm1 =	veq.s32 @p1 v20, v23;
	v61 =	vld [tilespmem:$0x1B582]  }
0xb4: {  	vm3 =	vne.s32 @p2 v17, v21;
	(xrf0) =	vmax.scan.msk.u32 @p2 $0xffff, v22;
	v21 =	vsel @p1 vm1, $0x80000000, v7;
	vm1 =	veq.s32 v29, v31  }
0xb5: {  	vm2 =	vmmov @p3 vm2;
	v22, _, _ =	vpop @p4 (xrf0);
	v24 =	vpsel p1, v30, v0;
	(xrf0) =	vmax.scan.msk.u32 @p1 $0xffff, v21;
	v62 =	vsel vm1, $0x80000000, v7  }
0xb6: {  	vm1 =	vmmov @p3 vm2;
	vm2 =	vmmov @p2 vm3;
	vm3 =	vne.s32 @p1 v20, v24;
	(xrf0) =	vmax.scan.msk.u32 $0xffff, v62  }
0xb7: {  	v18 =	vpsel p3, v18, v0;
	vm2 =	vmmov @p2 vm2;
	vm3 =	vmmov @p1 vm3  }
0xb8: {  	v17 =	vpsel p2, v17, v0;
	vm4 =	vne.s32 v29, v61;
	vm3 =	vmmov @p1 vm3  }
0xb9: {  	v22 =	vxor.u32 @p4 $0x80000000, v22;
	v21, _, _ =	vpop @p3 (xrf0);
	v20 =	vpsel p1, v20, v0;
	vm4 =	vmmov vm4  }
0xba: {  	v22 =	vsub.s32 @p4 v8, v22;
	v23, _, _ =	vpop @p2 (xrf0);
	v21 =	vxor.u32 @p3 $0x80000000, v21  }
0xbb: {  	[tilespmem:v19+s22+$0x0] =	vst.idx.add.s32.msk @p4 vm0, v22;
	v19 =	vsub.s32 @p3 v8, v21;
	v21 =	vxor.u32 @p2 $0x80000000, v23;
	v24, _, _ =	vpop @p1 (xrf0)  }
0xbc: {  	[tilespmem:v18+s22+$0x0] =	vst.idx.add.s32.msk @p3 vm1, v19;
	v18 =	vsub.s32 @p2 v8, v21;
	v19 =	vxor.u32 @p1 $0x80000000, v24;
	v63, _, _ =	vpop (xrf0)  }
0xbd: {  	[tilespmem:v17+s22+$0x0] =	vst.idx.add.s32.msk @p2 vm2, v18;
	v17 =	vsub.s32 @p1 v8, v19;
	v18 =	vxor.u32 $0x80000000, v63  }
0xbe: {  	[tilespmem:v20+s22+$0x0] =	vst.idx.add.s32.msk @p1 vm3, v17;
	v17 =	vsub.s32 v8, v18  }
0xbf: {  	[tilespmem:v29+s22+$0x0] =	vst.idx.add.s32.msk vm4, v17  }
.LBB2_4:
0xc0: {  	s29 =	simm.s32 $0x0  }
0xc1: {  	s2 =	simm.s32 $0x10;
	v18 =	vld [tilespmem:s29+$0x1B100]  }
0xc2: {  	v20 =	vld [tilespmem:s2+$0x1B100];
	_ =	sdelay $0x3  }
0xc3: {  	(xrf0) =	vadd.scan.msk.s32 $0xffff, v18  }
0xc4: {  	(xrf0) =	vadd.scan.msk.s32 $0xffff, v20;
	_ =	sdelay $0x4  }
0xc5: {  	s0 =	simm.s32 $0x20;
	v19, _, _ =	vpop (xrf0)  }
0xc6: {  	v17 =	vld [tilespmem:s0+$0x1B100];
	(v2sf) =	vpush v19, $0xF;
	v21, _, _ =	vpop (xrf0)  }
0xc7: {  	(v2sf) =	vpush v21, $0xF;
	_ =	sdelay $0x3  }
0xc8: {  	s5 =	simm.s32 $0x30;
	(xrf0) =	vadd.scan.msk.s32 $0xffff, v17  }
0xc9: {  	v19 =	vsub.s32 v19, v18;
	v18 =	vld [tilespmem:s5+$0x1B100];
	_ =	sdelay $0x3  }
0xca: {  	s28 =	simm.s32 $0x0;
	s30 =	simm.s32 $0x100;
	v20 =	vsub.s32 v21, v20  }
.LBB2_5:
0xcb: {  	s3 =	sshra.s32 s30, $0x2;
	p1 =	seq.s32 s30, $0x3C0;
	s30 =	sadd.s32 $0x40, s30;
	(xrf0) =	vadd.scan.msk.s32 $0xffff, v18;
	v21, _, _ =	vpop (xrf0);
	v22 =	vadd.s32 s28, v19;
	v19 =	vmov v20  }
.Ltmp10:
0xcc: {  	v20 =	vsub.s32 v21, v17;
	(v2sf) =	vpush v21, $0xF;
	[tilespmem:s29+$0x1B280] =	vst v22;
	v17 =	vmov v18;
	v18 =	vld [tilespmem:s3+$0x1B100];
	(pc) =	sbr.rel @!p1 .LBB2_5-.Ltmp10, $4  }
0xcd: {  	[tilespmem:s29+$0x1B400] =	vst v22;
	s29 =	smov.u32 s2;
	s2 =	smov.u32 s0;
	s0 =	smov.u32 s5  }
0xce: {  	s5 =	smov.u32 s3  }
0xcf: {  	s3 =	spop (v2sf)  }
0xd0: {  	s28 =	sadd.s32 s28, s3  }
0xd1: {  	(xrf0) =	vadd.scan.msk.s32 $0xffff, v18;
	_ =	sdelay $0x1  }
0xd2: {  	v21, _, _ =	vpop (xrf0)  }
0xd3: {  	(v2sf) =	vpush v21, $0xF;
	_ =	sdelay $0x2  }
0xd4: {  	v22, _, _ =	vpop (xrf0)  }
0xd5: {  	(v2sf) =	vpush v22, $0xF;
	_ =	sdelay $0x6  }
0xd6: {  	s3 =	spop (v2sf);
	v19 =	vadd.s32 s28, v19  }
0xd7: {  	s3 =	sadd.s32 s28, s3;
	[tilespmem:s29+$0x1B280] =	vst v19  }
0xd8: {  	[tilespmem:s29+$0x1B400] =	vst v19;
	v19 =	vadd.s32 s3, v20;
	s4 =	spop (v2sf)  }
0xd9: {  	v17 =	vsub.s32 v21, v17;
	[tilespmem:s2+$0x1B280] =	vst v19;
	s3 =	sadd.s32 s3, s4  }
.Ltmp11:
0xda: {  	[tilespmem:s2+$0x1B400] =	vst v19;
	v17 =	vadd.s32 s3, v17;
	s30 =	spop (v2sf);
	(pc) =	sbr.rel @!p0 .LBB2_38-.Ltmp11, $4  }
0xdb: {  	v18 =	vsub.s32 v22, v18;
	[tilespmem:s0+$0x1B280] =	vst v17;
	s2 =	sadd.s32 s3, s30  }
0xdc: {  	[tilespmem:s0+$0x1B400] =	vst v17;
	v17 =	vadd.s32 s2, v18  }
0xdd: {  	[tilespmem:s5+$0x1B280] =	vst v17  }
0xde: {  	s2 =	simm.s32 $0x9080;
	[tilespmem:s5+$0x1B400] =	vst v17;
	s31 =	spop (v2sf)  }
0xdf: {  	p6 =	sne.s32 s26, $0x1;
	p5 =	por $0x0, $0x0  }
.Ltmp12:
0xe0: {  	v19 =	vld [tilespmem:s2+$0x0];
	s2 =	simm.s32 @!p5 $0x0;
	(pc) =	sbr.rel @!p6 .LBB2_8-.Ltmp12, $4  }
0xe1: {  	s0 =	sadd.s32 $0xFFFFFFFF, s26;
	s2 =	simm.s32 @p5 $0x1;
	p5 =	por $0x0, $0x0  }
0xe2: {  	p0 =	por $0x0, $0x0;
	[smem:$0x7FC] =	sst s2;
	s2 =	simm.s32 @!p5 $0x0  }
0xe3: {  	p1 =	por $0x0, $0x0;
	p2 =	por $0x0, $0x0;
	s2 =	simm.s32 @p5 $0x1  }
0xe4: {  	p3 =	por $0x0, $0x0;
	p4 =	por $0x0, $0x0;
	[smem:$0x7FD] =	sst s2  }
0xe5: {  	p6 =	sne.s32 s0, $0x1  }
.Ltmp13:
0xe6: {  	_ = 	snop;
	(pc) =	sbr.rel @!p6 .LBB2_22-.Ltmp13, $4  }
0xe7: {  	_ = 	snop  }
0xe8: {  	v17 =	vshra.s32 v19, $0x17  }
0xe9: {  	s2 =	simm.s32 $0x9090;
	v18 =	vxor.u32 $0x80000000, v17  }
0xea: {  	s0 =	sadd.s32 $0xFFFFFFFF, s0;
	p0 =	por $0x1, $0x1;
	v17 =	vld [tilespmem:s2+$0x0];
	(xrf1) =	vsort.ascd.msk.u32 $0xffff, v18, v19  }
0xeb: {  	_ = 	snop  }
0xec: {  	p6 =	sne.s32 s0, $0x1  }
.Ltmp14:
0xed: {  	_ = 	snop;
	(pc) =	sbr.rel @!p6 .LBB2_24-.Ltmp14, $4  }
0xee: {  	_ = 	snop  }
0xef: {  	v18 =	vshra.s32 v17, $0x17  }
0xf0: {  	s2 =	simm.s32 $0x90A0;
	v18 =	vxor.u32 $0x80000000, v18  }
0xf1: {  	s0 =	sadd.s32 $0xFFFFFFFF, s0;
	p1 =	por $0x1, $0x1;
	v19 =	vld [tilespmem:s2+$0x0];
	(xrf1) =	vsort.ascd.msk.u32 $0xffff, v18, v17  }
0xf2: {  	_ = 	snop  }
0xf3: {  	p6 =	sne.s32 s0, $0x1  }
.Ltmp15:
0xf4: {  	_ = 	snop;
	(pc) =	sbr.rel @!p6 .LBB2_26-.Ltmp15, $4  }
0xf5: {  	_ = 	snop  }
0xf6: {  	v17 =	vshra.s32 v19, $0x17  }
0xf7: {  	s2 =	simm.s32 $0x90B0;
	v17 =	vxor.u32 $0x80000000, v17  }
0xf8: {  	s0 =	sadd.s32 $0xFFFFFFFF, s0;
	p2 =	por $0x1, $0x1;
	v20 =	vld [tilespmem:s2+$0x0];
	(xrf1) =	vsort.ascd.msk.u32 $0xffff, v17, v19  }
0xf9: {  	_ = 	snop  }
0xfa: {  	p6 =	sne.s32 s0, $0x1  }
.Ltmp16:
0xfb: {  	v18, v17, _ =	vpop (xrf1);
	(pc) =	sbr.rel @!p6 .LBB2_28-.Ltmp16, $4  }
0xfc: {  	s2 =	simm.s32 $0x90C0;
	v18 =	vxor.u32 $0x80000000, v18  }
0xfd: {  	v19 =	vld [tilespmem:s2+$0x0];
	[tilespmem:$0x1B581] =	vst v18;
	v21 =	vshra.s32 v20, $0x17  }
0xfe: {  	v22 =	vxor.u32 $0x80000000, v21;
	v21 =	vld [tilespmem:$0x1B580]  }
0xff: {  	s0 =	sadd.s32 $0xFFFFFFFF, s0;
	p3 =	por $0x1, $0x1;
	(xrf1) =	vsort.ascd.msk.u32 $0xffff, v22, v20;
	v20 =	vld [tilespmem:$0x1B582]  }
0x100: {  	_ =	sdelay $0x1  }
0x101: {  	v25 =	vshra.s32 v19, $0x17  }
0x102: {  	v25 =	vxor.u32 $0x80000000, v25  }
0x103: {  	v23, v22, _ =	vpop (xrf1);
	(xrf1) =	vsort.ascd.msk.u32 $0xffff, v25, v19;
	_ =	sdelay $0x6  }
0x104: {  	p6 =	sne.s32 s0, $0x1  }
.Ltmp17:
0x105: {  	_ = 	snop;
	(pc) =	sbr.rel @!p6 .LBB2_30-.Ltmp17, $4  }
0x106: {  	s2 =	simm.s32 $0x90D0;
	v23 =	vxor.u32 $0x80000000, v23  }
0x107: {  	v24 =	vld [tilespmem:s2+$0x0];
	[tilespmem:$0x1B581] =	vst v23;
	vm0 =	veq.s32 v18, v21  }
0x108: {  	v28 =	vld [tilespmem:$0x1B580];
	v19 =	vsel vm0, $0x80000000, v7  }
0x109: {  	s0 =	sadd.s32 $0xFFFFFFFF, s0;
	p4 =	por $0x1, $0x1;
	v29 =	vld [tilespmem:$0x1B582];
	vm0 =	vne.s32 v18, v20;
	(xrf0) =	vmax.scan.msk.u32 $0xffff, v19  }
0x10a: {  	_ =	sdelay $0x1  }
0x10b: {  	v26 =	vshra.s32 v24, $0x17  }
0x10c: {  	v62 =	vxor.u32 $0x80000000, v26  }
0x10d: {  	(xrf1) =	vsort.ascd.msk.u32 $0xffff, v62, v24;
	_ =	sdelay $0x1  }
0x10e: {  	p6 =	sne.s32 s0, $0x1  }
.Ltmp18:
0x10f: {  	v25, v30, _ =	vpop (xrf1);
	(pc) =	sbr.rel @!p6 .LBB2_32-.Ltmp18, $4  }
0x110: {  	s2 =	simm.s32 $0x90E0;
	v42 =	vld.idx.msk [tilespmem:v18+s23+$0x0], $0xffff;
	p5 =	por $0x1, $0x1;
	v38 =	vxor.u32 $0x80000000, v25  }
0x111: {  	v19 =	vld [tilespmem:s2+$0x0];
	s2 =	sadd.s32 $0xFFFFFFFF, s0;
	s0 =	simm.s32 @!p5 $0x0;
	[tilespmem:$0x1B581] =	vst v38;
	vm1 =	veq.s32 v23, v28  }
0x112: {  	s0 =	simm.s32 @p5 $0x1;
	v41 =	vld [tilespmem:$0x1B580];
	v63 =	vsel vm1, $0x80000000, v7  }
0x113: {  	vm2 =	vmmov vm0;
	v43 =	vld [tilespmem:$0x1B582];
	[smem:$0x7FC] =	sst s0;
	vm3 =	vne.s32 v23, v29;
	(xrf0) =	vmax.scan.msk.u32 $0xffff, v63;
	v34, _, _ =	vpop (xrf0)  }
0x114: {  	_ =	sdelay $0x1  }
0x115: {  	v26, v25, _ =	vpop (xrf1);
	v31 =	vshra.s32 v19, $0x17  }
0x116: {  	v35 =	vxor.u32 $0x80000000, v26;
	v26 =	vxor.u32 $0x80000000, v31  }
0x117: {  	(xrf1) =	vsort.ascd.msk.u32 $0xffff, v26, v19;
	_ =	sdelay $0x1  }
0x118: {  	s0 =	simm.s32 $0x90F0;
	v24 =	vxor.u32 $0x80000000, v34;
	p6 =	sne.s32 s2, $0x1  }
.Ltmp19:
0x119: {  	v45 =	vld [tilespmem:s0+$0x0];
	v27 =	vsub.s32 v8, v24;
	(pc) =	sbr.rel @!p6 .LBB2_34-.Ltmp19, $4  }
0x11a: {  	p5 =	por $0x1, $0x1;
	[tilespmem:v18+s23+$0x0] =	vst.idx.add.s32.msk vm2, v27;
	vm1 =	veq.s32 v38, v41  }
0x11b: {  	v24 =	vsub.s32 v42, v24;
	s3 =	simm.s32 @!p5 $0x0;
	[tilespmem:$0x1B581] =	vst v35;
	v37 =	vld.idx.msk [tilespmem:v23+s23+$0x0], $0xffff;
	v19 =	vsel vm1, $0x80000000, v7;
	vm1 =	vmmov vm3  }
0x11c: {  	v32 =	vmovc v23;
	v33 =	vmovc v38;
	v39 =	vmov v38;
	v44 =	vmov v22;
	v24 =	vadd.s32 v2, v24;
	s3 =	simm.s32 @p5 $0x1;
	v36 =	vld [tilespmem:$0x1B580]  }
0x11d: {  	s2 =	sadd.s32 $0xFFFFFFFF, s2;
	v40 =	vld [tilespmem:$0x1B582];
	[smem:$0x7FD] =	sst s3;
	vm4 =	vne.s32 v38, v43;
	v27 =	vmov v17;
	(xrf0) =	vmax.scan.msk.u32 $0xffff, v19;
	v31, _, _ =	vpop (xrf0);
	v26 =	vmov v30  }
.LBB2_35:
0x11e: {  	v19 =	vmov v35  }
0x11f: {  	p6 =	sne.s32 s2, $0x1;
	s2 =	sadd.s32 $0xFFFFFFFF, s2;
	v35 =	vshra.s32 v45, $0x17;
	s0 =	sadd.s32 $0x10, s0;
	v31 =	vxor.u32 $0x80000000, v31;
	v48 =	vmov v26;
	v46, v47, _ =	vpop (xrf1)  }
.Ltmp20:
0x120: {  	v26 =	vmovc v25;
	v49 =	vxor.u32 $0x80000000, v35;
	v35 =	vsub.s32 v8, v31;
	v25 =	vmovc v47;
	v47 =	vmov v45;
	v45 =	vld [tilespmem:s0+$0x0];
	(pc) =	sbr.rel @p6 .LBB2_35-.Ltmp20, $4  }
0x121: {  	[tilespmem:v32+s23+$0x0] =	vst.idx.add.s32.msk vm1, v35;
	v32 =	vmovc v33;
	v33 =	vmov v19;
	v35 =	vxor.u32 $0x80000000, v46;
	vm1 =	vmmov vm4  }
0x122: {  	v46 =	vsub.s32 v37, v31;
	[tilespmem:$0x1B581] =	vst v35;
	vm4 =	veq.s32 v33, v36;
	v37 =	vld.idx.msk [tilespmem:v39+s23+$0x0], $0xffff;
	v39 =	vmov v19  }
0x123: {  	(xrf1) =	vsort.ascd.msk.u32 $0xffff, v49, v47;
	v36 =	vld [tilespmem:$0x1B580];
	v19 =	vsel vm4, $0x80000000, v7;
	[tilespmem:v24+s17+$0x0] =	vst.idx.msk $0xffff, v27;
	v24 =	vadd.s32 v2, v46  }
0x124: {  	vm4 =	vne.s32 v33, v40;
	v27 =	vmov v44;
	v44 =	vmov v48;
	v40 =	vld [tilespmem:$0x1B582];
	(xrf0) =	vmax.scan.msk.u32 $0xffff, v19;
	v31, _, _ =	vpop (xrf0)  }
0x125: {  	v19 =	vmov v45  }
.LBB2_37:
0x126: {  	s0 =	sld [smem:$0x7FC];
	_ =	sdelay $0x2  }
0x127: {  	v45, v46, _ =	vpop @p2 (xrf1);
	p6 =	seq.s32 s0, $0x1  }
0x128: {  	v45 =	vxor.u32 @p2 $0x80000000, v45;
	v31 =	vxor.u32 @p6 $0x80000000, v31  }
0x129: {  	[tilespmem:$0x1B581] =	vst @p2 v45;
	v47 =	vsub.s32 @p6 v8, v31  }
0x12a: {  	[tilespmem:v32+s23+$0x0] =	vst.idx.add.s32.msk @p6 vm1, v47  }
0x12b: {  	v53 =	vshra.s32 v19, $0x17;
	vm1 =	vmmov @p4 vm4;
	v47 =	vld @p2 [tilespmem:$0x1B580]  }
0x12c: {  	v32 =	vxor.u32 $0x80000000, v53;
	vm4 =	veq.s32 @p3 v35, v36;
	v36 =	vld.idx.msk @p4 [tilespmem:v39+s23+$0x0], $0xffff;
	vm2 =	vmmov @p4 vm1  }
0x12d: {  	v33 =	vpsel p4, v33, v18;
	(xrf1) =	vsort.ascd.msk.u32 $0xffff, v32, v19;
	v32 =	vld @p2 [tilespmem:$0x1B582]  }
0x12e: {  	v31 =	vsub.s32 @p6 v37, v31;
	v37, _, _ =	vpop @p4 (xrf0);
	v19 =	vsel @p3 vm4, $0x80000000, v7  }
0x12f: {  	(xrf0) =	vmax.scan.msk.u32 @p3 $0xffff, v19;
	v19 =	vpsel p4, v37, v34  }
0x130: {  	vm1 =	vne.s32 @p3 v35, v40;
	v19 =	vxor.u32 @p4 $0x80000000, v19  }
0x131: {  	v39 =	vpsel p2, v47, v41;
	v40, v41, _ =	vpop @p1 (xrf1);
	v36 =	vpsel p4, v36, v42;
	v42 =	vsub.s32 @p4 v8, v19  }
0x132: {  	v38 =	vpsel p2, v45, v38;
	v32 =	vpsel p2, v32, v43;
	v40 =	vxor.u32 @p1 $0x80000000, v40;
	[tilespmem:v33+s23+$0x0] =	vst.idx.add.s32.msk @p4 vm2, v42  }
0x133: {  	v25 =	vpsel p3, v25, v22;
	v54 =	vpsel p3, v35, v23;
	v33 =	vmov @p2 v38;
	[tilespmem:$0x1B581] =	vst @p1 v40  }
0x134: {  	v26 =	vpsel p4, v26, v17;
	v19 =	vsub.s32 @p4 v36, v19;
	vm2 =	veq.s32 @p2 v33, v39;
	v36 =	vld @p1 [tilespmem:$0x1B580]  }
0x135: {  	v31 =	vadd.s32 @p6 v2, v31;
	v39 =	vsel @p2 vm2, $0x80000000, v7;
	vm2 =	vne.s32 @p2 v33, v32;
	v32, v42, _ =	vpop @p0 (xrf1)  }
0x136: {  	v30 =	vpsel p2, v46, v30;
	v31 =	vpsel p6, v31, v0;
	v32 =	vxor.u32 @p0 $0x80000000, v32  }
0x137: {  	v34 =	vpsel p3, v35, v23;
	v37 =	vmovc @p6 v44;
	vm3 =	vmmov @p3 vm1;
	v35 =	vpsel p3, v54, v0;
	v43 =	vld @p1 [tilespmem:$0x1B582];
	[tilespmem:$0x1B581] =	vst @p0 v32  }
0x138: {  	v37 =	vpsel p6, v37, v0;
	vm1 =	vmmov @p3 vm3;
	v23 =	vpsel p1, v40, v23;
	v40 =	vld @p0 [tilespmem:$0x1B580]  }
0x139: {  	vm1 =	vmmov @p3 vm1;
	v55 =	vpsel p1, v41, v22;
	v28 =	vpsel p1, v36, v28  }
0x13a: {  	s31 =	sld [smem:$0x7FD];
	v38, _, _ =	vpop @p3 (xrf0);
	v19 =	vadd.s32 @p4 v2, v19;
	vm0 =	vmmov @p2 vm2;
	(xrf0) =	vmax.scan.msk.u32 @p2 $0xffff, v39;
	vm2 =	veq.s32 @p1 v23, v28;
	v28 =	vld @p0 [tilespmem:$0x1B582]  }
0x13b: {  	v41 =	vpsel p2, v33, v18;
	v38 =	vpsel p3, v38, v0;
	v33 =	vpsel p2, v33, v18  }
0x13c: {  	v19 =	vpsel p4, v19, v0;
	vm0 =	vmmov @p2 vm0;
	v18 =	vpsel p0, v32, v18  }
0x13d: {  	p5 =	seq.s32 s31, $0x1;
	vm0 =	vmmov @p2 vm0;
	v29 =	vpsel p1, v43, v29;
	v21 =	vpsel p0, v40, v21  }
0x13e: {  	[tilespmem:v24+s17+$0x0] =	vst.idx.msk @p5 $0xffff, v27;
	v39 =	vmovc @p2 v41;
	v36 =	vxor.u32 @p3 $0x80000000, v38;
	v41 =	vsel @p1 vm2, $0x80000000, v7;
	vm2 =	vne.s32 @p1 v23, v29  }
0x13f: {  	v29 =	vpsel p2, v39, v0;
	v56, v57, _ =	vpop (xrf1);
	(xrf0) =	vmax.scan.msk.u32 @p1 $0xffff, v41;
	vm3 =	veq.s32 @p0 v18, v21;
	v20 =	vpsel p0, v28, v20  }
0x140: {  	[tilespmem:v31+s17+$0x0] =	vst.idx.msk @p6 $0xffff, v37;
	v23 =	vpsel p1, v23, v0;
	v27, _, _ =	vpop @p2 (xrf0);
	v21 =	vmov @p3 v25;
	v25 =	vsel @p0 vm3, $0x80000000, v7  }
0x141: {  	vm2 =	vmmov @p1 vm2;
	v58 =	vxor.u32 $0x80000000, v56;
	(xrf0) =	vmax.scan.msk.u32 @p0 $0xffff, v25;
	v25 =	vpsel p2, v27, v0  }
0x142: {  	v34 =	vld.idx.msk @p3 [tilespmem:v34+s23+$0x0], $0xffff;
	vm2 =	vmmov @p1 vm2;
	[tilespmem:$0x1B581] =	vst v58;
	vm3 =	vne.s32 @p0 v18, v20;
	v20 =	vmovc @p3 v21;
	v21 =	vxor.u32 @p2 $0x80000000, v25  }
0x143: {  	v38 =	vsub.s32 @p3 v8, v36;
	v59 =	vld [tilespmem:$0x1B580];
	vm2 =	vmmov @p1 vm2;
	v27 =	vmovc @p1 v23;
	v31 =	vsub.s32 @p2 v8, v21  }
0x144: {  	v26 =	vpsel p4, v26, v0;
	[tilespmem:v35+s23+$0x0] =	vst.idx.add.s32.msk @p3 vm1, v38;
	vm1 =	vmmov @p0 vm3;
	v25 =	vpsel p1, v27, v0  }
0x145: {  	v30 =	vpsel p2, v30, v17;
	v18 =	vpsel p0, v18, v0;
	v32, _, _ =	vpop @p1 (xrf0);
	v27 =	vld.idx.msk @p2 [tilespmem:v33+s23+$0x0], $0xffff;
	vm1 =	vmmov @p0 vm1  }
0x146: {  	[tilespmem:v29+s23+$0x0] =	vst.idx.add.s32.msk @p2 vm0, v31;
	v29 =	vpsel p1, v32, v0;
	vm0 =	vmmov @p0 vm1;
	v31 =	vmov @p0 v18  }
0x147: {  	v34 =	vpsel p3, v34, v0;
	v60 =	vld [tilespmem:$0x1B582];
	v29 =	vxor.u32 @p1 $0x80000000, v29;
	v31 =	vpsel p0, v31, v0  }
0x148: {  	[tilespmem:v19+s17+$0x0] =	vst.idx.msk @p4 $0xffff, v26;
	vm14 =	veq.s32 v58, v59;
	v23 =	vld.idx.msk @p1 [tilespmem:v23+s23+$0x0], $0xffff;
	v35 =	vsub.s32 @p1 v8, v29;
	v28, _, _ =	vpop @p0 (xrf0)  }
0x149: {  	v33 =	vsub.s32 @p3 v34, v36;
	v61 =	vsel vm14, $0x80000000, v7;
	[tilespmem:v25+s23+$0x0] =	vst.idx.add.s32.msk @p1 vm2, v35;
	v28 =	vpsel p0, v28, v0  }
0x14a: {  	v19 =	vpsel p1, v55, v0;
	v33 =	vadd.s32 @p3 v2, v33;
	(xrf0) =	vmax.scan.msk.u32 $0xffff, v61;
	v18 =	vld.idx.msk @p0 [tilespmem:v18+s23+$0x0], $0xffff;
	v22 =	vxor.u32 @p0 $0x80000000, v28  }
0x14b: {  	v26 =	vpsel p3, v33, v0;
	v25 =	vpsel p2, v27, v0;
	v27 =	vsub.s32 @p0 v8, v22  }
0x14c: {  	v19 =	vpsel p1, v19, v0;
	v20 =	vpsel p3, v20, v0;
	[tilespmem:v31+s23+$0x0] =	vst.idx.add.s32.msk @p0 vm0, v27  }
0x14d: {  	vm15 =	vne.s32 v58, v60;
	v21 =	vsub.s32 @p2 v25, v21;
	v23 =	vpsel p1, v23, v0;
	v62 =	vld.idx.msk [tilespmem:v58+s23+$0x0], $0xffff  }
0x14e: {  	v20 =	vpsel p3, v20, v0;
	v21 =	vadd.s32 @p2 v2, v21;
	v23 =	vsub.s32 @p1 v23, v29  }
0x14f: {  	v21 =	vpsel p2, v21, v0;
	v28 =	vmovc @p2 v30;
	v23 =	vadd.s32 @p1 v2, v23;
	v18 =	vpsel p0, v18, v0  }
0x150: {  	[tilespmem:v26+s17+$0x0] =	vst.idx.msk @p3 $0xffff, v20;
	vm0 =	vmmov vm15;
	v20 =	vpsel p1, v23, v0;
	v63, _, _ =	vpop (xrf0);
	v18 =	vsub.s32 @p0 v18, v22  }
0x151: {  	v27 =	vpsel p2, v28, v0;
	v22 =	vxor.u32 $0x80000000, v63;
	v18 =	vadd.s32 @p0 v2, v18  }
0x152: {  	v32 =	vmovc @p0 v42;
	v23 =	vmov @p2 v27;
	v18 =	vpsel p0, v18, v0;
	v25 =	vsub.s32 v62, v22  }
0x153: {  	v17 =	vpsel p0, v32, v17;
	v23 =	vpsel p2, v23, v0;
	v25 =	vadd.s32 v2, v25  }
0x154: {  	v19 =	vpsel p1, v19, v0;
	v17 =	vpsel p0, v17, v0;
	[tilespmem:v21+s17+$0x0] =	vst.idx.msk @p2 $0xffff, v23  }
0x155: {  	v17 =	vpsel p0, v17, v0;
	[tilespmem:v20+s17+$0x0] =	vst.idx.msk @p1 $0xffff, v19;
	v19 =	vsub.s32 v8, v22  }
0x156: {  	v17 =	vpsel p0, v17, v0;
	[tilespmem:v58+s23+$0x0] =	vst.idx.add.s32.msk vm0, v19  }
0x157: {  	[tilespmem:v18+s17+$0x0] =	vst.idx.msk @p0 $0xffff, v17  }
0x158: {  	[tilespmem:v25+s17+$0x0] =	vst.idx.msk $0xffff, v57  }
.LBB2_38:
.Ltmp21:
0x159: {  	(pc) =	sbr.rel .LBB2_39-.Ltmp21, $2  }
0x15a: {  	_ =	sdelay $0x2  }
0x15b: {  	s26 =	simm.s32 $0x0;
	s28 =	simm.s32 $0x0;
	s29 =	simm.s32 $0x0  }
.LBB2_47:
0x15c: {  	s5 =	sshll.u32 s29, $0x9  }
.LBB2_54:
0x15d: {  	s29 =	sadd.s32 $0x1, s29  }
0x15e: {  	p0 =	sne.s32 s29, $0x3D  }
.Ltmp22:
0x15f: {  	_ = 	snop;
	(pc) =	sbr.rel @!p0 .LBB2_55-.Ltmp22, $3  }
0x160: {  	_ =	sdelay $0x1  }
0x161: {  	s0 =	sadd.s32 s5, s11  }
0x162: {  	[tilespmem:s16], [sflag:$0x2] =	stream.strided.gather [hbm4b:s0+s14], $0x4000, s13, s14, $0x38;
	[tilespmem:$0x1B600] =	vst v63  }
.LBB2_39:
0x163: {  	_ =	swait.ge [sflag:s24], $0x4000  }
0x164: {  	[sflag:s24] =	ssyncset.done $0x0  }
0x165: {  	s5 =	sshll.u32 s29, $0x1;
	[sflag:s24] =	ssyncadd.s32 $0xFFFFC000  }
0x166: {  	v17 =	vld [tilespmem:s5+$0x1B280]  }
0x167: {  	v18 =	vld [tilespmem:s5+$0x1B281];
	_ =	sdelay $0x3  }
0x168: {  	(v2sf) =	vpush v17, $0x0  }
0x169: {  	(v2sf) =	vpush v18, $0x0;
	_ =	sdelay $0xd  }
0x16a: {  	s2 =	spop (v2sf)  }
0x16b: {  	s0 =	spop (v2sf)  }
0x16c: {  	s0 =	ssub.s32 s0, s2  }
0x16d: {  	p0 =	slt.s32 s0, $0x1  }
.Ltmp23:
0x16e: {  	_ = 	snop;
	(pc) =	sbr.rel @p0 .LBB2_46-.Ltmp23, $1  }
0x16f: {  	_ =	sdelay $0x3  }
.Ltmp24:
0x170: {  	(pc) =	sbr.rel .LBB2_41-.Ltmp24, $3  }
0x171: {  	_ =	sdelay $0x1  }
0x172: {  	s2 =	sadd.s32 $0x1000, s2  }
0x173: {  	s30 =	sshll.u32 s29, $0x9;
	s31 =	simm.s32 $0x0;
	v17 =	vmov s2;
	s2 =	simm.s32 $0x0  }
.LBB2_44:
0x174: {  	[sflag:s21] =	ssyncadd.s32 $0xFFFFFFC0  }
.LBB2_45:
0x175: {  	p0 =	sgt.s32 s3, $0x0;
	s2 =	sadd.s32 $0x1, s2  }
0x176: {  	s3 =	simm.s32 @!p0 $0x0;
	p0 =	sne.s32 s2, s0  }
.Ltmp25:
0x177: {  	_ = 	snop;
	(pc) =	sbr.rel @!p0 .LBB2_46-.Ltmp25, $2  }
0x178: {  	_ =	sdelay $0x2  }
0x179: {  	s26 =	sadd.s32 s26, s3  }
.LBB2_41:
0x17a: {  	_ =	sdelay $0x3  }
0x17b: {  	v18 =	vld.idx.msk [tilespmem:v17+s2+$0x0 ss:$0x1], $0xffff;
	_ =	sdelay $0x4  }
0x17c: {  	(v2sf) =	vpush v18, $0x0;
	_ =	sdelay $0xe  }
0x17d: {  	s3 =	spop (v2sf)  }
0x17e: {  	s4 =	sshra.s32 s3, $0xF  }
0x17f: {  	s4 =	ssub.s32 s4, s30  }
0x180: {  	v18 =	vmov s4  }
0x181: {  	v19 =	vshll.u32 v18, $0x3  }
0x182: {  	v18 =	vand.u32 $0x7F, v18;
	v19 =	vand.u32 $0xFFFFFC00, v19  }
0x183: {  	v18 =	vor.u32 v18, v19  }
0x184: {  	v19 =	vadd.s32 v9, v18;
	_ =	sdelay $0x2  }
0x185: {  	s4 =	sshra.s32 s28, $0x1F  }
0x186: {  	s4 =	sshrl.u32 s4, $0x1A  }
0x187: {  	s4 =	sadd.s32 s4, s28;
	v19 =	vld.idx.msk [tilespmem:v19+s15+$0x0], $0xffff  }
0x188: {  	s4 =	sand.u32 $0xFFFFC0, s4;
	v20 =	vadd.s32 v11, v18  }
0x189: {  	s4 =	ssub.s32 s28, s4  }
0x18a: {  	s4 =	sshll.u32 s4, $0x8  }
0x18b: {  	s4 =	sshra.s32 s4, $0x2  }
0x18c: {  	[tilespmem:s4+$0x0] =	vst v19  }
0x18d: {  	v19 =	vld.idx.msk [tilespmem:v20+s15+$0x0], $0xffff  }
0x18e: {  	v63 =	vadd.s32 v12, v18;
	_ =	sdelay $0x3  }
0x18f: {  	[tilespmem:s4+$0x10] =	vst v19  }
0x190: {  	v19 =	vld.idx.msk [tilespmem:v63+s15+$0x0], $0xffff  }
0x191: {  	v18 =	vadd.s32 v13, v18;
	_ =	sdelay $0x3  }
0x192: {  	[tilespmem:s4+$0x20] =	vst v19  }
0x193: {  	v18 =	vld.idx.msk [tilespmem:v18+s15+$0x0], $0xffff;
	_ =	sdelay $0x2  }
0x194: {  	s3 =	sshll.u32 s3, $0x3  }
0x195: {  	s3 =	sand.u32 $0x3FFF8, s3  }
0x196: {  	s3 =	sadd.s32 s7, s3;
	s28 =	sadd.s32 $0x1, s28;
	[tilespmem:s4+$0x30] =	vst v18  }
0x197: {  	[hbm4b:s3+s31] =	stream.linear.scatter [tilespmem:s4], [sflag:$0x1], $0x40, $0x38;
	[tilespmem:$0x1B600] =	vst v63  }
0x198: {  	s4 =	ssub.s32 s28, s26  }
0x199: {  	s3 =	sadd.s32 $0xFFFFFFD0, s4  }
0x19a: {  	p0 =	slt.s32 s3, $0x1  }
.Ltmp26:
0x19b: {  	_ = 	snop;
	(pc) =	sbr.rel @p0 .LBB2_45-.Ltmp26, $1  }
0x19c: {  	_ =	sdelay $0x3  }
0x19d: {  	s4 =	sadd.s32 $0x1, s31  }
0x19e: {  	p0 =	sgt.s32 s3, s4  }
.Ltmp27:
0x19f: {  	_ = 	snop;
	(pc) =	sbr.rel @!p0 .LBB2_44-.Ltmp27, $3  }
0x1a0: {  	_ =	sdelay $0x1  }
0x1a1: {  	_ =	swait.ge [sflag:s21], $0x40  }
0x1a2: {  	[sflag:s21] =	ssyncset.done $0x0  }
.LBB2_43:
0x1a3: {  	s4 =	sadd.s32 $0x1, s4  }
0x1a4: {  	[sflag:s21] =	ssyncadd.s32 $0xFFFFFFC0;
	p0 =	sgt.s32 s3, s4  }
.Ltmp28:
0x1a5: {  	(pc) =	sbr.rel @p0 .LBB2_43-.Ltmp28, $3  }
0x1a6: {  	_ =	sdelay $0x1  }
0x1a7: {  	_ =	swait.ge [sflag:s21], $0x40  }
0x1a8: {  	[sflag:s21] =	ssyncset.done $0x0  }
.Ltmp29:
0x1a9: {  	_ = 	snop;
	(pc) =	sbr.rel .LBB2_44-.Ltmp29, $1  }
0x1aa: {  	_ =	sdelay $0x3  }
.LBB2_46:
0x1ab: {  	s0 =	sshll.u32 s5, $0xB  }
0x1ac: {  	s0 =	sadd.s32 s10, s0  }
0x1ad: {  	s0 =	sadd.s32 $0x1000, s0  }
0x1ae: {  	s0 =	sshrl.u32 s0, $0x3  }
0x1af: {  	s0 =	sadd.s32 s1, s0  }
0x1b0: {  	[tilespmem:s15], [sflag:$0x2] =	stream.strided.gather [hbm4b:s0+s14], $0x4000, s13, s14, $0x38;
	[tilespmem:$0x1B600] =	vst v63  }
0x1b1: {  	_ =	swait.ge [sflag:s24], $0x4000  }
0x1b2: {  	[sflag:s24] =	ssyncset.done $0x0  }
0x1b3: {  	[sflag:s24] =	ssyncadd.s32 $0xFFFFC000  }
0x1b4: {  	v17 =	vld [tilespmem:s5+$0x1B281]  }
0x1b5: {  	v18 =	vld [tilespmem:s5+$0x1B282];
	_ =	sdelay $0x3  }
0x1b6: {  	(v2sf) =	vpush v17, $0x0  }
0x1b7: {  	(v2sf) =	vpush v18, $0x0;
	_ =	sdelay $0xd  }
0x1b8: {  	s2 =	spop (v2sf)  }
0x1b9: {  	s31 =	spop (v2sf)  }
0x1ba: {  	s0 =	ssub.s32 s31, s2  }
0x1bb: {  	p0 =	sgt.s32 s0, $0x0  }
.Ltmp30:
0x1bc: {  	_ = 	snop;
	(pc) =	sbr.rel @!p0 .LBB2_47-.Ltmp30, $1  }
0x1bd: {  	_ =	sdelay $0x3  }
.Ltmp31:
0x1be: {  	(pc) =	sbr.rel .LBB2_49-.Ltmp31, $3  }
0x1bf: {  	_ =	sdelay $0x1  }
0x1c0: {  	s2 =	sadd.s32 $0x1000, s2  }
0x1c1: {  	s5 =	sshll.u32 s29, $0x9;
	s30 =	simm.s32 $0x0;
	v17 =	vmov s2;
	s2 =	simm.s32 $0x0  }
.LBB2_52:
0x1c2: {  	[sflag:s21] =	ssyncadd.s32 $0xFFFFFFC0  }
.LBB2_53:
0x1c3: {  	p0 =	sgt.s32 s3, $0x0;
	s2 =	sadd.s32 $0x1, s2  }
0x1c4: {  	s3 =	simm.s32 @!p0 $0x0;
	p0 =	sne.s32 s2, s0  }
.Ltmp32:
0x1c5: {  	_ = 	snop;
	(pc) =	sbr.rel @!p0 .LBB2_54-.Ltmp32, $2  }
0x1c6: {  	_ =	sdelay $0x2  }
0x1c7: {  	s26 =	sadd.s32 s26, s3  }
.LBB2_49:
0x1c8: {  	_ =	sdelay $0x3  }
0x1c9: {  	v18 =	vld.idx.msk [tilespmem:v17+s2+$0x0 ss:$0x1], $0xffff;
	_ =	sdelay $0x4  }
0x1ca: {  	(v2sf) =	vpush v18, $0x0;
	_ =	sdelay $0xe  }
0x1cb: {  	s3 =	spop (v2sf)  }
0x1cc: {  	s4 =	sshra.s32 s3, $0xF  }
0x1cd: {  	s4 =	ssub.s32 s4, s5  }
0x1ce: {  	s4 =	sadd.s32 $0xFFFFFF00, s4  }
0x1cf: {  	v18 =	vmov s4  }
0x1d0: {  	v19 =	vshll.u32 v18, $0x3  }
0x1d1: {  	v18 =	vand.u32 $0x7F, v18;
	v19 =	vand.u32 $0xFFFFFC00, v19  }
0x1d2: {  	v18 =	vor.u32 v18, v19  }
0x1d3: {  	v19 =	vadd.s32 v9, v18;
	_ =	sdelay $0x2  }
0x1d4: {  	s31 =	sshra.s32 s28, $0x1F  }
0x1d5: {  	s4 =	sshrl.u32 s31, $0x1A  }
0x1d6: {  	s4 =	sadd.s32 s4, s28;
	v19 =	vld.idx.msk [tilespmem:v19+s16+$0x0], $0xffff  }
0x1d7: {  	s4 =	sand.u32 $0xFFFFC0, s4;
	v20 =	vadd.s32 v11, v18  }
0x1d8: {  	s4 =	ssub.s32 s28, s4  }
0x1d9: {  	s4 =	sshll.u32 s4, $0x8  }
0x1da: {  	s4 =	sshra.s32 s4, $0x2  }
0x1db: {  	[tilespmem:s4+$0x0] =	vst v19  }
0x1dc: {  	v19 =	vld.idx.msk [tilespmem:v20+s16+$0x0], $0xffff  }
0x1dd: {  	v63 =	vadd.s32 v12, v18;
	_ =	sdelay $0x3  }
0x1de: {  	[tilespmem:s4+$0x10] =	vst v19  }
0x1df: {  	v19 =	vld.idx.msk [tilespmem:v63+s16+$0x0], $0xffff  }
0x1e0: {  	v18 =	vadd.s32 v13, v18;
	_ =	sdelay $0x3  }
0x1e1: {  	[tilespmem:s4+$0x20] =	vst v19  }
0x1e2: {  	v18 =	vld.idx.msk [tilespmem:v18+s16+$0x0], $0xffff;
	_ =	sdelay $0x2  }
0x1e3: {  	s3 =	sshll.u32 s3, $0x3  }
0x1e4: {  	s3 =	sand.u32 $0x3FFF8, s3;
	s28 =	sadd.s32 $0x1, s28  }
0x1e5: {  	s3 =	sadd.s32 s7, s3;
	s31 =	ssub.s32 s28, s26;
	[tilespmem:s4+$0x30] =	vst v18  }
0x1e6: {  	[hbm4b:s3+s30] =	stream.linear.scatter [tilespmem:s4], [sflag:$0x1], $0x40, $0x38;
	[tilespmem:$0x1B600] =	vst v63  }
0x1e7: {  	s3 =	sadd.s32 $0xFFFFFFD0, s31  }
0x1e8: {  	p0 =	slt.s32 s3, $0x1  }
.Ltmp33:
0x1e9: {  	_ = 	snop;
	(pc) =	sbr.rel @p0 .LBB2_53-.Ltmp33, $1  }
0x1ea: {  	_ =	sdelay $0x3  }
0x1eb: {  	s4 =	sadd.s32 $0x1, s30  }
0x1ec: {  	p0 =	sgt.s32 s3, s4  }
.Ltmp34:
0x1ed: {  	_ = 	snop;
	(pc) =	sbr.rel @!p0 .LBB2_52-.Ltmp34, $3  }
0x1ee: {  	_ =	sdelay $0x1  }
0x1ef: {  	_ =	swait.ge [sflag:s21], $0x40  }
0x1f0: {  	[sflag:s21] =	ssyncset.done $0x0  }
.LBB2_51:
0x1f1: {  	s4 =	sadd.s32 $0x1, s4  }
0x1f2: {  	[sflag:s21] =	ssyncadd.s32 $0xFFFFFFC0;
	p0 =	sgt.s32 s3, s4  }
.Ltmp35:
0x1f3: {  	(pc) =	sbr.rel @p0 .LBB2_51-.Ltmp35, $3  }
0x1f4: {  	_ =	sdelay $0x1  }
0x1f5: {  	_ =	swait.ge [sflag:s21], $0x40  }
0x1f6: {  	[sflag:s21] =	ssyncset.done $0x0  }
.Ltmp36:
0x1f7: {  	_ = 	snop;
	(pc) =	sbr.rel .LBB2_52-.Ltmp36, $1  }
0x1f8: {  	_ =	sdelay $0x3  }
.LBB2_55:
0x1f9: {  	_ =	swait.ge [sflag:s24], $0x4000  }
0x1fa: {  	[sflag:s24] =	ssyncset.done $0x0  }
0x1fb: {  	[sflag:s24] =	ssyncadd.s32 $0xFFFFC000  }
0x1fc: {  	v17 =	vld [tilespmem:$0x1B2FA]  }
0x1fd: {  	v18 =	vld [tilespmem:$0x1B2FB];
	_ =	sdelay $0x3  }
0x1fe: {  	(v2sf) =	vpush v17, $0x0  }
0x1ff: {  	(v2sf) =	vpush v18, $0x0;
	_ =	sdelay $0xd  }
0x200: {  	s2 =	spop (v2sf)  }
0x201: {  	s0 =	spop (v2sf)  }
0x202: {  	s0 =	ssub.s32 s0, s2  }
0x203: {  	p0 =	slt.s32 s0, $0x1  }
.Ltmp37:
0x204: {  	_ = 	snop;
	(pc) =	sbr.rel @p0 .LBB2_62-.Ltmp37, $1  }
0x205: {  	_ =	sdelay $0x3  }
.Ltmp38:
0x206: {  	(pc) =	sbr.rel .LBB2_57-.Ltmp38, $3  }
0x207: {  	_ =	sdelay $0x1  }
0x208: {  	s2 =	sadd.s32 $0x1000, s2  }
0x209: {  	s5 =	simm.s32 $0x0;
	v17 =	vmov s2;
	s2 =	simm.s32 $0x0  }
.LBB2_60:
0x20a: {  	[sflag:s21] =	ssyncadd.s32 $0xFFFFFFC0  }
.LBB2_61:
0x20b: {  	p0 =	sgt.s32 s3, $0x0;
	s2 =	sadd.s32 $0x1, s2  }
0x20c: {  	s3 =	simm.s32 @!p0 $0x0;
	p0 =	sne.s32 s2, s0  }
.Ltmp39:
0x20d: {  	_ = 	snop;
	(pc) =	sbr.rel @!p0 .LBB2_62-.Ltmp39, $2  }
0x20e: {  	_ =	sdelay $0x2  }
0x20f: {  	s26 =	sadd.s32 s26, s3  }
.LBB2_57:
0x210: {  	_ =	sdelay $0x3  }
0x211: {  	v18 =	vld.idx.msk [tilespmem:v17+s2+$0x0 ss:$0x1], $0xffff;
	_ =	sdelay $0x4  }
0x212: {  	(v2sf) =	vpush v18, $0x0;
	_ =	sdelay $0xe  }
0x213: {  	s3 =	spop (v2sf)  }
0x214: {  	s4 =	sshra.s32 s3, $0xF  }
0x215: {  	s4 =	sadd.s32 $0xFFFF8600, s4  }
0x216: {  	v18 =	vmov s4  }
0x217: {  	v19 =	vshll.u32 v18, $0x3  }
0x218: {  	v18 =	vand.u32 $0x7F, v18;
	v19 =	vand.u32 $0xFFFFFC00, v19  }
0x219: {  	v18 =	vor.u32 v18, v19  }
0x21a: {  	v19 =	vadd.s32 v9, v18;
	_ =	sdelay $0x2  }
0x21b: {  	s30 =	sshra.s32 s28, $0x1F  }
0x21c: {  	s4 =	sshrl.u32 s30, $0x1A  }
0x21d: {  	s4 =	sadd.s32 s4, s28;
	v19 =	vld.idx.msk [tilespmem:v19+s15+$0x0], $0xffff  }
0x21e: {  	s4 =	sand.u32 $0xFFFFC0, s4;
	v20 =	vadd.s32 v11, v18  }
0x21f: {  	s4 =	ssub.s32 s28, s4  }
0x220: {  	s4 =	sshll.u32 s4, $0x8  }
0x221: {  	s4 =	sshra.s32 s4, $0x2  }
0x222: {  	[tilespmem:s4+$0x0] =	vst v19  }
0x223: {  	v19 =	vld.idx.msk [tilespmem:v20+s15+$0x0], $0xffff  }
0x224: {  	v63 =	vadd.s32 v12, v18;
	_ =	sdelay $0x3  }
0x225: {  	[tilespmem:s4+$0x10] =	vst v19  }
0x226: {  	v19 =	vld.idx.msk [tilespmem:v63+s15+$0x0], $0xffff  }
0x227: {  	v18 =	vadd.s32 v13, v18;
	_ =	sdelay $0x3  }
0x228: {  	[tilespmem:s4+$0x20] =	vst v19  }
0x229: {  	v18 =	vld.idx.msk [tilespmem:v18+s15+$0x0], $0xffff;
	_ =	sdelay $0x2  }
0x22a: {  	s3 =	sshll.u32 s3, $0x3  }
0x22b: {  	s3 =	sand.u32 $0x3FFF8, s3;
	s28 =	sadd.s32 $0x1, s28  }
0x22c: {  	s3 =	sadd.s32 s7, s3;
	s31 =	ssub.s32 s28, s26;
	[tilespmem:s4+$0x30] =	vst v18  }
0x22d: {  	[hbm4b:s3+s5] =	stream.linear.scatter [tilespmem:s4], [sflag:$0x1], $0x40, $0x38;
	[tilespmem:$0x1B600] =	vst v63  }
0x22e: {  	s3 =	sadd.s32 $0xFFFFFFD0, s31  }
0x22f: {  	p0 =	slt.s32 s3, $0x1  }
.Ltmp40:
0x230: {  	_ = 	snop;
	(pc) =	sbr.rel @p0 .LBB2_61-.Ltmp40, $1  }
0x231: {  	_ =	sdelay $0x3  }
0x232: {  	s4 =	sadd.s32 $0x1, s5  }
0x233: {  	p0 =	sgt.s32 s3, s4  }
.Ltmp41:
0x234: {  	_ = 	snop;
	(pc) =	sbr.rel @!p0 .LBB2_60-.Ltmp41, $3  }
0x235: {  	_ =	sdelay $0x1  }
0x236: {  	_ =	swait.ge [sflag:s21], $0x40  }
0x237: {  	[sflag:s21] =	ssyncset.done $0x0  }
.LBB2_59:
0x238: {  	s4 =	sadd.s32 $0x1, s4  }
0x239: {  	[sflag:s21] =	ssyncadd.s32 $0xFFFFFFC0;
	p0 =	sgt.s32 s3, s4  }
.Ltmp42:
0x23a: {  	(pc) =	sbr.rel @p0 .LBB2_59-.Ltmp42, $3  }
0x23b: {  	_ =	sdelay $0x1  }
0x23c: {  	_ =	swait.ge [sflag:s21], $0x40  }
0x23d: {  	[sflag:s21] =	ssyncset.done $0x0  }
.Ltmp43:
0x23e: {  	_ = 	snop;
	(pc) =	sbr.rel .LBB2_60-.Ltmp43, $1  }
0x23f: {  	_ =	sdelay $0x3  }
.LBB2_62:
0x240: {  	_ =	swait.ge [sflag:s24], $0x4000  }
0x241: {  	[sflag:s24] =	ssyncset.done $0x0  }
0x242: {  	[sflag:s24] =	ssyncadd.s32 $0xFFFFC000  }
0x243: {  	v17 =	vld [tilespmem:$0x1B2FB]  }
0x244: {  	v18 =	vld [tilespmem:$0x1B2FC];
	_ =	sdelay $0x3  }
0x245: {  	(v2sf) =	vpush v17, $0x0  }
0x246: {  	(v2sf) =	vpush v18, $0x0;
	_ =	sdelay $0xd  }
0x247: {  	s2 =	spop (v2sf)  }
0x248: {  	s0 =	spop (v2sf)  }
0x249: {  	s0 =	ssub.s32 s0, s2  }
0x24a: {  	p0 =	slt.s32 s0, $0x1  }
.Ltmp44:
0x24b: {  	_ = 	snop;
	(pc) =	sbr.rel @p0 .LBB2_69-.Ltmp44, $1  }
0x24c: {  	_ =	sdelay $0x3  }
.Ltmp45:
0x24d: {  	(pc) =	sbr.rel .LBB2_64-.Ltmp45, $3  }
0x24e: {  	_ =	sdelay $0x1  }
0x24f: {  	s2 =	sadd.s32 $0x1000, s2  }
0x250: {  	s5 =	simm.s32 $0x0;
	v17 =	vmov s2;
	s2 =	simm.s32 $0x0  }
.LBB2_67:
0x251: {  	[sflag:s21] =	ssyncadd.s32 $0xFFFFFFC0  }
.LBB2_68:
0x252: {  	p0 =	sgt.s32 s3, $0x0;
	s2 =	sadd.s32 $0x1, s2  }
0x253: {  	s3 =	simm.s32 @!p0 $0x0;
	p0 =	sne.s32 s2, s0  }
.Ltmp46:
0x254: {  	_ = 	snop;
	(pc) =	sbr.rel @!p0 .LBB2_69-.Ltmp46, $2  }
0x255: {  	_ =	sdelay $0x2  }
0x256: {  	s26 =	sadd.s32 s26, s3  }
.LBB2_64:
0x257: {  	_ =	sdelay $0x3  }
0x258: {  	v18 =	vld.idx.msk [tilespmem:v17+s2+$0x0 ss:$0x1], $0xffff;
	_ =	sdelay $0x4  }
0x259: {  	(v2sf) =	vpush v18, $0x0;
	_ =	sdelay $0xe  }
0x25a: {  	s3 =	spop (v2sf)  }
0x25b: {  	s4 =	sshra.s32 s3, $0xF  }
0x25c: {  	s4 =	sadd.s32 $0xFFFF8500, s4  }
0x25d: {  	v18 =	vmov s4  }
0x25e: {  	v19 =	vshll.u32 v18, $0x3  }
0x25f: {  	v18 =	vand.u32 $0x7F, v18;
	v19 =	vand.u32 $0xFFFFFC00, v19  }
0x260: {  	v18 =	vor.u32 v18, v19  }
0x261: {  	v19 =	vadd.s32 v9, v18;
	_ =	sdelay $0x2  }
0x262: {  	s30 =	sshra.s32 s28, $0x1F  }
0x263: {  	s4 =	sshrl.u32 s30, $0x1A  }
0x264: {  	s4 =	sadd.s32 s4, s28;
	v19 =	vld.idx.msk [tilespmem:v19+s16+$0x0], $0xffff  }
0x265: {  	s4 =	sand.u32 $0xFFFFC0, s4;
	v20 =	vadd.s32 v11, v18  }
0x266: {  	s4 =	ssub.s32 s28, s4  }
0x267: {  	s4 =	sshll.u32 s4, $0x8  }
0x268: {  	s4 =	sshra.s32 s4, $0x2  }
0x269: {  	[tilespmem:s4+$0x0] =	vst v19  }
0x26a: {  	v19 =	vld.idx.msk [tilespmem:v20+s16+$0x0], $0xffff  }
0x26b: {  	v63 =	vadd.s32 v12, v18;
	_ =	sdelay $0x3  }
0x26c: {  	[tilespmem:s4+$0x10] =	vst v19  }
0x26d: {  	v19 =	vld.idx.msk [tilespmem:v63+s16+$0x0], $0xffff  }
0x26e: {  	v18 =	vadd.s32 v13, v18;
	_ =	sdelay $0x3  }
0x26f: {  	[tilespmem:s4+$0x20] =	vst v19  }
0x270: {  	v18 =	vld.idx.msk [tilespmem:v18+s16+$0x0], $0xffff;
	_ =	sdelay $0x2  }
0x271: {  	s3 =	sshll.u32 s3, $0x3  }
0x272: {  	s3 =	sand.u32 $0x3FFF8, s3;
	s28 =	sadd.s32 $0x1, s28  }
0x273: {  	s3 =	sadd.s32 s7, s3;
	s31 =	ssub.s32 s28, s26;
	[tilespmem:s4+$0x30] =	vst v18  }
0x274: {  	[hbm4b:s3+s5] =	stream.linear.scatter [tilespmem:s4], [sflag:$0x1], $0x40, $0x38;
	[tilespmem:$0x1B600] =	vst v63  }
0x275: {  	s3 =	sadd.s32 $0xFFFFFFD0, s31  }
0x276: {  	p0 =	slt.s32 s3, $0x1  }
.Ltmp47:
0x277: {  	_ = 	snop;
	(pc) =	sbr.rel @p0 .LBB2_68-.Ltmp47, $1  }
0x278: {  	_ =	sdelay $0x3  }
0x279: {  	s4 =	sadd.s32 $0x1, s5  }
0x27a: {  	p0 =	sgt.s32 s3, s4  }
.Ltmp48:
0x27b: {  	_ = 	snop;
	(pc) =	sbr.rel @!p0 .LBB2_67-.Ltmp48, $3  }
0x27c: {  	_ =	sdelay $0x1  }
0x27d: {  	_ =	swait.ge [sflag:s21], $0x40  }
0x27e: {  	[sflag:s21] =	ssyncset.done $0x0  }
.LBB2_66:
0x27f: {  	s4 =	sadd.s32 $0x1, s4  }
0x280: {  	[sflag:s21] =	ssyncadd.s32 $0xFFFFFFC0;
	p0 =	sgt.s32 s3, s4  }
.Ltmp49:
0x281: {  	(pc) =	sbr.rel @p0 .LBB2_66-.Ltmp49, $3  }
0x282: {  	_ =	sdelay $0x1  }
0x283: {  	_ =	swait.ge [sflag:s21], $0x40  }
0x284: {  	[sflag:s21] =	ssyncset.done $0x0  }
.Ltmp50:
0x285: {  	_ = 	snop;
	(pc) =	sbr.rel .LBB2_67-.Ltmp50, $1  }
0x286: {  	_ =	sdelay $0x3  }
.LBB2_69:
0x287: {  	v17 =	vld [tilespmem:$0x1B2FC]  }
0x288: {  	v18 =	vld [tilespmem:$0x1B2FD];
	_ =	sdelay $0x3  }
0x289: {  	(v2sf) =	vpush v17, $0x0  }
0x28a: {  	(v2sf) =	vpush v18, $0x0;
	_ =	sdelay $0xd  }
0x28b: {  	s2 =	spop (v2sf)  }
0x28c: {  	s0 =	spop (v2sf)  }
0x28d: {  	s0 =	ssub.s32 s0, s2  }
0x28e: {  	p0 =	slt.s32 s0, $0x1  }
.Ltmp51:
0x28f: {  	_ = 	snop;
	(pc) =	sbr.rel @p0 .LBB2_76-.Ltmp51, $1  }
0x290: {  	_ =	sdelay $0x3  }
.Ltmp52:
0x291: {  	(pc) =	sbr.rel .LBB2_71-.Ltmp52, $3  }
0x292: {  	_ =	sdelay $0x1  }
0x293: {  	s3 =	sadd.s32 $0x1000, s2  }
0x294: {  	s2 =	simm.s32 $0x0;
	s5 =	simm.s32 $0x0;
	v17 =	vmov s3  }
.LBB2_74:
0x295: {  	[sflag:s21] =	ssyncadd.s32 $0xFFFFFFC0  }
.LBB2_75:
0x296: {  	p0 =	sgt.s32 s3, $0x0;
	s5 =	sadd.s32 $0x1, s5  }
0x297: {  	s3 =	simm.s32 @!p0 $0x0;
	p0 =	sne.s32 s5, s0  }
.Ltmp53:
0x298: {  	_ = 	snop;
	(pc) =	sbr.rel @!p0 .LBB2_76-.Ltmp53, $2  }
0x299: {  	_ =	sdelay $0x2  }
0x29a: {  	s26 =	sadd.s32 s26, s3  }
.LBB2_71:
0x29b: {  	_ =	sdelay $0x3  }
0x29c: {  	v18 =	vld.idx.msk [tilespmem:v17+s5+$0x0 ss:$0x1], $0xffff;
	_ =	sdelay $0x4  }
0x29d: {  	(v2sf) =	vpush v18, $0x0;
	_ =	sdelay $0xe  }
0x29e: {  	s3 =	spop (v2sf)  }
0x29f: {  	s4 =	sshra.s32 s3, $0xF  }
0x2a0: {  	s4 =	sadd.s32 $0xFFFF8400, s4  }
0x2a1: {  	v18 =	vadd.s32 s4, v10;
	_ =	sdelay $0x2  }
0x2a2: {  	s29 =	sshra.s32 s28, $0x1F  }
0x2a3: {  	s29 =	sshrl.u32 s29, $0x1A  }
0x2a4: {  	s29 =	sadd.s32 s29, s28;
	v18 =	vld.idx.msk [tilespmem:v18+s20+$0x0], $0xffff  }
0x2a5: {  	s29 =	sand.u32 $0xFFFFC0, s29;
	v19 =	vadd.s32 s4, v14  }
0x2a6: {  	s29 =	ssub.s32 s28, s29  }
0x2a7: {  	s29 =	sshll.u32 s29, $0x8  }
0x2a8: {  	s29 =	sshra.s32 s29, $0x2  }
0x2a9: {  	[tilespmem:s29+$0x0] =	vst v18  }
0x2aa: {  	v18 =	vld.idx.msk [tilespmem:v19+s20+$0x0], $0xffff  }
0x2ab: {  	v19 =	vadd.s32 s4, v15;
	_ =	sdelay $0x3  }
0x2ac: {  	[tilespmem:s29+$0x10] =	vst v18  }
0x2ad: {  	v18 =	vld.idx.msk [tilespmem:v19+s20+$0x0], $0xffff  }
0x2ae: {  	v19 =	vadd.s32 s4, v16;
	_ =	sdelay $0x3  }
0x2af: {  	[tilespmem:s29+$0x20] =	vst v18  }
0x2b0: {  	v18 =	vld.idx.msk [tilespmem:v19+s20+$0x0], $0xffff;
	_ =	sdelay $0x2  }
0x2b1: {  	s3 =	sshll.u32 s3, $0x3  }
0x2b2: {  	s28 =	sadd.s32 $0x1, s28;
	s3 =	sand.u32 $0x3FFF8, s3  }
0x2b3: {  	s31 =	ssub.s32 s28, s26;
	s3 =	sadd.s32 s7, s3;
	[tilespmem:s29+$0x30] =	vst v18  }
0x2b4: {  	[hbm4b:s3+s2] =	stream.linear.scatter [tilespmem:s29], [sflag:$0x1], $0x40, $0x38;
	[tilespmem:$0x1B600] =	vst v63  }
0x2b5: {  	s3 =	sadd.s32 $0xFFFFFFD0, s31  }
0x2b6: {  	p0 =	slt.s32 s3, $0x1  }
.Ltmp54:
0x2b7: {  	_ = 	snop;
	(pc) =	sbr.rel @p0 .LBB2_75-.Ltmp54, $1  }
0x2b8: {  	_ =	sdelay $0x3  }
0x2b9: {  	s4 =	sadd.s32 $0x1, s2  }
0x2ba: {  	p0 =	sgt.s32 s3, s4  }
.Ltmp55:
0x2bb: {  	_ = 	snop;
	(pc) =	sbr.rel @!p0 .LBB2_74-.Ltmp55, $3  }
0x2bc: {  	_ =	sdelay $0x1  }
0x2bd: {  	_ =	swait.ge [sflag:s21], $0x40  }
0x2be: {  	[sflag:s21] =	ssyncset.done $0x0  }
.LBB2_73:
0x2bf: {  	s4 =	sadd.s32 $0x1, s4  }
0x2c0: {  	[sflag:s21] =	ssyncadd.s32 $0xFFFFFFC0;
	p0 =	sgt.s32 s3, s4  }
.Ltmp56:
0x2c1: {  	(pc) =	sbr.rel @p0 .LBB2_73-.Ltmp56, $3  }
0x2c2: {  	_ =	sdelay $0x1  }
0x2c3: {  	_ =	swait.ge [sflag:s21], $0x40  }
0x2c4: {  	[sflag:s21] =	ssyncset.done $0x0  }
.Ltmp57:
0x2c5: {  	_ = 	snop;
	(pc) =	sbr.rel .LBB2_74-.Ltmp57, $1  }
0x2c6: {  	_ =	sdelay $0x3  }
.LBB2_76:
0x2c7: {  	s0 =	ssub.s32 s28, s26  }
0x2c8: {  	p0 =	slt.s32 s0, $0x1  }
.Ltmp58:
0x2c9: {  	_ = 	snop;
	(pc) =	sbr.rel @p0 .LBB2_80-.Ltmp58, $1  }
0x2ca: {  	_ =	sdelay $0x3  }
0x2cb: {  	p0 =	sne.s32 s0, $0x1  }
.Ltmp59:
0x2cc: {  	_ = 	snop;
	(pc) =	sbr.rel @!p0 .LBB2_79-.Ltmp59, $3  }
0x2cd: {  	_ =	sdelay $0x1  }
0x2ce: {  	_ =	swait.ge [sflag:s21], $0x40  }
0x2cf: {  	s0 =	sadd.s32 $0xFFFFFFFF, s0;
	[sflag:s21] =	ssyncset.done $0x0  }
.LBB2_78:
0x2d0: {  	p0 =	sne.s32 s0, $0x1;
	s0 =	sadd.s32 $0xFFFFFFFF, s0;
	[sflag:s21] =	ssyncadd.s32 $0xFFFFFFC0  }
.Ltmp60:
0x2d1: {  	(pc) =	sbr.rel @p0 .LBB2_78-.Ltmp60, $3  }
0x2d2: {  	_ =	sdelay $0x1  }
0x2d3: {  	_ =	swait.ge [sflag:s21], $0x40  }
0x2d4: {  	[sflag:s21] =	ssyncset.done $0x0  }
.Ltmp61:
0x2d5: {  	_ = 	snop;
	(pc) =	sbr.rel .LBB2_79-.Ltmp61, $1  }
0x2d6: {  	_ =	sdelay $0x3  }
.LBB2_10:
.Ltmp62:
0x2d7: {  	(pc) =	sbr.rel .LBB2_20-.Ltmp62, $2  }
0x2d8: {  	_ =	sdelay $0x2  }
0x2d9: {  	_ = 	snop  }
.LBB2_8:
.Ltmp63:
0x2da: {  	(pc) =	sbr.rel .LBB2_37-.Ltmp63, $2  }
0x2db: {  	_ =	sdelay $0x2  }
0x2dc: {  	_ = 	snop  }
.LBB2_12:
.Ltmp64:
0x2dd: {  	(pc) =	sbr.rel .LBB2_20-.Ltmp64, $2  }
0x2de: {  	_ =	sdelay $0x2  }
0x2df: {  	v17 =	vmov v18  }
.LBB2_22:
.Ltmp65:
0x2e0: {  	_ = 	snop;
	(pc) =	sbr.rel .LBB2_37-.Ltmp65, $2  }
0x2e1: {  	_ =	sdelay $0x2  }
0x2e2: {  	v19 =	vmov v17  }
.LBB2_14:
.Ltmp66:
0x2e3: {  	(pc) =	sbr.rel .LBB2_20-.Ltmp66, $2  }
0x2e4: {  	_ =	sdelay $0x2  }
0x2e5: {  	_ = 	snop  }
.LBB2_24:
.Ltmp67:
0x2e6: {  	(pc) =	sbr.rel .LBB2_37-.Ltmp67, $2  }
0x2e7: {  	_ =	sdelay $0x2  }
0x2e8: {  	_ = 	snop  }
.LBB2_16:
.Ltmp68:
0x2e9: {  	_ = 	snop;
	(pc) =	sbr.rel .LBB2_20-.Ltmp68, $2  }
0x2ea: {  	_ =	sdelay $0x2  }
0x2eb: {  	v17 =	vmovc v19;
	v18 =	vmov v20;
	v24 =	vmov v23;
	v25 =	vmov v22  }
.LBB2_26:
.Ltmp69:
0x2ec: {  	_ = 	snop;
	(pc) =	sbr.rel .LBB2_37-.Ltmp69, $2  }
0x2ed: {  	_ =	sdelay $0x2  }
0x2ee: {  	v19 =	vmov v20  }
.LBB2_18:
.Ltmp70:
0x2ef: {  	(pc) =	sbr.rel .LBB2_20-.Ltmp70, $2  }
0x2f0: {  	_ =	sdelay $0x2  }
0x2f1: {  	v19 =	vmov v20  }
.LBB2_28:
.Ltmp71:
0x2f2: {  	_ = 	snop;
	(pc) =	sbr.rel .LBB2_37-.Ltmp71, $2  }
0x2f3: {  	_ =	sdelay $0x3  }
0x2f4: {  	v25 =	vmovc v17;
	v35 =	vmov v18;
	v36 =	vmov v21;
	v40 =	vmov v20  }
.LBB2_30:
.Ltmp72:
0x2f5: {  	_ = 	snop;
	(pc) =	sbr.rel .LBB2_37-.Ltmp72, $3  }
0x2f6: {  	_ =	sdelay $0x1  }
0x2f7: {  	v26 =	vmovc v17;
	v25 =	vmov v22;
	v33 =	vmov v18;
	v35 =	vmov v23  }
0x2f8: {  	vm4 =	vmmov vm0;
	v39 =	vmovc v18;
	v19 =	vmovc v24;
	v36 =	vmov v28;
	v40 =	vmov v29  }
.LBB2_32:
.Ltmp73:
0x2f9: {  	_ = 	snop;
	(pc) =	sbr.rel .LBB2_37-.Ltmp73, $4  }
0x2fa: {  	_ = 	snop  }
0x2fb: {  	v31 =	vmov v34;
	v26 =	vmov v22;
	v25 =	vmov v30  }
0x2fc: {  	vm1 =	vmmov vm2;
	v32 =	vmovc v18;
	v33 =	vmovc v23;
	v35 =	vmov v38;
	vm4 =	vmmov vm3;
	_ =	sdelay $0x1  }
0x2fd: {  	v39 =	vmovc v23;
	v44 =	vmovc v17;
	v37 =	vmov v42;
	v36 =	vmov v41;
	v40 =	vmov v43  }
.LBB2_34:
.Ltmp74:
0x2fe: {  	(pc) =	sbr.rel .LBB2_37-.Ltmp74, $3  }
0x2ff: {  	_ =	sdelay $0x1  }
0x300: {  	v19 =	vmov v45;
	v26 =	vmov v30  }
0x301: {  	v32 =	vmovc v23;
	v33 =	vmovc v38;
	v39 =	vmov v38;
	v27 =	vmov v17;
	v44 =	vmov v22  }
.LBB2_81:
0x302: {  	_ =	sfence.sel $0x180000  }
0x303: {  	[bflag:$0x0] =	sbarrier.arrive $0xFFFF  }
0x304: {  	_ =	strace $0x90000047  }
0x305: {  	s0 =	stileid.u32;
	[bflag:$0x2] =	sbarrier.arrive $0xFFFF  }
0x306: {  	p0 =	sne.s32 s0, $0x0;
	s0 =	rddreg [dreg:$0x5]  }
0x307: {  	s0 =	sadd.s32 @!p0 $0x100000, s0  }
0x308: {  	[sflag:s0] =	ssyncadd.tile.s32 @!p0 $0x1;
	_ =	shalt  }
.Lfunc_end2:
_tile_overlayer_lowered:
.L_overlay_start_2:
0x309: {  	(tag) =	ssettag $0x2  }
0x30a: {  	s0 =	rddreg [dreg:$0x0];
	s2 =	stileid.u32  }
0x30b: {  	s1 =	rddreg [dreg:$0x1];
	p0 =	sne.s32 s2, $0x0  }
0x30c: {  	s3 =	rddreg [dreg:$0x2];
	[bflag:$0x3] =	sbarrier.arrive $0xFFFF;
	s2 =	simm.s32 @!p0 $0x1C03  }
0x30d: {  	[timem:s3], [sflag:s2] =	dma.local @!p0 [hbm:s0], s1  }
0x30e: {  	s0 =	simm.s32 @!p0 $0x3  }
0x30f: {  	_ =	swait.ge @!p0 [sflag:s0], s1  }
0x310: {  	s1 =	ssub.s32 @!p0 $0x0, s1;
	[sflag:s0] =	ssyncset.done @!p0 $0x0  }
0x311: {  	[sflag:s0] =	ssyncadd.s32 @!p0 s1  }
0x312: {  	[bflag:$0x3] =	sbarrier.arrive $0xFFFF  }
0x313: {  	_ =	shalt  }

// kernel: kernel.7.cloned.1.call-start
scs
__scs_entry_jumppad:
0x0: {  	(pc) =	sbr.rel $0x88, $3  }
0x1: {  	(tag) =	ssettag $0x0;
	lr =	simm.s32 $0x1  }
0x2: {  	[smem:$0x3F9C] =	sst lr;
	_ =	strace $0xD0000000  }
0x3: {  	_ = 	snop  }
0x4: {  	_ = 	snop  }
0x5: {  	_ = 	snop  }
0x6: {  	_ = 	snop  }
0x7: {  	_ = 	snop  }
__scs_overlays_trampoline_lowered:
0x8: {  	[smem:$0x3FAB] =	sst s0  }
0x9: {  	[smem:$0x3FAC] =	sst s1  }
0xa: {  	[smem:$0x3FAD] =	sst s2  }
0xb: {  	[smem:$0x3FAE] =	sst s3  }
0xc: {  	[smem:$0x3FAF] =	sst s4  }
0xd: {  	[smem:$0x3FB0] =	sst s5  }
0xe: {  	[smem:$0x3FB1] =	sst s6  }
0xf: {  	[smem:$0x3FB2] =	sst s7  }
0x10: {  	[smem:$0x3FB3] =	sst s8  }
0x11: {  	[smem:$0x3FB4] =	sst s9;
	s0 =	simm.s32 @!p0 $0x0  }
0x12: {  	s1 =	sld [smem:$0x3F9A];
	s0 =	simm.s32 @p0 $0x1  }
0x13: {  	[smem:$0x3FB5] =	sst s0;
	s0 =	simm.s32 @!p1 $0x0  }
0x14: {  	s2 =	sld [smem:$0x3F99];
	s0 =	simm.s32 @p1 $0x1  }
0x15: {  	[smem:$0x3FB6] =	sst s0;
	s0 =	simm.s32 @!p2 $0x0  }
0x16: {  	s3 =	sld [smem:$0x3FDB];
	s0 =	simm.s32 @p2 $0x1  }
0x17: {  	s4 =	simm.s32 $0x1BF5;
	[smem:$0x3FB8] =	sst s0  }
0x18: {  	s0 =	sld [smem:$0x3F9B];
	_ =	swait.ge [sflag:s4], $0x0  }
0x19: {  	s7 =	sld [smem:$0x3F9C]  }
0x1a: {  	s8 =	sadd.s32 $0xFFFFE003, lr  }
0x1b: {  	s9 =	sadd.s32 $0xFFFFFEF7, lr;
	s5 =	simm.s32 $0xFFFFFFFF;
	p2 =	slt.u32 s8, $0xFFFFF086  }
0x1c: {  	p1 =	slt.u32 s9, $0xF7A;
	s5 =	simm.s32 @!p2 $0x0  }
0x1d: {  	s5 =	simm.s32 @p1 $0x1;
	p0 =	seq.s32 s7, s2  }
0x1e: {  	s7 =	smul.u32 @!p0 $0xF7A, s2;
	p2 =	seq.s32 @!p0 s5, $0x0  }
0x1f: {  	s9 =	smul.u32 $0xF7A, s1;
	s8 =	simm.s32 @!p0 $0x1BF5;
	p2 =	por !p2, p0  }
0x20: {  	[sflag:s8] =	ssyncset.s32 @!p0 $0xFFFFF086;
	s6 =	sadd.s32 @!p0 s3, s7;
	s7 =	simm.s32 @!p0 $0x108  }
0x21: {  	s3 =	sadd.s32 s3, s9;
	s6 =	sadd.s32 @!p0 $0x88, s6;
	s7 =	simm.s32 @p2 $0x1082  }
0x22: {  	[simem:s7], [sflag:s8] =	dma.local @!p0 [hbm:s6], $0xF7A  }
0x23: {  	s9 =	sor.u32 $0xD0000000, s2;
	s6 =	simm.s32 $0x108;
	_ =	swait.ge @!p0 [sflag:s8], $0x0  }
0x24: {  	s3 =	sadd.s32 $0x88, s3;
	s6 =	simm.s32 @!p1 $0x1082;
	[sflag:s4] =	ssyncset.s32 $0xFFFFF086  }
0x25: {  	[simem:s6], [sflag:s4] =	dma.local [hbm:s3], $0xF7A  }
0x26: {  	[smem:$0x3F9C] =	sst s1;
	(tag) =	ssettag s2;
	_ =	strace s9  }
0x27: {  	s1 =	sld [smem:$0x3FAC]  }
0x28: {  	s2 =	sld [smem:$0x3FAD]  }
0x29: {  	s4 =	sld [smem:$0x3FAF]  }
0x2a: {  	p0 =	seq.s32 s5, $0x0;
	s5 =	sld [smem:$0x3FB0]  }
0x2b: {  	s6 =	sld [smem:$0x3FB1]  }
0x2c: {  	s7 =	sld [smem:$0x3FB2]  }
0x2d: {  	s3 =	simm.s32 $0x108;
	s8 =	sld [smem:$0x3FB3]  }
0x2e: {  	s3 =	simm.s32 @!p0 $0x1082;
	s9 =	sld [smem:$0x3FB4]  }
0x2f: {  	lr =	sadd.s32 s0, s3;
	s0 =	sld [smem:$0x3FAB]  }
0x30: {  	s3 =	sld [smem:$0x3FAE]  }
0x31: {  	[smem:$0x3FB7] =	sst s10  }
0x32: {  	s10 =	sld [smem:$0x3FB5];
	_ =	sdelay $0x3  }
0x33: {  	p0 =	seq.s32 s10, $0x1;
	s10 =	sld [smem:$0x3FB7];
	_ =	sdelay $0x3  }
0x34: {  	[smem:$0x3FB7] =	sst s10  }
0x35: {  	s10 =	sld [smem:$0x3FB6];
	_ =	sdelay $0x3  }
0x36: {  	p1 =	seq.s32 s10, $0x1;
	s10 =	sld [smem:$0x3FB7];
	_ =	sdelay $0x3  }
0x37: {  	[smem:$0x3FB7] =	sst s10  }
0x38: {  	s10 =	sld [smem:$0x3FB8]  }
0x39: {  	_ = 	snop;
	(pc) =	sbr.ind lr, $3  }
0x3a: {  	_ = 	snop  }
0x3b: {  	_ = 	snop  }
0x3c: {  	p2 =	seq.s32 s10, $0x1;
	s10 =	sld [smem:$0x3FB7]  }
0x3d: {  	_ =	shalt  }
0x3e: {  	_ =	shalt  }
0x3f: {  	_ =	shalt  }
0x40: {  	_ =	shalt  }
0x41: {  	_ =	shalt  }
0x42: {  	_ =	shalt  }
0x43: {  	_ =	shalt  }
0x44: {  	_ =	shalt  }
0x45: {  	_ =	shalt  }
0x46: {  	_ =	shalt  }
0x47: {  	_ =	shalt  }
0x48: {  	_ =	shalt  }
0x49: {  	_ =	shalt  }
0x4a: {  	_ =	shalt  }
0x4b: {  	_ =	shalt  }
0x4c: {  	_ =	shalt  }
0x4d: {  	_ =	shalt  }
0x4e: {  	_ =	shalt  }
0x4f: {  	_ =	shalt  }
0x50: {  	_ =	shalt  }
0x51: {  	_ =	shalt  }
0x52: {  	_ =	shalt  }
0x53: {  	_ =	shalt  }
0x54: {  	_ =	shalt  }
0x55: {  	_ =	shalt  }
0x56: {  	_ =	shalt  }
0x57: {  	_ =	shalt  }
0x58: {  	_ =	shalt  }
0x59: {  	_ =	shalt  }
0x5a: {  	_ =	shalt  }
0x5b: {  	_ =	shalt  }
0x5c: {  	_ =	shalt  }
0x5d: {  	_ =	shalt  }
0x5e: {  	_ =	shalt  }
0x5f: {  	_ =	shalt  }
0x60: {  	_ =	shalt  }
0x61: {  	_ =	shalt  }
0x62: {  	_ =	shalt  }
0x63: {  	_ =	shalt  }
0x64: {  	_ =	shalt  }
0x65: {  	_ =	shalt  }
0x66: {  	_ =	shalt  }
0x67: {  	_ =	shalt  }
0x68: {  	_ =	shalt  }
0x69: {  	_ =	shalt  }
0x6a: {  	_ =	shalt  }
0x6b: {  	_ =	shalt  }
0x6c: {  	_ =	shalt  }
0x6d: {  	_ =	shalt  }
0x6e: {  	_ =	shalt  }
0x6f: {  	_ =	shalt  }
0x70: {  	_ =	shalt  }
0x71: {  	_ =	shalt  }
0x72: {  	_ =	shalt  }
0x73: {  	_ =	shalt  }
0x74: {  	_ =	shalt  }
0x75: {  	_ =	shalt  }
0x76: {  	_ =	shalt  }
0x77: {  	_ =	shalt  }
0x78: {  	_ =	shalt  }
0x79: {  	_ =	shalt  }
0x7a: {  	_ =	shalt  }
0x7b: {  	_ =	shalt  }
0x7c: {  	_ =	shalt  }
0x7d: {  	_ =	shalt  }
0x7e: {  	_ =	shalt  }
0x7f: {  	_ =	shalt  }
0x80: {  	_ =	shalt  }
0x81: {  	_ =	shalt  }
0x82: {  	_ =	shalt  }
0x83: {  	_ =	shalt  }
0x84: {  	_ =	shalt  }
0x85: {  	_ =	shalt  }
0x86: {  	_ =	shalt  }
0x87: {  	_ =	shalt  }
.Lfunc_end0:
.L_simem_size_0:
called_computation.1_lowered:
.L_overlay_start_0:
0x88: {  	s2 =	sld [smem:$0x3FD9]  }
0x89: {  	s3 =	sld [smem:$0x3FFE];
	_ =	sdelay $0x1  }
0x8a: {  	s1 =	srdreg.scid  }
0x8b: {  	s0 =	sand.u32 $0x1, s1  }
0x8c: {  	s17 =	sshll.u32 s0, $0xA;
	s2 =	sadd.s32 s3, s2  }
0x8d: {  	s2 =	sadd.s32 s2, s17  }
0x8e: {  	[smem:$0x3FC3] =	sst s2  }
0x8f: {  	_ = 	snop  }
0x90: {  	s2 =	sld [smem:$0x3FC8]  }
0x91: {  	s18 =	sld [smem:$0x3FC5]  }
0x92: {  	s4 =	sld [smem:$0x3FD0];
	(tm) =	ssettm $0x1  }
0x93: {  	s5 =	sld [smem:$0x3FFB];
	_ =	sdelay $0x3  }
0x94: {  	_ =	strace s5  }
0x95: {  	s5 =	sld [smem:$0x3FFC];
	_ =	sdelay $0x3  }
0x96: {  	_ =	strace s5  }
0x97: {  	s5 =	sld [smem:$0x3FFD];
	_ =	sdelay $0x3  }
0x98: {  	_ =	strace s5  }
0x99: {  	_ =	strace $0x8FFFFFFF  }
0x9a: {  	s19 =	sld [smem:$0x3FDB];
	_ =	sdelay $0x1  }
0x9b: {  	s6 =	simm.s32 $_scs_section_size  }
0x9c: {  	s7 =	simm.s32 $_size__tile_overlayer_lowered;
	s8 =	simm.s32 $_tile_overlayer_lowered  }
0x9d: {  	s22 =	simm.s32 $0x1BFF;
	s21 =	sshll.u32 s8, $0x1;
	s5 =	sadd.s32 s6, s19  }
0x9e: {  	s9 =	simm.s32 $0x0;
	s20 =	sshll.u32 s7, $0x1;
	s7 =	sadd.s32 s21, s5  }
0x9f: {  	[timem:s9], [sflag:s22] =	dma.local [hbm:s7], s20  }
0xa0: {  	_ =	swait.ge [sflag:s22], s20  }
0xa1: {  	s6 =	ssub.s32 $0x0, s20;
	[sflag:s22] =	ssyncset.done $0x0  }
0xa2: {  	[sflag:s22] =	ssyncadd.s32 s6;
	_ =	sdelay $0x1  }
0xa3: {  	s23 =	simm.s32 $0x1B8B  }
0xa4: {  	_ =	swait.ge [sflag:s23], $0x1  }
0xa5: {  	[sflag:s23] =	ssyncset.done $0x0  }
0xa6: {  	s25 =	simm.s32 $0x1B8E;
	s24 =	sld [smem:$0x3FFE];
	[sflag:s23] =	ssyncadd.s32 $0xFFFFFFFF  }
0xa7: {  	s26 =	simm.s32 $execute0_lowered;
	[smem:$0x3FD2] =	sst s25  }
0xa8: {  	s7 =	sshll.u32 s26, $0x1;
	_ =	strace $0x80000049;
	[dreg:$0x1] =	wrdreg $0xFFFFFFFF  }
0xa9: {  	s28 =	simm.s32 $_size_execute0_lowered;
	s5 =	sadd.s32 s5, s7;
	[dreg:$0x0] =	wrdreg $0x0  }
0xaa: {  	s7 =	sshll.u32 s28, $0x1;
	[dreg:$0x2] =	wrdreg s5  }
0xab: {  	[dreg:$0x3] =	wrdreg s7  }
0xac: {  	[dreg:$0x4] =	wrdreg $0xC0  }
0xad: {  	_ =	task [dreg:s9], $0x5FFFF  }
0xae: {  	[dreg:$0x1] =	wrdreg $0xFFFFFFFF  }
0xaf: {  	[dreg:$0x0] =	wrdreg $0x60  }
0xb0: {  	[dreg:$0x2] =	wrdreg s24  }
0xb1: {  	[dreg:$0x3] =	wrdreg s18  }
0xb2: {  	[dreg:$0x4] =	wrdreg s2  }
0xb3: {  	[dreg:$0x5] =	wrdreg s4  }
0xb4: {  	[dreg:$0x6] =	wrdreg $0x9  }
0xb5: {  	_ =	task.clear_ibuf [dreg:s9], $0x7FFFF;
	_ =	strace $0x90000049  }
0xb6: {  	s29 =	simm.s32 $0x9;
	_ =	strace $0x8000004B  }
0xb7: {  	_ =	swait.ge [sflag:s29], $0x1  }
0xb8: {  	[sflag:s29] =	ssyncadd.s32 $0xFFFFFFFF  }
0xb9: {  	_ =	strace $0x9000004B  }
0xba: {  	_ =	sfence  }
0xbb: {  	s30 =	sld [smem:$0x0];
	_ =	sdelay $0x2  }
0xbc: {  	s31 =	sshll.u32 s1, $0xD;
	s1 =	sshrl.u32 s1, $0x2  }
0xbd: {  	s3 =	sand.u32 $0x4000, s31;
	s1 =	sadd.s32 s1, s30  }
0xbe: {  	s0 =	sor.u32 s3, s0;
	s1 =	sshll.u32 s1, $0x11  }
0xbf: {  	s0 =	sor.u32 s1, s0  }
0xc0: {  	s0 =	sadd.s32 $0x8F2B, s0  }
0xc1: {  	[sflag:s0] =	ssyncadd.remote.s32 $0x1  }
0xc2: {  	_ =	sfence.sel $0xFFFF  }
0xc3: {  	[dreg:$0x0] =	wrdreg $0xFFFFFFFF;
	(pc) =	sbr.abs _section_cstart, $3  }
0xc4: {  	[dreg:$0x1] =	wrdreg $0xFFFFFFFF  }
0xc5: {  	_ =	task.clear_ibuf [dreg:s9], $0x2FFFF;
	_ =	strace $0x9FFFFFFF  }
0xc6: {  	(tm) =	ssettm $0x7FFFFFFF  }
0xc7: {  	_ =	shalt  }
tec
execute0_lowered:
.L_overlay_start_1:
0x0: {  	(tag) =	ssettag $0x1  }
0x1: {  	v0 =	vimm.s32 $0x2380;
	vm14 =	vcmask $0x300;
	vm13 =	vcmask $0x704  }
0x2: {  	vm12 =	vcmask $0xB08;
	vm11 =	vcmask $0xF0C;
	vm10 =	vcmask $0x1310  }
0x3: {  	vm9 =	vcmask $0x1714;
	vm8 =	vcmask $0x1B18;
	vm7 =	vcmask $0x1F1C  }
0x4: {  	vm6 =	vcmask $0x2320;
	vm5 =	vcmask $0x2724;
	vm4 =	vcmask $0x2B28  }
0x5: {  	vm3 =	vcmask $0x2F2C;
	vm2 =	vcmask $0x3330;
	vm1 =	vcmask $0x3734  }
0x6: {  	vm0 =	vcmask $0x3B38;
	v1 =	vimm.s32 $0x6380;
	v2 =	vimm.s32 $0xA380  }
0x7: {  	v3 =	vimm.s32 $0xE380;
	v4 =	vlaneseq.u32;
	v0 =	vsel vm14, $0x0, v0  }
0x8: {  	v1 =	vsel vm14, $0x4000, v1;
	v2 =	vsel vm14, $0x8000, v2;
	v3 =	vsel vm14, $0xC000, v3  }
0x9: {  	v4 =	vmul.u32 $0x201, v4;
	v0 =	vsel vm13, $0x80, v0;
	v1 =	vsel vm13, $0x4080, v1  }
0xa: {  	v2 =	vsel vm13, $0x8080, v2;
	v3 =	vsel vm13, $0xC080, v3;
	v0 =	vsel vm12, $0x100, v0  }
0xb: {  	v1 =	vsel vm12, $0x4100, v1;
	v2 =	vsel vm12, $0x8100, v2;
	v3 =	vsel vm12, $0xC100, v3  }
0xc: {  	v0 =	vsel vm11, $0x180, v0;
	v1 =	vsel vm11, $0x4180, v1;
	v2 =	vsel vm11, $0x8180, v2  }
0xd: {  	v3 =	vsel vm11, $0xC180, v3;
	v0 =	vsel vm10, $0x200, v0;
	v1 =	vsel vm10, $0x4200, v1  }
0xe: {  	v2 =	vsel vm10, $0x8200, v2;
	v3 =	vsel vm10, $0xC200, v3;
	v0 =	vsel vm9, $0x280, v0  }
0xf: {  	s4 =	rddreg [dreg:$0x0];
	v1 =	vsel vm9, $0x4280, v1;
	v2 =	vsel vm9, $0x8280, v2;
	v3 =	vsel vm9, $0xC280, v3  }
0x10: {  	s0 =	rddreg [dreg:$0x1];
	v0 =	vsel vm8, $0x300, v0;
	v1 =	vsel vm8, $0x4300, v1;
	v2 =	vsel vm8, $0x8300, v2  }
0x11: {  	s5 =	rddreg [dreg:$0x2];
	v3 =	vsel vm8, $0xC300, v3;
	v0 =	vsel vm7, $0x380, v0;
	v1 =	vsel vm7, $0x4380, v1  }
0x12: {  	s7 =	rddreg [dreg:$0x3];
	v2 =	vsel vm7, $0x8380, v2;
	v3 =	vsel vm7, $0xC380, v3;
	v0 =	vsel vm6, $0x2000, v0  }
0x13: {  	s1 =	rddreg [dreg:$0x4];
	s6 =	srdreg.scid;
	v1 =	vsel vm6, $0x6000, v1;
	v2 =	vsel vm6, $0xA000, v2;
	v3 =	vsel vm6, $0xE000, v3  }
0x14: {  	s2 =	stileid.u32;
	s3 =	simm.s32 $0x0;
	s11 =	simm.s32 $0x18000;
	v0 =	vsel vm5, $0x2080, v0;
	v1 =	vsel vm5, $0x6080, v1;
	v2 =	vsel vm5, $0xA080, v2  }
0x15: {  	s12 =	simm.s32 $0x10000;
	s13 =	simm.s32 $0x1A080;
	s14 =	simm.s32 $0x0;
	v3 =	vsel vm5, $0xE080, v3;
	v0 =	vsel vm4, $0x2100, v0;
	v1 =	vsel vm4, $0x6100, v1  }
0x16: {  	s6 =	sand.u32 $0x1, s6;
	s8 =	sshll.u32 s2, $0x1;
	[smem:$0x7FF] =	sst s3;
	v2 =	vsel vm4, $0xA100, v2;
	v3 =	vsel vm4, $0xE100, v3;
	v0 =	vsel vm3, $0x2180, v0  }
0x17: {  	s8 =	sor.u32 s6, s8;
	_ =	strace $0x8000004A;
	s6 =	ssub.s32 $0x2, s6;
	v1 =	vsel vm3, $0x6180, v1;
	v2 =	vsel vm3, $0xA180, v2;
	v3 =	vsel vm3, $0xE180, v3  }
0x18: {  	s9 =	sshll.u32 s8, $0xC;
	s31 =	sshrl.u32 s6, $0x1;
	s8 =	sshll.u32 s8, $0x6;
	v0 =	vsel vm2, $0x2200, v0;
	v1 =	vsel vm2, $0x6200, v1;
	v2 =	vsel vm2, $0xA200, v2  }
0x19: {  	s9 =	sadd.s32 s9, s4;
	s10 =	ssub.s32 s6, s31;
	s4 =	sadd.s32 s5, s8;
	v3 =	vsel vm2, $0xE200, v3;
	v0 =	vsel vm1, $0x2280, v0;
	v1 =	vsel vm1, $0x6280, v1  }
0x1a: {  	s7 =	sadd.s32 s7, s8;
	s5 =	sadd.s32 $0x800, s9;
	s6 =	sadd.s32 $0x20800, s9;
	v2 =	vsel vm1, $0xA280, v2;
	v3 =	vsel vm1, $0xE280, v3;
	v0 =	vsel vm0, $0x2300, v0  }
0x1b: {  	s8 =	smax.u32 s10, $0x1;
	s9 =	simm.s32 $0x8000;
	s10 =	simm.s32 $0x1;
	v1 =	vsel vm0, $0x6300, v1;
	v2 =	vsel vm0, $0xA300, v2;
	v3 =	vsel vm0, $0xE300, v3  }
.LBB2_1:
0x1c: {  	[tilespmem:s9], [sflag:$0x1] =	stream.linear.gather [hbm4b:s0+s3], $0x10000, $0x38;
	[tilespmem:$0x1A280] =	vst v63  }
0x1d: {  	_ =	swait.ge [sflag:s10], $0x10000  }
0x1e: {  	[sflag:s10] =	ssyncset.done $0x0  }
0x1f: {  	[sflag:s10] =	ssyncadd.s32 $0xFFFF0000  }
0x20: {  	[tilespmem:s11], [sflag:$0x1] =	stream.linear.gather [hbm4b:s4+s3], $0x200, $0x38;
	[tilespmem:$0x1A280] =	vst v63  }
0x21: {  	_ =	swait.ge [sflag:s10], $0x200  }
0x22: {  	[sflag:s10] =	ssyncset.done $0x0  }
0x23: {  	s15 =	simm.s32 $0x18001;
	[sflag:s10] =	ssyncadd.s32 $0xFFFFFE00  }
0x24: {  	v5 =	vld.msk [tilespmem:s15+$0x0 ss:$0x0], $0xffff  }
0x25: {  	v6 =	vld.msk [tilespmem:s15+$0xFFFFFFFF ss:$0x0], $0xffff;
	_ =	sdelay $0x3  }
0x26: {  	v7 =	vshll.u32 v5, $0x3  }
0x27: {  	v8 =	vshll.u32 v6, $0x3;
	v5 =	vand.u32 $0x7F, v5;
	v7 =	vand.u32 $0xFFFFFC00, v7  }
0x28: {  	s31 =	simm.s32 $0x18003;
	v6 =	vand.u32 $0x7F, v6;
	v8 =	vand.u32 $0xFFFFFC00, v8;
	v5 =	vor.u32 v5, v7  }
0x29: {  	v9 =	vld.msk [tilespmem:s31+$0x0 ss:$0x0], $0xffff;
	v6 =	vor.u32 v6, v8;
	v7 =	vadd.s32 v3, v5  }
0x2a: {  	v12 =	vld.msk [tilespmem:s31+$0xFFFFFFFF ss:$0x0], $0xffff;
	v8 =	vadd.s32 v0, v6  }
0x2b: {  	v10 =	vadd.s32 v1, v6  }
0x2c: {  	s16 =	simm.s32 $0x18005;
	v11 =	vadd.s32 v2, v6  }
0x2d: {  	v19 =	vld.msk [tilespmem:s16+$0xFFFFFFFF ss:$0x0], $0xffff;
	v6 =	vadd.s32 v3, v6  }
0x2e: {  	v13 =	vadd.s32 v0, v5;
	v7 =	vld.idx.msk [tilespmem:v7+s9+$0x0], $0xffff  }
0x2f: {  	v15 =	vshll.u32 v9, $0x3;
	v16 =	vshll.u32 v12, $0x3;
	v9 =	vand.u32 $0x7F, v9;
	v8 =	vld.idx.msk [tilespmem:v8+s9+$0x0], $0xffff  }
0x30: {  	v12 =	vand.u32 $0x7F, v12;
	v15 =	vand.u32 $0xFFFFFC00, v15;
	v14 =	vadd.s32 v1, v5;
	v10 =	vld.idx.msk [tilespmem:v10+s9+$0x0], $0xffff  }
0x31: {  	v16 =	vand.u32 $0xFFFFFC00, v16;
	v15 =	vor.u32 v9, v15;
	v5 =	vadd.s32 v2, v5;
	v11 =	vld.idx.msk [tilespmem:v11+s9+$0x0], $0xffff  }
0x32: {  	v9 =	vadd.s32 v3, v15;
	v17 =	vld.idx.msk [tilespmem:v6+s9+$0x0], $0xffff;
	v6 =	vor.u32 v12, v16  }
0x33: {  	v12 =	vld.idx.msk [tilespmem:v13+s9+$0x0], $0xffff;
	v16 =	vadd.s32 v0, v6  }
0x34: {  	s15 =	simm.s32 $0x40;
	v13 =	vld.msk [tilespmem:s16+$0x0 ss:$0x0], $0xffff;
	v18 =	vadd.s32 v1, v6  }
0x35: {  	v21 =	vld.idx.msk [tilespmem:v14+s9+$0x0], $0xffff;
	v20 =	vadd.s32 v2, v6;
	[tilespmem:s15+$0x30] =	vst v7  }
0x36: {  	v22 =	vadd.s32 v3, v6;
	v6 =	vld.idx.msk [tilespmem:v5+s9+$0x0], $0xffff;
	[tilespmem:s15+$0xFFFFFFC0] =	vst v8  }
0x37: {  	v23 =	vadd.s32 v0, v15;
	[tilespmem:s15+$0xFFFFFFD0] =	vst v10;
	v10 =	vld.idx.msk [tilespmem:v9+s9+$0x0], $0xffff  }
0x38: {  	[tilespmem:s15+$0xFFFFFFE0] =	vst v11;
	v9 =	vld.idx.msk [tilespmem:v16+s9+$0x0], $0xffff  }
0x39: {  	v14 =	vshll.u32 v19, $0x3;
	v5 =	vadd.s32 v2, v15;
	[tilespmem:s15+$0xFFFFFFF0] =	vst v17;
	v8 =	vshll.u32 v13, $0x3;
	v11 =	vld.idx.msk [tilespmem:v18+s9+$0x0], $0xffff  }
0x3a: {  	v7 =	vadd.s32 v1, v15;
	[tilespmem:s15+$0x0] =	vst v12;
	v13 =	vand.u32 $0x7F, v13;
	v8 =	vand.u32 $0xFFFFFC00, v8;
	v12 =	vld.idx.msk [tilespmem:v20+s9+$0x0], $0xffff  }
0x3b: {  	v15 =	vand.u32 $0x7F, v19;
	[tilespmem:s15+$0x10] =	vst v21;
	v16 =	vand.u32 $0xFFFFFC00, v14;
	v14 =	vor.u32 v13, v8;
	v13 =	vld.idx.msk [tilespmem:v22+s9+$0x0], $0xffff  }
0x3c: {  	s17 =	simm.s32 $0x4;
	s18 =	simm.s32 $0x18007;
	s16 =	simm.s32 $0xC0;
	v17 =	vor.u32 v15, v16;
	v15 =	vld.idx.msk [tilespmem:v23+s9+$0x0], $0xffff;
	v8 =	vadd.s32 v0, v14;
	v16 =	vadd.s32 v3, v14  }
.LBB2_2:
0x3d: {  	v18 =	vld.msk [tilespmem:s18+$0x0 ss:$0x0], $0xffff;
	s17 =	sadd.s32 $0x2, s17;
	v19 =	vadd.s32 v0, v17;
	v20 =	vadd.s32 v1, v17;
	v21 =	vadd.s32 v2, v17;
	[tilespmem:s16+$0x30] =	vst v10  }
0x3e: {  	v17 =	vadd.s32 v3, v17;
	v10 =	vadd.s32 v1, v14;
	v14 =	vadd.s32 v2, v14;
	v22 =	vld.msk [tilespmem:s18+$0xFFFFFFFF ss:$0x0], $0xffff;
	p0 =	slt.u32 s17, $0x1FE;
	[tilespmem:s16+$0xFFFFFFC0] =	vst v9  }
0x3f: {  	v24 =	vmov v6;
	[tilespmem:s16+$0xFFFFFFD0] =	vst v11;
	v23 =	vld.idx.msk [tilespmem:v7+s9+$0x0], $0xffff;
	v7 =	vmov v10  }
0x40: {  	[tilespmem:s16+$0xFFFFFFE0] =	vst v12;
	v6 =	vld.idx.msk [tilespmem:v5+s9+$0x0], $0xffff;
	v5 =	vmov v14  }
0x41: {  	v10 =	vld.idx.msk [tilespmem:v16+s9+$0x0], $0xffff;
	[tilespmem:s16+$0xFFFFFFF0] =	vst v13  }
.Ltmp0:
0x42: {  	v9 =	vld.idx.msk [tilespmem:v19+s9+$0x0], $0xffff;
	[tilespmem:s16+$0x0] =	vst v15;
	(pc) =	sbr.rel @p0 .LBB2_2-.Ltmp0, $4  }
0x43: {  	v12 =	vshll.u32 v18, $0x3;
	v11 =	vld.idx.msk [tilespmem:v20+s9+$0x0], $0xffff;
	[tilespmem:s15+$0x20] =	vst v24;
	s15 =	smov.u32 s16  }
0x44: {  	v14 =	vand.u32 $0x7F, v18;
	v13 =	vshll.u32 v22, $0x3;
	v15 =	vand.u32 $0xFFFFFC00, v12;
	v12 =	vld.idx.msk [tilespmem:v21+s9+$0x0], $0xffff  }
0x45: {  	v16 =	vand.u32 $0x7F, v22;
	v18 =	vand.u32 $0xFFFFFC00, v13;
	v14 =	vor.u32 v14, v15;
	v13 =	vld.idx.msk [tilespmem:v17+s9+$0x0], $0xffff;
	[tilespmem:s16+$0x10] =	vst v23  }
0x46: {  	s18 =	sadd.s32 $0x2, s18;
	v17 =	vor.u32 v16, v18;
	v16 =	vadd.s32 v3, v14;
	s16 =	sadd.s32 $0x80, s16;
	v15 =	vld.idx.msk [tilespmem:v8+s9+$0x0], $0xffff;
	v8 =	vadd.s32 v0, v14  }
0x47: {  	_ = 	snop  }
0x48: {  	v18 =	vadd.s32 v0, v17  }
0x49: {  	v19 =	vadd.s32 v1, v17;
	[tilespmem:s16+$0x30] =	vst v10  }
0x4a: {  	v10 =	vadd.s32 v2, v17;
	[tilespmem:s16+$0xFFFFFFC0] =	vst v9  }
0x4b: {  	v9 =	vadd.s32 v3, v17;
	v7 =	vld.idx.msk [tilespmem:v7+s9+$0x0], $0xffff;
	[tilespmem:s16+$0xFFFFFFD0] =	vst v11  }
0x4c: {  	v11 =	vld.idx.msk [tilespmem:v16+s9+$0x0], $0xffff;
	[tilespmem:s16+$0xFFFFFFE0] =	vst v12  }
0x4d: {  	[tilespmem:s16+$0xFFFFFFF0] =	vst v13;
	v12 =	vld.idx.msk [tilespmem:v18+s9+$0x0], $0xffff  }
0x4e: {  	v13 =	vadd.s32 v1, v14;
	[tilespmem:s16+$0x0] =	vst v15;
	v15 =	vld.idx.msk [tilespmem:v19+s9+$0x0], $0xffff  }
0x4f: {  	v14 =	vadd.s32 v2, v14;
	[tilespmem:s15+$0x20] =	vst v6;
	v6 =	vld.idx.msk [tilespmem:v10+s9+$0x0], $0xffff  }
0x50: {  	s31 =	sadd.s32 $0x80, s16;
	v9 =	vld.idx.msk [tilespmem:v9+s9+$0x0], $0xffff;
	[tilespmem:s16+$0x10] =	vst v7  }
0x51: {  	v7 =	vld.idx.msk [tilespmem:v8+s9+$0x0], $0xffff;
	[tilespmem:s31+$0x30] =	vst v11  }
0x52: {  	v5 =	vld.idx.msk [tilespmem:v5+s9+$0x0], $0xffff;
	[tilespmem:s31+$0xFFFFFFC0] =	vst v12  }
0x53: {  	v8 =	vld.idx.msk [tilespmem:v13+s9+$0x0], $0xffff;
	[tilespmem:s31+$0xFFFFFFD0] =	vst v15  }
0x54: {  	[tilespmem:s31+$0xFFFFFFE0] =	vst v6;
	v6 =	vld.idx.msk [tilespmem:v14+s9+$0x0], $0xffff  }
0x55: {  	[tilespmem:s31+$0xFFFFFFF0] =	vst v9  }
0x56: {  	[tilespmem:s31+$0x0] =	vst v7  }
0x57: {  	[tilespmem:s16+$0x20] =	vst v5  }
0x58: {  	[tilespmem:s31+$0x10] =	vst v8  }
0x59: {  	s15 =	simm.s32 $0x0;
	[tilespmem:s31+$0x20] =	vst v6  }
0x5a: {  	[tilespmem:s9], [sflag:$0x1] =	stream.linear.gather [hbm4b:s5+s15], $0x8000, $0x38;
	[tilespmem:$0x1A280] =	vst v63  }
0x5b: {  	_ =	swait.ge [sflag:s10], $0x8000  }
0x5c: {  	[sflag:s10] =	ssyncset.done $0x0  }
0x5d: {  	[sflag:s10] =	ssyncadd.s32 $0xFFFF8000  }
0x5e: {  	[tilespmem:s12], [sflag:$0x1] =	stream.linear.gather [hbm4b:s6+s15], $0x8000, $0x38;
	[tilespmem:$0x1A280] =	vst v63  }
0x5f: {  	_ =	swait.ge [sflag:s10], $0x8000  }
0x60: {  	[sflag:s10] =	ssyncset.done $0x0  }
0x61: {  	s16 =	simm.s32 $0x10020;
	[sflag:s10] =	ssyncadd.s32 $0xFFFF8000  }
0x62: {  	s17 =	simm.s32 $0x8020;
	v5 =	vld [tilespmem:s16+$0x0]  }
0x63: {  	s18 =	simm.s32 $0x20;
	v8 =	vld [tilespmem:s17+$0x10]  }
0x64: {  	v9 =	vld [tilespmem:s18+$0x10]  }
0x65: {  	v6 =	vld [tilespmem:s16+$0xFFFFFFE0]  }
0x66: {  	v7 =	vld [tilespmem:s16+$0xFFFFFFF0]  }
0x67: {  	v10 =	vld [tilespmem:s17+$0x0]  }
0x68: {  	v11 =	vld [tilespmem:s18+$0x0]  }
0x69: {  	v12 =	vld [tilespmem:s17+$0xFFFFFFE0]  }
0x6a: {  	v14 =	vld [tilespmem:s18+$0xFFFFFFE0]  }
0x6b: {  	v13 =	vld [tilespmem:s17+$0xFFFFFFF0]  }
0x6c: {  	v15 =	vld [tilespmem:s18+$0xFFFFFFF0]  }
0x6d: {  	s19 =	simm.s32 $0x40;
	v16 =	vld [tilespmem:s17+$0x20]  }
0x6e: {  	s21 =	sor.u32 $0x70, s19;
	v18 =	vld [tilespmem:s18+$0x20]  }
0x6f: {  	v17 =	vld [tilespmem:s21+$0x8000]  }
0x70: {  	s22 =	sor.u32 $0x60, s19;
	v19 =	vld [tilespmem:s21+$0x0]  }
0x71: {  	v21 =	vld [tilespmem:s22+$0x8000]  }
0x72: {  	s23 =	sor.u32 $0x50, s19;
	v22 =	vld [tilespmem:s22+$0x0]  }
0x73: {  	s20 =	simm.s32 $0x2;
	v20 =	vld [tilespmem:s23+$0x8000]  }
.LBB2_4:
0x74: {  	p0 =	slt.u32 s20, $0x1FE;
	v23 =	vld [tilespmem:s23+$0x0]  }
0x75: {  	v24 =	vadd.f32 v9, v8;
	v9 =	vld [tilespmem:s16+$0x20]  }
0x76: {  	v8 =	vadd.f32 v14, v12;
	v10 =	vadd.f32 v11, v10;
	v11 =	vld [tilespmem:s23+$0x10000]  }
0x77: {  	v12 =	vadd.f32 v15, v13;
	v13 =	vadd.f32 v18, v16;
	v14 =	vld [tilespmem:s22+$0x10000]  }
0x78: {  	v17 =	vadd.f32 v19, v17;
	v16 =	vadd.f32 v22, v21;
	v15 =	vld [tilespmem:s16+$0x10];
	s16 =	sadd.s32 $0x80, s16  }
0x79: {  	v10 =	vsub.f32 v10, v5;
	v5 =	vld [tilespmem:s16+$0x0];
	v18 =	vadd.f32 v23, v20  }
0x7a: {  	s17 =	sadd.s32 $0x80, s17;
	v19 =	vadd.s32 s15, v4;
	v6 =	vsub.f32 v8, v6;
	v7 =	vsub.f32 v12, v7;
	v12 =	vld [tilespmem:s21+$0x10000];
	s21 =	sadd.s32 $0x1, s15;
	s15 =	smov.u32 s20  }
0x7b: {  	s18 =	sadd.s32 $0x80, s18;
	v13 =	vsub.f32 v13, v9;
	v8 =	vld [tilespmem:s17+$0x10];
	v11 =	vsub.f32 v18, v11;
	v18 =	vadd.s32 s21, v4  }
0x7c: {  	v7 =	vand.u32 $0x7FFFFFFF, v7;
	v20 =	vand.u32 $0x7FFFFFFF, v6;
	v9 =	vld [tilespmem:s18+$0x10];
	v14 =	vsub.f32 v16, v14  }
0x7d: {  	v16 =	vadd.f32 v7, v20;
	v13 =	vand.u32 $0x7FFFFFFF, v13;
	v6 =	vld [tilespmem:s16+$0xFFFFFFE0];
	v11 =	vand.u32 $0x7FFFFFFF, v11  }
0x7e: {  	v20 =	vand.u32 $0x7FFFFFFF, v10;
	v15 =	vsub.f32 v24, v15;
	v7 =	vld [tilespmem:s16+$0xFFFFFFF0];
	v13 =	vadd.f32 v11, v13  }
0x7f: {  	v16 =	vadd.f32 v20, v16;
	v14 =	vand.u32 $0x7FFFFFFF, v14;
	v10 =	vld [tilespmem:s17+$0x0];
	v17 =	vsub.f32 v17, v12  }
0x80: {  	v15 =	vand.u32 $0x7FFFFFFF, v15;
	v11 =	vld [tilespmem:s18+$0x0];
	v13 =	vadd.f32 v14, v13  }
0x81: {  	v15 =	vadd.f32 v15, v16;
	v12 =	vld [tilespmem:s17+$0xFFFFFFE0];
	v16 =	vand.u32 $0x7FFFFFFF, v17  }
0x82: {  	v14 =	vld [tilespmem:s18+$0xFFFFFFE0];
	v16 =	vadd.f32 v16, v13  }
0x83: {  	v13 =	vld [tilespmem:s17+$0xFFFFFFF0];
	[tilespmem:v19+s11+$0x0] =	vst.idx.msk $0xffff, v15  }
0x84: {  	v15 =	vld [tilespmem:s18+$0xFFFFFFF0];
	[tilespmem:v18+s11+$0x0] =	vst.idx.msk $0xffff, v16  }
0x85: {  	s19 =	sadd.s32 $0x80, s19;
	v16 =	vld [tilespmem:s17+$0x20]  }
0x86: {  	s21 =	sor.u32 $0x70, s19;
	v18 =	vld [tilespmem:s18+$0x20]  }
.Ltmp1:
0x87: {  	v17 =	vld [tilespmem:s21+$0x8000];
	(pc) =	sbr.rel @p0 .LBB2_4-.Ltmp1, $4  }
0x88: {  	s22 =	sor.u32 $0x60, s19;
	v19 =	vld [tilespmem:s21+$0x0]  }
0x89: {  	v21 =	vld [tilespmem:s22+$0x8000]  }
0x8a: {  	s23 =	sor.u32 $0x50, s19;
	v22 =	vld [tilespmem:s22+$0x0]  }
0x8b: {  	s20 =	sadd.s32 $0x2, s20;
	v20 =	vld [tilespmem:s23+$0x8000]  }
0x8c: {  	v23 =	vld [tilespmem:s23+$0x0]  }
0x8d: {  	v8 =	vadd.f32 v9, v8;
	v9 =	vld [tilespmem:s16+$0x20]  }
0x8e: {  	v12 =	vadd.f32 v14, v12;
	v10 =	vadd.f32 v11, v10;
	v11 =	vld [tilespmem:s23+$0x10000]  }
0x8f: {  	v13 =	vadd.f32 v15, v13;
	v54 =	vadd.f32 v18, v16;
	v55 =	vld [tilespmem:s22+$0x10000]  }
0x90: {  	v17 =	vadd.f32 v19, v17;
	v5 =	vsub.f32 v10, v5  }
0x91: {  	v57 =	vld [tilespmem:s16+$0x10];
	v6 =	vsub.f32 v12, v6;
	v10 =	vadd.f32 v23, v20  }
0x92: {  	v58 =	vadd.s32 s15, v4;
	v59 =	vld [tilespmem:s21+$0x10000];
	v7 =	vsub.f32 v13, v7;
	v56 =	vadd.f32 v22, v21  }
0x93: {  	v6 =	vand.u32 $0x7FFFFFFF, v6;
	v9 =	vsub.f32 v54, v9;
	v10 =	vsub.f32 v10, v11  }
0x94: {  	v7 =	vand.u32 $0x7FFFFFFF, v7;
	v5 =	vand.u32 $0x7FFFFFFF, v5;
	v60 =	vsub.f32 v56, v55  }
0x95: {  	s31 =	sadd.s32 $0x1, s15;
	v6 =	vadd.f32 v7, v6;
	v7 =	vand.u32 $0x7FFFFFFF, v9;
	v9 =	vand.u32 $0x7FFFFFFF, v10  }
0x96: {  	v8 =	vsub.f32 v8, v57;
	v11 =	vadd.s32 s31, v4;
	v7 =	vadd.f32 v9, v7  }
0x97: {  	v5 =	vadd.f32 v5, v6;
	v6 =	vand.u32 $0x7FFFFFFF, v60;
	v9 =	vsub.f32 v17, v59  }
0x98: {  	v8 =	vand.u32 $0x7FFFFFFF, v8;
	v6 =	vadd.f32 v6, v7  }
0x99: {  	v5 =	vadd.f32 v8, v5;
	v7 =	vand.u32 $0x7FFFFFFF, v9  }
0x9a: {  	v6 =	vadd.f32 v7, v6  }
0x9b: {  	[tilespmem:v58+s11+$0x0] =	vst.idx.msk $0xffff, v5  }
0x9c: {  	s15 =	simm.s32 $0x0;
	[tilespmem:v11+s11+$0x0] =	vst.idx.msk $0xffff, v6  }
0x9d: {  	v5 =	vld [tilespmem:s15+$0x18000]  }
0x9e: {  	v6 =	vld [tilespmem:s15+$0x18201];
	_ =	sdelay $0x1  }
0x9f: {  	v7 =	vld [tilespmem:s15+$0x18402];
	_ =	sdelay $0x1  }
0xa0: {  	v8 =	vld [tilespmem:s15+$0x18603]  }
0xa1: {  	v5 =	vadd.f32 v6, v5  }
0xa2: {  	v6 =	vld [tilespmem:s15+$0x18804]  }
0xa3: {  	v5 =	vadd.f32 v7, v5  }
0xa4: {  	v7 =	vld [tilespmem:s15+$0x18A05]  }
0xa5: {  	v5 =	vadd.f32 v8, v5  }
0xa6: {  	v8 =	vld [tilespmem:s15+$0x18C06]  }
0xa7: {  	v5 =	vadd.f32 v6, v5  }
0xa8: {  	v6 =	vld [tilespmem:s15+$0x18E07]  }
0xa9: {  	s16 =	simm.s32 $0x10;
	v9 =	vld [tilespmem:s15+$0x19008];
	v5 =	vadd.f32 v7, v5  }
0xaa: {  	v10 =	vld [tilespmem:s16+$0x18000]  }
0xab: {  	v7 =	vld [tilespmem:s15+$0x19209];
	v5 =	vadd.f32 v8, v5  }
0xac: {  	v8 =	vld [tilespmem:s16+$0x18201]  }
0xad: {  	v11 =	vld [tilespmem:s16+$0x18402];
	v5 =	vadd.f32 v6, v5  }
0xae: {  	v6 =	vld [tilespmem:s15+$0x1940A]  }
0xaf: {  	v12 =	vld [tilespmem:s16+$0x18603];
	v5 =	vadd.f32 v9, v5  }
0xb0: {  	v9 =	vld [tilespmem:s15+$0x1960B]  }
0xb1: {  	v8 =	vadd.f32 v8, v10;
	v10 =	vld [tilespmem:s16+$0x18804];
	v5 =	vadd.f32 v7, v5  }
0xb2: {  	v7 =	vld [tilespmem:s15+$0x1980C]  }
0xb3: {  	v8 =	vadd.f32 v11, v8;
	v11 =	vld [tilespmem:s15+$0x19A0D];
	v5 =	vadd.f32 v6, v5  }
0xb4: {  	v6 =	vld [tilespmem:s16+$0x18A05]  }
0xb5: {  	v61 =	vld [tilespmem:s15+$0x19C0E];
	v8 =	vadd.f32 v12, v8;
	v5 =	vadd.f32 v9, v5  }
0xb6: {  	v62 =	vld [tilespmem:s16+$0x18C06]  }
0xb7: {  	v9 =	vadd.f32 v10, v8;
	v8 =	vld [tilespmem:s16+$0x18E07];
	v7 =	vadd.f32 v7, v5  }
0xb8: {  	s17 =	simm.s32 $0x20;
	v5 =	vld [tilespmem:s15+$0x19E0F]  }
0xb9: {  	v10 =	vld [tilespmem:s17+$0x18000];
	v63 =	vadd.f32 v6, v9;
	v7 =	vadd.f32 v11, v7  }
0xba: {  	v9 =	vld [tilespmem:s16+$0x19008]  }
0xbb: {  	s18 =	simm.s32 $0xC0;
	v6 =	vld [tilespmem:s16+$0x19209];
	v11 =	vadd.f32 v62, v63;
	v7 =	vadd.f32 v61, v7  }
.LBB2_6:
0xbc: {  	p0 =	sne.s32 s18, $0x7C0;
	v12 =	vld [tilespmem:s17+$0x18201]  }
0xbd: {  	v8 =	vadd.f32 v8, v11;
	v11 =	vld [tilespmem:s16+$0x1940A];
	v5 =	vadd.f32 v5, v7  }
0xbe: {  	v7 =	vld [tilespmem:s17+$0x18402]  }
0xbf: {  	v8 =	vadd.f32 v9, v8;
	v9 =	vld [tilespmem:s16+$0x1960B];
	v5 =	vsub.f32 $0.0e+00, v5  }
0xc0: {  	v13 =	vld [tilespmem:s17+$0x18603]  }
0xc1: {  	v10 =	vadd.f32 v12, v10;
	v6 =	vadd.f32 v6, v8;
	v8 =	vld [tilespmem:s16+$0x1980C];
	[tilespmem:s15+$0x1A080] =	vst v5;
	s15 =	smov.u32 s16;
	s16 =	smov.u32 s17  }
0xc2: {  	v5 =	vld [tilespmem:s16+$0x18804]  }
0xc3: {  	v7 =	vadd.f32 v7, v10;
	v6 =	vadd.f32 v11, v6;
	v10 =	vld [tilespmem:s15+$0x19A0D]  }
0xc4: {  	v11 =	vld [tilespmem:s16+$0x18A05]  }
0xc5: {  	v7 =	vadd.f32 v13, v7;
	v6 =	vadd.f32 v9, v6;
	v12 =	vld [tilespmem:s15+$0x19C0E]  }
0xc6: {  	v13 =	vld [tilespmem:s16+$0x18C06]  }
.Ltmp2:
0xc7: {  	v7 =	vadd.f32 v5, v7;
	v9 =	vadd.f32 v8, v6;
	v5 =	vld [tilespmem:s15+$0x19E0F];
	(pc) =	sbr.rel @p0 .LBB2_6-.Ltmp2, $4  }
0xc8: {  	v8 =	vld [tilespmem:s16+$0x18E07]  }
0xc9: {  	v7 =	vadd.f32 v11, v7;
	v6 =	vld [tilespmem:s16+$0x19209];
	v14 =	vadd.f32 v10, v9  }
0xca: {  	s17 =	sshra.s32 s18, $0x2;
	v9 =	vld [tilespmem:s16+$0x19008]  }
0xcb: {  	s18 =	sadd.s32 $0x40, s18;
	v10 =	vld [tilespmem:s17+$0x18000];
	v11 =	vadd.f32 v13, v7;
	v7 =	vadd.f32 v12, v14  }
0xcc: {  	v12 =	vld [tilespmem:s17+$0x18201];
	_ =	sdelay $0x1  }
0xcd: {  	v13 =	vld [tilespmem:s17+$0x18402];
	_ =	sdelay $0x1  }
0xce: {  	v14 =	vld [tilespmem:s17+$0x18603]  }
0xcf: {  	v10 =	vadd.f32 v12, v10  }
0xd0: {  	v46 =	vld [tilespmem:s17+$0x18804]  }
0xd1: {  	v10 =	vadd.f32 v13, v10  }
0xd2: {  	v47 =	vld [tilespmem:s17+$0x18A05]  }
0xd3: {  	v10 =	vadd.f32 v14, v10  }
0xd4: {  	v48 =	vld [tilespmem:s17+$0x18C06]  }
0xd5: {  	v10 =	vadd.f32 v46, v10  }
0xd6: {  	v49 =	vld [tilespmem:s17+$0x18E07]  }
0xd7: {  	v10 =	vadd.f32 v47, v10  }
0xd8: {  	v50 =	vld [tilespmem:s17+$0x19008]  }
0xd9: {  	v10 =	vadd.f32 v48, v10  }
0xda: {  	v51 =	vld [tilespmem:s17+$0x19209];
	v8 =	vadd.f32 v8, v11  }
0xdb: {  	v52 =	vld [tilespmem:s16+$0x1940A];
	v10 =	vadd.f32 v49, v10  }
0xdc: {  	v53 =	vld [tilespmem:s17+$0x1940A];
	v8 =	vadd.f32 v9, v8  }
0xdd: {  	v54 =	vld [tilespmem:s16+$0x1960B];
	v10 =	vadd.f32 v50, v10  }
0xde: {  	v55 =	vld [tilespmem:s17+$0x1960B];
	v6 =	vadd.f32 v6, v8  }
0xdf: {  	v56 =	vld [tilespmem:s16+$0x1980C];
	v10 =	vadd.f32 v51, v10  }
0xe0: {  	v57 =	vld [tilespmem:s17+$0x1980C];
	v6 =	vadd.f32 v52, v6  }
0xe1: {  	v58 =	vld [tilespmem:s16+$0x19A0D];
	v9 =	vadd.f32 v53, v10  }
0xe2: {  	v59 =	vld [tilespmem:s17+$0x19A0D];
	v6 =	vadd.f32 v54, v6  }
0xe3: {  	v60 =	vld [tilespmem:s16+$0x19C0E];
	v8 =	vadd.f32 v55, v9  }
0xe4: {  	v61 =	vld [tilespmem:s17+$0x19C0E];
	v6 =	vadd.f32 v56, v6  }
0xe5: {  	v62 =	vld [tilespmem:s16+$0x19E0F];
	v8 =	vadd.f32 v57, v8  }
0xe6: {  	v63 =	vld [tilespmem:s17+$0x19E0F];
	v6 =	vadd.f32 v58, v6  }
0xe7: {  	v8 =	vadd.f32 v59, v8  }
0xe8: {  	v6 =	vadd.f32 v60, v6  }
0xe9: {  	v5 =	vadd.f32 v5, v7;
	v7 =	vadd.f32 v61, v8  }
0xea: {  	v6 =	vadd.f32 v62, v6  }
0xeb: {  	v5 =	vsub.f32 $0.0e+00, v5;
	v7 =	vadd.f32 v63, v7  }
0xec: {  	v6 =	vsub.f32 $0.0e+00, v6  }
0xed: {  	s14 =	sadd.s32 $0x1, s14;
	[tilespmem:s15+$0x1A080] =	vst v5;
	v5 =	vsub.f32 $0.0e+00, v7  }
0xee: {  	p0 =	sne.s32 s14, s8;
	[tilespmem:s16+$0x1A080] =	vst v6  }
.Ltmp3:
0xef: {  	[tilespmem:s17+$0x1A080] =	vst v5;
	(pc) =	sbr.rel @p0 .LBB2_1-.Ltmp3, $4  }
0xf0: {  	[hbm4b:s7+s3] =	stream.linear.scatter [tilespmem:s13], [sflag:$0x1], $0x200, $0x38;
	[tilespmem:$0x1A280] =	vst v63  }
0xf1: {  	_ =	swait.ge [sflag:s10], $0x200  }
0xf2: {  	[sflag:s10] =	ssyncset.done $0x0  }
0xf3: {  	[sflag:s10] =	ssyncadd.s32 $0xFFFFFE00  }
0xf4: {  	_ =	sfence.sel $0x180000  }
0xf5: {  	[bflag:$0x0] =	sbarrier.arrive $0xFFFF  }
0xf6: {  	p0 =	sne.s32 s2, $0x0;
	_ =	strace $0x9000004A  }
0xf7: {  	s0 =	sadd.s32 @!p0 $0x100000, s1;
	[bflag:$0x2] =	sbarrier.arrive $0xFFFF  }
0xf8: {  	[sflag:s0] =	ssyncadd.tile.s32 @!p0 $0x1;
	_ =	shalt  }
.Lfunc_end2:
_tile_overlayer_lowered:
.L_overlay_start_2:
0xf9: {  	(tag) =	ssettag $0x2  }
0xfa: {  	s0 =	rddreg [dreg:$0x0];
	s2 =	stileid.u32  }
0xfb: {  	s1 =	rddreg [dreg:$0x1];
	p0 =	sne.s32 s2, $0x0  }
0xfc: {  	s3 =	rddreg [dreg:$0x2];
	[bflag:$0x3] =	sbarrier.arrive $0xFFFF;
	s2 =	simm.s32 @!p0 $0x1C01  }
0xfd: {  	[timem:s3], [sflag:s2] =	dma.local @!p0 [hbm:s0], s1  }
0xfe: {  	s0 =	simm.s32 @!p0 $0x1  }
0xff: {  	_ =	swait.ge @!p0 [sflag:s0], s1  }
0x100: {  	s1 =	ssub.s32 @!p0 $0x0, s1;
	[sflag:s0] =	ssyncset.done @!p0 $0x0  }
0x101: {  	[sflag:s0] =	ssyncadd.s32 @!p0 s1  }
0x102: {  	[bflag:$0x3] =	sbarrier.arrive $0xFFFF  }
0x103: {  	_ =	shalt  }

</sc_bundles>
